<compile_context>
chip_gen: v7x
topology: tpu7x:2x2x1
jax: 0.10.2.dev20260603
libtpu: 0.0.44.dev20260713+nightly
codegen_flags: <defaults>
</compile_context>

<pallas_src>
import functools
import math

import jax
import jax.numpy as jnp
from jax import lax
from jax.experimental import pallas as pl
from jax.experimental.pallas import tpu as pltpu
from jax.experimental.pallas import tpu_sc as plsc

_D = 128
_H = 16
_SCALE = math.sqrt(float(_D))
_B = 1024
_L = 50
_NC = 2
_NS = 16
_NW = _NC * _NS
_BPW = _B // _NW


def _scale_body(w_ref, o_ref):
    o_ref[:] = w_ref[:] * _SCALE


_LB = 10
_NI = _L // _LB

_mesh = plsc.VectorSubcoreMesh(core_axis_name="c", subcore_axis_name="s")


@functools.partial(
    pl.kernel,
    out_type=jax.ShapeDtypeStruct((_L, _B, _H * _D), jnp.float32),
    mesh=_mesh,
    scratch_types=[
        pltpu.VMEM((_L, _BPW), jnp.int32),
        pltpu.VMEM((_LB, _BPW, _D), jnp.float32),
        pltpu.VMEM((_LB, _BPW, _D), jnp.float32),
        pltpu.VMEM_SHARED((130, _D), jnp.float32),
        pltpu.SemaphoreType.DMA,
        pltpu.SemaphoreType.DMA,
        pltpu.SemaphoreType.DMA,
    ],
    compiler_params=pltpu.CompilerParams(use_tc_tiling_on_sc=True),
)
def _sc_lookup(table_hbm, idx_hbm, out_hbm, idx_v, buf0, buf1, tshared,
               gsem, wsem0, wsem1):
    wid = lax.axis_index("s") * _NC + lax.axis_index("c")
    b0 = wid * _BPW
    @pl.when(lax.axis_index("s") == 0)
    def _():
        pltpu.sync_copy(table_hbm, tshared)
    pltpu.sync_copy(idx_hbm.at[wid], idx_v)
    plsc.subcore_barrier()

    bufs = (buf0, buf1)
    wsems = (wsem0, wsem1)
    pending = [None, None]

    cur_g = [pltpu.async_copy(tshared.at[idx_v.at[j]], buf0.at[j], gsem)
             for j in range(_LB)]
    for i in range(_NI):
        slot = i % 2
        for g in cur_g:
            g.wait()
        if i + 1 < _NI:
            nslot = (i + 1) % 2
            if pending[nslot] is not None:
                for w in pending[nslot]:
                    w.wait()
                pending[nslot] = None
            cur_g = [
                pltpu.async_copy(tshared.at[idx_v.at[(i + 1) * _LB + j]],
                                 bufs[nslot].at[j], gsem)
                for j in range(_LB)
            ]
        pending[slot] = [
            pltpu.async_copy(
                bufs[slot],
                out_hbm.at[pl.ds(i * _LB, _LB), pl.ds(b0, _BPW),
                           pl.ds(h * _D, _D)],
                wsems[slot])
            for h in range(_H)
        ]
    for ws in pending:
        if ws is not None:
            for w in ws:
                w.wait()


def kernel(inputs, W_v):
    W_s = pl.pallas_call(
        _scale_body,
        out_shape=jax.ShapeDtypeStruct(W_v.shape, W_v.dtype),
    )(W_v)
    idx3 = inputs.T.reshape(_L, _NW, _BPW).transpose(1, 0, 2)
    out = _sc_lookup(W_s, idx3)
    return jnp.transpose(out, (1, 0, 2))[None]

# --- scband reference (transcript-rebuilt; emitter-appended) ---
"""Pipeline reference for scband-rel-embeddings-27410481283486 (READ-ONLY COPY).

The authoritative reference and input builder live on the scoring server;
editing this copy changes nothing except your own understanding.
"""

import math
import jax, jax.numpy as jnp
import numpy as np

D_MODEL = 128
NUM_HEADS = 16
K = 64
VOCAB = 2 * K + 2  # 130
PAD = VOCAB // 2   # 65 (padding_idx -> zero row)


def setup_inputs(seed: int = 0) -> dict:
    key = jax.random.key(seed)
    k1, k2 = jax.random.split(key)
    inputs = jax.random.randint(k1, (1024, 50), 0, VOCAB, dtype=jnp.int32)
    W_v = jax.random.normal(k2, (VOCAB, D_MODEL), dtype=jnp.float32)
    W_v = W_v.at[PAD].set(0.0)  # padding_idx row is zero
    return {"inputs": inputs, "W_v": W_v}


def reference(inputs, W_v):
    # get_p2v_emb: embedding lookup, scale by sqrt(d_model), dropout(p=0) identity,
    # then torch .repeat(1,1,1,num_heads) on a 3D tensor -> prepend dim, tile last dim.
    rel_v = jnp.take(W_v, inputs, axis=0) * math.sqrt(D_MODEL)  # [B, L, d_model]
    rel_v = rel_v[None, ...]                                    # [1, B, L, d_model]
    rel_v = jnp.tile(rel_v, (1, 1, 1, NUM_HEADS))               # [1, B, L, d_model*H]
    return rel_v

if __name__ == "__main__":
    import jax
    _d = setup_inputs()
    print(jax.jit(kernel)(*tuple(_d.values())))

</pallas_src>

<mosaic_0001>
#map = affine_map<(d0, d1) -> (0, 0)>
#map1 = affine_map<(d0, d1) -> (0, 0, 0)>
module attributes {stable_mosaic.version = 14 : i64} {
  func.func @_sc_lookup(%arg0: i32, %arg1: i32, %arg2: memref<130x128xf32, #tpu.memory_space<hbm>>, %arg3: memref<32x50x32xi32, #tpu.memory_space<hbm>>, %arg4: memref<50x1024x2048xf32, #tpu.memory_space<hbm>>, %arg5: memref<50x32xi32, #tpu.memory_space<vmem>>, %arg6: memref<10x32x128xf32, #tpu.memory_space<vmem>>, %arg7: memref<10x32x128xf32, #tpu.memory_space<vmem>>, %arg8: memref<130x128xf32, #tpu.memory_space<vmem_shared>>, %arg9: memref<!tpu.dma_semaphore, #tpu.memory_space<semaphore_mem>>, %arg10: memref<!tpu.dma_semaphore, #tpu.memory_space<semaphore_mem>>, %arg11: memref<!tpu.dma_semaphore, #tpu.memory_space<semaphore_mem>>) attributes {dimension_semantics = [#tpu.dimension_semantics<core_parallel>, #tpu.dimension_semantics<subcore_parallel>], iteration_bounds = array<i64: 2, 16>, scalar_prefetch = 0 : i64, scratch_operands = 7 : i64, tpu.core_type = #tpu.core_type<sc_vector_subcore>, window_params = [{transform_indices = #map}, {transform_indices = #map1}, {transform_indices = #map1}]} {
    %mul3A = arith.constant 2 : i32
    %mul3A_0 = arith.muli %arg1, %mul3A : i32
    %add3A = arith.addi %mul3A_0, %arg0 : i32
    %mul3A_1 = arith.constant 32 : i32
    %mul3A_2 = arith.muli %add3A, %mul3A_1 : i32
    %eq3A = arith.constant 0 : i32
    %eq3A_3 = arith.cmpi eq, %arg1, %eq3A : i32
    %convert_element_type3A = arith.extui %eq3A_3 : i1 to i32
    %cond3A = arith.constant 0 : i32
    %cond3A_4 = arith.cmpi ne, %convert_element_type3A, %cond3A : i32
    scf.if %cond3A_4 {
      "tpu.region"() ({
        %run_scoped3A = tpu.sem_alloc : memref<!tpu.dma_semaphore, #tpu.memory_space<semaphore_mem>>
        tpu.enqueue_dma source(%arg2 : memref<130x128xf32, #tpu.memory_space<hbm>>) target(%arg8 : memref<130x128xf32, #tpu.memory_space<vmem_shared>>) target_semaphore(%run_scoped3A : memref<!tpu.dma_semaphore, #tpu.memory_space<semaphore_mem>>)
        tpu.wait_dma2 semaphore(%run_scoped3A : memref<!tpu.dma_semaphore, #tpu.memory_space<semaphore_mem>>) src(%arg2 : memref<130x128xf32, #tpu.memory_space<hbm>>) dst(%arg8 : memref<130x128xf32, #tpu.memory_space<vmem_shared>>)
        tpu.yield
      }) : () -> ()
    } else {
    }
    "tpu.region"() ({
      %run_scoped3A = tpu.sem_alloc : memref<!tpu.dma_semaphore, #tpu.memory_space<semaphore_mem>>
      %dma_start3A_2163 = arith.constant 0 : i32
      %dma_start3A_2164 = arith.constant 0 : i32
      %dma_start3A_2165 = tpu.memref_slice %arg3[%add3A, %dma_start3A_2163, %dma_start3A_2164] : memref<32x50x32xi32, #tpu.memory_space<hbm>> -> memref<1x50x32xi32, #tpu.memory_space<hbm>>
      %dma_start3A_2166 = tpu.memref_squeeze %dma_start3A_2165 : memref<1x50x32xi32, #tpu.memory_space<hbm>> -> memref<50x32xi32, #tpu.memory_space<hbm>>
      %dma_start3A_2167 = arith.constant 0 : i32
      %dma_start3A_2168 = arith.constant 0 : i32
      %dma_start3A_2169 = tpu.memref_slice %arg3[%add3A, %dma_start3A_2167, %dma_start3A_2168] : memref<32x50x32xi32, #tpu.memory_space<hbm>> -> memref<1x50x32xi32, #tpu.memory_space<hbm>>
      %dma_start3A_2170 = tpu.memref_squeeze %dma_start3A_2169 : memref<1x50x32xi32, #tpu.memory_space<hbm>> -> memref<50x32xi32, #tpu.memory_space<hbm>>
      tpu.enqueue_dma source(%dma_start3A_2170 : memref<50x32xi32, #tpu.memory_space<hbm>>) target(%arg5 : memref<50x32xi32, #tpu.memory_space<vmem>>) target_semaphore(%run_scoped3A : memref<!tpu.dma_semaphore, #tpu.memory_space<semaphore_mem>>)
      %dma_wait3A_2171 = arith.constant 0 : i32
      %dma_wait3A_2172 = arith.constant 0 : i32
      %dma_wait3A_2173 = tpu.memref_slice %arg3[%add3A, %dma_wait3A_2171, %dma_wait3A_2172] : memref<32x50x32xi32, #tpu.memory_space<hbm>> -> memref<1x50x32xi32, #tpu.memory_space<hbm>>
      %dma_wait3A_2174 = tpu.memref_squeeze %dma_wait3A_2173 : memref<1x50x32xi32, #tpu.memory_space<hbm>> -> memref<50x32xi32, #tpu.memory_space<hbm>>
      %dma_wait3A_2175 = arith.constant 0 : i32
      %dma_wait3A_2176 = arith.constant 0 : i32
      %dma_wait3A_2177 = tpu.memref_slice %arg3[%add3A, %dma_wait3A_2175, %dma_wait3A_2176] : memref<32x50x32xi32, #tpu.memory_space<hbm>> -> memref<1x50x32xi32, #tpu.memory_space<hbm>>
      %dma_wait3A_2178 = tpu.memref_squeeze %dma_wait3A_2177 : memref<1x50x32xi32, #tpu.memory_space<hbm>> -> memref<50x32xi32, #tpu.memory_space<hbm>>
      tpu.wait_dma2 semaphore(%run_scoped3A : memref<!tpu.dma_semaphore, #tpu.memory_space<semaphore_mem>>) src(%dma_wait3A_2178 : memref<50x32xi32, #tpu.memory_space<hbm>>) dst(%arg5 : memref<50x32xi32, #tpu.memory_space<vmem>>)
      tpu.yield
    }) : () -> ()
    %barrier3A = arith.constant 0 : index
    tpu.barrier barrier_id(%barrier3A)
    %dma_start3A = arith.constant 0 : i32
    %dma_start3A_5 = arith.constant 0 : i32
    %dma_start3A_6 = arith.constant 0 : i32
    %dma_start3A_7 = arith.constant 0 : i32
    %dma_start3A_8 = tpu.memref_slice %arg6[%dma_start3A_5, %dma_start3A_6, %dma_start3A_7] : memref<10x32x128xf32, #tpu.memory_space<vmem>> -> memref<1x32x128xf32, #tpu.memory_space<vmem>>
    %dma_start3A_9 = tpu.memref_squeeze %dma_start3A_8 : memref<1x32x128xf32, #tpu.memory_space<vmem>> -> memref<32x128xf32, #tpu.memory_space<vmem>>
    %dma_start3A_10 = arith.constant 0 : i32
    %dma_start3A_11 = tpu.memref_slice %arg5[%dma_start3A, %dma_start3A_10] : memref<50x32xi32, #tpu.memory_space<vmem>> -> memref<1x32xi32, #tpu.memory_space<vmem>>
    %dma_start3A_12 = tpu.memref_squeeze %dma_start3A_11 : memref<1x32xi32, #tpu.memory_space<vmem>> -> memref<32xi32, #tpu.memory_space<vmem>>
    %dma_start3A_13 = arith.constant 0 : i32
    %dma_start3A_14 = arith.constant 0 : i32
    %dma_start3A_15 = tpu.memref_slice %arg8[%dma_start3A_13, %dma_start3A_14] : memref<130x128xf32, #tpu.memory_space<vmem_shared>> -> memref<130x128xf32, #tpu.memory_space<vmem_shared>>
    tpu.enqueue_indirect_dma source(%dma_start3A_15 : memref<130x128xf32, #tpu.memory_space<vmem_shared>>) target(%dma_start3A_9 : memref<32x128xf32, #tpu.memory_space<vmem>>) offsets(%dma_start3A_12 : memref<32xi32, #tpu.memory_space<vmem>>) semaphore(%arg9 : memref<!tpu.dma_semaphore, #tpu.memory_space<semaphore_mem>>)
    %dma_start3A_16 = arith.constant 1 : i32
    %dma_start3A_17 = arith.constant 1 : i32
    %dma_start3A_18 = arith.constant 0 : i32
    %dma_start3A_19 = arith.constant 0 : i32
    %dma_start3A_20 = tpu.memref_slice %arg6[%dma_start3A_17, %dma_start3A_18, %dma_start3A_19] : memref<10x32x128xf32, #tpu.memory_space<vmem>> -> memref<1x32x128xf32, #tpu.memory_space<vmem>>
    %dma_start3A_21 = tpu.memref_squeeze %dma_start3A_20 : memref<1x32x128xf32, #tpu.memory_space<vmem>> -> memref<32x128xf32, #tpu.memory_space<vmem>>
    %dma_start3A_22 = arith.constant 0 : i32
    %dma_start3A_23 = tpu.memref_slice %arg5[%dma_start3A_16, %dma_start3A_22] : memref<50x32xi32, #tpu.memory_space<vmem>> -> memref<1x32xi32, #tpu.memory_space<vmem>>
    %dma_start3A_24 = tpu.memref_squeeze %dma_start3A_23 : memref<1x32xi32, #tpu.memory_space<vmem>> -> memref<32xi32, #tpu.memory_space<vmem>>
    %dma_start3A_25 = arith.constant 0 : i32
    %dma_start3A_26 = arith.constant 0 : i32
    %dma_start3A_27 = tpu.memref_slice %arg8[%dma_start3A_25, %dma_start3A_26] : memref<130x128xf32, #tpu.memory_space<vmem_shared>> -> memref<130x128xf32, #tpu.memory_space<vmem_shared>>
    tpu.enqueue_indirect_dma source(%dma_start3A_27 : memref<130x128xf32, #tpu.memory_space<vmem_shared>>) target(%dma_start3A_21 : memref<32x128xf32, #tpu.memory_space<vmem>>) offsets(%dma_start3A_24 : memref<32xi32, #tpu.memory_space<vmem>>) semaphore(%arg9 : memref<!tpu.dma_semaphore, #tpu.memory_space<semaphore_mem>>)
    %dma_start3A_28 = arith.constant 2 : i32
    %dma_start3A_29 = arith.constant 2 : i32
    %dma_start3A_30 = arith.constant 0 : i32
    %dma_start3A_31 = arith.constant 0 : i32
    %dma_start3A_32 = tpu.memref_slice %arg6[%dma_start3A_29, %dma_start3A_30, %dma_start3A_31] : memref<10x32x128xf32, #tpu.memory_space<vmem>> -> memref<1x32x128xf32, #tpu.memory_space<vmem>>
    %dma_start3A_33 = tpu.memref_squeeze %dma_start3A_32 : memref<1x32x128xf32, #tpu.memory_space<vmem>> -> memref<32x128xf32, #tpu.memory_space<vmem>>
    %dma_start3A_34 = arith.constant 0 : i32
    %dma_start3A_35 = tpu.memref_slice %arg5[%dma_start3A_28, %dma_start3A_34] : memref<50x32xi32, #tpu.memory_space<vmem>> -> memref<1x32xi32, #tpu.memory_space<vmem>>
    %dma_start3A_36 = tpu.memref_squeeze %dma_start3A_35 : memref<1x32xi32, #tpu.memory_space<vmem>> -> memref<32xi32, #tpu.memory_space<vmem>>
    %dma_start3A_37 = arith.constant 0 : i32
    %dma_start3A_38 = arith.constant 0 : i32
    %dma_start3A_39 = tpu.memref_slice %arg8[%dma_start3A_37, %dma_start3A_38] : memref<130x128xf32, #tpu.memory_space<vmem_shared>> -> memref<130x128xf32, #tpu.memory_space<vmem_shared>>
    tpu.enqueue_indirect_dma source(%dma_start3A_39 : memref<130x128xf32, #tpu.memory_space<vmem_shared>>) target(%dma_start3A_33 : memref<32x128xf32, #tpu.memory_space<vmem>>) offsets(%dma_start3A_36 : memref<32xi32, #tpu.memory_space<vmem>>) semaphore(%arg9 : memref<!tpu.dma_semaphore, #tpu.memory_space<semaphore_mem>>)
    %dma_start3A_40 = arith.constant 3 : i32
    %dma_start3A_41 = arith.constant 3 : i32
    %dma_start3A_42 = arith.constant 0 : i32
    %dma_start3A_43 = arith.constant 0 : i32
    %dma_start3A_44 = tpu.memref_slice %arg6[%dma_start3A_41, %dma_start3A_42, %dma_start3A_43] : memref<10x32x128xf32, #tpu.memory_space<vmem>> -> memref<1x32x128xf32, #tpu.memory_space<vmem>>
    %dma_start3A_45 = tpu.memref_squeeze %dma_start3A_44 : memref<1x32x128xf32, #tpu.memory_space<vmem>> -> memref<32x128xf32, #tpu.memory_space<vmem>>
    %dma_start3A_46 = arith.constant 0 : i32
    %dma_start3A_47 = tpu.memref_slice %arg5[%dma_start3A_40, %dma_start3A_46] : memref<50x32xi32, #tpu.memory_space<vmem>> -> memref<1x32xi32, #tpu.memory_space<vmem>>
    %dma_start3A_48 = tpu.memref_squeeze %dma_start3A_47 : memref<1x32xi32, #tpu.memory_space<vmem>> -> memref<32xi32, #tpu.memory_space<vmem>>
    %dma_start3A_49 = arith.constant 0 : i32
    %dma_start3A_50 = arith.constant 0 : i32
    %dma_start3A_51 = tpu.memref_slice %arg8[%dma_start3A_49, %dma_start3A_50] : memref<130x128xf32, #tpu.memory_space<vmem_shared>> -> memref<130x128xf32, #tpu.memory_space<vmem_shared>>
    tpu.enqueue_indirect_dma source(%dma_start3A_51 : memref<130x128xf32, #tpu.memory_space<vmem_shared>>) target(%dma_start3A_45 : memref<32x128xf32, #tpu.memory_space<vmem>>) offsets(%dma_start3A_48 : memref<32xi32, #tpu.memory_space<vmem>>) semaphore(%arg9 : memref<!tpu.dma_semaphore, #tpu.memory_space<semaphore_mem>>)
    %dma_start3A_52 = arith.constant 4 : i32
    %dma_start3A_53 = arith.constant 4 : i32
    %dma_start3A_54 = arith.constant 0 : i32
    %dma_start3A_55 = arith.constant 0 : i32
    %dma_start3A_56 = tpu.memref_slice %arg6[%dma_start3A_53, %dma_start3A_54, %dma_start3A_55] : memref<10x32x128xf32, #tpu.memory_space<vmem>> -> memref<1x32x128xf32, #tpu.memory_space<vmem>>
    %dma_start3A_57 = tpu.memref_squeeze %dma_start3A_56 : memref<1x32x128xf32, #tpu.memory_space<vmem>> -> memref<32x128xf32, #tpu.memory_space<vmem>>
    %dma_start3A_58 = arith.constant 0 : i32
    %dma_start3A_59 = tpu.memref_slice %arg5[%dma_start3A_52, %dma_start3A_58] : memref<50x32xi32, #tpu.memory_space<vmem>> -> memref<1x32xi32, #tpu.memory_space<vmem>>
    %dma_start3A_60 = tpu.memref_squeeze %dma_start3A_59 : memref<1x32xi32, #tpu.memory_space<vmem>> -> memref<32xi32, #tpu.memory_space<vmem>>
    %dma_start3A_61 = arith.constant 0 : i32
    %dma_start3A_62 = arith.constant 0 : i32
    %dma_start3A_63 = tpu.memref_slice %arg8[%dma_start3A_61, %dma_start3A_62] : memref<130x128xf32, #tpu.memory_space<vmem_shared>> -> memref<130x128xf32, #tpu.memory_space<vmem_shared>>
    tpu.enqueue_indirect_dma source(%dma_start3A_63 : memref<130x128xf32, #tpu.memory_space<vmem_shared>>) target(%dma_start3A_57 : memref<32x128xf32, #tpu.memory_space<vmem>>) offsets(%dma_start3A_60 : memref<32xi32, #tpu.memory_space<vmem>>) semaphore(%arg9 : memref<!tpu.dma_semaphore, #tpu.memory_space<semaphore_mem>>)
    %dma_start3A_64 = arith.constant 5 : i32
    %dma_start3A_65 = arith.constant 5 : i32
    %dma_start3A_66 = arith.constant 0 : i32
    %dma_start3A_67 = arith.constant 0 : i32
    %dma_start3A_68 = tpu.memref_slice %arg6[%dma_start3A_65, %dma_start3A_66, %dma_start3A_67] : memref<10x32x128xf32, #tpu.memory_space<vmem>> -> memref<1x32x128xf32, #tpu.memory_space<vmem>>
    %dma_start3A_69 = tpu.memref_squeeze %dma_start3A_68 : memref<1x32x128xf32, #tpu.memory_space<vmem>> -> memref<32x128xf32, #tpu.memory_space<vmem>>
    %dma_start3A_70 = arith.constant 0 : i32
    %dma_start3A_71 = tpu.memref_slice %arg5[%dma_start3A_64, %dma_start3A_70] : memref<50x32xi32, #tpu.memory_space<vmem>> -> memref<1x32xi32, #tpu.memory_space<vmem>>
    %dma_start3A_72 = tpu.memref_squeeze %dma_start3A_71 : memref<1x32xi32, #tpu.memory_space<vmem>> -> memref<32xi32, #tpu.memory_space<vmem>>
    %dma_start3A_73 = arith.constant 0 : i32
    %dma_start3A_74 = arith.constant 0 : i32
    %dma_start3A_75 = tpu.memref_slice %arg8[%dma_start3A_73, %dma_start3A_74] : memref<130x128xf32, #tpu.memory_space<vmem_shared>> -> memref<130x128xf32, #tpu.memory_space<vmem_shared>>
    tpu.enqueue_indirect_dma source(%dma_start3A_75 : memref<130x128xf32, #tpu.memory_space<vmem_shared>>) target(%dma_start3A_69 : memref<32x128xf32, #tpu.memory_space<vmem>>) offsets(%dma_start3A_72 : memref<32xi32, #tpu.memory_space<vmem>>) semaphore(%arg9 : memref<!tpu.dma_semaphore, #tpu.memory_space<semaphore_mem>>)
    %dma_start3A_76 = arith.constant 6 : i32
    %dma_start3A_77 = arith.constant 6 : i32
    %dma_start3A_78 = arith.constant 0 : i32
    %dma_start3A_79 = arith.constant 0 : i32
    %dma_start3A_80 = tpu.memref_slice %arg6[%dma_start3A_77, %dma_start3A_78, %dma_start3A_79] : memref<10x32x128xf32, #tpu.memory_space<vmem>> -> memref<1x32x128xf32, #tpu.memory_space<vmem>>
    %dma_start3A_81 = tpu.memref_squeeze %dma_start3A_80 : memref<1x32x128xf32, #tpu.memory_space<vmem>> -> memref<32x128xf32, #tpu.memory_space<vmem>>
    %dma_start3A_82 = arith.constant 0 : i32
    %dma_start3A_83 = tpu.memref_slice %arg5[%dma_start3A_76, %dma_start3A_82] : memref<50x32xi32, #tpu.memory_space<vmem>> -> memref<1x32xi32, #tpu.memory_space<vmem>>
    %dma_start3A_84 = tpu.memref_squeeze %dma_start3A_83 : memref<1x32xi32, #tpu.memory_space<vmem>> -> memref<32xi32, #tpu.memory_space<vmem>>
    %dma_start3A_85 = arith.constant 0 : i32
    %dma_start3A_86 = arith.constant 0 : i32
    %dma_start3A_87 = tpu.memref_slice %arg8[%dma_start3A_85, %dma_start3A_86] : memref<130x128xf32, #tpu.memory_space<vmem_shared>> -> memref<130x128xf32, #tpu.memory_space<vmem_shared>>
    tpu.enqueue_indirect_dma source(%dma_start3A_87 : memref<130x128xf32, #tpu.memory_space<vmem_shared>>) target(%dma_start3A_81 : memref<32x128xf32, #tpu.memory_space<vmem>>) offsets(%dma_start3A_84 : memref<32xi32, #tpu.memory_space<vmem>>) semaphore(%arg9 : memref<!tpu.dma_semaphore, #tpu.memory_space<semaphore_mem>>)
    %dma_start3A_88 = arith.constant 7 : i32
    %dma_start3A_89 = arith.constant 7 : i32
    %dma_start3A_90 = arith.constant 0 : i32
    %dma_start3A_91 = arith.constant 0 : i32
    %dma_start3A_92 = tpu.memref_slice %arg6[%dma_start3A_89, %dma_start3A_90, %dma_start3A_91] : memref<10x32x128xf32, #tpu.memory_space<vmem>> -> memref<1x32x128xf32, #tpu.memory_space<vmem>>
    %dma_start3A_93 = tpu.memref_squeeze %dma_start3A_92 : memref<1x32x128xf32, #tpu.memory_space<vmem>> -> memref<32x128xf32, #tpu.memory_space<vmem>>
    %dma_start3A_94 = arith.constant 0 : i32
    %dma_start3A_95 = tpu.memref_slice %arg5[%dma_start3A_88, %dma_start3A_94] : memref<50x32xi32, #tpu.memory_space<vmem>> -> memref<1x32xi32, #tpu.memory_space<vmem>>
    %dma_start3A_96 = tpu.memref_squeeze %dma_start3A_95 : memref<1x32xi32, #tpu.memory_space<vmem>> -> memref<32xi32, #tpu.memory_space<vmem>>
    %dma_start3A_97 = arith.constant 0 : i32
    %dma_start3A_98 = arith.constant 0 : i32
    %dma_start3A_99 = tpu.memref_slice %arg8[%dma_start3A_97, %dma_start3A_98] : memref<130x128xf32, #tpu.memory_space<vmem_shared>> -> memref<130x128xf32, #tpu.memory_space<vmem_shared>>
    tpu.enqueue_indirect_dma source(%dma_start3A_99 : memref<130x128xf32, #tpu.memory_space<vmem_shared>>) target(%dma_start3A_93 : memref<32x128xf32, #tpu.memory_space<vmem>>) offsets(%dma_start3A_96 : memref<32xi32, #tpu.memory_space<vmem>>) semaphore(%arg9 : memref<!tpu.dma_semaphore, #tpu.memory_space<semaphore_mem>>)
    %dma_start3A_100 = arith.constant 8 : i32
    %dma_start3A_101 = arith.constant 8 : i32
    %dma_start3A_102 = arith.constant 0 : i32
    %dma_start3A_103 = arith.constant 0 : i32
    %dma_start3A_104 = tpu.memref_slice %arg6[%dma_start3A_101, %dma_start3A_102, %dma_start3A_103] : memref<10x32x128xf32, #tpu.memory_space<vmem>> -> memref<1x32x128xf32, #tpu.memory_space<vmem>>
    %dma_start3A_105 = tpu.memref_squeeze %dma_start3A_104 : memref<1x32x128xf32, #tpu.memory_space<vmem>> -> memref<32x128xf32, #tpu.memory_space<vmem>>
    %dma_start3A_106 = arith.constant 0 : i32
    %dma_start3A_107 = tpu.memref_slice %arg5[%dma_start3A_100, %dma_start3A_106] : memref<50x32xi32, #tpu.memory_space<vmem>> -> memref<1x32xi32, #tpu.memory_space<vmem>>
    %dma_start3A_108 = tpu.memref_squeeze %dma_start3A_107 : memref<1x32xi32, #tpu.memory_space<vmem>> -> memref<32xi32, #tpu.memory_space<vmem>>
    %dma_start3A_109 = arith.constant 0 : i32
    %dma_start3A_110 = arith.constant 0 : i32
    %dma_start3A_111 = tpu.memref_slice %arg8[%dma_start3A_109, %dma_start3A_110] : memref<130x128xf32, #tpu.memory_space<vmem_shared>> -> memref<130x128xf32, #tpu.memory_space<vmem_shared>>
    tpu.enqueue_indirect_dma source(%dma_start3A_111 : memref<130x128xf32, #tpu.memory_space<vmem_shared>>) target(%dma_start3A_105 : memref<32x128xf32, #tpu.memory_space<vmem>>) offsets(%dma_start3A_108 : memref<32xi32, #tpu.memory_space<vmem>>) semaphore(%arg9 : memref<!tpu.dma_semaphore, #tpu.memory_space<semaphore_mem>>)
    %dma_start3A_112 = arith.constant 9 : i32
    %dma_start3A_113 = arith.constant 9 : i32
    %dma_start3A_114 = arith.constant 0 : i32
    %dma_start3A_115 = arith.constant 0 : i32
    %dma_start3A_116 = tpu.memref_slice %arg6[%dma_start3A_113, %dma_start3A_114, %dma_start3A_115] : memref<10x32x128xf32, #tpu.memory_space<vmem>> -> memref<1x32x128xf32, #tpu.memory_space<vmem>>
    %dma_start3A_117 = tpu.memref_squeeze %dma_start3A_116 : memref<1x32x128xf32, #tpu.memory_space<vmem>> -> memref<32x128xf32, #tpu.memory_space<vmem>>
    %dma_start3A_118 = arith.constant 0 : i32
    %dma_start3A_119 = tpu.memref_slice %arg5[%dma_start3A_112, %dma_start3A_118] : memref<50x32xi32, #tpu.memory_space<vmem>> -> memref<1x32xi32, #tpu.memory_space<vmem>>
    %dma_start3A_120 = tpu.memref_squeeze %dma_start3A_119 : memref<1x32xi32, #tpu.memory_space<vmem>> -> memref<32xi32, #tpu.memory_space<vmem>>
    %dma_start3A_121 = arith.constant 0 : i32
    %dma_start3A_122 = arith.constant 0 : i32
    %dma_start3A_123 = tpu.memref_slice %arg8[%dma_start3A_121, %dma_start3A_122] : memref<130x128xf32, #tpu.memory_space<vmem_shared>> -> memref<130x128xf32, #tpu.memory_space<vmem_shared>>
    tpu.enqueue_indirect_dma source(%dma_start3A_123 : memref<130x128xf32, #tpu.memory_space<vmem_shared>>) target(%dma_start3A_117 : memref<32x128xf32, #tpu.memory_space<vmem>>) offsets(%dma_start3A_120 : memref<32xi32, #tpu.memory_space<vmem>>) semaphore(%arg9 : memref<!tpu.dma_semaphore, #tpu.memory_space<semaphore_mem>>)
    %dma_wait3A = arith.constant 0 : i32
    %dma_wait3A_124 = arith.constant 0 : i32
    %dma_wait3A_125 = arith.constant 0 : i32
    %dma_wait3A_126 = arith.constant 0 : i32
    %dma_wait3A_127 = tpu.memref_slice %arg6[%dma_wait3A_124, %dma_wait3A_125, %dma_wait3A_126] : memref<10x32x128xf32, #tpu.memory_space<vmem>> -> memref<1x32x128xf32, #tpu.memory_space<vmem>>
    %dma_wait3A_128 = tpu.memref_squeeze %dma_wait3A_127 : memref<1x32x128xf32, #tpu.memory_space<vmem>> -> memref<32x128xf32, #tpu.memory_space<vmem>>
    %dma_wait3A_129 = arith.constant 0 : i32
    %dma_wait3A_130 = tpu.memref_slice %arg5[%dma_wait3A, %dma_wait3A_129] : memref<50x32xi32, #tpu.memory_space<vmem>> -> memref<1x32xi32, #tpu.memory_space<vmem>>
    %dma_wait3A_131 = tpu.memref_squeeze %dma_wait3A_130 : memref<1x32xi32, #tpu.memory_space<vmem>> -> memref<32xi32, #tpu.memory_space<vmem>>
    %dma_wait3A_132 = arith.constant 0 : i32
    %dma_wait3A_133 = arith.constant 0 : i32
    %dma_wait3A_134 = tpu.memref_slice %arg8[%dma_wait3A_132, %dma_wait3A_133] : memref<130x128xf32, #tpu.memory_space<vmem_shared>> -> memref<130x128xf32, #tpu.memory_space<vmem_shared>>
    tpu.wait_indirect_dma semaphore(%arg9 : memref<!tpu.dma_semaphore, #tpu.memory_space<semaphore_mem>>) src(%dma_wait3A_134 : memref<130x128xf32, #tpu.memory_space<vmem_shared>>) dst(%dma_wait3A_128 : memref<32x128xf32, #tpu.memory_space<vmem>>)
    %dma_wait3A_135 = arith.constant 1 : i32
    %dma_wait3A_136 = arith.constant 1 : i32
    %dma_wait3A_137 = arith.constant 0 : i32
    %dma_wait3A_138 = arith.constant 0 : i32
    %dma_wait3A_139 = tpu.memref_slice %arg6[%dma_wait3A_136, %dma_wait3A_137, %dma_wait3A_138] : memref<10x32x128xf32, #tpu.memory_space<vmem>> -> memref<1x32x128xf32, #tpu.memory_space<vmem>>
    %dma_wait3A_140 = tpu.memref_squeeze %dma_wait3A_139 : memref<1x32x128xf32, #tpu.memory_space<vmem>> -> memref<32x128xf32, #tpu.memory_space<vmem>>
    %dma_wait3A_141 = arith.constant 0 : i32
    %dma_wait3A_142 = tpu.memref_slice %arg5[%dma_wait3A_135, %dma_wait3A_141] : memref<50x32xi32, #tpu.memory_space<vmem>> -> memref<1x32xi32, #tpu.memory_space<vmem>>
    %dma_wait3A_143 = tpu.memref_squeeze %dma_wait3A_142 : memref<1x32xi32, #tpu.memory_space<vmem>> -> memref<32xi32, #tpu.memory_space<vmem>>
    %dma_wait3A_144 = arith.constant 0 : i32
    %dma_wait3A_145 = arith.constant 0 : i32
    %dma_wait3A_146 = tpu.memref_slice %arg8[%dma_wait3A_144, %dma_wait3A_145] : memref<130x128xf32, #tpu.memory_space<vmem_shared>> -> memref<130x128xf32, #tpu.memory_space<vmem_shared>>
    tpu.wait_indirect_dma semaphore(%arg9 : memref<!tpu.dma_semaphore, #tpu.memory_space<semaphore_mem>>) src(%dma_wait3A_146 : memref<130x128xf32, #tpu.memory_space<vmem_shared>>) dst(%dma_wait3A_140 : memref<32x128xf32, #tpu.memory_space<vmem>>)
    %dma_wait3A_147 = arith.constant 2 : i32
    %dma_wait3A_148 = arith.constant 2 : i32
    %dma_wait3A_149 = arith.constant 0 : i32
    %dma_wait3A_150 = arith.constant 0 : i32
    %dma_wait3A_151 = tpu.memref_slice %arg6[%dma_wait3A_148, %dma_wait3A_149, %dma_wait3A_150] : memref<10x32x128xf32, #tpu.memory_space<vmem>> -> memref<1x32x128xf32, #tpu.memory_space<vmem>>
    %dma_wait3A_152 = tpu.memref_squeeze %dma_wait3A_151 : memref<1x32x128xf32, #tpu.memory_space<vmem>> -> memref<32x128xf32, #tpu.memory_space<vmem>>
    %dma_wait3A_153 = arith.constant 0 : i32
    %dma_wait3A_154 = tpu.memref_slice %arg5[%dma_wait3A_147, %dma_wait3A_153] : memref<50x32xi32, #tpu.memory_space<vmem>> -> memref<1x32xi32, #tpu.memory_space<vmem>>
    %dma_wait3A_155 = tpu.memref_squeeze %dma_wait3A_154 : memref<1x32xi32, #tpu.memory_space<vmem>> -> memref<32xi32, #tpu.memory_space<vmem>>
    %dma_wait3A_156 = arith.constant 0 : i32
    %dma_wait3A_157 = arith.constant 0 : i32
    %dma_wait3A_158 = tpu.memref_slice %arg8[%dma_wait3A_156, %dma_wait3A_157] : memref<130x128xf32, #tpu.memory_space<vmem_shared>> -> memref<130x128xf32, #tpu.memory_space<vmem_shared>>
    tpu.wait_indirect_dma semaphore(%arg9 : memref<!tpu.dma_semaphore, #tpu.memory_space<semaphore_mem>>) src(%dma_wait3A_158 : memref<130x128xf32, #tpu.memory_space<vmem_shared>>) dst(%dma_wait3A_152 : memref<32x128xf32, #tpu.memory_space<vmem>>)
    %dma_wait3A_159 = arith.constant 3 : i32
    %dma_wait3A_160 = arith.constant 3 : i32
    %dma_wait3A_161 = arith.constant 0 : i32
    %dma_wait3A_162 = arith.constant 0 : i32
    %dma_wait3A_163 = tpu.memref_slice %arg6[%dma_wait3A_160, %dma_wait3A_161, %dma_wait3A_162] : memref<10x32x128xf32, #tpu.memory_space<vmem>> -> memref<1x32x128xf32, #tpu.memory_space<vmem>>
    %dma_wait3A_164 = tpu.memref_squeeze %dma_wait3A_163 : memref<1x32x128xf32, #tpu.memory_space<vmem>> -> memref<32x128xf32, #tpu.memory_space<vmem>>
    %dma_wait3A_165 = arith.constant 0 : i32
    %dma_wait3A_166 = tpu.memref_slice %arg5[%dma_wait3A_159, %dma_wait3A_165] : memref<50x32xi32, #tpu.memory_space<vmem>> -> memref<1x32xi32, #tpu.memory_space<vmem>>
    %dma_wait3A_167 = tpu.memref_squeeze %dma_wait3A_166 : memref<1x32xi32, #tpu.memory_space<vmem>> -> memref<32xi32, #tpu.memory_space<vmem>>
    %dma_wait3A_168 = arith.constant 0 : i32
    %dma_wait3A_169 = arith.constant 0 : i32
    %dma_wait3A_170 = tpu.memref_slice %arg8[%dma_wait3A_168, %dma_wait3A_169] : memref<130x128xf32, #tpu.memory_space<vmem_shared>> -> memref<130x128xf32, #tpu.memory_space<vmem_shared>>
    tpu.wait_indirect_dma semaphore(%arg9 : memref<!tpu.dma_semaphore, #tpu.memory_space<semaphore_mem>>) src(%dma_wait3A_170 : memref<130x128xf32, #tpu.memory_space<vmem_shared>>) dst(%dma_wait3A_164 : memref<32x128xf32, #tpu.memory_space<vmem>>)
    %dma_wait3A_171 = arith.constant 4 : i32
    %dma_wait3A_172 = arith.constant 4 : i32
    %dma_wait3A_173 = arith.constant 0 : i32
    %dma_wait3A_174 = arith.constant 0 : i32
    %dma_wait3A_175 = tpu.memref_slice %arg6[%dma_wait3A_172, %dma_wait3A_173, %dma_wait3A_174] : memref<10x32x128xf32, #tpu.memory_space<vmem>> -> memref<1x32x128xf32, #tpu.memory_space<vmem>>
    %dma_wait3A_176 = tpu.memref_squeeze %dma_wait3A_175 : memref<1x32x128xf32, #tpu.memory_space<vmem>> -> memref<32x128xf32, #tpu.memory_space<vmem>>
    %dma_wait3A_177 = arith.constant 0 : i32
    %dma_wait3A_178 = tpu.memref_slice %arg5[%dma_wait3A_171, %dma_wait3A_177] : memref<50x32xi32, #tpu.memory_space<vmem>> -> memref<1x32xi32, #tpu.memory_space<vmem>>
    %dma_wait3A_179 = tpu.memref_squeeze %dma_wait3A_178 : memref<1x32xi32, #tpu.memory_space<vmem>> -> memref<32xi32, #tpu.memory_space<vmem>>
    %dma_wait3A_180 = arith.constant 0 : i32
    %dma_wait3A_181 = arith.constant 0 : i32
    %dma_wait3A_182 = tpu.memref_slice %arg8[%dma_wait3A_180, %dma_wait3A_181] : memref<130x128xf32, #tpu.memory_space<vmem_shared>> -> memref<130x128xf32, #tpu.memory_space<vmem_shared>>
    tpu.wait_indirect_dma semaphore(%arg9 : memref<!tpu.dma_semaphore, #tpu.memory_space<semaphore_mem>>) src(%dma_wait3A_182 : memref<130x128xf32, #tpu.memory_space<vmem_shared>>) dst(%dma_wait3A_176 : memref<32x128xf32, #tpu.memory_space<vmem>>)
    %dma_wait3A_183 = arith.constant 5 : i32
    %dma_wait3A_184 = arith.constant 5 : i32
    %dma_wait3A_185 = arith.constant 0 : i32
    %dma_wait3A_186 = arith.constant 0 : i32
    %dma_wait3A_187 = tpu.memref_slice %arg6[%dma_wait3A_184, %dma_wait3A_185, %dma_wait3A_186] : memref<10x32x128xf32, #tpu.memory_space<vmem>> -> memref<1x32x128xf32, #tpu.memory_space<vmem>>
    %dma_wait3A_188 = tpu.memref_squeeze %dma_wait3A_187 : memref<1x32x128xf32, #tpu.memory_space<vmem>> -> memref<32x128xf32, #tpu.memory_space<vmem>>
    %dma_wait3A_189 = arith.constant 0 : i32
    %dma_wait3A_190 = tpu.memref_slice %arg5[%dma_wait3A_183, %dma_wait3A_189] : memref<50x32xi32, #tpu.memory_space<vmem>> -> memref<1x32xi32, #tpu.memory_space<vmem>>
    %dma_wait3A_191 = tpu.memref_squeeze %dma_wait3A_190 : memref<1x32xi32, #tpu.memory_space<vmem>> -> memref<32xi32, #tpu.memory_space<vmem>>
    %dma_wait3A_192 = arith.constant 0 : i32
    %dma_wait3A_193 = arith.constant 0 : i32
    %dma_wait3A_194 = tpu.memref_slice %arg8[%dma_wait3A_192, %dma_wait3A_193] : memref<130x128xf32, #tpu.memory_space<vmem_shared>> -> memref<130x128xf32, #tpu.memory_space<vmem_shared>>
    tpu.wait_indirect_dma semaphore(%arg9 : memref<!tpu.dma_semaphore, #tpu.memory_space<semaphore_mem>>) src(%dma_wait3A_194 : memref<130x128xf32, #tpu.memory_space<vmem_shared>>) dst(%dma_wait3A_188 : memref<32x128xf32, #tpu.memory_space<vmem>>)
    %dma_wait3A_195 = arith.constant 6 : i32
    %dma_wait3A_196 = arith.constant 6 : i32
    %dma_wait3A_197 = arith.constant 0 : i32
    %dma_wait3A_198 = arith.constant 0 : i32
    %dma_wait3A_199 = tpu.memref_slice %arg6[%dma_wait3A_196, %dma_wait3A_197, %dma_wait3A_198] : memref<10x32x128xf32, #tpu.memory_space<vmem>> -> memref<1x32x128xf32, #tpu.memory_space<vmem>>
    %dma_wait3A_200 = tpu.memref_squeeze %dma_wait3A_199 : memref<1x32x128xf32, #tpu.memory_space<vmem>> -> memref<32x128xf32, #tpu.memory_space<vmem>>
    %dma_wait3A_201 = arith.constant 0 : i32
    %dma_wait3A_202 = tpu.memref_slice %arg5[%dma_wait3A_195, %dma_wait3A_201] : memref<50x32xi32, #tpu.memory_space<vmem>> -> memref<1x32xi32, #tpu.memory_space<vmem>>
    %dma_wait3A_203 = tpu.memref_squeeze %dma_wait3A_202 : memref<1x32xi32, #tpu.memory_space<vmem>> -> memref<32xi32, #tpu.memory_space<vmem>>
    %dma_wait3A_204 = arith.constant 0 : i32
    %dma_wait3A_205 = arith.constant 0 : i32
    %dma_wait3A_206 = tpu.memref_slice %arg8[%dma_wait3A_204, %dma_wait3A_205] : memref<130x128xf32, #tpu.memory_space<vmem_shared>> -> memref<130x128xf32, #tpu.memory_space<vmem_shared>>
    tpu.wait_indirect_dma semaphore(%arg9 : memref<!tpu.dma_semaphore, #tpu.memory_space<semaphore_mem>>) src(%dma_wait3A_206 : memref<130x128xf32, #tpu.memory_space<vmem_shared>>) dst(%dma_wait3A_200 : memref<32x128xf32, #tpu.memory_space<vmem>>)
    %dma_wait3A_207 = arith.constant 7 : i32
    %dma_wait3A_208 = arith.constant 7 : i32
    %dma_wait3A_209 = arith.constant 0 : i32
    %dma_wait3A_210 = arith.constant 0 : i32
    %dma_wait3A_211 = tpu.memref_slice %arg6[%dma_wait3A_208, %dma_wait3A_209, %dma_wait3A_210] : memref<10x32x128xf32, #tpu.memory_space<vmem>> -> memref<1x32x128xf32, #tpu.memory_space<vmem>>
    %dma_wait3A_212 = tpu.memref_squeeze %dma_wait3A_211 : memref<1x32x128xf32, #tpu.memory_space<vmem>> -> memref<32x128xf32, #tpu.memory_space<vmem>>
    %dma_wait3A_213 = arith.constant 0 : i32
    %dma_wait3A_214 = tpu.memref_slice %arg5[%dma_wait3A_207, %dma_wait3A_213] : memref<50x32xi32, #tpu.memory_space<vmem>> -> memref<1x32xi32, #tpu.memory_space<vmem>>
    %dma_wait3A_215 = tpu.memref_squeeze %dma_wait3A_214 : memref<1x32xi32, #tpu.memory_space<vmem>> -> memref<32xi32, #tpu.memory_space<vmem>>
    %dma_wait3A_216 = arith.constant 0 : i32
    %dma_wait3A_217 = arith.constant 0 : i32
    %dma_wait3A_218 = tpu.memref_slice %arg8[%dma_wait3A_216, %dma_wait3A_217] : memref<130x128xf32, #tpu.memory_space<vmem_shared>> -> memref<130x128xf32, #tpu.memory_space<vmem_shared>>
    tpu.wait_indirect_dma semaphore(%arg9 : memref<!tpu.dma_semaphore, #tpu.memory_space<semaphore_mem>>) src(%dma_wait3A_218 : memref<130x128xf32, #tpu.memory_space<vmem_shared>>) dst(%dma_wait3A_212 : memref<32x128xf32, #tpu.memory_space<vmem>>)
    %dma_wait3A_219 = arith.constant 8 : i32
    %dma_wait3A_220 = arith.constant 8 : i32
    %dma_wait3A_221 = arith.constant 0 : i32
    %dma_wait3A_222 = arith.constant 0 : i32
    %dma_wait3A_223 = tpu.memref_slice %arg6[%dma_wait3A_220, %dma_wait3A_221, %dma_wait3A_222] : memref<10x32x128xf32, #tpu.memory_space<vmem>> -> memref<1x32x128xf32, #tpu.memory_space<vmem>>
    %dma_wait3A_224 = tpu.memref_squeeze %dma_wait3A_223 : memref<1x32x128xf32, #tpu.memory_space<vmem>> -> memref<32x128xf32, #tpu.memory_space<vmem>>
    %dma_wait3A_225 = arith.constant 0 : i32
    %dma_wait3A_226 = tpu.memref_slice %arg5[%dma_wait3A_219, %dma_wait3A_225] : memref<50x32xi32, #tpu.memory_space<vmem>> -> memref<1x32xi32, #tpu.memory_space<vmem>>
    %dma_wait3A_227 = tpu.memref_squeeze %dma_wait3A_226 : memref<1x32xi32, #tpu.memory_space<vmem>> -> memref<32xi32, #tpu.memory_space<vmem>>
    %dma_wait3A_228 = arith.constant 0 : i32
    %dma_wait3A_229 = arith.constant 0 : i32
    %dma_wait3A_230 = tpu.memref_slice %arg8[%dma_wait3A_228, %dma_wait3A_229] : memref<130x128xf32, #tpu.memory_space<vmem_shared>> -> memref<130x128xf32, #tpu.memory_space<vmem_shared>>
    tpu.wait_indirect_dma semaphore(%arg9 : memref<!tpu.dma_semaphore, #tpu.memory_space<semaphore_mem>>) src(%dma_wait3A_230 : memref<130x128xf32, #tpu.memory_space<vmem_shared>>) dst(%dma_wait3A_224 : memref<32x128xf32, #tpu.memory_space<vmem>>)
    %dma_wait3A_231 = arith.constant 9 : i32
    %dma_wait3A_232 = arith.constant 9 : i32
    %dma_wait3A_233 = arith.constant 0 : i32
    %dma_wait3A_234 = arith.constant 0 : i32
    %dma_wait3A_235 = tpu.memref_slice %arg6[%dma_wait3A_232, %dma_wait3A_233, %dma_wait3A_234] : memref<10x32x128xf32, #tpu.memory_space<vmem>> -> memref<1x32x128xf32, #tpu.memory_space<vmem>>
    %dma_wait3A_236 = tpu.memref_squeeze %dma_wait3A_235 : memref<1x32x128xf32, #tpu.memory_space<vmem>> -> memref<32x128xf32, #tpu.memory_space<vmem>>
    %dma_wait3A_237 = arith.constant 0 : i32
    %dma_wait3A_238 = tpu.memref_slice %arg5[%dma_wait3A_231, %dma_wait3A_237] : memref<50x32xi32, #tpu.memory_space<vmem>> -> memref<1x32xi32, #tpu.memory_space<vmem>>
    %dma_wait3A_239 = tpu.memref_squeeze %dma_wait3A_238 : memref<1x32xi32, #tpu.memory_space<vmem>> -> memref<32xi32, #tpu.memory_space<vmem>>
    %dma_wait3A_240 = arith.constant 0 : i32
    %dma_wait3A_241 = arith.constant 0 : i32
    %dma_wait3A_242 = tpu.memref_slice %arg8[%dma_wait3A_240, %dma_wait3A_241] : memref<130x128xf32, #tpu.memory_space<vmem_shared>> -> memref<130x128xf32, #tpu.memory_space<vmem_shared>>
    tpu.wait_indirect_dma semaphore(%arg9 : memref<!tpu.dma_semaphore, #tpu.memory_space<semaphore_mem>>) src(%dma_wait3A_242 : memref<130x128xf32, #tpu.memory_space<vmem_shared>>) dst(%dma_wait3A_236 : memref<32x128xf32, #tpu.memory_space<vmem>>)
    %dma_start3A_243 = arith.constant 10 : i32
    %dma_start3A_244 = arith.constant 0 : i32
    %dma_start3A_245 = arith.constant 0 : i32
    %dma_start3A_246 = arith.constant 0 : i32
    %dma_start3A_247 = tpu.memref_slice %arg7[%dma_start3A_244, %dma_start3A_245, %dma_start3A_246] : memref<10x32x128xf32, #tpu.memory_space<vmem>> -> memref<1x32x128xf32, #tpu.memory_space<vmem>>
    %dma_start3A_248 = tpu.memref_squeeze %dma_start3A_247 : memref<1x32x128xf32, #tpu.memory_space<vmem>> -> memref<32x128xf32, #tpu.memory_space<vmem>>
    %dma_start3A_249 = arith.constant 0 : i32
    %dma_start3A_250 = tpu.memref_slice %arg5[%dma_start3A_243, %dma_start3A_249] : memref<50x32xi32, #tpu.memory_space<vmem>> -> memref<1x32xi32, #tpu.memory_space<vmem>>
    %dma_start3A_251 = tpu.memref_squeeze %dma_start3A_250 : memref<1x32xi32, #tpu.memory_space<vmem>> -> memref<32xi32, #tpu.memory_space<vmem>>
    %dma_start3A_252 = arith.constant 0 : i32
    %dma_start3A_253 = arith.constant 0 : i32
    %dma_start3A_254 = tpu.memref_slice %arg8[%dma_start3A_252, %dma_start3A_253] : memref<130x128xf32, #tpu.memory_space<vmem_shared>> -> memref<130x128xf32, #tpu.memory_space<vmem_shared>>
    tpu.enqueue_indirect_dma source(%dma_start3A_254 : memref<130x128xf32, #tpu.memory_space<vmem_shared>>) target(%dma_start3A_248 : memref<32x128xf32, #tpu.memory_space<vmem>>) offsets(%dma_start3A_251 : memref<32xi32, #tpu.memory_space<vmem>>) semaphore(%arg9 : memref<!tpu.dma_semaphore, #tpu.memory_space<semaphore_mem>>)
    %dma_start3A_255 = arith.constant 11 : i32
    %dma_start3A_256 = arith.constant 1 : i32
    %dma_start3A_257 = arith.constant 0 : i32
    %dma_start3A_258 = arith.constant 0 : i32
    %dma_start3A_259 = tpu.memref_slice %arg7[%dma_start3A_256, %dma_start3A_257, %dma_start3A_258] : memref<10x32x128xf32, #tpu.memory_space<vmem>> -> memref<1x32x128xf32, #tpu.memory_space<vmem>>
    %dma_start3A_260 = tpu.memref_squeeze %dma_start3A_259 : memref<1x32x128xf32, #tpu.memory_space<vmem>> -> memref<32x128xf32, #tpu.memory_space<vmem>>
    %dma_start3A_261 = arith.constant 0 : i32
    %dma_start3A_262 = tpu.memref_slice %arg5[%dma_start3A_255, %dma_start3A_261] : memref<50x32xi32, #tpu.memory_space<vmem>> -> memref<1x32xi32, #tpu.memory_space<vmem>>
    %dma_start3A_263 = tpu.memref_squeeze %dma_start3A_262 : memref<1x32xi32, #tpu.memory_space<vmem>> -> memref<32xi32, #tpu.memory_space<vmem>>
    %dma_start3A_264 = arith.constant 0 : i32
    %dma_start3A_265 = arith.constant 0 : i32
    %dma_start3A_266 = tpu.memref_slice %arg8[%dma_start3A_264, %dma_start3A_265] : memref<130x128xf32, #tpu.memory_space<vmem_shared>> -> memref<130x128xf32, #tpu.memory_space<vmem_shared>>
    tpu.enqueue_indirect_dma source(%dma_start3A_266 : memref<130x128xf32, #tpu.memory_space<vmem_shared>>) target(%dma_start3A_260 : memref<32x128xf32, #tpu.memory_space<vmem>>) offsets(%dma_start3A_263 : memref<32xi32, #tpu.memory_space<vmem>>) semaphore(%arg9 : memref<!tpu.dma_semaphore, #tpu.memory_space<semaphore_mem>>)
    %dma_start3A_267 = arith.constant 12 : i32
    %dma_start3A_268 = arith.constant 2 : i32
    %dma_start3A_269 = arith.constant 0 : i32
    %dma_start3A_270 = arith.constant 0 : i32
    %dma_start3A_271 = tpu.memref_slice %arg7[%dma_start3A_268, %dma_start3A_269, %dma_start3A_270] : memref<10x32x128xf32, #tpu.memory_space<vmem>> -> memref<1x32x128xf32, #tpu.memory_space<vmem>>
    %dma_start3A_272 = tpu.memref_squeeze %dma_start3A_271 : memref<1x32x128xf32, #tpu.memory_space<vmem>> -> memref<32x128xf32, #tpu.memory_space<vmem>>
    %dma_start3A_273 = arith.constant 0 : i32
    %dma_start3A_274 = tpu.memref_slice %arg5[%dma_start3A_267, %dma_start3A_273] : memref<50x32xi32, #tpu.memory_space<vmem>> -> memref<1x32xi32, #tpu.memory_space<vmem>>
    %dma_start3A_275 = tpu.memref_squeeze %dma_start3A_274 : memref<1x32xi32, #tpu.memory_space<vmem>> -> memref<32xi32, #tpu.memory_space<vmem>>
    %dma_start3A_276 = arith.constant 0 : i32
    %dma_start3A_277 = arith.constant 0 : i32
    %dma_start3A_278 = tpu.memref_slice %arg8[%dma_start3A_276, %dma_start3A_277] : memref<130x128xf32, #tpu.memory_space<vmem_shared>> -> memref<130x128xf32, #tpu.memory_space<vmem_shared>>
    tpu.enqueue_indirect_dma source(%dma_start3A_278 : memref<130x128xf32, #tpu.memory_space<vmem_shared>>) target(%dma_start3A_272 : memref<32x128xf32, #tpu.memory_space<vmem>>) offsets(%dma_start3A_275 : memref<32xi32, #tpu.memory_space<vmem>>) semaphore(%arg9 : memref<!tpu.dma_semaphore, #tpu.memory_space<semaphore_mem>>)
    %dma_start3A_279 = arith.constant 13 : i32
    %dma_start3A_280 = arith.constant 3 : i32
    %dma_start3A_281 = arith.constant 0 : i32
    %dma_start3A_282 = arith.constant 0 : i32
    %dma_start3A_283 = tpu.memref_slice %arg7[%dma_start3A_280, %dma_start3A_281, %dma_start3A_282] : memref<10x32x128xf32, #tpu.memory_space<vmem>> -> memref<1x32x128xf32, #tpu.memory_space<vmem>>
    %dma_start3A_284 = tpu.memref_squeeze %dma_start3A_283 : memref<1x32x128xf32, #tpu.memory_space<vmem>> -> memref<32x128xf32, #tpu.memory_space<vmem>>
    %dma_start3A_285 = arith.constant 0 : i32
    %dma_start3A_286 = tpu.memref_slice %arg5[%dma_start3A_279, %dma_start3A_285] : memref<50x32xi32, #tpu.memory_space<vmem>> -> memref<1x32xi32, #tpu.memory_space<vmem>>
    %dma_start3A_287 = tpu.memref_squeeze %dma_start3A_286 : memref<1x32xi32, #tpu.memory_space<vmem>> -> memref<32xi32, #tpu.memory_space<vmem>>
    %dma_start3A_288 = arith.constant 0 : i32
    %dma_start3A_289 = arith.constant 0 : i32
    %dma_start3A_290 = tpu.memref_slice %arg8[%dma_start3A_288, %dma_start3A_289] : memref<130x128xf32, #tpu.memory_space<vmem_shared>> -> memref<130x128xf32, #tpu.memory_space<vmem_shared>>
    tpu.enqueue_indirect_dma source(%dma_start3A_290 : memref<130x128xf32, #tpu.memory_space<vmem_shared>>) target(%dma_start3A_284 : memref<32x128xf32, #tpu.memory_space<vmem>>) offsets(%dma_start3A_287 : memref<32xi32, #tpu.memory_space<vmem>>) semaphore(%arg9 : memref<!tpu.dma_semaphore, #tpu.memory_space<semaphore_mem>>)
    %dma_start3A_291 = arith.constant 14 : i32
    %dma_start3A_292 = arith.constant 4 : i32
    %dma_start3A_293 = arith.constant 0 : i32
    %dma_start3A_294 = arith.constant 0 : i32
    %dma_start3A_295 = tpu.memref_slice %arg7[%dma_start3A_292, %dma_start3A_293, %dma_start3A_294] : memref<10x32x128xf32, #tpu.memory_space<vmem>> -> memref<1x32x128xf32, #tpu.memory_space<vmem>>
    %dma_start3A_296 = tpu.memref_squeeze %dma_start3A_295 : memref<1x32x128xf32, #tpu.memory_space<vmem>> -> memref<32x128xf32, #tpu.memory_space<vmem>>
    %dma_start3A_297 = arith.constant 0 : i32
    %dma_start3A_298 = tpu.memref_slice %arg5[%dma_start3A_291, %dma_start3A_297] : memref<50x32xi32, #tpu.memory_space<vmem>> -> memref<1x32xi32, #tpu.memory_space<vmem>>
    %dma_start3A_299 = tpu.memref_squeeze %dma_start3A_298 : memref<1x32xi32, #tpu.memory_space<vmem>> -> memref<32xi32, #tpu.memory_space<vmem>>
    %dma_start3A_300 = arith.constant 0 : i32
    %dma_start3A_301 = arith.constant 0 : i32
    %dma_start3A_302 = tpu.memref_slice %arg8[%dma_start3A_300, %dma_start3A_301] : memref<130x128xf32, #tpu.memory_space<vmem_shared>> -> memref<130x128xf32, #tpu.memory_space<vmem_shared>>
    tpu.enqueue_indirect_dma source(%dma_start3A_302 : memref<130x128xf32, #tpu.memory_space<vmem_shared>>) target(%dma_start3A_296 : memref<32x128xf32, #tpu.memory_space<vmem>>) offsets(%dma_start3A_299 : memref<32xi32, #tpu.memory_space<vmem>>) semaphore(%arg9 : memref<!tpu.dma_semaphore, #tpu.memory_space<semaphore_mem>>)
    %dma_start3A_303 = arith.constant 15 : i32
    %dma_start3A_304 = arith.constant 5 : i32
    %dma_start3A_305 = arith.constant 0 : i32
    %dma_start3A_306 = arith.constant 0 : i32
    %dma_start3A_307 = tpu.memref_slice %arg7[%dma_start3A_304, %dma_start3A_305, %dma_start3A_306] : memref<10x32x128xf32, #tpu.memory_space<vmem>> -> memref<1x32x128xf32, #tpu.memory_space<vmem>>
    %dma_start3A_308 = tpu.memref_squeeze %dma_start3A_307 : memref<1x32x128xf32, #tpu.memory_space<vmem>> -> memref<32x128xf32, #tpu.memory_space<vmem>>
    %dma_start3A_309 = arith.constant 0 : i32
    %dma_start3A_310 = tpu.memref_slice %arg5[%dma_start3A_303, %dma_start3A_309] : memref<50x32xi32, #tpu.memory_space<vmem>> -> memref<1x32xi32, #tpu.memory_space<vmem>>
    %dma_start3A_311 = tpu.memref_squeeze %dma_start3A_310 : memref<1x32xi32, #tpu.memory_space<vmem>> -> memref<32xi32, #tpu.memory_space<vmem>>
    %dma_start3A_312 = arith.constant 0 : i32
    %dma_start3A_313 = arith.constant 0 : i32
    %dma_start3A_314 = tpu.memref_slice %arg8[%dma_start3A_312, %dma_start3A_313] : memref<130x128xf32, #tpu.memory_space<vmem_shared>> -> memref<130x128xf32, #tpu.memory_space<vmem_shared>>
    tpu.enqueue_indirect_dma source(%dma_start3A_314 : memref<130x128xf32, #tpu.memory_space<vmem_shared>>) target(%dma_start3A_308 : memref<32x128xf32, #tpu.memory_space<vmem>>) offsets(%dma_start3A_311 : memref<32xi32, #tpu.memory_space<vmem>>) semaphore(%arg9 : memref<!tpu.dma_semaphore, #tpu.memory_space<semaphore_mem>>)
    %dma_start3A_315 = arith.constant 16 : i32
    %dma_start3A_316 = arith.constant 6 : i32
    %dma_start3A_317 = arith.constant 0 : i32
    %dma_start3A_318 = arith.constant 0 : i32
    %dma_start3A_319 = tpu.memref_slice %arg7[%dma_start3A_316, %dma_start3A_317, %dma_start3A_318] : memref<10x32x128xf32, #tpu.memory_space<vmem>> -> memref<1x32x128xf32, #tpu.memory_space<vmem>>
    %dma_start3A_320 = tpu.memref_squeeze %dma_start3A_319 : memref<1x32x128xf32, #tpu.memory_space<vmem>> -> memref<32x128xf32, #tpu.memory_space<vmem>>
    %dma_start3A_321 = arith.constant 0 : i32
    %dma_start3A_322 = tpu.memref_slice %arg5[%dma_start3A_315, %dma_start3A_321] : memref<50x32xi32, #tpu.memory_space<vmem>> -> memref<1x32xi32, #tpu.memory_space<vmem>>
    %dma_start3A_323 = tpu.memref_squeeze %dma_start3A_322 : memref<1x32xi32, #tpu.memory_space<vmem>> -> memref<32xi32, #tpu.memory_space<vmem>>
    %dma_start3A_324 = arith.constant 0 : i32
    %dma_start3A_325 = arith.constant 0 : i32
    %dma_start3A_326 = tpu.memref_slice %arg8[%dma_start3A_324, %dma_start3A_325] : memref<130x128xf32, #tpu.memory_space<vmem_shared>> -> memref<130x128xf32, #tpu.memory_space<vmem_shared>>
    tpu.enqueue_indirect_dma source(%dma_start3A_326 : memref<130x128xf32, #tpu.memory_space<vmem_shared>>) target(%dma_start3A_320 : memref<32x128xf32, #tpu.memory_space<vmem>>) offsets(%dma_start3A_323 : memref<32xi32, #tpu.memory_space<vmem>>) semaphore(%arg9 : memref<!tpu.dma_semaphore, #tpu.memory_space<semaphore_mem>>)
    %dma_start3A_327 = arith.constant 17 : i32
    %dma_start3A_328 = arith.constant 7 : i32
    %dma_start3A_329 = arith.constant 0 : i32
    %dma_start3A_330 = arith.constant 0 : i32
    %dma_start3A_331 = tpu.memref_slice %arg7[%dma_start3A_328, %dma_start3A_329, %dma_start3A_330] : memref<10x32x128xf32, #tpu.memory_space<vmem>> -> memref<1x32x128xf32, #tpu.memory_space<vmem>>
    %dma_start3A_332 = tpu.memref_squeeze %dma_start3A_331 : memref<1x32x128xf32, #tpu.memory_space<vmem>> -> memref<32x128xf32, #tpu.memory_space<vmem>>
    %dma_start3A_333 = arith.constant 0 : i32
    %dma_start3A_334 = tpu.memref_slice %arg5[%dma_start3A_327, %dma_start3A_333] : memref<50x32xi32, #tpu.memory_space<vmem>> -> memref<1x32xi32, #tpu.memory_space<vmem>>
    %dma_start3A_335 = tpu.memref_squeeze %dma_start3A_334 : memref<1x32xi32, #tpu.memory_space<vmem>> -> memref<32xi32, #tpu.memory_space<vmem>>
    %dma_start3A_336 = arith.constant 0 : i32
    %dma_start3A_337 = arith.constant 0 : i32
    %dma_start3A_338 = tpu.memref_slice %arg8[%dma_start3A_336, %dma_start3A_337] : memref<130x128xf32, #tpu.memory_space<vmem_shared>> -> memref<130x128xf32, #tpu.memory_space<vmem_shared>>
    tpu.enqueue_indirect_dma source(%dma_start3A_338 : memref<130x128xf32, #tpu.memory_space<vmem_shared>>) target(%dma_start3A_332 : memref<32x128xf32, #tpu.memory_space<vmem>>) offsets(%dma_start3A_335 : memref<32xi32, #tpu.memory_space<vmem>>) semaphore(%arg9 : memref<!tpu.dma_semaphore, #tpu.memory_space<semaphore_mem>>)
    %dma_start3A_339 = arith.constant 18 : i32
    %dma_start3A_340 = arith.constant 8 : i32
    %dma_start3A_341 = arith.constant 0 : i32
    %dma_start3A_342 = arith.constant 0 : i32
    %dma_start3A_343 = tpu.memref_slice %arg7[%dma_start3A_340, %dma_start3A_341, %dma_start3A_342] : memref<10x32x128xf32, #tpu.memory_space<vmem>> -> memref<1x32x128xf32, #tpu.memory_space<vmem>>
    %dma_start3A_344 = tpu.memref_squeeze %dma_start3A_343 : memref<1x32x128xf32, #tpu.memory_space<vmem>> -> memref<32x128xf32, #tpu.memory_space<vmem>>
    %dma_start3A_345 = arith.constant 0 : i32
    %dma_start3A_346 = tpu.memref_slice %arg5[%dma_start3A_339, %dma_start3A_345] : memref<50x32xi32, #tpu.memory_space<vmem>> -> memref<1x32xi32, #tpu.memory_space<vmem>>
    %dma_start3A_347 = tpu.memref_squeeze %dma_start3A_346 : memref<1x32xi32, #tpu.memory_space<vmem>> -> memref<32xi32, #tpu.memory_space<vmem>>
    %dma_start3A_348 = arith.constant 0 : i32
    %dma_start3A_349 = arith.constant 0 : i32
    %dma_start3A_350 = tpu.memref_slice %arg8[%dma_start3A_348, %dma_start3A_349] : memref<130x128xf32, #tpu.memory_space<vmem_shared>> -> memref<130x128xf32, #tpu.memory_space<vmem_shared>>
    tpu.enqueue_indirect_dma source(%dma_start3A_350 : memref<130x128xf32, #tpu.memory_space<vmem_shared>>) target(%dma_start3A_344 : memref<32x128xf32, #tpu.memory_space<vmem>>) offsets(%dma_start3A_347 : memref<32xi32, #tpu.memory_space<vmem>>) semaphore(%arg9 : memref<!tpu.dma_semaphore, #tpu.memory_space<semaphore_mem>>)
    %dma_start3A_351 = arith.constant 19 : i32
    %dma_start3A_352 = arith.constant 9 : i32
    %dma_start3A_353 = arith.constant 0 : i32
    %dma_start3A_354 = arith.constant 0 : i32
    %dma_start3A_355 = tpu.memref_slice %arg7[%dma_start3A_352, %dma_start3A_353, %dma_start3A_354] : memref<10x32x128xf32, #tpu.memory_space<vmem>> -> memref<1x32x128xf32, #tpu.memory_space<vmem>>
    %dma_start3A_356 = tpu.memref_squeeze %dma_start3A_355 : memref<1x32x128xf32, #tpu.memory_space<vmem>> -> memref<32x128xf32, #tpu.memory_space<vmem>>
    %dma_start3A_357 = arith.constant 0 : i32
    %dma_start3A_358 = tpu.memref_slice %arg5[%dma_start3A_351, %dma_start3A_357] : memref<50x32xi32, #tpu.memory_space<vmem>> -> memref<1x32xi32, #tpu.memory_space<vmem>>
    %dma_start3A_359 = tpu.memref_squeeze %dma_start3A_358 : memref<1x32xi32, #tpu.memory_space<vmem>> -> memref<32xi32, #tpu.memory_space<vmem>>
    %dma_start3A_360 = arith.constant 0 : i32
    %dma_start3A_361 = arith.constant 0 : i32
    %dma_start3A_362 = tpu.memref_slice %arg8[%dma_start3A_360, %dma_start3A_361] : memref<130x128xf32, #tpu.memory_space<vmem_shared>> -> memref<130x128xf32, #tpu.memory_space<vmem_shared>>
    tpu.enqueue_indirect_dma source(%dma_start3A_362 : memref<130x128xf32, #tpu.memory_space<vmem_shared>>) target(%dma_start3A_356 : memref<32x128xf32, #tpu.memory_space<vmem>>) offsets(%dma_start3A_359 : memref<32xi32, #tpu.memory_space<vmem>>) semaphore(%arg9 : memref<!tpu.dma_semaphore, #tpu.memory_space<semaphore_mem>>)
    %dma_start3A_363 = arith.constant 0 : i32
    %dma_start3A_364 = arith.constant 0 : i32
    %dma_start3A_365 = tpu.memref_slice %arg4[%dma_start3A_363, %mul3A_2, %dma_start3A_364] : memref<50x1024x2048xf32, #tpu.memory_space<hbm>> -> memref<10x32x128xf32, #tpu.memory_space<hbm>>
    %dma_start3A_366 = arith.constant 0 : i32
    %dma_start3A_367 = arith.constant 0 : i32
    %dma_start3A_368 = tpu.memref_slice %arg4[%dma_start3A_366, %mul3A_2, %dma_start3A_367] : memref<50x1024x2048xf32, #tpu.memory_space<hbm>> -> memref<10x32x128xf32, #tpu.memory_space<hbm>>
    tpu.enqueue_dma source(%arg6 : memref<10x32x128xf32, #tpu.memory_space<vmem>>) target(%dma_start3A_368 : memref<10x32x128xf32, #tpu.memory_space<hbm>>) target_semaphore(%arg10 : memref<!tpu.dma_semaphore, #tpu.memory_space<semaphore_mem>>)
    %dma_start3A_369 = arith.constant 0 : i32
    %dma_start3A_370 = arith.constant 128 : i32
    %dma_start3A_371 = tpu.memref_slice %arg4[%dma_start3A_369, %mul3A_2, %dma_start3A_370] : memref<50x1024x2048xf32, #tpu.memory_space<hbm>> -> memref<10x32x128xf32, #tpu.memory_space<hbm>>
    %dma_start3A_372 = arith.constant 0 : i32
    %dma_start3A_373 = arith.constant 128 : i32
    %dma_start3A_374 = tpu.memref_slice %arg4[%dma_start3A_372, %mul3A_2, %dma_start3A_373] : memref<50x1024x2048xf32, #tpu.memory_space<hbm>> -> memref<10x32x128xf32, #tpu.memory_space<hbm>>
    tpu.enqueue_dma source(%arg6 : memref<10x32x128xf32, #tpu.memory_space<vmem>>) target(%dma_start3A_374 : memref<10x32x128xf32, #tpu.memory_space<hbm>>) target_semaphore(%arg10 : memref<!tpu.dma_semaphore, #tpu.memory_space<semaphore_mem>>)
    %dma_start3A_375 = arith.constant 0 : i32
    %dma_start3A_376 = arith.constant 256 : i32
    %dma_start3A_377 = tpu.memref_slice %arg4[%dma_start3A_375, %mul3A_2, %dma_start3A_376] : memref<50x1024x2048xf32, #tpu.memory_space<hbm>> -> memref<10x32x128xf32, #tpu.memory_space<hbm>>
    %dma_start3A_378 = arith.constant 0 : i32
    %dma_start3A_379 = arith.constant 256 : i32
    %dma_start3A_380 = tpu.memref_slice %arg4[%dma_start3A_378, %mul3A_2, %dma_start3A_379] : memref<50x1024x2048xf32, #tpu.memory_space<hbm>> -> memref<10x32x128xf32, #tpu.memory_space<hbm>>
    tpu.enqueue_dma source(%arg6 : memref<10x32x128xf32, #tpu.memory_space<vmem>>) target(%dma_start3A_380 : memref<10x32x128xf32, #tpu.memory_space<hbm>>) target_semaphore(%arg10 : memref<!tpu.dma_semaphore, #tpu.memory_space<semaphore_mem>>)
    %dma_start3A_381 = arith.constant 0 : i32
    %dma_start3A_382 = arith.constant 384 : i32
    %dma_start3A_383 = tpu.memref_slice %arg4[%dma_start3A_381, %mul3A_2, %dma_start3A_382] : memref<50x1024x2048xf32, #tpu.memory_space<hbm>> -> memref<10x32x128xf32, #tpu.memory_space<hbm>>
    %dma_start3A_384 = arith.constant 0 : i32
    %dma_start3A_385 = arith.constant 384 : i32
    %dma_start3A_386 = tpu.memref_slice %arg4[%dma_start3A_384, %mul3A_2, %dma_start3A_385] : memref<50x1024x2048xf32, #tpu.memory_space<hbm>> -> memref<10x32x128xf32, #tpu.memory_space<hbm>>
    tpu.enqueue_dma source(%arg6 : memref<10x32x128xf32, #tpu.memory_space<vmem>>) target(%dma_start3A_386 : memref<10x32x128xf32, #tpu.memory_space<hbm>>) target_semaphore(%arg10 : memref<!tpu.dma_semaphore, #tpu.memory_space<semaphore_mem>>)
    %dma_start3A_387 = arith.constant 0 : i32
    %dma_start3A_388 = arith.constant 512 : i32
    %dma_start3A_389 = tpu.memref_slice %arg4[%dma_start3A_387, %mul3A_2, %dma_start3A_388] : memref<50x1024x2048xf32, #tpu.memory_space<hbm>> -> memref<10x32x128xf32, #tpu.memory_space<hbm>>
    %dma_start3A_390 = arith.constant 0 : i32
    %dma_start3A_391 = arith.constant 512 : i32
    %dma_start3A_392 = tpu.memref_slice %arg4[%dma_start3A_390, %mul3A_2, %dma_start3A_391] : memref<50x1024x2048xf32, #tpu.memory_space<hbm>> -> memref<10x32x128xf32, #tpu.memory_space<hbm>>
    tpu.enqueue_dma source(%arg6 : memref<10x32x128xf32, #tpu.memory_space<vmem>>) target(%dma_start3A_392 : memref<10x32x128xf32, #tpu.memory_space<hbm>>) target_semaphore(%arg10 : memref<!tpu.dma_semaphore, #tpu.memory_space<semaphore_mem>>)
    %dma_start3A_393 = arith.constant 0 : i32
    %dma_start3A_394 = arith.constant 640 : i32
    %dma_start3A_395 = tpu.memref_slice %arg4[%dma_start3A_393, %mul3A_2, %dma_start3A_394] : memref<50x1024x2048xf32, #tpu.memory_space<hbm>> -> memref<10x32x128xf32, #tpu.memory_space<hbm>>
    %dma_start3A_396 = arith.constant 0 : i32
    %dma_start3A_397 = arith.constant 640 : i32
    %dma_start3A_398 = tpu.memref_slice %arg4[%dma_start3A_396, %mul3A_2, %dma_start3A_397] : memref<50x1024x2048xf32, #tpu.memory_space<hbm>> -> memref<10x32x128xf32, #tpu.memory_space<hbm>>
    tpu.enqueue_dma source(%arg6 : memref<10x32x128xf32, #tpu.memory_space<vmem>>) target(%dma_start3A_398 : memref<10x32x128xf32, #tpu.memory_space<hbm>>) target_semaphore(%arg10 : memref<!tpu.dma_semaphore, #tpu.memory_space<semaphore_mem>>)
    %dma_start3A_399 = arith.constant 0 : i32
    %dma_start3A_400 = arith.constant 768 : i32
    %dma_start3A_401 = tpu.memref_slice %arg4[%dma_start3A_399, %mul3A_2, %dma_start3A_400] : memref<50x1024x2048xf32, #tpu.memory_space<hbm>> -> memref<10x32x128xf32, #tpu.memory_space<hbm>>
    %dma_start3A_402 = arith.constant 0 : i32
    %dma_start3A_403 = arith.constant 768 : i32
    %dma_start3A_404 = tpu.memref_slice %arg4[%dma_start3A_402, %mul3A_2, %dma_start3A_403] : memref<50x1024x2048xf32, #tpu.memory_space<hbm>> -> memref<10x32x128xf32, #tpu.memory_space<hbm>>
    tpu.enqueue_dma source(%arg6 : memref<10x32x128xf32, #tpu.memory_space<vmem>>) target(%dma_start3A_404 : memref<10x32x128xf32, #tpu.memory_space<hbm>>) target_semaphore(%arg10 : memref<!tpu.dma_semaphore, #tpu.memory_space<semaphore_mem>>)
    %dma_start3A_405 = arith.constant 0 : i32
    %dma_start3A_406 = arith.constant 896 : i32
    %dma_start3A_407 = tpu.memref_slice %arg4[%dma_start3A_405, %mul3A_2, %dma_start3A_406] : memref<50x1024x2048xf32, #tpu.memory_space<hbm>> -> memref<10x32x128xf32, #tpu.memory_space<hbm>>
    %dma_start3A_408 = arith.constant 0 : i32
    %dma_start3A_409 = arith.constant 896 : i32
    %dma_start3A_410 = tpu.memref_slice %arg4[%dma_start3A_408, %mul3A_2, %dma_start3A_409] : memref<50x1024x2048xf32, #tpu.memory_space<hbm>> -> memref<10x32x128xf32, #tpu.memory_space<hbm>>
    tpu.enqueue_dma source(%arg6 : memref<10x32x128xf32, #tpu.memory_space<vmem>>) target(%dma_start3A_410 : memref<10x32x128xf32, #tpu.memory_space<hbm>>) target_semaphore(%arg10 : memref<!tpu.dma_semaphore, #tpu.memory_space<semaphore_mem>>)
    %dma_start3A_411 = arith.constant 0 : i32
    %dma_start3A_412 = arith.constant 1024 : i32
    %dma_start3A_413 = tpu.memref_slice %arg4[%dma_start3A_411, %mul3A_2, %dma_start3A_412] : memref<50x1024x2048xf32, #tpu.memory_space<hbm>> -> memref<10x32x128xf32, #tpu.memory_space<hbm>>
    %dma_start3A_414 = arith.constant 0 : i32
    %dma_start3A_415 = arith.constant 1024 : i32
    %dma_start3A_416 = tpu.memref_slice %arg4[%dma_start3A_414, %mul3A_2, %dma_start3A_415] : memref<50x1024x2048xf32, #tpu.memory_space<hbm>> -> memref<10x32x128xf32, #tpu.memory_space<hbm>>
    tpu.enqueue_dma source(%arg6 : memref<10x32x128xf32, #tpu.memory_space<vmem>>) target(%dma_start3A_416 : memref<10x32x128xf32, #tpu.memory_space<hbm>>) target_semaphore(%arg10 : memref<!tpu.dma_semaphore, #tpu.memory_space<semaphore_mem>>)
    %dma_start3A_417 = arith.constant 0 : i32
    %dma_start3A_418 = arith.constant 1152 : i32
    %dma_start3A_419 = tpu.memref_slice %arg4[%dma_start3A_417, %mul3A_2, %dma_start3A_418] : memref<50x1024x2048xf32, #tpu.memory_space<hbm>> -> memref<10x32x128xf32, #tpu.memory_space<hbm>>
    %dma_start3A_420 = arith.constant 0 : i32
    %dma_start3A_421 = arith.constant 1152 : i32
    %dma_start3A_422 = tpu.memref_slice %arg4[%dma_start3A_420, %mul3A_2, %dma_start3A_421] : memref<50x1024x2048xf32, #tpu.memory_space<hbm>> -> memref<10x32x128xf32, #tpu.memory_space<hbm>>
    tpu.enqueue_dma source(%arg6 : memref<10x32x128xf32, #tpu.memory_space<vmem>>) target(%dma_start3A_422 : memref<10x32x128xf32, #tpu.memory_space<hbm>>) target_semaphore(%arg10 : memref<!tpu.dma_semaphore, #tpu.memory_space<semaphore_mem>>)
    %dma_start3A_423 = arith.constant 0 : i32
    %dma_start3A_424 = arith.constant 1280 : i32
    %dma_start3A_425 = tpu.memref_slice %arg4[%dma_start3A_423, %mul3A_2, %dma_start3A_424] : memref<50x1024x2048xf32, #tpu.memory_space<hbm>> -> memref<10x32x128xf32, #tpu.memory_space<hbm>>
    %dma_start3A_426 = arith.constant 0 : i32
    %dma_start3A_427 = arith.constant 1280 : i32
    %dma_start3A_428 = tpu.memref_slice %arg4[%dma_start3A_426, %mul3A_2, %dma_start3A_427] : memref<50x1024x2048xf32, #tpu.memory_space<hbm>> -> memref<10x32x128xf32, #tpu.memory_space<hbm>>
    tpu.enqueue_dma source(%arg6 : memref<10x32x128xf32, #tpu.memory_space<vmem>>) target(%dma_start3A_428 : memref<10x32x128xf32, #tpu.memory_space<hbm>>) target_semaphore(%arg10 : memref<!tpu.dma_semaphore, #tpu.memory_space<semaphore_mem>>)
    %dma_start3A_429 = arith.constant 0 : i32
    %dma_start3A_430 = arith.constant 1408 : i32
    %dma_start3A_431 = tpu.memref_slice %arg4[%dma_start3A_429, %mul3A_2, %dma_start3A_430] : memref<50x1024x2048xf32, #tpu.memory_space<hbm>> -> memref<10x32x128xf32, #tpu.memory_space<hbm>>
    %dma_start3A_432 = arith.constant 0 : i32
    %dma_start3A_433 = arith.constant 1408 : i32
    %dma_start3A_434 = tpu.memref_slice %arg4[%dma_start3A_432, %mul3A_2, %dma_start3A_433] : memref<50x1024x2048xf32, #tpu.memory_space<hbm>> -> memref<10x32x128xf32, #tpu.memory_space<hbm>>
    tpu.enqueue_dma source(%arg6 : memref<10x32x128xf32, #tpu.memory_space<vmem>>) target(%dma_start3A_434 : memref<10x32x128xf32, #tpu.memory_space<hbm>>) target_semaphore(%arg10 : memref<!tpu.dma_semaphore, #tpu.memory_space<semaphore_mem>>)
    %dma_start3A_435 = arith.constant 0 : i32
    %dma_start3A_436 = arith.constant 1536 : i32
    %dma_start3A_437 = tpu.memref_slice %arg4[%dma_start3A_435, %mul3A_2, %dma_start3A_436] : memref<50x1024x2048xf32, #tpu.memory_space<hbm>> -> memref<10x32x128xf32, #tpu.memory_space<hbm>>
    %dma_start3A_438 = arith.constant 0 : i32
    %dma_start3A_439 = arith.constant 1536 : i32
    %dma_start3A_440 = tpu.memref_slice %arg4[%dma_start3A_438, %mul3A_2, %dma_start3A_439] : memref<50x1024x2048xf32, #tpu.memory_space<hbm>> -> memref<10x32x128xf32, #tpu.memory_space<hbm>>
    tpu.enqueue_dma source(%arg6 : memref<10x32x128xf32, #tpu.memory_space<vmem>>) target(%dma_start3A_440 : memref<10x32x128xf32, #tpu.memory_space<hbm>>) target_semaphore(%arg10 : memref<!tpu.dma_semaphore, #tpu.memory_space<semaphore_mem>>)
    %dma_start3A_441 = arith.constant 0 : i32
    %dma_start3A_442 = arith.constant 1664 : i32
    %dma_start3A_443 = tpu.memref_slice %arg4[%dma_start3A_441, %mul3A_2, %dma_start3A_442] : memref<50x1024x2048xf32, #tpu.memory_space<hbm>> -> memref<10x32x128xf32, #tpu.memory_space<hbm>>
    %dma_start3A_444 = arith.constant 0 : i32
    %dma_start3A_445 = arith.constant 1664 : i32
    %dma_start3A_446 = tpu.memref_slice %arg4[%dma_start3A_444, %mul3A_2, %dma_start3A_445] : memref<50x1024x2048xf32, #tpu.memory_space<hbm>> -> memref<10x32x128xf32, #tpu.memory_space<hbm>>
    tpu.enqueue_dma source(%arg6 : memref<10x32x128xf32, #tpu.memory_space<vmem>>) target(%dma_start3A_446 : memref<10x32x128xf32, #tpu.memory_space<hbm>>) target_semaphore(%arg10 : memref<!tpu.dma_semaphore, #tpu.memory_space<semaphore_mem>>)
    %dma_start3A_447 = arith.constant 0 : i32
    %dma_start3A_448 = arith.constant 1792 : i32
    %dma_start3A_449 = tpu.memref_slice %arg4[%dma_start3A_447, %mul3A_2, %dma_start3A_448] : memref<50x1024x2048xf32, #tpu.memory_space<hbm>> -> memref<10x32x128xf32, #tpu.memory_space<hbm>>
    %dma_start3A_450 = arith.constant 0 : i32
    %dma_start3A_451 = arith.constant 1792 : i32
    %dma_start3A_452 = tpu.memref_slice %arg4[%dma_start3A_450, %mul3A_2, %dma_start3A_451] : memref<50x1024x2048xf32, #tpu.memory_space<hbm>> -> memref<10x32x128xf32, #tpu.memory_space<hbm>>
    tpu.enqueue_dma source(%arg6 : memref<10x32x128xf32, #tpu.memory_space<vmem>>) target(%dma_start3A_452 : memref<10x32x128xf32, #tpu.memory_space<hbm>>) target_semaphore(%arg10 : memref<!tpu.dma_semaphore, #tpu.memory_space<semaphore_mem>>)
    %dma_start3A_453 = arith.constant 0 : i32
    %dma_start3A_454 = arith.constant 1920 : i32
    %dma_start3A_455 = tpu.memref_slice %arg4[%dma_start3A_453, %mul3A_2, %dma_start3A_454] : memref<50x1024x2048xf32, #tpu.memory_space<hbm>> -> memref<10x32x128xf32, #tpu.memory_space<hbm>>
    %dma_start3A_456 = arith.constant 0 : i32
    %dma_start3A_457 = arith.constant 1920 : i32
    %dma_start3A_458 = tpu.memref_slice %arg4[%dma_start3A_456, %mul3A_2, %dma_start3A_457] : memref<50x1024x2048xf32, #tpu.memory_space<hbm>> -> memref<10x32x128xf32, #tpu.memory_space<hbm>>
    tpu.enqueue_dma source(%arg6 : memref<10x32x128xf32, #tpu.memory_space<vmem>>) target(%dma_start3A_458 : memref<10x32x128xf32, #tpu.memory_space<hbm>>) target_semaphore(%arg10 : memref<!tpu.dma_semaphore, #tpu.memory_space<semaphore_mem>>)
    %dma_wait3A_459 = arith.constant 10 : i32
    %dma_wait3A_460 = arith.constant 0 : i32
    %dma_wait3A_461 = arith.constant 0 : i32
    %dma_wait3A_462 = arith.constant 0 : i32
    %dma_wait3A_463 = tpu.memref_slice %arg7[%dma_wait3A_460, %dma_wait3A_461, %dma_wait3A_462] : memref<10x32x128xf32, #tpu.memory_space<vmem>> -> memref<1x32x128xf32, #tpu.memory_space<vmem>>
    %dma_wait3A_464 = tpu.memref_squeeze %dma_wait3A_463 : memref<1x32x128xf32, #tpu.memory_space<vmem>> -> memref<32x128xf32, #tpu.memory_space<vmem>>
    %dma_wait3A_465 = arith.constant 0 : i32
    %dma_wait3A_466 = tpu.memref_slice %arg5[%dma_wait3A_459, %dma_wait3A_465] : memref<50x32xi32, #tpu.memory_space<vmem>> -> memref<1x32xi32, #tpu.memory_space<vmem>>
    %dma_wait3A_467 = tpu.memref_squeeze %dma_wait3A_466 : memref<1x32xi32, #tpu.memory_space<vmem>> -> memref<32xi32, #tpu.memory_space<vmem>>
    %dma_wait3A_468 = arith.constant 0 : i32
    %dma_wait3A_469 = arith.constant 0 : i32
    %dma_wait3A_470 = tpu.memref_slice %arg8[%dma_wait3A_468, %dma_wait3A_469] : memref<130x128xf32, #tpu.memory_space<vmem_shared>> -> memref<130x128xf32, #tpu.memory_space<vmem_shared>>
    tpu.wait_indirect_dma semaphore(%arg9 : memref<!tpu.dma_semaphore, #tpu.memory_space<semaphore_mem>>) src(%dma_wait3A_470 : memref<130x128xf32, #tpu.memory_space<vmem_shared>>) dst(%dma_wait3A_464 : memref<32x128xf32, #tpu.memory_space<vmem>>)
    %dma_wait3A_471 = arith.constant 11 : i32
    %dma_wait3A_472 = arith.constant 1 : i32
    %dma_wait3A_473 = arith.constant 0 : i32
    %dma_wait3A_474 = arith.constant 0 : i32
    %dma_wait3A_475 = tpu.memref_slice %arg7[%dma_wait3A_472, %dma_wait3A_473, %dma_wait3A_474] : memref<10x32x128xf32, #tpu.memory_space<vmem>> -> memref<1x32x128xf32, #tpu.memory_space<vmem>>
    %dma_wait3A_476 = tpu.memref_squeeze %dma_wait3A_475 : memref<1x32x128xf32, #tpu.memory_space<vmem>> -> memref<32x128xf32, #tpu.memory_space<vmem>>
    %dma_wait3A_477 = arith.constant 0 : i32
    %dma_wait3A_478 = tpu.memref_slice %arg5[%dma_wait3A_471, %dma_wait3A_477] : memref<50x32xi32, #tpu.memory_space<vmem>> -> memref<1x32xi32, #tpu.memory_space<vmem>>
    %dma_wait3A_479 = tpu.memref_squeeze %dma_wait3A_478 : memref<1x32xi32, #tpu.memory_space<vmem>> -> memref<32xi32, #tpu.memory_space<vmem>>
    %dma_wait3A_480 = arith.constant 0 : i32
    %dma_wait3A_481 = arith.constant 0 : i32
    %dma_wait3A_482 = tpu.memref_slice %arg8[%dma_wait3A_480, %dma_wait3A_481] : memref<130x128xf32, #tpu.memory_space<vmem_shared>> -> memref<130x128xf32, #tpu.memory_space<vmem_shared>>
    tpu.wait_indirect_dma semaphore(%arg9 : memref<!tpu.dma_semaphore, #tpu.memory_space<semaphore_mem>>) src(%dma_wait3A_482 : memref<130x128xf32, #tpu.memory_space<vmem_shared>>) dst(%dma_wait3A_476 : memref<32x128xf32, #tpu.memory_space<vmem>>)
    %dma_wait3A_483 = arith.constant 12 : i32
    %dma_wait3A_484 = arith.constant 2 : i32
    %dma_wait3A_485 = arith.constant 0 : i32
    %dma_wait3A_486 = arith.constant 0 : i32
    %dma_wait3A_487 = tpu.memref_slice %arg7[%dma_wait3A_484, %dma_wait3A_485, %dma_wait3A_486] : memref<10x32x128xf32, #tpu.memory_space<vmem>> -> memref<1x32x128xf32, #tpu.memory_space<vmem>>
    %dma_wait3A_488 = tpu.memref_squeeze %dma_wait3A_487 : memref<1x32x128xf32, #tpu.memory_space<vmem>> -> memref<32x128xf32, #tpu.memory_space<vmem>>
    %dma_wait3A_489 = arith.constant 0 : i32
    %dma_wait3A_490 = tpu.memref_slice %arg5[%dma_wait3A_483, %dma_wait3A_489] : memref<50x32xi32, #tpu.memory_space<vmem>> -> memref<1x32xi32, #tpu.memory_space<vmem>>
    %dma_wait3A_491 = tpu.memref_squeeze %dma_wait3A_490 : memref<1x32xi32, #tpu.memory_space<vmem>> -> memref<32xi32, #tpu.memory_space<vmem>>
    %dma_wait3A_492 = arith.constant 0 : i32
    %dma_wait3A_493 = arith.constant 0 : i32
    %dma_wait3A_494 = tpu.memref_slice %arg8[%dma_wait3A_492, %dma_wait3A_493] : memref<130x128xf32, #tpu.memory_space<vmem_shared>> -> memref<130x128xf32, #tpu.memory_space<vmem_shared>>
    tpu.wait_indirect_dma semaphore(%arg9 : memref<!tpu.dma_semaphore, #tpu.memory_space<semaphore_mem>>) src(%dma_wait3A_494 : memref<130x128xf32, #tpu.memory_space<vmem_shared>>) dst(%dma_wait3A_488 : memref<32x128xf32, #tpu.memory_space<vmem>>)
    %dma_wait3A_495 = arith.constant 13 : i32
    %dma_wait3A_496 = arith.constant 3 : i32
    %dma_wait3A_497 = arith.constant 0 : i32
    %dma_wait3A_498 = arith.constant 0 : i32
    %dma_wait3A_499 = tpu.memref_slice %arg7[%dma_wait3A_496, %dma_wait3A_497, %dma_wait3A_498] : memref<10x32x128xf32, #tpu.memory_space<vmem>> -> memref<1x32x128xf32, #tpu.memory_space<vmem>>
    %dma_wait3A_500 = tpu.memref_squeeze %dma_wait3A_499 : memref<1x32x128xf32, #tpu.memory_space<vmem>> -> memref<32x128xf32, #tpu.memory_space<vmem>>
    %dma_wait3A_501 = arith.constant 0 : i32
    %dma_wait3A_502 = tpu.memref_slice %arg5[%dma_wait3A_495, %dma_wait3A_501] : memref<50x32xi32, #tpu.memory_space<vmem>> -> memref<1x32xi32, #tpu.memory_space<vmem>>
    %dma_wait3A_503 = tpu.memref_squeeze %dma_wait3A_502 : memref<1x32xi32, #tpu.memory_space<vmem>> -> memref<32xi32, #tpu.memory_space<vmem>>
    %dma_wait3A_504 = arith.constant 0 : i32
    %dma_wait3A_505 = arith.constant 0 : i32
    %dma_wait3A_506 = tpu.memref_slice %arg8[%dma_wait3A_504, %dma_wait3A_505] : memref<130x128xf32, #tpu.memory_space<vmem_shared>> -> memref<130x128xf32, #tpu.memory_space<vmem_shared>>
    tpu.wait_indirect_dma semaphore(%arg9 : memref<!tpu.dma_semaphore, #tpu.memory_space<semaphore_mem>>) src(%dma_wait3A_506 : memref<130x128xf32, #tpu.memory_space<vmem_shared>>) dst(%dma_wait3A_500 : memref<32x128xf32, #tpu.memory_space<vmem>>)
    %dma_wait3A_507 = arith.constant 14 : i32
    %dma_wait3A_508 = arith.constant 4 : i32
    %dma_wait3A_509 = arith.constant 0 : i32
    %dma_wait3A_510 = arith.constant 0 : i32
    %dma_wait3A_511 = tpu.memref_slice %arg7[%dma_wait3A_508, %dma_wait3A_509, %dma_wait3A_510] : memref<10x32x128xf32, #tpu.memory_space<vmem>> -> memref<1x32x128xf32, #tpu.memory_space<vmem>>
    %dma_wait3A_512 = tpu.memref_squeeze %dma_wait3A_511 : memref<1x32x128xf32, #tpu.memory_space<vmem>> -> memref<32x128xf32, #tpu.memory_space<vmem>>
    %dma_wait3A_513 = arith.constant 0 : i32
    %dma_wait3A_514 = tpu.memref_slice %arg5[%dma_wait3A_507, %dma_wait3A_513] : memref<50x32xi32, #tpu.memory_space<vmem>> -> memref<1x32xi32, #tpu.memory_space<vmem>>
    %dma_wait3A_515 = tpu.memref_squeeze %dma_wait3A_514 : memref<1x32xi32, #tpu.memory_space<vmem>> -> memref<32xi32, #tpu.memory_space<vmem>>
    %dma_wait3A_516 = arith.constant 0 : i32
    %dma_wait3A_517 = arith.constant 0 : i32
    %dma_wait3A_518 = tpu.memref_slice %arg8[%dma_wait3A_516, %dma_wait3A_517] : memref<130x128xf32, #tpu.memory_space<vmem_shared>> -> memref<130x128xf32, #tpu.memory_space<vmem_shared>>
    tpu.wait_indirect_dma semaphore(%arg9 : memref<!tpu.dma_semaphore, #tpu.memory_space<semaphore_mem>>) src(%dma_wait3A_518 : memref<130x128xf32, #tpu.memory_space<vmem_shared>>) dst(%dma_wait3A_512 : memref<32x128xf32, #tpu.memory_space<vmem>>)
    %dma_wait3A_519 = arith.constant 15 : i32
    %dma_wait3A_520 = arith.constant 5 : i32
    %dma_wait3A_521 = arith.constant 0 : i32
    %dma_wait3A_522 = arith.constant 0 : i32
    %dma_wait3A_523 = tpu.memref_slice %arg7[%dma_wait3A_520, %dma_wait3A_521, %dma_wait3A_522] : memref<10x32x128xf32, #tpu.memory_space<vmem>> -> memref<1x32x128xf32, #tpu.memory_space<vmem>>
    %dma_wait3A_524 = tpu.memref_squeeze %dma_wait3A_523 : memref<1x32x128xf32, #tpu.memory_space<vmem>> -> memref<32x128xf32, #tpu.memory_space<vmem>>
    %dma_wait3A_525 = arith.constant 0 : i32
    %dma_wait3A_526 = tpu.memref_slice %arg5[%dma_wait3A_519, %dma_wait3A_525] : memref<50x32xi32, #tpu.memory_space<vmem>> -> memref<1x32xi32, #tpu.memory_space<vmem>>
    %dma_wait3A_527 = tpu.memref_squeeze %dma_wait3A_526 : memref<1x32xi32, #tpu.memory_space<vmem>> -> memref<32xi32, #tpu.memory_space<vmem>>
    %dma_wait3A_528 = arith.constant 0 : i32
    %dma_wait3A_529 = arith.constant 0 : i32
    %dma_wait3A_530 = tpu.memref_slice %arg8[%dma_wait3A_528, %dma_wait3A_529] : memref<130x128xf32, #tpu.memory_space<vmem_shared>> -> memref<130x128xf32, #tpu.memory_space<vmem_shared>>
    tpu.wait_indirect_dma semaphore(%arg9 : memref<!tpu.dma_semaphore, #tpu.memory_space<semaphore_mem>>) src(%dma_wait3A_530 : memref<130x128xf32, #tpu.memory_space<vmem_shared>>) dst(%dma_wait3A_524 : memref<32x128xf32, #tpu.memory_space<vmem>>)
    %dma_wait3A_531 = arith.constant 16 : i32
    %dma_wait3A_532 = arith.constant 6 : i32
    %dma_wait3A_533 = arith.constant 0 : i32
    %dma_wait3A_534 = arith.constant 0 : i32
    %dma_wait3A_535 = tpu.memref_slice %arg7[%dma_wait3A_532, %dma_wait3A_533, %dma_wait3A_534] : memref<10x32x128xf32, #tpu.memory_space<vmem>> -> memref<1x32x128xf32, #tpu.memory_space<vmem>>
    %dma_wait3A_536 = tpu.memref_squeeze %dma_wait3A_535 : memref<1x32x128xf32, #tpu.memory_space<vmem>> -> memref<32x128xf32, #tpu.memory_space<vmem>>
    %dma_wait3A_537 = arith.constant 0 : i32
    %dma_wait3A_538 = tpu.memref_slice %arg5[%dma_wait3A_531, %dma_wait3A_537] : memref<50x32xi32, #tpu.memory_space<vmem>> -> memref<1x32xi32, #tpu.memory_space<vmem>>
    %dma_wait3A_539 = tpu.memref_squeeze %dma_wait3A_538 : memref<1x32xi32, #tpu.memory_space<vmem>> -> memref<32xi32, #tpu.memory_space<vmem>>
    %dma_wait3A_540 = arith.constant 0 : i32
    %dma_wait3A_541 = arith.constant 0 : i32
    %dma_wait3A_542 = tpu.memref_slice %arg8[%dma_wait3A_540, %dma_wait3A_541] : memref<130x128xf32, #tpu.memory_space<vmem_shared>> -> memref<130x128xf32, #tpu.memory_space<vmem_shared>>
    tpu.wait_indirect_dma semaphore(%arg9 : memref<!tpu.dma_semaphore, #tpu.memory_space<semaphore_mem>>) src(%dma_wait3A_542 : memref<130x128xf32, #tpu.memory_space<vmem_shared>>) dst(%dma_wait3A_536 : memref<32x128xf32, #tpu.memory_space<vmem>>)
    %dma_wait3A_543 = arith.constant 17 : i32
    %dma_wait3A_544 = arith.constant 7 : i32
    %dma_wait3A_545 = arith.constant 0 : i32
    %dma_wait3A_546 = arith.constant 0 : i32
    %dma_wait3A_547 = tpu.memref_slice %arg7[%dma_wait3A_544, %dma_wait3A_545, %dma_wait3A_546] : memref<10x32x128xf32, #tpu.memory_space<vmem>> -> memref<1x32x128xf32, #tpu.memory_space<vmem>>
    %dma_wait3A_548 = tpu.memref_squeeze %dma_wait3A_547 : memref<1x32x128xf32, #tpu.memory_space<vmem>> -> memref<32x128xf32, #tpu.memory_space<vmem>>
    %dma_wait3A_549 = arith.constant 0 : i32
    %dma_wait3A_550 = tpu.memref_slice %arg5[%dma_wait3A_543, %dma_wait3A_549] : memref<50x32xi32, #tpu.memory_space<vmem>> -> memref<1x32xi32, #tpu.memory_space<vmem>>
    %dma_wait3A_551 = tpu.memref_squeeze %dma_wait3A_550 : memref<1x32xi32, #tpu.memory_space<vmem>> -> memref<32xi32, #tpu.memory_space<vmem>>
    %dma_wait3A_552 = arith.constant 0 : i32
    %dma_wait3A_553 = arith.constant 0 : i32
    %dma_wait3A_554 = tpu.memref_slice %arg8[%dma_wait3A_552, %dma_wait3A_553] : memref<130x128xf32, #tpu.memory_space<vmem_shared>> -> memref<130x128xf32, #tpu.memory_space<vmem_shared>>
    tpu.wait_indirect_dma semaphore(%arg9 : memref<!tpu.dma_semaphore, #tpu.memory_space<semaphore_mem>>) src(%dma_wait3A_554 : memref<130x128xf32, #tpu.memory_space<vmem_shared>>) dst(%dma_wait3A_548 : memref<32x128xf32, #tpu.memory_space<vmem>>)
    %dma_wait3A_555 = arith.constant 18 : i32
    %dma_wait3A_556 = arith.constant 8 : i32
    %dma_wait3A_557 = arith.constant 0 : i32
    %dma_wait3A_558 = arith.constant 0 : i32
    %dma_wait3A_559 = tpu.memref_slice %arg7[%dma_wait3A_556, %dma_wait3A_557, %dma_wait3A_558] : memref<10x32x128xf32, #tpu.memory_space<vmem>> -> memref<1x32x128xf32, #tpu.memory_space<vmem>>
    %dma_wait3A_560 = tpu.memref_squeeze %dma_wait3A_559 : memref<1x32x128xf32, #tpu.memory_space<vmem>> -> memref<32x128xf32, #tpu.memory_space<vmem>>
    %dma_wait3A_561 = arith.constant 0 : i32
    %dma_wait3A_562 = tpu.memref_slice %arg5[%dma_wait3A_555, %dma_wait3A_561] : memref<50x32xi32, #tpu.memory_space<vmem>> -> memref<1x32xi32, #tpu.memory_space<vmem>>
    %dma_wait3A_563 = tpu.memref_squeeze %dma_wait3A_562 : memref<1x32xi32, #tpu.memory_space<vmem>> -> memref<32xi32, #tpu.memory_space<vmem>>
    %dma_wait3A_564 = arith.constant 0 : i32
    %dma_wait3A_565 = arith.constant 0 : i32
    %dma_wait3A_566 = tpu.memref_slice %arg8[%dma_wait3A_564, %dma_wait3A_565] : memref<130x128xf32, #tpu.memory_space<vmem_shared>> -> memref<130x128xf32, #tpu.memory_space<vmem_shared>>
    tpu.wait_indirect_dma semaphore(%arg9 : memref<!tpu.dma_semaphore, #tpu.memory_space<semaphore_mem>>) src(%dma_wait3A_566 : memref<130x128xf32, #tpu.memory_space<vmem_shared>>) dst(%dma_wait3A_560 : memref<32x128xf32, #tpu.memory_space<vmem>>)
    %dma_wait3A_567 = arith.constant 19 : i32
    %dma_wait3A_568 = arith.constant 9 : i32
    %dma_wait3A_569 = arith.constant 0 : i32
    %dma_wait3A_570 = arith.constant 0 : i32
    %dma_wait3A_571 = tpu.memref_slice %arg7[%dma_wait3A_568, %dma_wait3A_569, %dma_wait3A_570] : memref<10x32x128xf32, #tpu.memory_space<vmem>> -> memref<1x32x128xf32, #tpu.memory_space<vmem>>
    %dma_wait3A_572 = tpu.memref_squeeze %dma_wait3A_571 : memref<1x32x128xf32, #tpu.memory_space<vmem>> -> memref<32x128xf32, #tpu.memory_space<vmem>>
    %dma_wait3A_573 = arith.constant 0 : i32
    %dma_wait3A_574 = tpu.memref_slice %arg5[%dma_wait3A_567, %dma_wait3A_573] : memref<50x32xi32, #tpu.memory_space<vmem>> -> memref<1x32xi32, #tpu.memory_space<vmem>>
    %dma_wait3A_575 = tpu.memref_squeeze %dma_wait3A_574 : memref<1x32xi32, #tpu.memory_space<vmem>> -> memref<32xi32, #tpu.memory_space<vmem>>
    %dma_wait3A_576 = arith.constant 0 : i32
    %dma_wait3A_577 = arith.constant 0 : i32
    %dma_wait3A_578 = tpu.memref_slice %arg8[%dma_wait3A_576, %dma_wait3A_577] : memref<130x128xf32, #tpu.memory_space<vmem_shared>> -> memref<130x128xf32, #tpu.memory_space<vmem_shared>>
    tpu.wait_indirect_dma semaphore(%arg9 : memref<!tpu.dma_semaphore, #tpu.memory_space<semaphore_mem>>) src(%dma_wait3A_578 : memref<130x128xf32, #tpu.memory_space<vmem_shared>>) dst(%dma_wait3A_572 : memref<32x128xf32, #tpu.memory_space<vmem>>)
    %dma_wait3A_579 = arith.constant 0 : i32
    %dma_wait3A_580 = arith.constant 0 : i32
    %dma_wait3A_581 = tpu.memref_slice %arg4[%dma_wait3A_579, %mul3A_2, %dma_wait3A_580] : memref<50x1024x2048xf32, #tpu.memory_space<hbm>> -> memref<10x32x128xf32, #tpu.memory_space<hbm>>
    %dma_wait3A_582 = arith.constant 0 : i32
    %dma_wait3A_583 = arith.constant 0 : i32
    %dma_wait3A_584 = tpu.memref_slice %arg4[%dma_wait3A_582, %mul3A_2, %dma_wait3A_583] : memref<50x1024x2048xf32, #tpu.memory_space<hbm>> -> memref<10x32x128xf32, #tpu.memory_space<hbm>>
    tpu.wait_dma2 semaphore(%arg10 : memref<!tpu.dma_semaphore, #tpu.memory_space<semaphore_mem>>) src(%arg6 : memref<10x32x128xf32, #tpu.memory_space<vmem>>) dst(%dma_wait3A_584 : memref<10x32x128xf32, #tpu.memory_space<hbm>>)
    %dma_wait3A_585 = arith.constant 0 : i32
    %dma_wait3A_586 = arith.constant 128 : i32
    %dma_wait3A_587 = tpu.memref_slice %arg4[%dma_wait3A_585, %mul3A_2, %dma_wait3A_586] : memref<50x1024x2048xf32, #tpu.memory_space<hbm>> -> memref<10x32x128xf32, #tpu.memory_space<hbm>>
    %dma_wait3A_588 = arith.constant 0 : i32
    %dma_wait3A_589 = arith.constant 128 : i32
    %dma_wait3A_590 = tpu.memref_slice %arg4[%dma_wait3A_588, %mul3A_2, %dma_wait3A_589] : memref<50x1024x2048xf32, #tpu.memory_space<hbm>> -> memref<10x32x128xf32, #tpu.memory_space<hbm>>
    tpu.wait_dma2 semaphore(%arg10 : memref<!tpu.dma_semaphore, #tpu.memory_space<semaphore_mem>>) src(%arg6 : memref<10x32x128xf32, #tpu.memory_space<vmem>>) dst(%dma_wait3A_590 : memref<10x32x128xf32, #tpu.memory_space<hbm>>)
    %dma_wait3A_591 = arith.constant 0 : i32
    %dma_wait3A_592 = arith.constant 256 : i32
    %dma_wait3A_593 = tpu.memref_slice %arg4[%dma_wait3A_591, %mul3A_2, %dma_wait3A_592] : memref<50x1024x2048xf32, #tpu.memory_space<hbm>> -> memref<10x32x128xf32, #tpu.memory_space<hbm>>
    %dma_wait3A_594 = arith.constant 0 : i32
    %dma_wait3A_595 = arith.constant 256 : i32
    %dma_wait3A_596 = tpu.memref_slice %arg4[%dma_wait3A_594, %mul3A_2, %dma_wait3A_595] : memref<50x1024x2048xf32, #tpu.memory_space<hbm>> -> memref<10x32x128xf32, #tpu.memory_space<hbm>>
    tpu.wait_dma2 semaphore(%arg10 : memref<!tpu.dma_semaphore, #tpu.memory_space<semaphore_mem>>) src(%arg6 : memref<10x32x128xf32, #tpu.memory_space<vmem>>) dst(%dma_wait3A_596 : memref<10x32x128xf32, #tpu.memory_space<hbm>>)
    %dma_wait3A_597 = arith.constant 0 : i32
    %dma_wait3A_598 = arith.constant 384 : i32
    %dma_wait3A_599 = tpu.memref_slice %arg4[%dma_wait3A_597, %mul3A_2, %dma_wait3A_598] : memref<50x1024x2048xf32, #tpu.memory_space<hbm>> -> memref<10x32x128xf32, #tpu.memory_space<hbm>>
    %dma_wait3A_600 = arith.constant 0 : i32
    %dma_wait3A_601 = arith.constant 384 : i32
    %dma_wait3A_602 = tpu.memref_slice %arg4[%dma_wait3A_600, %mul3A_2, %dma_wait3A_601] : memref<50x1024x2048xf32, #tpu.memory_space<hbm>> -> memref<10x32x128xf32, #tpu.memory_space<hbm>>
    tpu.wait_dma2 semaphore(%arg10 : memref<!tpu.dma_semaphore, #tpu.memory_space<semaphore_mem>>) src(%arg6 : memref<10x32x128xf32, #tpu.memory_space<vmem>>) dst(%dma_wait3A_602 : memref<10x32x128xf32, #tpu.memory_space<hbm>>)
    %dma_wait3A_603 = arith.constant 0 : i32
    %dma_wait3A_604 = arith.constant 512 : i32
    %dma_wait3A_605 = tpu.memref_slice %arg4[%dma_wait3A_603, %mul3A_2, %dma_wait3A_604] : memref<50x1024x2048xf32, #tpu.memory_space<hbm>> -> memref<10x32x128xf32, #tpu.memory_space<hbm>>
    %dma_wait3A_606 = arith.constant 0 : i32
    %dma_wait3A_607 = arith.constant 512 : i32
    %dma_wait3A_608 = tpu.memref_slice %arg4[%dma_wait3A_606, %mul3A_2, %dma_wait3A_607] : memref<50x1024x2048xf32, #tpu.memory_space<hbm>> -> memref<10x32x128xf32, #tpu.memory_space<hbm>>
    tpu.wait_dma2 semaphore(%arg10 : memref<!tpu.dma_semaphore, #tpu.memory_space<semaphore_mem>>) src(%arg6 : memref<10x32x128xf32, #tpu.memory_space<vmem>>) dst(%dma_wait3A_608 : memref<10x32x128xf32, #tpu.memory_space<hbm>>)
    %dma_wait3A_609 = arith.constant 0 : i32
    %dma_wait3A_610 = arith.constant 640 : i32
    %dma_wait3A_611 = tpu.memref_slice %arg4[%dma_wait3A_609, %mul3A_2, %dma_wait3A_610] : memref<50x1024x2048xf32, #tpu.memory_space<hbm>> -> memref<10x32x128xf32, #tpu.memory_space<hbm>>
    %dma_wait3A_612 = arith.constant 0 : i32
    %dma_wait3A_613 = arith.constant 640 : i32
    %dma_wait3A_614 = tpu.memref_slice %arg4[%dma_wait3A_612, %mul3A_2, %dma_wait3A_613] : memref<50x1024x2048xf32, #tpu.memory_space<hbm>> -> memref<10x32x128xf32, #tpu.memory_space<hbm>>
    tpu.wait_dma2 semaphore(%arg10 : memref<!tpu.dma_semaphore, #tpu.memory_space<semaphore_mem>>) src(%arg6 : memref<10x32x128xf32, #tpu.memory_space<vmem>>) dst(%dma_wait3A_614 : memref<10x32x128xf32, #tpu.memory_space<hbm>>)
    %dma_wait3A_615 = arith.constant 0 : i32
    %dma_wait3A_616 = arith.constant 768 : i32
    %dma_wait3A_617 = tpu.memref_slice %arg4[%dma_wait3A_615, %mul3A_2, %dma_wait3A_616] : memref<50x1024x2048xf32, #tpu.memory_space<hbm>> -> memref<10x32x128xf32, #tpu.memory_space<hbm>>
    %dma_wait3A_618 = arith.constant 0 : i32
    %dma_wait3A_619 = arith.constant 768 : i32
    %dma_wait3A_620 = tpu.memref_slice %arg4[%dma_wait3A_618, %mul3A_2, %dma_wait3A_619] : memref<50x1024x2048xf32, #tpu.memory_space<hbm>> -> memref<10x32x128xf32, #tpu.memory_space<hbm>>
    tpu.wait_dma2 semaphore(%arg10 : memref<!tpu.dma_semaphore, #tpu.memory_space<semaphore_mem>>) src(%arg6 : memref<10x32x128xf32, #tpu.memory_space<vmem>>) dst(%dma_wait3A_620 : memref<10x32x128xf32, #tpu.memory_space<hbm>>)
    %dma_wait3A_621 = arith.constant 0 : i32
    %dma_wait3A_622 = arith.constant 896 : i32
    %dma_wait3A_623 = tpu.memref_slice %arg4[%dma_wait3A_621, %mul3A_2, %dma_wait3A_622] : memref<50x1024x2048xf32, #tpu.memory_space<hbm>> -> memref<10x32x128xf32, #tpu.memory_space<hbm>>
    %dma_wait3A_624 = arith.constant 0 : i32
    %dma_wait3A_625 = arith.constant 896 : i32
    %dma_wait3A_626 = tpu.memref_slice %arg4[%dma_wait3A_624, %mul3A_2, %dma_wait3A_625] : memref<50x1024x2048xf32, #tpu.memory_space<hbm>> -> memref<10x32x128xf32, #tpu.memory_space<hbm>>
    tpu.wait_dma2 semaphore(%arg10 : memref<!tpu.dma_semaphore, #tpu.memory_space<semaphore_mem>>) src(%arg6 : memref<10x32x128xf32, #tpu.memory_space<vmem>>) dst(%dma_wait3A_626 : memref<10x32x128xf32, #tpu.memory_space<hbm>>)
    %dma_wait3A_627 = arith.constant 0 : i32
    %dma_wait3A_628 = arith.constant 1024 : i32
    %dma_wait3A_629 = tpu.memref_slice %arg4[%dma_wait3A_627, %mul3A_2, %dma_wait3A_628] : memref<50x1024x2048xf32, #tpu.memory_space<hbm>> -> memref<10x32x128xf32, #tpu.memory_space<hbm>>
    %dma_wait3A_630 = arith.constant 0 : i32
    %dma_wait3A_631 = arith.constant 1024 : i32
    %dma_wait3A_632 = tpu.memref_slice %arg4[%dma_wait3A_630, %mul3A_2, %dma_wait3A_631] : memref<50x1024x2048xf32, #tpu.memory_space<hbm>> -> memref<10x32x128xf32, #tpu.memory_space<hbm>>
    tpu.wait_dma2 semaphore(%arg10 : memref<!tpu.dma_semaphore, #tpu.memory_space<semaphore_mem>>) src(%arg6 : memref<10x32x128xf32, #tpu.memory_space<vmem>>) dst(%dma_wait3A_632 : memref<10x32x128xf32, #tpu.memory_space<hbm>>)
    %dma_wait3A_633 = arith.constant 0 : i32
    %dma_wait3A_634 = arith.constant 1152 : i32
    %dma_wait3A_635 = tpu.memref_slice %arg4[%dma_wait3A_633, %mul3A_2, %dma_wait3A_634] : memref<50x1024x2048xf32, #tpu.memory_space<hbm>> -> memref<10x32x128xf32, #tpu.memory_space<hbm>>
    %dma_wait3A_636 = arith.constant 0 : i32
    %dma_wait3A_637 = arith.constant 1152 : i32
    %dma_wait3A_638 = tpu.memref_slice %arg4[%dma_wait3A_636, %mul3A_2, %dma_wait3A_637] : memref<50x1024x2048xf32, #tpu.memory_space<hbm>> -> memref<10x32x128xf32, #tpu.memory_space<hbm>>
    tpu.wait_dma2 semaphore(%arg10 : memref<!tpu.dma_semaphore, #tpu.memory_space<semaphore_mem>>) src(%arg6 : memref<10x32x128xf32, #tpu.memory_space<vmem>>) dst(%dma_wait3A_638 : memref<10x32x128xf32, #tpu.memory_space<hbm>>)
    %dma_wait3A_639 = arith.constant 0 : i32
    %dma_wait3A_640 = arith.constant 1280 : i32
    %dma_wait3A_641 = tpu.memref_slice %arg4[%dma_wait3A_639, %mul3A_2, %dma_wait3A_640] : memref<50x1024x2048xf32, #tpu.memory_space<hbm>> -> memref<10x32x128xf32, #tpu.memory_space<hbm>>
    %dma_wait3A_642 = arith.constant 0 : i32
    %dma_wait3A_643 = arith.constant 1280 : i32
    %dma_wait3A_644 = tpu.memref_slice %arg4[%dma_wait3A_642, %mul3A_2, %dma_wait3A_643] : memref<50x1024x2048xf32, #tpu.memory_space<hbm>> -> memref<10x32x128xf32, #tpu.memory_space<hbm>>
    tpu.wait_dma2 semaphore(%arg10 : memref<!tpu.dma_semaphore, #tpu.memory_space<semaphore_mem>>) src(%arg6 : memref<10x32x128xf32, #tpu.memory_space<vmem>>) dst(%dma_wait3A_644 : memref<10x32x128xf32, #tpu.memory_space<hbm>>)
    %dma_wait3A_645 = arith.constant 0 : i32
    %dma_wait3A_646 = arith.constant 1408 : i32
    %dma_wait3A_647 = tpu.memref_slice %arg4[%dma_wait3A_645, %mul3A_2, %dma_wait3A_646] : memref<50x1024x2048xf32, #tpu.memory_space<hbm>> -> memref<10x32x128xf32, #tpu.memory_space<hbm>>
    %dma_wait3A_648 = arith.constant 0 : i32
    %dma_wait3A_649 = arith.constant 1408 : i32
    %dma_wait3A_650 = tpu.memref_slice %arg4[%dma_wait3A_648, %mul3A_2, %dma_wait3A_649] : memref<50x1024x2048xf32, #tpu.memory_space<hbm>> -> memref<10x32x128xf32, #tpu.memory_space<hbm>>
    tpu.wait_dma2 semaphore(%arg10 : memref<!tpu.dma_semaphore, #tpu.memory_space<semaphore_mem>>) src(%arg6 : memref<10x32x128xf32, #tpu.memory_space<vmem>>) dst(%dma_wait3A_650 : memref<10x32x128xf32, #tpu.memory_space<hbm>>)
    %dma_wait3A_651 = arith.constant 0 : i32
    %dma_wait3A_652 = arith.constant 1536 : i32
    %dma_wait3A_653 = tpu.memref_slice %arg4[%dma_wait3A_651, %mul3A_2, %dma_wait3A_652] : memref<50x1024x2048xf32, #tpu.memory_space<hbm>> -> memref<10x32x128xf32, #tpu.memory_space<hbm>>
    %dma_wait3A_654 = arith.constant 0 : i32
    %dma_wait3A_655 = arith.constant 1536 : i32
    %dma_wait3A_656 = tpu.memref_slice %arg4[%dma_wait3A_654, %mul3A_2, %dma_wait3A_655] : memref<50x1024x2048xf32, #tpu.memory_space<hbm>> -> memref<10x32x128xf32, #tpu.memory_space<hbm>>
    tpu.wait_dma2 semaphore(%arg10 : memref<!tpu.dma_semaphore, #tpu.memory_space<semaphore_mem>>) src(%arg6 : memref<10x32x128xf32, #tpu.memory_space<vmem>>) dst(%dma_wait3A_656 : memref<10x32x128xf32, #tpu.memory_space<hbm>>)
    %dma_wait3A_657 = arith.constant 0 : i32
    %dma_wait3A_658 = arith.constant 1664 : i32
    %dma_wait3A_659 = tpu.memref_slice %arg4[%dma_wait3A_657, %mul3A_2, %dma_wait3A_658] : memref<50x1024x2048xf32, #tpu.memory_space<hbm>> -> memref<10x32x128xf32, #tpu.memory_space<hbm>>
    %dma_wait3A_660 = arith.constant 0 : i32
    %dma_wait3A_661 = arith.constant 1664 : i32
    %dma_wait3A_662 = tpu.memref_slice %arg4[%dma_wait3A_660, %mul3A_2, %dma_wait3A_661] : memref<50x1024x2048xf32, #tpu.memory_space<hbm>> -> memref<10x32x128xf32, #tpu.memory_space<hbm>>
    tpu.wait_dma2 semaphore(%arg10 : memref<!tpu.dma_semaphore, #tpu.memory_space<semaphore_mem>>) src(%arg6 : memref<10x32x128xf32, #tpu.memory_space<vmem>>) dst(%dma_wait3A_662 : memref<10x32x128xf32, #tpu.memory_space<hbm>>)
    %dma_wait3A_663 = arith.constant 0 : i32
    %dma_wait3A_664 = arith.constant 1792 : i32
    %dma_wait3A_665 = tpu.memref_slice %arg4[%dma_wait3A_663, %mul3A_2, %dma_wait3A_664] : memref<50x1024x2048xf32, #tpu.memory_space<hbm>> -> memref<10x32x128xf32, #tpu.memory_space<hbm>>
    %dma_wait3A_666 = arith.constant 0 : i32
    %dma_wait3A_667 = arith.constant 1792 : i32
    %dma_wait3A_668 = tpu.memref_slice %arg4[%dma_wait3A_666, %mul3A_2, %dma_wait3A_667] : memref<50x1024x2048xf32, #tpu.memory_space<hbm>> -> memref<10x32x128xf32, #tpu.memory_space<hbm>>
    tpu.wait_dma2 semaphore(%arg10 : memref<!tpu.dma_semaphore, #tpu.memory_space<semaphore_mem>>) src(%arg6 : memref<10x32x128xf32, #tpu.memory_space<vmem>>) dst(%dma_wait3A_668 : memref<10x32x128xf32, #tpu.memory_space<hbm>>)
    %dma_wait3A_669 = arith.constant 0 : i32
    %dma_wait3A_670 = arith.constant 1920 : i32
    %dma_wait3A_671 = tpu.memref_slice %arg4[%dma_wait3A_669, %mul3A_2, %dma_wait3A_670] : memref<50x1024x2048xf32, #tpu.memory_space<hbm>> -> memref<10x32x128xf32, #tpu.memory_space<hbm>>
    %dma_wait3A_672 = arith.constant 0 : i32
    %dma_wait3A_673 = arith.constant 1920 : i32
    %dma_wait3A_674 = tpu.memref_slice %arg4[%dma_wait3A_672, %mul3A_2, %dma_wait3A_673] : memref<50x1024x2048xf32, #tpu.memory_space<hbm>> -> memref<10x32x128xf32, #tpu.memory_space<hbm>>
    tpu.wait_dma2 semaphore(%arg10 : memref<!tpu.dma_semaphore, #tpu.memory_space<semaphore_mem>>) src(%arg6 : memref<10x32x128xf32, #tpu.memory_space<vmem>>) dst(%dma_wait3A_674 : memref<10x32x128xf32, #tpu.memory_space<hbm>>)
    %dma_start3A_675 = arith.constant 20 : i32
    %dma_start3A_676 = arith.constant 0 : i32
    %dma_start3A_677 = arith.constant 0 : i32
    %dma_start3A_678 = arith.constant 0 : i32
    %dma_start3A_679 = tpu.memref_slice %arg6[%dma_start3A_676, %dma_start3A_677, %dma_start3A_678] : memref<10x32x128xf32, #tpu.memory_space<vmem>> -> memref<1x32x128xf32, #tpu.memory_space<vmem>>
    %dma_start3A_680 = tpu.memref_squeeze %dma_start3A_679 : memref<1x32x128xf32, #tpu.memory_space<vmem>> -> memref<32x128xf32, #tpu.memory_space<vmem>>
    %dma_start3A_681 = arith.constant 0 : i32
    %dma_start3A_682 = tpu.memref_slice %arg5[%dma_start3A_675, %dma_start3A_681] : memref<50x32xi32, #tpu.memory_space<vmem>> -> memref<1x32xi32, #tpu.memory_space<vmem>>
    %dma_start3A_683 = tpu.memref_squeeze %dma_start3A_682 : memref<1x32xi32, #tpu.memory_space<vmem>> -> memref<32xi32, #tpu.memory_space<vmem>>
    %dma_start3A_684 = arith.constant 0 : i32
    %dma_start3A_685 = arith.constant 0 : i32
    %dma_start3A_686 = tpu.memref_slice %arg8[%dma_start3A_684, %dma_start3A_685] : memref<130x128xf32, #tpu.memory_space<vmem_shared>> -> memref<130x128xf32, #tpu.memory_space<vmem_shared>>
    tpu.enqueue_indirect_dma source(%dma_start3A_686 : memref<130x128xf32, #tpu.memory_space<vmem_shared>>) target(%dma_start3A_680 : memref<32x128xf32, #tpu.memory_space<vmem>>) offsets(%dma_start3A_683 : memref<32xi32, #tpu.memory_space<vmem>>) semaphore(%arg9 : memref<!tpu.dma_semaphore, #tpu.memory_space<semaphore_mem>>)
    %dma_start3A_687 = arith.constant 21 : i32
    %dma_start3A_688 = arith.constant 1 : i32
    %dma_start3A_689 = arith.constant 0 : i32
    %dma_start3A_690 = arith.constant 0 : i32
    %dma_start3A_691 = tpu.memref_slice %arg6[%dma_start3A_688, %dma_start3A_689, %dma_start3A_690] : memref<10x32x128xf32, #tpu.memory_space<vmem>> -> memref<1x32x128xf32, #tpu.memory_space<vmem>>
    %dma_start3A_692 = tpu.memref_squeeze %dma_start3A_691 : memref<1x32x128xf32, #tpu.memory_space<vmem>> -> memref<32x128xf32, #tpu.memory_space<vmem>>
    %dma_start3A_693 = arith.constant 0 : i32
    %dma_start3A_694 = tpu.memref_slice %arg5[%dma_start3A_687, %dma_start3A_693] : memref<50x32xi32, #tpu.memory_space<vmem>> -> memref<1x32xi32, #tpu.memory_space<vmem>>
    %dma_start3A_695 = tpu.memref_squeeze %dma_start3A_694 : memref<1x32xi32, #tpu.memory_space<vmem>> -> memref<32xi32, #tpu.memory_space<vmem>>
    %dma_start3A_696 = arith.constant 0 : i32
    %dma_start3A_697 = arith.constant 0 : i32
    %dma_start3A_698 = tpu.memref_slice %arg8[%dma_start3A_696, %dma_start3A_697] : memref<130x128xf32, #tpu.memory_space<vmem_shared>> -> memref<130x128xf32, #tpu.memory_space<vmem_shared>>
    tpu.enqueue_indirect_dma source(%dma_start3A_698 : memref<130x128xf32, #tpu.memory_space<vmem_shared>>) target(%dma_start3A_692 : memref<32x128xf32, #tpu.memory_space<vmem>>) offsets(%dma_start3A_695 : memref<32xi32, #tpu.memory_space<vmem>>) semaphore(%arg9 : memref<!tpu.dma_semaphore, #tpu.memory_space<semaphore_mem>>)
    %dma_start3A_699 = arith.constant 22 : i32
    %dma_start3A_700 = arith.constant 2 : i32
    %dma_start3A_701 = arith.constant 0 : i32
    %dma_start3A_702 = arith.constant 0 : i32
    %dma_start3A_703 = tpu.memref_slice %arg6[%dma_start3A_700, %dma_start3A_701, %dma_start3A_702] : memref<10x32x128xf32, #tpu.memory_space<vmem>> -> memref<1x32x128xf32, #tpu.memory_space<vmem>>
    %dma_start3A_704 = tpu.memref_squeeze %dma_start3A_703 : memref<1x32x128xf32, #tpu.memory_space<vmem>> -> memref<32x128xf32, #tpu.memory_space<vmem>>
    %dma_start3A_705 = arith.constant 0 : i32
    %dma_start3A_706 = tpu.memref_slice %arg5[%dma_start3A_699, %dma_start3A_705] : memref<50x32xi32, #tpu.memory_space<vmem>> -> memref<1x32xi32, #tpu.memory_space<vmem>>
    %dma_start3A_707 = tpu.memref_squeeze %dma_start3A_706 : memref<1x32xi32, #tpu.memory_space<vmem>> -> memref<32xi32, #tpu.memory_space<vmem>>
    %dma_start3A_708 = arith.constant 0 : i32
    %dma_start3A_709 = arith.constant 0 : i32
    %dma_start3A_710 = tpu.memref_slice %arg8[%dma_start3A_708, %dma_start3A_709] : memref<130x128xf32, #tpu.memory_space<vmem_shared>> -> memref<130x128xf32, #tpu.memory_space<vmem_shared>>
    tpu.enqueue_indirect_dma source(%dma_start3A_710 : memref<130x128xf32, #tpu.memory_space<vmem_shared>>) target(%dma_start3A_704 : memref<32x128xf32, #tpu.memory_space<vmem>>) offsets(%dma_start3A_707 : memref<32xi32, #tpu.memory_space<vmem>>) semaphore(%arg9 : memref<!tpu.dma_semaphore, #tpu.memory_space<semaphore_mem>>)
    %dma_start3A_711 = arith.constant 23 : i32
    %dma_start3A_712 = arith.constant 3 : i32
    %dma_start3A_713 = arith.constant 0 : i32
    %dma_start3A_714 = arith.constant 0 : i32
    %dma_start3A_715 = tpu.memref_slice %arg6[%dma_start3A_712, %dma_start3A_713, %dma_start3A_714] : memref<10x32x128xf32, #tpu.memory_space<vmem>> -> memref<1x32x128xf32, #tpu.memory_space<vmem>>
    %dma_start3A_716 = tpu.memref_squeeze %dma_start3A_715 : memref<1x32x128xf32, #tpu.memory_space<vmem>> -> memref<32x128xf32, #tpu.memory_space<vmem>>
    %dma_start3A_717 = arith.constant 0 : i32
    %dma_start3A_718 = tpu.memref_slice %arg5[%dma_start3A_711, %dma_start3A_717] : memref<50x32xi32, #tpu.memory_space<vmem>> -> memref<1x32xi32, #tpu.memory_space<vmem>>
    %dma_start3A_719 = tpu.memref_squeeze %dma_start3A_718 : memref<1x32xi32, #tpu.memory_space<vmem>> -> memref<32xi32, #tpu.memory_space<vmem>>
    %dma_start3A_720 = arith.constant 0 : i32
    %dma_start3A_721 = arith.constant 0 : i32
    %dma_start3A_722 = tpu.memref_slice %arg8[%dma_start3A_720, %dma_start3A_721] : memref<130x128xf32, #tpu.memory_space<vmem_shared>> -> memref<130x128xf32, #tpu.memory_space<vmem_shared>>
    tpu.enqueue_indirect_dma source(%dma_start3A_722 : memref<130x128xf32, #tpu.memory_space<vmem_shared>>) target(%dma_start3A_716 : memref<32x128xf32, #tpu.memory_space<vmem>>) offsets(%dma_start3A_719 : memref<32xi32, #tpu.memory_space<vmem>>) semaphore(%arg9 : memref<!tpu.dma_semaphore, #tpu.memory_space<semaphore_mem>>)
    %dma_start3A_723 = arith.constant 24 : i32
    %dma_start3A_724 = arith.constant 4 : i32
    %dma_start3A_725 = arith.constant 0 : i32
    %dma_start3A_726 = arith.constant 0 : i32
    %dma_start3A_727 = tpu.memref_slice %arg6[%dma_start3A_724, %dma_start3A_725, %dma_start3A_726] : memref<10x32x128xf32, #tpu.memory_space<vmem>> -> memref<1x32x128xf32, #tpu.memory_space<vmem>>
    %dma_start3A_728 = tpu.memref_squeeze %dma_start3A_727 : memref<1x32x128xf32, #tpu.memory_space<vmem>> -> memref<32x128xf32, #tpu.memory_space<vmem>>
    %dma_start3A_729 = arith.constant 0 : i32
    %dma_start3A_730 = tpu.memref_slice %arg5[%dma_start3A_723, %dma_start3A_729] : memref<50x32xi32, #tpu.memory_space<vmem>> -> memref<1x32xi32, #tpu.memory_space<vmem>>
    %dma_start3A_731 = tpu.memref_squeeze %dma_start3A_730 : memref<1x32xi32, #tpu.memory_space<vmem>> -> memref<32xi32, #tpu.memory_space<vmem>>
    %dma_start3A_732 = arith.constant 0 : i32
    %dma_start3A_733 = arith.constant 0 : i32
    %dma_start3A_734 = tpu.memref_slice %arg8[%dma_start3A_732, %dma_start3A_733] : memref<130x128xf32, #tpu.memory_space<vmem_shared>> -> memref<130x128xf32, #tpu.memory_space<vmem_shared>>
    tpu.enqueue_indirect_dma source(%dma_start3A_734 : memref<130x128xf32, #tpu.memory_space<vmem_shared>>) target(%dma_start3A_728 : memref<32x128xf32, #tpu.memory_space<vmem>>) offsets(%dma_start3A_731 : memref<32xi32, #tpu.memory_space<vmem>>) semaphore(%arg9 : memref<!tpu.dma_semaphore, #tpu.memory_space<semaphore_mem>>)
    %dma_start3A_735 = arith.constant 25 : i32
    %dma_start3A_736 = arith.constant 5 : i32
    %dma_start3A_737 = arith.constant 0 : i32
    %dma_start3A_738 = arith.constant 0 : i32
    %dma_start3A_739 = tpu.memref_slice %arg6[%dma_start3A_736, %dma_start3A_737, %dma_start3A_738] : memref<10x32x128xf32, #tpu.memory_space<vmem>> -> memref<1x32x128xf32, #tpu.memory_space<vmem>>
    %dma_start3A_740 = tpu.memref_squeeze %dma_start3A_739 : memref<1x32x128xf32, #tpu.memory_space<vmem>> -> memref<32x128xf32, #tpu.memory_space<vmem>>
    %dma_start3A_741 = arith.constant 0 : i32
    %dma_start3A_742 = tpu.memref_slice %arg5[%dma_start3A_735, %dma_start3A_741] : memref<50x32xi32, #tpu.memory_space<vmem>> -> memref<1x32xi32, #tpu.memory_space<vmem>>
    %dma_start3A_743 = tpu.memref_squeeze %dma_start3A_742 : memref<1x32xi32, #tpu.memory_space<vmem>> -> memref<32xi32, #tpu.memory_space<vmem>>
    %dma_start3A_744 = arith.constant 0 : i32
    %dma_start3A_745 = arith.constant 0 : i32
    %dma_start3A_746 = tpu.memref_slice %arg8[%dma_start3A_744, %dma_start3A_745] : memref<130x128xf32, #tpu.memory_space<vmem_shared>> -> memref<130x128xf32, #tpu.memory_space<vmem_shared>>
    tpu.enqueue_indirect_dma source(%dma_start3A_746 : memref<130x128xf32, #tpu.memory_space<vmem_shared>>) target(%dma_start3A_740 : memref<32x128xf32, #tpu.memory_space<vmem>>) offsets(%dma_start3A_743 : memref<32xi32, #tpu.memory_space<vmem>>) semaphore(%arg9 : memref<!tpu.dma_semaphore, #tpu.memory_space<semaphore_mem>>)
    %dma_start3A_747 = arith.constant 26 : i32
    %dma_start3A_748 = arith.constant 6 : i32
    %dma_start3A_749 = arith.constant 0 : i32
    %dma_start3A_750 = arith.constant 0 : i32
    %dma_start3A_751 = tpu.memref_slice %arg6[%dma_start3A_748, %dma_start3A_749, %dma_start3A_750] : memref<10x32x128xf32, #tpu.memory_space<vmem>> -> memref<1x32x128xf32, #tpu.memory_space<vmem>>
    %dma_start3A_752 = tpu.memref_squeeze %dma_start3A_751 : memref<1x32x128xf32, #tpu.memory_space<vmem>> -> memref<32x128xf32, #tpu.memory_space<vmem>>
    %dma_start3A_753 = arith.constant 0 : i32
    %dma_start3A_754 = tpu.memref_slice %arg5[%dma_start3A_747, %dma_start3A_753] : memref<50x32xi32, #tpu.memory_space<vmem>> -> memref<1x32xi32, #tpu.memory_space<vmem>>
    %dma_start3A_755 = tpu.memref_squeeze %dma_start3A_754 : memref<1x32xi32, #tpu.memory_space<vmem>> -> memref<32xi32, #tpu.memory_space<vmem>>
    %dma_start3A_756 = arith.constant 0 : i32
    %dma_start3A_757 = arith.constant 0 : i32
    %dma_start3A_758 = tpu.memref_slice %arg8[%dma_start3A_756, %dma_start3A_757] : memref<130x128xf32, #tpu.memory_space<vmem_shared>> -> memref<130x128xf32, #tpu.memory_space<vmem_shared>>
    tpu.enqueue_indirect_dma source(%dma_start3A_758 : memref<130x128xf32, #tpu.memory_space<vmem_shared>>) target(%dma_start3A_752 : memref<32x128xf32, #tpu.memory_space<vmem>>) offsets(%dma_start3A_755 : memref<32xi32, #tpu.memory_space<vmem>>) semaphore(%arg9 : memref<!tpu.dma_semaphore, #tpu.memory_space<semaphore_mem>>)
    %dma_start3A_759 = arith.constant 27 : i32
    %dma_start3A_760 = arith.constant 7 : i32
    %dma_start3A_761 = arith.constant 0 : i32
    %dma_start3A_762 = arith.constant 0 : i32
    %dma_start3A_763 = tpu.memref_slice %arg6[%dma_start3A_760, %dma_start3A_761, %dma_start3A_762] : memref<10x32x128xf32, #tpu.memory_space<vmem>> -> memref<1x32x128xf32, #tpu.memory_space<vmem>>
    %dma_start3A_764 = tpu.memref_squeeze %dma_start3A_763 : memref<1x32x128xf32, #tpu.memory_space<vmem>> -> memref<32x128xf32, #tpu.memory_space<vmem>>
    %dma_start3A_765 = arith.constant 0 : i32
    %dma_start3A_766 = tpu.memref_slice %arg5[%dma_start3A_759, %dma_start3A_765] : memref<50x32xi32, #tpu.memory_space<vmem>> -> memref<1x32xi32, #tpu.memory_space<vmem>>
    %dma_start3A_767 = tpu.memref_squeeze %dma_start3A_766 : memref<1x32xi32, #tpu.memory_space<vmem>> -> memref<32xi32, #tpu.memory_space<vmem>>
    %dma_start3A_768 = arith.constant 0 : i32
    %dma_start3A_769 = arith.constant 0 : i32
    %dma_start3A_770 = tpu.memref_slice %arg8[%dma_start3A_768, %dma_start3A_769] : memref<130x128xf32, #tpu.memory_space<vmem_shared>> -> memref<130x128xf32, #tpu.memory_space<vmem_shared>>
    tpu.enqueue_indirect_dma source(%dma_start3A_770 : memref<130x128xf32, #tpu.memory_space<vmem_shared>>) target(%dma_start3A_764 : memref<32x128xf32, #tpu.memory_space<vmem>>) offsets(%dma_start3A_767 : memref<32xi32, #tpu.memory_space<vmem>>) semaphore(%arg9 : memref<!tpu.dma_semaphore, #tpu.memory_space<semaphore_mem>>)
    %dma_start3A_771 = arith.constant 28 : i32
    %dma_start3A_772 = arith.constant 8 : i32
    %dma_start3A_773 = arith.constant 0 : i32
    %dma_start3A_774 = arith.constant 0 : i32
    %dma_start3A_775 = tpu.memref_slice %arg6[%dma_start3A_772, %dma_start3A_773, %dma_start3A_774] : memref<10x32x128xf32, #tpu.memory_space<vmem>> -> memref<1x32x128xf32, #tpu.memory_space<vmem>>
    %dma_start3A_776 = tpu.memref_squeeze %dma_start3A_775 : memref<1x32x128xf32, #tpu.memory_space<vmem>> -> memref<32x128xf32, #tpu.memory_space<vmem>>
    %dma_start3A_777 = arith.constant 0 : i32
    %dma_start3A_778 = tpu.memref_slice %arg5[%dma_start3A_771, %dma_start3A_777] : memref<50x32xi32, #tpu.memory_space<vmem>> -> memref<1x32xi32, #tpu.memory_space<vmem>>
    %dma_start3A_779 = tpu.memref_squeeze %dma_start3A_778 : memref<1x32xi32, #tpu.memory_space<vmem>> -> memref<32xi32, #tpu.memory_space<vmem>>
    %dma_start3A_780 = arith.constant 0 : i32
    %dma_start3A_781 = arith.constant 0 : i32
    %dma_start3A_782 = tpu.memref_slice %arg8[%dma_start3A_780, %dma_start3A_781] : memref<130x128xf32, #tpu.memory_space<vmem_shared>> -> memref<130x128xf32, #tpu.memory_space<vmem_shared>>
    tpu.enqueue_indirect_dma source(%dma_start3A_782 : memref<130x128xf32, #tpu.memory_space<vmem_shared>>) target(%dma_start3A_776 : memref<32x128xf32, #tpu.memory_space<vmem>>) offsets(%dma_start3A_779 : memref<32xi32, #tpu.memory_space<vmem>>) semaphore(%arg9 : memref<!tpu.dma_semaphore, #tpu.memory_space<semaphore_mem>>)
    %dma_start3A_783 = arith.constant 29 : i32
    %dma_start3A_784 = arith.constant 9 : i32
    %dma_start3A_785 = arith.constant 0 : i32
    %dma_start3A_786 = arith.constant 0 : i32
    %dma_start3A_787 = tpu.memref_slice %arg6[%dma_start3A_784, %dma_start3A_785, %dma_start3A_786] : memref<10x32x128xf32, #tpu.memory_space<vmem>> -> memref<1x32x128xf32, #tpu.memory_space<vmem>>
    %dma_start3A_788 = tpu.memref_squeeze %dma_start3A_787 : memref<1x32x128xf32, #tpu.memory_space<vmem>> -> memref<32x128xf32, #tpu.memory_space<vmem>>
    %dma_start3A_789 = arith.constant 0 : i32
    %dma_start3A_790 = tpu.memref_slice %arg5[%dma_start3A_783, %dma_start3A_789] : memref<50x32xi32, #tpu.memory_space<vmem>> -> memref<1x32xi32, #tpu.memory_space<vmem>>
    %dma_start3A_791 = tpu.memref_squeeze %dma_start3A_790 : memref<1x32xi32, #tpu.memory_space<vmem>> -> memref<32xi32, #tpu.memory_space<vmem>>
    %dma_start3A_792 = arith.constant 0 : i32
    %dma_start3A_793 = arith.constant 0 : i32
    %dma_start3A_794 = tpu.memref_slice %arg8[%dma_start3A_792, %dma_start3A_793] : memref<130x128xf32, #tpu.memory_space<vmem_shared>> -> memref<130x128xf32, #tpu.memory_space<vmem_shared>>
    tpu.enqueue_indirect_dma source(%dma_start3A_794 : memref<130x128xf32, #tpu.memory_space<vmem_shared>>) target(%dma_start3A_788 : memref<32x128xf32, #tpu.memory_space<vmem>>) offsets(%dma_start3A_791 : memref<32xi32, #tpu.memory_space<vmem>>) semaphore(%arg9 : memref<!tpu.dma_semaphore, #tpu.memory_space<semaphore_mem>>)
    %dma_start3A_795 = arith.constant 10 : i32
    %dma_start3A_796 = arith.constant 0 : i32
    %dma_start3A_797 = tpu.memref_slice %arg4[%dma_start3A_795, %mul3A_2, %dma_start3A_796] : memref<50x1024x2048xf32, #tpu.memory_space<hbm>> -> memref<10x32x128xf32, #tpu.memory_space<hbm>>
    %dma_start3A_798 = arith.constant 10 : i32
    %dma_start3A_799 = arith.constant 0 : i32
    %dma_start3A_800 = tpu.memref_slice %arg4[%dma_start3A_798, %mul3A_2, %dma_start3A_799] : memref<50x1024x2048xf32, #tpu.memory_space<hbm>> -> memref<10x32x128xf32, #tpu.memory_space<hbm>>
    tpu.enqueue_dma source(%arg7 : memref<10x32x128xf32, #tpu.memory_space<vmem>>) target(%dma_start3A_800 : memref<10x32x128xf32, #tpu.memory_space<hbm>>) target_semaphore(%arg11 : memref<!tpu.dma_semaphore, #tpu.memory_space<semaphore_mem>>)
    %dma_start3A_801 = arith.constant 10 : i32
    %dma_start3A_802 = arith.constant 128 : i32
    %dma_start3A_803 = tpu.memref_slice %arg4[%dma_start3A_801, %mul3A_2, %dma_start3A_802] : memref<50x1024x2048xf32, #tpu.memory_space<hbm>> -> memref<10x32x128xf32, #tpu.memory_space<hbm>>
    %dma_start3A_804 = arith.constant 10 : i32
    %dma_start3A_805 = arith.constant 128 : i32
    %dma_start3A_806 = tpu.memref_slice %arg4[%dma_start3A_804, %mul3A_2, %dma_start3A_805] : memref<50x1024x2048xf32, #tpu.memory_space<hbm>> -> memref<10x32x128xf32, #tpu.memory_space<hbm>>
    tpu.enqueue_dma source(%arg7 : memref<10x32x128xf32, #tpu.memory_space<vmem>>) target(%dma_start3A_806 : memref<10x32x128xf32, #tpu.memory_space<hbm>>) target_semaphore(%arg11 : memref<!tpu.dma_semaphore, #tpu.memory_space<semaphore_mem>>)
    %dma_start3A_807 = arith.constant 10 : i32
    %dma_start3A_808 = arith.constant 256 : i32
    %dma_start3A_809 = tpu.memref_slice %arg4[%dma_start3A_807, %mul3A_2, %dma_start3A_808] : memref<50x1024x2048xf32, #tpu.memory_space<hbm>> -> memref<10x32x128xf32, #tpu.memory_space<hbm>>
    %dma_start3A_810 = arith.constant 10 : i32
    %dma_start3A_811 = arith.constant 256 : i32
    %dma_start3A_812 = tpu.memref_slice %arg4[%dma_start3A_810, %mul3A_2, %dma_start3A_811] : memref<50x1024x2048xf32, #tpu.memory_space<hbm>> -> memref<10x32x128xf32, #tpu.memory_space<hbm>>
    tpu.enqueue_dma source(%arg7 : memref<10x32x128xf32, #tpu.memory_space<vmem>>) target(%dma_start3A_812 : memref<10x32x128xf32, #tpu.memory_space<hbm>>) target_semaphore(%arg11 : memref<!tpu.dma_semaphore, #tpu.memory_space<semaphore_mem>>)
    %dma_start3A_813 = arith.constant 10 : i32
    %dma_start3A_814 = arith.constant 384 : i32
    %dma_start3A_815 = tpu.memref_slice %arg4[%dma_start3A_813, %mul3A_2, %dma_start3A_814] : memref<50x1024x2048xf32, #tpu.memory_space<hbm>> -> memref<10x32x128xf32, #tpu.memory_space<hbm>>
    %dma_start3A_816 = arith.constant 10 : i32
    %dma_start3A_817 = arith.constant 384 : i32
    %dma_start3A_818 = tpu.memref_slice %arg4[%dma_start3A_816, %mul3A_2, %dma_start3A_817] : memref<50x1024x2048xf32, #tpu.memory_space<hbm>> -> memref<10x32x128xf32, #tpu.memory_space<hbm>>
    tpu.enqueue_dma source(%arg7 : memref<10x32x128xf32, #tpu.memory_space<vmem>>) target(%dma_start3A_818 : memref<10x32x128xf32, #tpu.memory_space<hbm>>) target_semaphore(%arg11 : memref<!tpu.dma_semaphore, #tpu.memory_space<semaphore_mem>>)
    %dma_start3A_819 = arith.constant 10 : i32
    %dma_start3A_820 = arith.constant 512 : i32
    %dma_start3A_821 = tpu.memref_slice %arg4[%dma_start3A_819, %mul3A_2, %dma_start3A_820] : memref<50x1024x2048xf32, #tpu.memory_space<hbm>> -> memref<10x32x128xf32, #tpu.memory_space<hbm>>
    %dma_start3A_822 = arith.constant 10 : i32
    %dma_start3A_823 = arith.constant 512 : i32
    %dma_start3A_824 = tpu.memref_slice %arg4[%dma_start3A_822, %mul3A_2, %dma_start3A_823] : memref<50x1024x2048xf32, #tpu.memory_space<hbm>> -> memref<10x32x128xf32, #tpu.memory_space<hbm>>
    tpu.enqueue_dma source(%arg7 : memref<10x32x128xf32, #tpu.memory_space<vmem>>) target(%dma_start3A_824 : memref<10x32x128xf32, #tpu.memory_space<hbm>>) target_semaphore(%arg11 : memref<!tpu.dma_semaphore, #tpu.memory_space<semaphore_mem>>)
    %dma_start3A_825 = arith.constant 10 : i32
    %dma_start3A_826 = arith.constant 640 : i32
    %dma_start3A_827 = tpu.memref_slice %arg4[%dma_start3A_825, %mul3A_2, %dma_start3A_826] : memref<50x1024x2048xf32, #tpu.memory_space<hbm>> -> memref<10x32x128xf32, #tpu.memory_space<hbm>>
    %dma_start3A_828 = arith.constant 10 : i32
    %dma_start3A_829 = arith.constant 640 : i32
    %dma_start3A_830 = tpu.memref_slice %arg4[%dma_start3A_828, %mul3A_2, %dma_start3A_829] : memref<50x1024x2048xf32, #tpu.memory_space<hbm>> -> memref<10x32x128xf32, #tpu.memory_space<hbm>>
    tpu.enqueue_dma source(%arg7 : memref<10x32x128xf32, #tpu.memory_space<vmem>>) target(%dma_start3A_830 : memref<10x32x128xf32, #tpu.memory_space<hbm>>) target_semaphore(%arg11 : memref<!tpu.dma_semaphore, #tpu.memory_space<semaphore_mem>>)
    %dma_start3A_831 = arith.constant 10 : i32
    %dma_start3A_832 = arith.constant 768 : i32
    %dma_start3A_833 = tpu.memref_slice %arg4[%dma_start3A_831, %mul3A_2, %dma_start3A_832] : memref<50x1024x2048xf32, #tpu.memory_space<hbm>> -> memref<10x32x128xf32, #tpu.memory_space<hbm>>
    %dma_start3A_834 = arith.constant 10 : i32
    %dma_start3A_835 = arith.constant 768 : i32
    %dma_start3A_836 = tpu.memref_slice %arg4[%dma_start3A_834, %mul3A_2, %dma_start3A_835] : memref<50x1024x2048xf32, #tpu.memory_space<hbm>> -> memref<10x32x128xf32, #tpu.memory_space<hbm>>
    tpu.enqueue_dma source(%arg7 : memref<10x32x128xf32, #tpu.memory_space<vmem>>) target(%dma_start3A_836 : memref<10x32x128xf32, #tpu.memory_space<hbm>>) target_semaphore(%arg11 : memref<!tpu.dma_semaphore, #tpu.memory_space<semaphore_mem>>)
    %dma_start3A_837 = arith.constant 10 : i32
    %dma_start3A_838 = arith.constant 896 : i32
    %dma_start3A_839 = tpu.memref_slice %arg4[%dma_start3A_837, %mul3A_2, %dma_start3A_838] : memref<50x1024x2048xf32, #tpu.memory_space<hbm>> -> memref<10x32x128xf32, #tpu.memory_space<hbm>>
    %dma_start3A_840 = arith.constant 10 : i32
    %dma_start3A_841 = arith.constant 896 : i32
    %dma_start3A_842 = tpu.memref_slice %arg4[%dma_start3A_840, %mul3A_2, %dma_start3A_841] : memref<50x1024x2048xf32, #tpu.memory_space<hbm>> -> memref<10x32x128xf32, #tpu.memory_space<hbm>>
    tpu.enqueue_dma source(%arg7 : memref<10x32x128xf32, #tpu.memory_space<vmem>>) target(%dma_start3A_842 : memref<10x32x128xf32, #tpu.memory_space<hbm>>) target_semaphore(%arg11 : memref<!tpu.dma_semaphore, #tpu.memory_space<semaphore_mem>>)
    %dma_start3A_843 = arith.constant 10 : i32
    %dma_start3A_844 = arith.constant 1024 : i32
    %dma_start3A_845 = tpu.memref_slice %arg4[%dma_start3A_843, %mul3A_2, %dma_start3A_844] : memref<50x1024x2048xf32, #tpu.memory_space<hbm>> -> memref<10x32x128xf32, #tpu.memory_space<hbm>>
    %dma_start3A_846 = arith.constant 10 : i32
    %dma_start3A_847 = arith.constant 1024 : i32
    %dma_start3A_848 = tpu.memref_slice %arg4[%dma_start3A_846, %mul3A_2, %dma_start3A_847] : memref<50x1024x2048xf32, #tpu.memory_space<hbm>> -> memref<10x32x128xf32, #tpu.memory_space<hbm>>
    tpu.enqueue_dma source(%arg7 : memref<10x32x128xf32, #tpu.memory_space<vmem>>) target(%dma_start3A_848 : memref<10x32x128xf32, #tpu.memory_space<hbm>>) target_semaphore(%arg11 : memref<!tpu.dma_semaphore, #tpu.memory_space<semaphore_mem>>)
    %dma_start3A_849 = arith.constant 10 : i32
    %dma_start3A_850 = arith.constant 1152 : i32
    %dma_start3A_851 = tpu.memref_slice %arg4[%dma_start3A_849, %mul3A_2, %dma_start3A_850] : memref<50x1024x2048xf32, #tpu.memory_space<hbm>> -> memref<10x32x128xf32, #tpu.memory_space<hbm>>
    %dma_start3A_852 = arith.constant 10 : i32
    %dma_start3A_853 = arith.constant 1152 : i32
    %dma_start3A_854 = tpu.memref_slice %arg4[%dma_start3A_852, %mul3A_2, %dma_start3A_853] : memref<50x1024x2048xf32, #tpu.memory_space<hbm>> -> memref<10x32x128xf32, #tpu.memory_space<hbm>>
    tpu.enqueue_dma source(%arg7 : memref<10x32x128xf32, #tpu.memory_space<vmem>>) target(%dma_start3A_854 : memref<10x32x128xf32, #tpu.memory_space<hbm>>) target_semaphore(%arg11 : memref<!tpu.dma_semaphore, #tpu.memory_space<semaphore_mem>>)
    %dma_start3A_855 = arith.constant 10 : i32
    %dma_start3A_856 = arith.constant 1280 : i32
    %dma_start3A_857 = tpu.memref_slice %arg4[%dma_start3A_855, %mul3A_2, %dma_start3A_856] : memref<50x1024x2048xf32, #tpu.memory_space<hbm>> -> memref<10x32x128xf32, #tpu.memory_space<hbm>>
    %dma_start3A_858 = arith.constant 10 : i32
    %dma_start3A_859 = arith.constant 1280 : i32
    %dma_start3A_860 = tpu.memref_slice %arg4[%dma_start3A_858, %mul3A_2, %dma_start3A_859] : memref<50x1024x2048xf32, #tpu.memory_space<hbm>> -> memref<10x32x128xf32, #tpu.memory_space<hbm>>
    tpu.enqueue_dma source(%arg7 : memref<10x32x128xf32, #tpu.memory_space<vmem>>) target(%dma_start3A_860 : memref<10x32x128xf32, #tpu.memory_space<hbm>>) target_semaphore(%arg11 : memref<!tpu.dma_semaphore, #tpu.memory_space<semaphore_mem>>)
    %dma_start3A_861 = arith.constant 10 : i32
    %dma_start3A_862 = arith.constant 1408 : i32
    %dma_start3A_863 = tpu.memref_slice %arg4[%dma_start3A_861, %mul3A_2, %dma_start3A_862] : memref<50x1024x2048xf32, #tpu.memory_space<hbm>> -> memref<10x32x128xf32, #tpu.memory_space<hbm>>
    %dma_start3A_864 = arith.constant 10 : i32
    %dma_start3A_865 = arith.constant 1408 : i32
    %dma_start3A_866 = tpu.memref_slice %arg4[%dma_start3A_864, %mul3A_2, %dma_start3A_865] : memref<50x1024x2048xf32, #tpu.memory_space<hbm>> -> memref<10x32x128xf32, #tpu.memory_space<hbm>>
    tpu.enqueue_dma source(%arg7 : memref<10x32x128xf32, #tpu.memory_space<vmem>>) target(%dma_start3A_866 : memref<10x32x128xf32, #tpu.memory_space<hbm>>) target_semaphore(%arg11 : memref<!tpu.dma_semaphore, #tpu.memory_space<semaphore_mem>>)
    %dma_start3A_867 = arith.constant 10 : i32
    %dma_start3A_868 = arith.constant 1536 : i32
    %dma_start3A_869 = tpu.memref_slice %arg4[%dma_start3A_867, %mul3A_2, %dma_start3A_868] : memref<50x1024x2048xf32, #tpu.memory_space<hbm>> -> memref<10x32x128xf32, #tpu.memory_space<hbm>>
    %dma_start3A_870 = arith.constant 10 : i32
    %dma_start3A_871 = arith.constant 1536 : i32
    %dma_start3A_872 = tpu.memref_slice %arg4[%dma_start3A_870, %mul3A_2, %dma_start3A_871] : memref<50x1024x2048xf32, #tpu.memory_space<hbm>> -> memref<10x32x128xf32, #tpu.memory_space<hbm>>
    tpu.enqueue_dma source(%arg7 : memref<10x32x128xf32, #tpu.memory_space<vmem>>) target(%dma_start3A_872 : memref<10x32x128xf32, #tpu.memory_space<hbm>>) target_semaphore(%arg11 : memref<!tpu.dma_semaphore, #tpu.memory_space<semaphore_mem>>)
    %dma_start3A_873 = arith.constant 10 : i32
    %dma_start3A_874 = arith.constant 1664 : i32
    %dma_start3A_875 = tpu.memref_slice %arg4[%dma_start3A_873, %mul3A_2, %dma_start3A_874] : memref<50x1024x2048xf32, #tpu.memory_space<hbm>> -> memref<10x32x128xf32, #tpu.memory_space<hbm>>
    %dma_start3A_876 = arith.constant 10 : i32
    %dma_start3A_877 = arith.constant 1664 : i32
    %dma_start3A_878 = tpu.memref_slice %arg4[%dma_start3A_876, %mul3A_2, %dma_start3A_877] : memref<50x1024x2048xf32, #tpu.memory_space<hbm>> -> memref<10x32x128xf32, #tpu.memory_space<hbm>>
    tpu.enqueue_dma source(%arg7 : memref<10x32x128xf32, #tpu.memory_space<vmem>>) target(%dma_start3A_878 : memref<10x32x128xf32, #tpu.memory_space<hbm>>) target_semaphore(%arg11 : memref<!tpu.dma_semaphore, #tpu.memory_space<semaphore_mem>>)
    %dma_start3A_879 = arith.constant 10 : i32
    %dma_start3A_880 = arith.constant 1792 : i32
    %dma_start3A_881 = tpu.memref_slice %arg4[%dma_start3A_879, %mul3A_2, %dma_start3A_880] : memref<50x1024x2048xf32, #tpu.memory_space<hbm>> -> memref<10x32x128xf32, #tpu.memory_space<hbm>>
    %dma_start3A_882 = arith.constant 10 : i32
    %dma_start3A_883 = arith.constant 1792 : i32
    %dma_start3A_884 = tpu.memref_slice %arg4[%dma_start3A_882, %mul3A_2, %dma_start3A_883] : memref<50x1024x2048xf32, #tpu.memory_space<hbm>> -> memref<10x32x128xf32, #tpu.memory_space<hbm>>
    tpu.enqueue_dma source(%arg7 : memref<10x32x128xf32, #tpu.memory_space<vmem>>) target(%dma_start3A_884 : memref<10x32x128xf32, #tpu.memory_space<hbm>>) target_semaphore(%arg11 : memref<!tpu.dma_semaphore, #tpu.memory_space<semaphore_mem>>)
    %dma_start3A_885 = arith.constant 10 : i32
    %dma_start3A_886 = arith.constant 1920 : i32
    %dma_start3A_887 = tpu.memref_slice %arg4[%dma_start3A_885, %mul3A_2, %dma_start3A_886] : memref<50x1024x2048xf32, #tpu.memory_space<hbm>> -> memref<10x32x128xf32, #tpu.memory_space<hbm>>
    %dma_start3A_888 = arith.constant 10 : i32
    %dma_start3A_889 = arith.constant 1920 : i32
    %dma_start3A_890 = tpu.memref_slice %arg4[%dma_start3A_888, %mul3A_2, %dma_start3A_889] : memref<50x1024x2048xf32, #tpu.memory_space<hbm>> -> memref<10x32x128xf32, #tpu.memory_space<hbm>>
    tpu.enqueue_dma source(%arg7 : memref<10x32x128xf32, #tpu.memory_space<vmem>>) target(%dma_start3A_890 : memref<10x32x128xf32, #tpu.memory_space<hbm>>) target_semaphore(%arg11 : memref<!tpu.dma_semaphore, #tpu.memory_space<semaphore_mem>>)
    %dma_wait3A_891 = arith.constant 20 : i32
    %dma_wait3A_892 = arith.constant 0 : i32
    %dma_wait3A_893 = arith.constant 0 : i32
    %dma_wait3A_894 = arith.constant 0 : i32
    %dma_wait3A_895 = tpu.memref_slice %arg6[%dma_wait3A_892, %dma_wait3A_893, %dma_wait3A_894] : memref<10x32x128xf32, #tpu.memory_space<vmem>> -> memref<1x32x128xf32, #tpu.memory_space<vmem>>
    %dma_wait3A_896 = tpu.memref_squeeze %dma_wait3A_895 : memref<1x32x128xf32, #tpu.memory_space<vmem>> -> memref<32x128xf32, #tpu.memory_space<vmem>>
    %dma_wait3A_897 = arith.constant 0 : i32
    %dma_wait3A_898 = tpu.memref_slice %arg5[%dma_wait3A_891, %dma_wait3A_897] : memref<50x32xi32, #tpu.memory_space<vmem>> -> memref<1x32xi32, #tpu.memory_space<vmem>>
    %dma_wait3A_899 = tpu.memref_squeeze %dma_wait3A_898 : memref<1x32xi32, #tpu.memory_space<vmem>> -> memref<32xi32, #tpu.memory_space<vmem>>
    %dma_wait3A_900 = arith.constant 0 : i32
    %dma_wait3A_901 = arith.constant 0 : i32
    %dma_wait3A_902 = tpu.memref_slice %arg8[%dma_wait3A_900, %dma_wait3A_901] : memref<130x128xf32, #tpu.memory_space<vmem_shared>> -> memref<130x128xf32, #tpu.memory_space<vmem_shared>>
    tpu.wait_indirect_dma semaphore(%arg9 : memref<!tpu.dma_semaphore, #tpu.memory_space<semaphore_mem>>) src(%dma_wait3A_902 : memref<130x128xf32, #tpu.memory_space<vmem_shared>>) dst(%dma_wait3A_896 : memref<32x128xf32, #tpu.memory_space<vmem>>)
    %dma_wait3A_903 = arith.constant 21 : i32
    %dma_wait3A_904 = arith.constant 1 : i32
    %dma_wait3A_905 = arith.constant 0 : i32
    %dma_wait3A_906 = arith.constant 0 : i32
    %dma_wait3A_907 = tpu.memref_slice %arg6[%dma_wait3A_904, %dma_wait3A_905, %dma_wait3A_906] : memref<10x32x128xf32, #tpu.memory_space<vmem>> -> memref<1x32x128xf32, #tpu.memory_space<vmem>>
    %dma_wait3A_908 = tpu.memref_squeeze %dma_wait3A_907 : memref<1x32x128xf32, #tpu.memory_space<vmem>> -> memref<32x128xf32, #tpu.memory_space<vmem>>
    %dma_wait3A_909 = arith.constant 0 : i32
    %dma_wait3A_910 = tpu.memref_slice %arg5[%dma_wait3A_903, %dma_wait3A_909] : memref<50x32xi32, #tpu.memory_space<vmem>> -> memref<1x32xi32, #tpu.memory_space<vmem>>
    %dma_wait3A_911 = tpu.memref_squeeze %dma_wait3A_910 : memref<1x32xi32, #tpu.memory_space<vmem>> -> memref<32xi32, #tpu.memory_space<vmem>>
    %dma_wait3A_912 = arith.constant 0 : i32
    %dma_wait3A_913 = arith.constant 0 : i32
    %dma_wait3A_914 = tpu.memref_slice %arg8[%dma_wait3A_912, %dma_wait3A_913] : memref<130x128xf32, #tpu.memory_space<vmem_shared>> -> memref<130x128xf32, #tpu.memory_space<vmem_shared>>
    tpu.wait_indirect_dma semaphore(%arg9 : memref<!tpu.dma_semaphore, #tpu.memory_space<semaphore_mem>>) src(%dma_wait3A_914 : memref<130x128xf32, #tpu.memory_space<vmem_shared>>) dst(%dma_wait3A_908 : memref<32x128xf32, #tpu.memory_space<vmem>>)
    %dma_wait3A_915 = arith.constant 22 : i32
    %dma_wait3A_916 = arith.constant 2 : i32
    %dma_wait3A_917 = arith.constant 0 : i32
    %dma_wait3A_918 = arith.constant 0 : i32
    %dma_wait3A_919 = tpu.memref_slice %arg6[%dma_wait3A_916, %dma_wait3A_917, %dma_wait3A_918] : memref<10x32x128xf32, #tpu.memory_space<vmem>> -> memref<1x32x128xf32, #tpu.memory_space<vmem>>
    %dma_wait3A_920 = tpu.memref_squeeze %dma_wait3A_919 : memref<1x32x128xf32, #tpu.memory_space<vmem>> -> memref<32x128xf32, #tpu.memory_space<vmem>>
    %dma_wait3A_921 = arith.constant 0 : i32
    %dma_wait3A_922 = tpu.memref_slice %arg5[%dma_wait3A_915, %dma_wait3A_921] : memref<50x32xi32, #tpu.memory_space<vmem>> -> memref<1x32xi32, #tpu.memory_space<vmem>>
    %dma_wait3A_923 = tpu.memref_squeeze %dma_wait3A_922 : memref<1x32xi32, #tpu.memory_space<vmem>> -> memref<32xi32, #tpu.memory_space<vmem>>
    %dma_wait3A_924 = arith.constant 0 : i32
    %dma_wait3A_925 = arith.constant 0 : i32
    %dma_wait3A_926 = tpu.memref_slice %arg8[%dma_wait3A_924, %dma_wait3A_925] : memref<130x128xf32, #tpu.memory_space<vmem_shared>> -> memref<130x128xf32, #tpu.memory_space<vmem_shared>>
    tpu.wait_indirect_dma semaphore(%arg9 : memref<!tpu.dma_semaphore, #tpu.memory_space<semaphore_mem>>) src(%dma_wait3A_926 : memref<130x128xf32, #tpu.memory_space<vmem_shared>>) dst(%dma_wait3A_920 : memref<32x128xf32, #tpu.memory_space<vmem>>)
    %dma_wait3A_927 = arith.constant 23 : i32
    %dma_wait3A_928 = arith.constant 3 : i32
    %dma_wait3A_929 = arith.constant 0 : i32
    %dma_wait3A_930 = arith.constant 0 : i32
    %dma_wait3A_931 = tpu.memref_slice %arg6[%dma_wait3A_928, %dma_wait3A_929, %dma_wait3A_930] : memref<10x32x128xf32, #tpu.memory_space<vmem>> -> memref<1x32x128xf32, #tpu.memory_space<vmem>>
    %dma_wait3A_932 = tpu.memref_squeeze %dma_wait3A_931 : memref<1x32x128xf32, #tpu.memory_space<vmem>> -> memref<32x128xf32, #tpu.memory_space<vmem>>
    %dma_wait3A_933 = arith.constant 0 : i32
    %dma_wait3A_934 = tpu.memref_slice %arg5[%dma_wait3A_927, %dma_wait3A_933] : memref<50x32xi32, #tpu.memory_space<vmem>> -> memref<1x32xi32, #tpu.memory_space<vmem>>
    %dma_wait3A_935 = tpu.memref_squeeze %dma_wait3A_934 : memref<1x32xi32, #tpu.memory_space<vmem>> -> memref<32xi32, #tpu.memory_space<vmem>>
    %dma_wait3A_936 = arith.constant 0 : i32
    %dma_wait3A_937 = arith.constant 0 : i32
    %dma_wait3A_938 = tpu.memref_slice %arg8[%dma_wait3A_936, %dma_wait3A_937] : memref<130x128xf32, #tpu.memory_space<vmem_shared>> -> memref<130x128xf32, #tpu.memory_space<vmem_shared>>
    tpu.wait_indirect_dma semaphore(%arg9 : memref<!tpu.dma_semaphore, #tpu.memory_space<semaphore_mem>>) src(%dma_wait3A_938 : memref<130x128xf32, #tpu.memory_space<vmem_shared>>) dst(%dma_wait3A_932 : memref<32x128xf32, #tpu.memory_space<vmem>>)
    %dma_wait3A_939 = arith.constant 24 : i32
    %dma_wait3A_940 = arith.constant 4 : i32
    %dma_wait3A_941 = arith.constant 0 : i32
    %dma_wait3A_942 = arith.constant 0 : i32
    %dma_wait3A_943 = tpu.memref_slice %arg6[%dma_wait3A_940, %dma_wait3A_941, %dma_wait3A_942] : memref<10x32x128xf32, #tpu.memory_space<vmem>> -> memref<1x32x128xf32, #tpu.memory_space<vmem>>
    %dma_wait3A_944 = tpu.memref_squeeze %dma_wait3A_943 : memref<1x32x128xf32, #tpu.memory_space<vmem>> -> memref<32x128xf32, #tpu.memory_space<vmem>>
    %dma_wait3A_945 = arith.constant 0 : i32
    %dma_wait3A_946 = tpu.memref_slice %arg5[%dma_wait3A_939, %dma_wait3A_945] : memref<50x32xi32, #tpu.memory_space<vmem>> -> memref<1x32xi32, #tpu.memory_space<vmem>>
    %dma_wait3A_947 = tpu.memref_squeeze %dma_wait3A_946 : memref<1x32xi32, #tpu.memory_space<vmem>> -> memref<32xi32, #tpu.memory_space<vmem>>
    %dma_wait3A_948 = arith.constant 0 : i32
    %dma_wait3A_949 = arith.constant 0 : i32
    %dma_wait3A_950 = tpu.memref_slice %arg8[%dma_wait3A_948, %dma_wait3A_949] : memref<130x128xf32, #tpu.memory_space<vmem_shared>> -> memref<130x128xf32, #tpu.memory_space<vmem_shared>>
    tpu.wait_indirect_dma semaphore(%arg9 : memref<!tpu.dma_semaphore, #tpu.memory_space<semaphore_mem>>) src(%dma_wait3A_950 : memref<130x128xf32, #tpu.memory_space<vmem_shared>>) dst(%dma_wait3A_944 : memref<32x128xf32, #tpu.memory_space<vmem>>)
    %dma_wait3A_951 = arith.constant 25 : i32
    %dma_wait3A_952 = arith.constant 5 : i32
    %dma_wait3A_953 = arith.constant 0 : i32
    %dma_wait3A_954 = arith.constant 0 : i32
    %dma_wait3A_955 = tpu.memref_slice %arg6[%dma_wait3A_952, %dma_wait3A_953, %dma_wait3A_954] : memref<10x32x128xf32, #tpu.memory_space<vmem>> -> memref<1x32x128xf32, #tpu.memory_space<vmem>>
    %dma_wait3A_956 = tpu.memref_squeeze %dma_wait3A_955 : memref<1x32x128xf32, #tpu.memory_space<vmem>> -> memref<32x128xf32, #tpu.memory_space<vmem>>
    %dma_wait3A_957 = arith.constant 0 : i32
    %dma_wait3A_958 = tpu.memref_slice %arg5[%dma_wait3A_951, %dma_wait3A_957] : memref<50x32xi32, #tpu.memory_space<vmem>> -> memref<1x32xi32, #tpu.memory_space<vmem>>
    %dma_wait3A_959 = tpu.memref_squeeze %dma_wait3A_958 : memref<1x32xi32, #tpu.memory_space<vmem>> -> memref<32xi32, #tpu.memory_space<vmem>>
    %dma_wait3A_960 = arith.constant 0 : i32
    %dma_wait3A_961 = arith.constant 0 : i32
    %dma_wait3A_962 = tpu.memref_slice %arg8[%dma_wait3A_960, %dma_wait3A_961] : memref<130x128xf32, #tpu.memory_space<vmem_shared>> -> memref<130x128xf32, #tpu.memory_space<vmem_shared>>
    tpu.wait_indirect_dma semaphore(%arg9 : memref<!tpu.dma_semaphore, #tpu.memory_space<semaphore_mem>>) src(%dma_wait3A_962 : memref<130x128xf32, #tpu.memory_space<vmem_shared>>) dst(%dma_wait3A_956 : memref<32x128xf32, #tpu.memory_space<vmem>>)
    %dma_wait3A_963 = arith.constant 26 : i32
    %dma_wait3A_964 = arith.constant 6 : i32
    %dma_wait3A_965 = arith.constant 0 : i32
    %dma_wait3A_966 = arith.constant 0 : i32
    %dma_wait3A_967 = tpu.memref_slice %arg6[%dma_wait3A_964, %dma_wait3A_965, %dma_wait3A_966] : memref<10x32x128xf32, #tpu.memory_space<vmem>> -> memref<1x32x128xf32, #tpu.memory_space<vmem>>
    %dma_wait3A_968 = tpu.memref_squeeze %dma_wait3A_967 : memref<1x32x128xf32, #tpu.memory_space<vmem>> -> memref<32x128xf32, #tpu.memory_space<vmem>>
    %dma_wait3A_969 = arith.constant 0 : i32
    %dma_wait3A_970 = tpu.memref_slice %arg5[%dma_wait3A_963, %dma_wait3A_969] : memref<50x32xi32, #tpu.memory_space<vmem>> -> memref<1x32xi32, #tpu.memory_space<vmem>>
    %dma_wait3A_971 = tpu.memref_squeeze %dma_wait3A_970 : memref<1x32xi32, #tpu.memory_space<vmem>> -> memref<32xi32, #tpu.memory_space<vmem>>
    %dma_wait3A_972 = arith.constant 0 : i32
    %dma_wait3A_973 = arith.constant 0 : i32
    %dma_wait3A_974 = tpu.memref_slice %arg8[%dma_wait3A_972, %dma_wait3A_973] : memref<130x128xf32, #tpu.memory_space<vmem_shared>> -> memref<130x128xf32, #tpu.memory_space<vmem_shared>>
    tpu.wait_indirect_dma semaphore(%arg9 : memref<!tpu.dma_semaphore, #tpu.memory_space<semaphore_mem>>) src(%dma_wait3A_974 : memref<130x128xf32, #tpu.memory_space<vmem_shared>>) dst(%dma_wait3A_968 : memref<32x128xf32, #tpu.memory_space<vmem>>)
    %dma_wait3A_975 = arith.constant 27 : i32
    %dma_wait3A_976 = arith.constant 7 : i32
    %dma_wait3A_977 = arith.constant 0 : i32
    %dma_wait3A_978 = arith.constant 0 : i32
    %dma_wait3A_979 = tpu.memref_slice %arg6[%dma_wait3A_976, %dma_wait3A_977, %dma_wait3A_978] : memref<10x32x128xf32, #tpu.memory_space<vmem>> -> memref<1x32x128xf32, #tpu.memory_space<vmem>>
    %dma_wait3A_980 = tpu.memref_squeeze %dma_wait3A_979 : memref<1x32x128xf32, #tpu.memory_space<vmem>> -> memref<32x128xf32, #tpu.memory_space<vmem>>
    %dma_wait3A_981 = arith.constant 0 : i32
    %dma_wait3A_982 = tpu.memref_slice %arg5[%dma_wait3A_975, %dma_wait3A_981] : memref<50x32xi32, #tpu.memory_space<vmem>> -> memref<1x32xi32, #tpu.memory_space<vmem>>
    %dma_wait3A_983 = tpu.memref_squeeze %dma_wait3A_982 : memref<1x32xi32, #tpu.memory_space<vmem>> -> memref<32xi32, #tpu.memory_space<vmem>>
    %dma_wait3A_984 = arith.constant 0 : i32
    %dma_wait3A_985 = arith.constant 0 : i32
    %dma_wait3A_986 = tpu.memref_slice %arg8[%dma_wait3A_984, %dma_wait3A_985] : memref<130x128xf32, #tpu.memory_space<vmem_shared>> -> memref<130x128xf32, #tpu.memory_space<vmem_shared>>
    tpu.wait_indirect_dma semaphore(%arg9 : memref<!tpu.dma_semaphore, #tpu.memory_space<semaphore_mem>>) src(%dma_wait3A_986 : memref<130x128xf32, #tpu.memory_space<vmem_shared>>) dst(%dma_wait3A_980 : memref<32x128xf32, #tpu.memory_space<vmem>>)
    %dma_wait3A_987 = arith.constant 28 : i32
    %dma_wait3A_988 = arith.constant 8 : i32
    %dma_wait3A_989 = arith.constant 0 : i32
    %dma_wait3A_990 = arith.constant 0 : i32
    %dma_wait3A_991 = tpu.memref_slice %arg6[%dma_wait3A_988, %dma_wait3A_989, %dma_wait3A_990] : memref<10x32x128xf32, #tpu.memory_space<vmem>> -> memref<1x32x128xf32, #tpu.memory_space<vmem>>
    %dma_wait3A_992 = tpu.memref_squeeze %dma_wait3A_991 : memref<1x32x128xf32, #tpu.memory_space<vmem>> -> memref<32x128xf32, #tpu.memory_space<vmem>>
    %dma_wait3A_993 = arith.constant 0 : i32
    %dma_wait3A_994 = tpu.memref_slice %arg5[%dma_wait3A_987, %dma_wait3A_993] : memref<50x32xi32, #tpu.memory_space<vmem>> -> memref<1x32xi32, #tpu.memory_space<vmem>>
    %dma_wait3A_995 = tpu.memref_squeeze %dma_wait3A_994 : memref<1x32xi32, #tpu.memory_space<vmem>> -> memref<32xi32, #tpu.memory_space<vmem>>
    %dma_wait3A_996 = arith.constant 0 : i32
    %dma_wait3A_997 = arith.constant 0 : i32
    %dma_wait3A_998 = tpu.memref_slice %arg8[%dma_wait3A_996, %dma_wait3A_997] : memref<130x128xf32, #tpu.memory_space<vmem_shared>> -> memref<130x128xf32, #tpu.memory_space<vmem_shared>>
    tpu.wait_indirect_dma semaphore(%arg9 : memref<!tpu.dma_semaphore, #tpu.memory_space<semaphore_mem>>) src(%dma_wait3A_998 : memref<130x128xf32, #tpu.memory_space<vmem_shared>>) dst(%dma_wait3A_992 : memref<32x128xf32, #tpu.memory_space<vmem>>)
    %dma_wait3A_999 = arith.constant 29 : i32
    %dma_wait3A_1000 = arith.constant 9 : i32
    %dma_wait3A_1001 = arith.constant 0 : i32
    %dma_wait3A_1002 = arith.constant 0 : i32
    %dma_wait3A_1003 = tpu.memref_slice %arg6[%dma_wait3A_1000, %dma_wait3A_1001, %dma_wait3A_1002] : memref<10x32x128xf32, #tpu.memory_space<vmem>> -> memref<1x32x128xf32, #tpu.memory_space<vmem>>
    %dma_wait3A_1004 = tpu.memref_squeeze %dma_wait3A_1003 : memref<1x32x128xf32, #tpu.memory_space<vmem>> -> memref<32x128xf32, #tpu.memory_space<vmem>>
    %dma_wait3A_1005 = arith.constant 0 : i32
    %dma_wait3A_1006 = tpu.memref_slice %arg5[%dma_wait3A_999, %dma_wait3A_1005] : memref<50x32xi32, #tpu.memory_space<vmem>> -> memref<1x32xi32, #tpu.memory_space<vmem>>
    %dma_wait3A_1007 = tpu.memref_squeeze %dma_wait3A_1006 : memref<1x32xi32, #tpu.memory_space<vmem>> -> memref<32xi32, #tpu.memory_space<vmem>>
    %dma_wait3A_1008 = arith.constant 0 : i32
    %dma_wait3A_1009 = arith.constant 0 : i32
    %dma_wait3A_1010 = tpu.memref_slice %arg8[%dma_wait3A_1008, %dma_wait3A_1009] : memref<130x128xf32, #tpu.memory_space<vmem_shared>> -> memref<130x128xf32, #tpu.memory_space<vmem_shared>>
    tpu.wait_indirect_dma semaphore(%arg9 : memref<!tpu.dma_semaphore, #tpu.memory_space<semaphore_mem>>) src(%dma_wait3A_1010 : memref<130x128xf32, #tpu.memory_space<vmem_shared>>) dst(%dma_wait3A_1004 : memref<32x128xf32, #tpu.memory_space<vmem>>)
    %dma_wait3A_1011 = arith.constant 10 : i32
    %dma_wait3A_1012 = arith.constant 0 : i32
    %dma_wait3A_1013 = tpu.memref_slice %arg4[%dma_wait3A_1011, %mul3A_2, %dma_wait3A_1012] : memref<50x1024x2048xf32, #tpu.memory_space<hbm>> -> memref<10x32x128xf32, #tpu.memory_space<hbm>>
    %dma_wait3A_1014 = arith.constant 10 : i32
    %dma_wait3A_1015 = arith.constant 0 : i32
    %dma_wait3A_1016 = tpu.memref_slice %arg4[%dma_wait3A_1014, %mul3A_2, %dma_wait3A_1015] : memref<50x1024x2048xf32, #tpu.memory_space<hbm>> -> memref<10x32x128xf32, #tpu.memory_space<hbm>>
    tpu.wait_dma2 semaphore(%arg11 : memref<!tpu.dma_semaphore, #tpu.memory_space<semaphore_mem>>) src(%arg7 : memref<10x32x128xf32, #tpu.memory_space<vmem>>) dst(%dma_wait3A_1016 : memref<10x32x128xf32, #tpu.memory_space<hbm>>)
    %dma_wait3A_1017 = arith.constant 10 : i32
    %dma_wait3A_1018 = arith.constant 128 : i32
    %dma_wait3A_1019 = tpu.memref_slice %arg4[%dma_wait3A_1017, %mul3A_2, %dma_wait3A_1018] : memref<50x1024x2048xf32, #tpu.memory_space<hbm>> -> memref<10x32x128xf32, #tpu.memory_space<hbm>>
    %dma_wait3A_1020 = arith.constant 10 : i32
    %dma_wait3A_1021 = arith.constant 128 : i32
    %dma_wait3A_1022 = tpu.memref_slice %arg4[%dma_wait3A_1020, %mul3A_2, %dma_wait3A_1021] : memref<50x1024x2048xf32, #tpu.memory_space<hbm>> -> memref<10x32x128xf32, #tpu.memory_space<hbm>>
    tpu.wait_dma2 semaphore(%arg11 : memref<!tpu.dma_semaphore, #tpu.memory_space<semaphore_mem>>) src(%arg7 : memref<10x32x128xf32, #tpu.memory_space<vmem>>) dst(%dma_wait3A_1022 : memref<10x32x128xf32, #tpu.memory_space<hbm>>)
    %dma_wait3A_1023 = arith.constant 10 : i32
    %dma_wait3A_1024 = arith.constant 256 : i32
    %dma_wait3A_1025 = tpu.memref_slice %arg4[%dma_wait3A_1023, %mul3A_2, %dma_wait3A_1024] : memref<50x1024x2048xf32, #tpu.memory_space<hbm>> -> memref<10x32x128xf32, #tpu.memory_space<hbm>>
    %dma_wait3A_1026 = arith.constant 10 : i32
    %dma_wait3A_1027 = arith.constant 256 : i32
    %dma_wait3A_1028 = tpu.memref_slice %arg4[%dma_wait3A_1026, %mul3A_2, %dma_wait3A_1027] : memref<50x1024x2048xf32, #tpu.memory_space<hbm>> -> memref<10x32x128xf32, #tpu.memory_space<hbm>>
    tpu.wait_dma2 semaphore(%arg11 : memref<!tpu.dma_semaphore, #tpu.memory_space<semaphore_mem>>) src(%arg7 : memref<10x32x128xf32, #tpu.memory_space<vmem>>) dst(%dma_wait3A_1028 : memref<10x32x128xf32, #tpu.memory_space<hbm>>)
    %dma_wait3A_1029 = arith.constant 10 : i32
    %dma_wait3A_1030 = arith.constant 384 : i32
    %dma_wait3A_1031 = tpu.memref_slice %arg4[%dma_wait3A_1029, %mul3A_2, %dma_wait3A_1030] : memref<50x1024x2048xf32, #tpu.memory_space<hbm>> -> memref<10x32x128xf32, #tpu.memory_space<hbm>>
    %dma_wait3A_1032 = arith.constant 10 : i32
    %dma_wait3A_1033 = arith.constant 384 : i32
    %dma_wait3A_1034 = tpu.memref_slice %arg4[%dma_wait3A_1032, %mul3A_2, %dma_wait3A_1033] : memref<50x1024x2048xf32, #tpu.memory_space<hbm>> -> memref<10x32x128xf32, #tpu.memory_space<hbm>>
    tpu.wait_dma2 semaphore(%arg11 : memref<!tpu.dma_semaphore, #tpu.memory_space<semaphore_mem>>) src(%arg7 : memref<10x32x128xf32, #tpu.memory_space<vmem>>) dst(%dma_wait3A_1034 : memref<10x32x128xf32, #tpu.memory_space<hbm>>)
    %dma_wait3A_1035 = arith.constant 10 : i32
    %dma_wait3A_1036 = arith.constant 512 : i32
    %dma_wait3A_1037 = tpu.memref_slice %arg4[%dma_wait3A_1035, %mul3A_2, %dma_wait3A_1036] : memref<50x1024x2048xf32, #tpu.memory_space<hbm>> -> memref<10x32x128xf32, #tpu.memory_space<hbm>>
    %dma_wait3A_1038 = arith.constant 10 : i32
    %dma_wait3A_1039 = arith.constant 512 : i32
    %dma_wait3A_1040 = tpu.memref_slice %arg4[%dma_wait3A_1038, %mul3A_2, %dma_wait3A_1039] : memref<50x1024x2048xf32, #tpu.memory_space<hbm>> -> memref<10x32x128xf32, #tpu.memory_space<hbm>>
    tpu.wait_dma2 semaphore(%arg11 : memref<!tpu.dma_semaphore, #tpu.memory_space<semaphore_mem>>) src(%arg7 : memref<10x32x128xf32, #tpu.memory_space<vmem>>) dst(%dma_wait3A_1040 : memref<10x32x128xf32, #tpu.memory_space<hbm>>)
    %dma_wait3A_1041 = arith.constant 10 : i32
    %dma_wait3A_1042 = arith.constant 640 : i32
    %dma_wait3A_1043 = tpu.memref_slice %arg4[%dma_wait3A_1041, %mul3A_2, %dma_wait3A_1042] : memref<50x1024x2048xf32, #tpu.memory_space<hbm>> -> memref<10x32x128xf32, #tpu.memory_space<hbm>>
    %dma_wait3A_1044 = arith.constant 10 : i32
    %dma_wait3A_1045 = arith.constant 640 : i32
    %dma_wait3A_1046 = tpu.memref_slice %arg4[%dma_wait3A_1044, %mul3A_2, %dma_wait3A_1045] : memref<50x1024x2048xf32, #tpu.memory_space<hbm>> -> memref<10x32x128xf32, #tpu.memory_space<hbm>>
    tpu.wait_dma2 semaphore(%arg11 : memref<!tpu.dma_semaphore, #tpu.memory_space<semaphore_mem>>) src(%arg7 : memref<10x32x128xf32, #tpu.memory_space<vmem>>) dst(%dma_wait3A_1046 : memref<10x32x128xf32, #tpu.memory_space<hbm>>)
    %dma_wait3A_1047 = arith.constant 10 : i32
    %dma_wait3A_1048 = arith.constant 768 : i32
    %dma_wait3A_1049 = tpu.memref_slice %arg4[%dma_wait3A_1047, %mul3A_2, %dma_wait3A_1048] : memref<50x1024x2048xf32, #tpu.memory_space<hbm>> -> memref<10x32x128xf32, #tpu.memory_space<hbm>>
    %dma_wait3A_1050 = arith.constant 10 : i32
    %dma_wait3A_1051 = arith.constant 768 : i32
    %dma_wait3A_1052 = tpu.memref_slice %arg4[%dma_wait3A_1050, %mul3A_2, %dma_wait3A_1051] : memref<50x1024x2048xf32, #tpu.memory_space<hbm>> -> memref<10x32x128xf32, #tpu.memory_space<hbm>>
    tpu.wait_dma2 semaphore(%arg11 : memref<!tpu.dma_semaphore, #tpu.memory_space<semaphore_mem>>) src(%arg7 : memref<10x32x128xf32, #tpu.memory_space<vmem>>) dst(%dma_wait3A_1052 : memref<10x32x128xf32, #tpu.memory_space<hbm>>)
    %dma_wait3A_1053 = arith.constant 10 : i32
    %dma_wait3A_1054 = arith.constant 896 : i32
    %dma_wait3A_1055 = tpu.memref_slice %arg4[%dma_wait3A_1053, %mul3A_2, %dma_wait3A_1054] : memref<50x1024x2048xf32, #tpu.memory_space<hbm>> -> memref<10x32x128xf32, #tpu.memory_space<hbm>>
    %dma_wait3A_1056 = arith.constant 10 : i32
    %dma_wait3A_1057 = arith.constant 896 : i32
    %dma_wait3A_1058 = tpu.memref_slice %arg4[%dma_wait3A_1056, %mul3A_2, %dma_wait3A_1057] : memref<50x1024x2048xf32, #tpu.memory_space<hbm>> -> memref<10x32x128xf32, #tpu.memory_space<hbm>>
    tpu.wait_dma2 semaphore(%arg11 : memref<!tpu.dma_semaphore, #tpu.memory_space<semaphore_mem>>) src(%arg7 : memref<10x32x128xf32, #tpu.memory_space<vmem>>) dst(%dma_wait3A_1058 : memref<10x32x128xf32, #tpu.memory_space<hbm>>)
    %dma_wait3A_1059 = arith.constant 10 : i32
    %dma_wait3A_1060 = arith.constant 1024 : i32
    %dma_wait3A_1061 = tpu.memref_slice %arg4[%dma_wait3A_1059, %mul3A_2, %dma_wait3A_1060] : memref<50x1024x2048xf32, #tpu.memory_space<hbm>> -> memref<10x32x128xf32, #tpu.memory_space<hbm>>
    %dma_wait3A_1062 = arith.constant 10 : i32
    %dma_wait3A_1063 = arith.constant 1024 : i32
    %dma_wait3A_1064 = tpu.memref_slice %arg4[%dma_wait3A_1062, %mul3A_2, %dma_wait3A_1063] : memref<50x1024x2048xf32, #tpu.memory_space<hbm>> -> memref<10x32x128xf32, #tpu.memory_space<hbm>>
    tpu.wait_dma2 semaphore(%arg11 : memref<!tpu.dma_semaphore, #tpu.memory_space<semaphore_mem>>) src(%arg7 : memref<10x32x128xf32, #tpu.memory_space<vmem>>) dst(%dma_wait3A_1064 : memref<10x32x128xf32, #tpu.memory_space<hbm>>)
    %dma_wait3A_1065 = arith.constant 10 : i32
    %dma_wait3A_1066 = arith.constant 1152 : i32
    %dma_wait3A_1067 = tpu.memref_slice %arg4[%dma_wait3A_1065, %mul3A_2, %dma_wait3A_1066] : memref<50x1024x2048xf32, #tpu.memory_space<hbm>> -> memref<10x32x128xf32, #tpu.memory_space<hbm>>
    %dma_wait3A_1068 = arith.constant 10 : i32
    %dma_wait3A_1069 = arith.constant 1152 : i32
    %dma_wait3A_1070 = tpu.memref_slice %arg4[%dma_wait3A_1068, %mul3A_2, %dma_wait3A_1069] : memref<50x1024x2048xf32, #tpu.memory_space<hbm>> -> memref<10x32x128xf32, #tpu.memory_space<hbm>>
    tpu.wait_dma2 semaphore(%arg11 : memref<!tpu.dma_semaphore, #tpu.memory_space<semaphore_mem>>) src(%arg7 : memref<10x32x128xf32, #tpu.memory_space<vmem>>) dst(%dma_wait3A_1070 : memref<10x32x128xf32, #tpu.memory_space<hbm>>)
    %dma_wait3A_1071 = arith.constant 10 : i32
    %dma_wait3A_1072 = arith.constant 1280 : i32
    %dma_wait3A_1073 = tpu.memref_slice %arg4[%dma_wait3A_1071, %mul3A_2, %dma_wait3A_1072] : memref<50x1024x2048xf32, #tpu.memory_space<hbm>> -> memref<10x32x128xf32, #tpu.memory_space<hbm>>
    %dma_wait3A_1074 = arith.constant 10 : i32
    %dma_wait3A_1075 = arith.constant 1280 : i32
    %dma_wait3A_1076 = tpu.memref_slice %arg4[%dma_wait3A_1074, %mul3A_2, %dma_wait3A_1075] : memref<50x1024x2048xf32, #tpu.memory_space<hbm>> -> memref<10x32x128xf32, #tpu.memory_space<hbm>>
    tpu.wait_dma2 semaphore(%arg11 : memref<!tpu.dma_semaphore, #tpu.memory_space<semaphore_mem>>) src(%arg7 : memref<10x32x128xf32, #tpu.memory_space<vmem>>) dst(%dma_wait3A_1076 : memref<10x32x128xf32, #tpu.memory_space<hbm>>)
    %dma_wait3A_1077 = arith.constant 10 : i32
    %dma_wait3A_1078 = arith.constant 1408 : i32
    %dma_wait3A_1079 = tpu.memref_slice %arg4[%dma_wait3A_1077, %mul3A_2, %dma_wait3A_1078] : memref<50x1024x2048xf32, #tpu.memory_space<hbm>> -> memref<10x32x128xf32, #tpu.memory_space<hbm>>
    %dma_wait3A_1080 = arith.constant 10 : i32
    %dma_wait3A_1081 = arith.constant 1408 : i32
    %dma_wait3A_1082 = tpu.memref_slice %arg4[%dma_wait3A_1080, %mul3A_2, %dma_wait3A_1081] : memref<50x1024x2048xf32, #tpu.memory_space<hbm>> -> memref<10x32x128xf32, #tpu.memory_space<hbm>>
    tpu.wait_dma2 semaphore(%arg11 : memref<!tpu.dma_semaphore, #tpu.memory_space<semaphore_mem>>) src(%arg7 : memref<10x32x128xf32, #tpu.memory_space<vmem>>) dst(%dma_wait3A_1082 : memref<10x32x128xf32, #tpu.memory_space<hbm>>)
    %dma_wait3A_1083 = arith.constant 10 : i32
    %dma_wait3A_1084 = arith.constant 1536 : i32
    %dma_wait3A_1085 = tpu.memref_slice %arg4[%dma_wait3A_1083, %mul3A_2, %dma_wait3A_1084] : memref<50x1024x2048xf32, #tpu.memory_space<hbm>> -> memref<10x32x128xf32, #tpu.memory_space<hbm>>
    %dma_wait3A_1086 = arith.constant 10 : i32
    %dma_wait3A_1087 = arith.constant 1536 : i32
    %dma_wait3A_1088 = tpu.memref_slice %arg4[%dma_wait3A_1086, %mul3A_2, %dma_wait3A_1087] : memref<50x1024x2048xf32, #tpu.memory_space<hbm>> -> memref<10x32x128xf32, #tpu.memory_space<hbm>>
    tpu.wait_dma2 semaphore(%arg11 : memref<!tpu.dma_semaphore, #tpu.memory_space<semaphore_mem>>) src(%arg7 : memref<10x32x128xf32, #tpu.memory_space<vmem>>) dst(%dma_wait3A_1088 : memref<10x32x128xf32, #tpu.memory_space<hbm>>)
    %dma_wait3A_1089 = arith.constant 10 : i32
    %dma_wait3A_1090 = arith.constant 1664 : i32
    %dma_wait3A_1091 = tpu.memref_slice %arg4[%dma_wait3A_1089, %mul3A_2, %dma_wait3A_1090] : memref<50x1024x2048xf32, #tpu.memory_space<hbm>> -> memref<10x32x128xf32, #tpu.memory_space<hbm>>
    %dma_wait3A_1092 = arith.constant 10 : i32
    %dma_wait3A_1093 = arith.constant 1664 : i32
    %dma_wait3A_1094 = tpu.memref_slice %arg4[%dma_wait3A_1092, %mul3A_2, %dma_wait3A_1093] : memref<50x1024x2048xf32, #tpu.memory_space<hbm>> -> memref<10x32x128xf32, #tpu.memory_space<hbm>>
    tpu.wait_dma2 semaphore(%arg11 : memref<!tpu.dma_semaphore, #tpu.memory_space<semaphore_mem>>) src(%arg7 : memref<10x32x128xf32, #tpu.memory_space<vmem>>) dst(%dma_wait3A_1094 : memref<10x32x128xf32, #tpu.memory_space<hbm>>)
    %dma_wait3A_1095 = arith.constant 10 : i32
    %dma_wait3A_1096 = arith.constant 1792 : i32
    %dma_wait3A_1097 = tpu.memref_slice %arg4[%dma_wait3A_1095, %mul3A_2, %dma_wait3A_1096] : memref<50x1024x2048xf32, #tpu.memory_space<hbm>> -> memref<10x32x128xf32, #tpu.memory_space<hbm>>
    %dma_wait3A_1098 = arith.constant 10 : i32
    %dma_wait3A_1099 = arith.constant 1792 : i32
    %dma_wait3A_1100 = tpu.memref_slice %arg4[%dma_wait3A_1098, %mul3A_2, %dma_wait3A_1099] : memref<50x1024x2048xf32, #tpu.memory_space<hbm>> -> memref<10x32x128xf32, #tpu.memory_space<hbm>>
    tpu.wait_dma2 semaphore(%arg11 : memref<!tpu.dma_semaphore, #tpu.memory_space<semaphore_mem>>) src(%arg7 : memref<10x32x128xf32, #tpu.memory_space<vmem>>) dst(%dma_wait3A_1100 : memref<10x32x128xf32, #tpu.memory_space<hbm>>)
    %dma_wait3A_1101 = arith.constant 10 : i32
    %dma_wait3A_1102 = arith.constant 1920 : i32
    %dma_wait3A_1103 = tpu.memref_slice %arg4[%dma_wait3A_1101, %mul3A_2, %dma_wait3A_1102] : memref<50x1024x2048xf32, #tpu.memory_space<hbm>> -> memref<10x32x128xf32, #tpu.memory_space<hbm>>
    %dma_wait3A_1104 = arith.constant 10 : i32
    %dma_wait3A_1105 = arith.constant 1920 : i32
    %dma_wait3A_1106 = tpu.memref_slice %arg4[%dma_wait3A_1104, %mul3A_2, %dma_wait3A_1105] : memref<50x1024x2048xf32, #tpu.memory_space<hbm>> -> memref<10x32x128xf32, #tpu.memory_space<hbm>>
    tpu.wait_dma2 semaphore(%arg11 : memref<!tpu.dma_semaphore, #tpu.memory_space<semaphore_mem>>) src(%arg7 : memref<10x32x128xf32, #tpu.memory_space<vmem>>) dst(%dma_wait3A_1106 : memref<10x32x128xf32, #tpu.memory_space<hbm>>)
    %dma_start3A_1107 = arith.constant 30 : i32
    %dma_start3A_1108 = arith.constant 0 : i32
    %dma_start3A_1109 = arith.constant 0 : i32
    %dma_start3A_1110 = arith.constant 0 : i32
    %dma_start3A_1111 = tpu.memref_slice %arg7[%dma_start3A_1108, %dma_start3A_1109, %dma_start3A_1110] : memref<10x32x128xf32, #tpu.memory_space<vmem>> -> memref<1x32x128xf32, #tpu.memory_space<vmem>>
    %dma_start3A_1112 = tpu.memref_squeeze %dma_start3A_1111 : memref<1x32x128xf32, #tpu.memory_space<vmem>> -> memref<32x128xf32, #tpu.memory_space<vmem>>
    %dma_start3A_1113 = arith.constant 0 : i32
    %dma_start3A_1114 = tpu.memref_slice %arg5[%dma_start3A_1107, %dma_start3A_1113] : memref<50x32xi32, #tpu.memory_space<vmem>> -> memref<1x32xi32, #tpu.memory_space<vmem>>
    %dma_start3A_1115 = tpu.memref_squeeze %dma_start3A_1114 : memref<1x32xi32, #tpu.memory_space<vmem>> -> memref<32xi32, #tpu.memory_space<vmem>>
    %dma_start3A_1116 = arith.constant 0 : i32
    %dma_start3A_1117 = arith.constant 0 : i32
    %dma_start3A_1118 = tpu.memref_slice %arg8[%dma_start3A_1116, %dma_start3A_1117] : memref<130x128xf32, #tpu.memory_space<vmem_shared>> -> memref<130x128xf32, #tpu.memory_space<vmem_shared>>
    tpu.enqueue_indirect_dma source(%dma_start3A_1118 : memref<130x128xf32, #tpu.memory_space<vmem_shared>>) target(%dma_start3A_1112 : memref<32x128xf32, #tpu.memory_space<vmem>>) offsets(%dma_start3A_1115 : memref<32xi32, #tpu.memory_space<vmem>>) semaphore(%arg9 : memref<!tpu.dma_semaphore, #tpu.memory_space<semaphore_mem>>)
    %dma_start3A_1119 = arith.constant 31 : i32
    %dma_start3A_1120 = arith.constant 1 : i32
    %dma_start3A_1121 = arith.constant 0 : i32
    %dma_start3A_1122 = arith.constant 0 : i32
    %dma_start3A_1123 = tpu.memref_slice %arg7[%dma_start3A_1120, %dma_start3A_1121, %dma_start3A_1122] : memref<10x32x128xf32, #tpu.memory_space<vmem>> -> memref<1x32x128xf32, #tpu.memory_space<vmem>>
    %dma_start3A_1124 = tpu.memref_squeeze %dma_start3A_1123 : memref<1x32x128xf32, #tpu.memory_space<vmem>> -> memref<32x128xf32, #tpu.memory_space<vmem>>
    %dma_start3A_1125 = arith.constant 0 : i32
    %dma_start3A_1126 = tpu.memref_slice %arg5[%dma_start3A_1119, %dma_start3A_1125] : memref<50x32xi32, #tpu.memory_space<vmem>> -> memref<1x32xi32, #tpu.memory_space<vmem>>
    %dma_start3A_1127 = tpu.memref_squeeze %dma_start3A_1126 : memref<1x32xi32, #tpu.memory_space<vmem>> -> memref<32xi32, #tpu.memory_space<vmem>>
    %dma_start3A_1128 = arith.constant 0 : i32
    %dma_start3A_1129 = arith.constant 0 : i32
    %dma_start3A_1130 = tpu.memref_slice %arg8[%dma_start3A_1128, %dma_start3A_1129] : memref<130x128xf32, #tpu.memory_space<vmem_shared>> -> memref<130x128xf32, #tpu.memory_space<vmem_shared>>
    tpu.enqueue_indirect_dma source(%dma_start3A_1130 : memref<130x128xf32, #tpu.memory_space<vmem_shared>>) target(%dma_start3A_1124 : memref<32x128xf32, #tpu.memory_space<vmem>>) offsets(%dma_start3A_1127 : memref<32xi32, #tpu.memory_space<vmem>>) semaphore(%arg9 : memref<!tpu.dma_semaphore, #tpu.memory_space<semaphore_mem>>)
    %dma_start3A_1131 = arith.constant 32 : i32
    %dma_start3A_1132 = arith.constant 2 : i32
    %dma_start3A_1133 = arith.constant 0 : i32
    %dma_start3A_1134 = arith.constant 0 : i32
    %dma_start3A_1135 = tpu.memref_slice %arg7[%dma_start3A_1132, %dma_start3A_1133, %dma_start3A_1134] : memref<10x32x128xf32, #tpu.memory_space<vmem>> -> memref<1x32x128xf32, #tpu.memory_space<vmem>>
    %dma_start3A_1136 = tpu.memref_squeeze %dma_start3A_1135 : memref<1x32x128xf32, #tpu.memory_space<vmem>> -> memref<32x128xf32, #tpu.memory_space<vmem>>
    %dma_start3A_1137 = arith.constant 0 : i32
    %dma_start3A_1138 = tpu.memref_slice %arg5[%dma_start3A_1131, %dma_start3A_1137] : memref<50x32xi32, #tpu.memory_space<vmem>> -> memref<1x32xi32, #tpu.memory_space<vmem>>
    %dma_start3A_1139 = tpu.memref_squeeze %dma_start3A_1138 : memref<1x32xi32, #tpu.memory_space<vmem>> -> memref<32xi32, #tpu.memory_space<vmem>>
    %dma_start3A_1140 = arith.constant 0 : i32
    %dma_start3A_1141 = arith.constant 0 : i32
    %dma_start3A_1142 = tpu.memref_slice %arg8[%dma_start3A_1140, %dma_start3A_1141] : memref<130x128xf32, #tpu.memory_space<vmem_shared>> -> memref<130x128xf32, #tpu.memory_space<vmem_shared>>
    tpu.enqueue_indirect_dma source(%dma_start3A_1142 : memref<130x128xf32, #tpu.memory_space<vmem_shared>>) target(%dma_start3A_1136 : memref<32x128xf32, #tpu.memory_space<vmem>>) offsets(%dma_start3A_1139 : memref<32xi32, #tpu.memory_space<vmem>>) semaphore(%arg9 : memref<!tpu.dma_semaphore, #tpu.memory_space<semaphore_mem>>)
    %dma_start3A_1143 = arith.constant 33 : i32
    %dma_start3A_1144 = arith.constant 3 : i32
    %dma_start3A_1145 = arith.constant 0 : i32
    %dma_start3A_1146 = arith.constant 0 : i32
    %dma_start3A_1147 = tpu.memref_slice %arg7[%dma_start3A_1144, %dma_start3A_1145, %dma_start3A_1146] : memref<10x32x128xf32, #tpu.memory_space<vmem>> -> memref<1x32x128xf32, #tpu.memory_space<vmem>>
    %dma_start3A_1148 = tpu.memref_squeeze %dma_start3A_1147 : memref<1x32x128xf32, #tpu.memory_space<vmem>> -> memref<32x128xf32, #tpu.memory_space<vmem>>
    %dma_start3A_1149 = arith.constant 0 : i32
    %dma_start3A_1150 = tpu.memref_slice %arg5[%dma_start3A_1143, %dma_start3A_1149] : memref<50x32xi32, #tpu.memory_space<vmem>> -> memref<1x32xi32, #tpu.memory_space<vmem>>
    %dma_start3A_1151 = tpu.memref_squeeze %dma_start3A_1150 : memref<1x32xi32, #tpu.memory_space<vmem>> -> memref<32xi32, #tpu.memory_space<vmem>>
    %dma_start3A_1152 = arith.constant 0 : i32
    %dma_start3A_1153 = arith.constant 0 : i32
    %dma_start3A_1154 = tpu.memref_slice %arg8[%dma_start3A_1152, %dma_start3A_1153] : memref<130x128xf32, #tpu.memory_space<vmem_shared>> -> memref<130x128xf32, #tpu.memory_space<vmem_shared>>
    tpu.enqueue_indirect_dma source(%dma_start3A_1154 : memref<130x128xf32, #tpu.memory_space<vmem_shared>>) target(%dma_start3A_1148 : memref<32x128xf32, #tpu.memory_space<vmem>>) offsets(%dma_start3A_1151 : memref<32xi32, #tpu.memory_space<vmem>>) semaphore(%arg9 : memref<!tpu.dma_semaphore, #tpu.memory_space<semaphore_mem>>)
    %dma_start3A_1155 = arith.constant 34 : i32
    %dma_start3A_1156 = arith.constant 4 : i32
    %dma_start3A_1157 = arith.constant 0 : i32
    %dma_start3A_1158 = arith.constant 0 : i32
    %dma_start3A_1159 = tpu.memref_slice %arg7[%dma_start3A_1156, %dma_start3A_1157, %dma_start3A_1158] : memref<10x32x128xf32, #tpu.memory_space<vmem>> -> memref<1x32x128xf32, #tpu.memory_space<vmem>>
    %dma_start3A_1160 = tpu.memref_squeeze %dma_start3A_1159 : memref<1x32x128xf32, #tpu.memory_space<vmem>> -> memref<32x128xf32, #tpu.memory_space<vmem>>
    %dma_start3A_1161 = arith.constant 0 : i32
    %dma_start3A_1162 = tpu.memref_slice %arg5[%dma_start3A_1155, %dma_start3A_1161] : memref<50x32xi32, #tpu.memory_space<vmem>> -> memref<1x32xi32, #tpu.memory_space<vmem>>
    %dma_start3A_1163 = tpu.memref_squeeze %dma_start3A_1162 : memref<1x32xi32, #tpu.memory_space<vmem>> -> memref<32xi32, #tpu.memory_space<vmem>>
    %dma_start3A_1164 = arith.constant 0 : i32
    %dma_start3A_1165 = arith.constant 0 : i32
    %dma_start3A_1166 = tpu.memref_slice %arg8[%dma_start3A_1164, %dma_start3A_1165] : memref<130x128xf32, #tpu.memory_space<vmem_shared>> -> memref<130x128xf32, #tpu.memory_space<vmem_shared>>
    tpu.enqueue_indirect_dma source(%dma_start3A_1166 : memref<130x128xf32, #tpu.memory_space<vmem_shared>>) target(%dma_start3A_1160 : memref<32x128xf32, #tpu.memory_space<vmem>>) offsets(%dma_start3A_1163 : memref<32xi32, #tpu.memory_space<vmem>>) semaphore(%arg9 : memref<!tpu.dma_semaphore, #tpu.memory_space<semaphore_mem>>)
    %dma_start3A_1167 = arith.constant 35 : i32
    %dma_start3A_1168 = arith.constant 5 : i32
    %dma_start3A_1169 = arith.constant 0 : i32
    %dma_start3A_1170 = arith.constant 0 : i32
    %dma_start3A_1171 = tpu.memref_slice %arg7[%dma_start3A_1168, %dma_start3A_1169, %dma_start3A_1170] : memref<10x32x128xf32, #tpu.memory_space<vmem>> -> memref<1x32x128xf32, #tpu.memory_space<vmem>>
    %dma_start3A_1172 = tpu.memref_squeeze %dma_start3A_1171 : memref<1x32x128xf32, #tpu.memory_space<vmem>> -> memref<32x128xf32, #tpu.memory_space<vmem>>
    %dma_start3A_1173 = arith.constant 0 : i32
    %dma_start3A_1174 = tpu.memref_slice %arg5[%dma_start3A_1167, %dma_start3A_1173] : memref<50x32xi32, #tpu.memory_space<vmem>> -> memref<1x32xi32, #tpu.memory_space<vmem>>
    %dma_start3A_1175 = tpu.memref_squeeze %dma_start3A_1174 : memref<1x32xi32, #tpu.memory_space<vmem>> -> memref<32xi32, #tpu.memory_space<vmem>>
    %dma_start3A_1176 = arith.constant 0 : i32
    %dma_start3A_1177 = arith.constant 0 : i32
    %dma_start3A_1178 = tpu.memref_slice %arg8[%dma_start3A_1176, %dma_start3A_1177] : memref<130x128xf32, #tpu.memory_space<vmem_shared>> -> memref<130x128xf32, #tpu.memory_space<vmem_shared>>
    tpu.enqueue_indirect_dma source(%dma_start3A_1178 : memref<130x128xf32, #tpu.memory_space<vmem_shared>>) target(%dma_start3A_1172 : memref<32x128xf32, #tpu.memory_space<vmem>>) offsets(%dma_start3A_1175 : memref<32xi32, #tpu.memory_space<vmem>>) semaphore(%arg9 : memref<!tpu.dma_semaphore, #tpu.memory_space<semaphore_mem>>)
    %dma_start3A_1179 = arith.constant 36 : i32
    %dma_start3A_1180 = arith.constant 6 : i32
    %dma_start3A_1181 = arith.constant 0 : i32
    %dma_start3A_1182 = arith.constant 0 : i32
    %dma_start3A_1183 = tpu.memref_slice %arg7[%dma_start3A_1180, %dma_start3A_1181, %dma_start3A_1182] : memref<10x32x128xf32, #tpu.memory_space<vmem>> -> memref<1x32x128xf32, #tpu.memory_space<vmem>>
    %dma_start3A_1184 = tpu.memref_squeeze %dma_start3A_1183 : memref<1x32x128xf32, #tpu.memory_space<vmem>> -> memref<32x128xf32, #tpu.memory_space<vmem>>
    %dma_start3A_1185 = arith.constant 0 : i32
    %dma_start3A_1186 = tpu.memref_slice %arg5[%dma_start3A_1179, %dma_start3A_1185] : memref<50x32xi32, #tpu.memory_space<vmem>> -> memref<1x32xi32, #tpu.memory_space<vmem>>
    %dma_start3A_1187 = tpu.memref_squeeze %dma_start3A_1186 : memref<1x32xi32, #tpu.memory_space<vmem>> -> memref<32xi32, #tpu.memory_space<vmem>>
    %dma_start3A_1188 = arith.constant 0 : i32
    %dma_start3A_1189 = arith.constant 0 : i32
    %dma_start3A_1190 = tpu.memref_slice %arg8[%dma_start3A_1188, %dma_start3A_1189] : memref<130x128xf32, #tpu.memory_space<vmem_shared>> -> memref<130x128xf32, #tpu.memory_space<vmem_shared>>
    tpu.enqueue_indirect_dma source(%dma_start3A_1190 : memref<130x128xf32, #tpu.memory_space<vmem_shared>>) target(%dma_start3A_1184 : memref<32x128xf32, #tpu.memory_space<vmem>>) offsets(%dma_start3A_1187 : memref<32xi32, #tpu.memory_space<vmem>>) semaphore(%arg9 : memref<!tpu.dma_semaphore, #tpu.memory_space<semaphore_mem>>)
    %dma_start3A_1191 = arith.constant 37 : i32
    %dma_start3A_1192 = arith.constant 7 : i32
    %dma_start3A_1193 = arith.constant 0 : i32
    %dma_start3A_1194 = arith.constant 0 : i32
    %dma_start3A_1195 = tpu.memref_slice %arg7[%dma_start3A_1192, %dma_start3A_1193, %dma_start3A_1194] : memref<10x32x128xf32, #tpu.memory_space<vmem>> -> memref<1x32x128xf32, #tpu.memory_space<vmem>>
    %dma_start3A_1196 = tpu.memref_squeeze %dma_start3A_1195 : memref<1x32x128xf32, #tpu.memory_space<vmem>> -> memref<32x128xf32, #tpu.memory_space<vmem>>
    %dma_start3A_1197 = arith.constant 0 : i32
    %dma_start3A_1198 = tpu.memref_slice %arg5[%dma_start3A_1191, %dma_start3A_1197] : memref<50x32xi32, #tpu.memory_space<vmem>> -> memref<1x32xi32, #tpu.memory_space<vmem>>
    %dma_start3A_1199 = tpu.memref_squeeze %dma_start3A_1198 : memref<1x32xi32, #tpu.memory_space<vmem>> -> memref<32xi32, #tpu.memory_space<vmem>>
    %dma_start3A_1200 = arith.constant 0 : i32
    %dma_start3A_1201 = arith.constant 0 : i32
    %dma_start3A_1202 = tpu.memref_slice %arg8[%dma_start3A_1200, %dma_start3A_1201] : memref<130x128xf32, #tpu.memory_space<vmem_shared>> -> memref<130x128xf32, #tpu.memory_space<vmem_shared>>
    tpu.enqueue_indirect_dma source(%dma_start3A_1202 : memref<130x128xf32, #tpu.memory_space<vmem_shared>>) target(%dma_start3A_1196 : memref<32x128xf32, #tpu.memory_space<vmem>>) offsets(%dma_start3A_1199 : memref<32xi32, #tpu.memory_space<vmem>>) semaphore(%arg9 : memref<!tpu.dma_semaphore, #tpu.memory_space<semaphore_mem>>)
    %dma_start3A_1203 = arith.constant 38 : i32
    %dma_start3A_1204 = arith.constant 8 : i32
    %dma_start3A_1205 = arith.constant 0 : i32
    %dma_start3A_1206 = arith.constant 0 : i32
    %dma_start3A_1207 = tpu.memref_slice %arg7[%dma_start3A_1204, %dma_start3A_1205, %dma_start3A_1206] : memref<10x32x128xf32, #tpu.memory_space<vmem>> -> memref<1x32x128xf32, #tpu.memory_space<vmem>>
    %dma_start3A_1208 = tpu.memref_squeeze %dma_start3A_1207 : memref<1x32x128xf32, #tpu.memory_space<vmem>> -> memref<32x128xf32, #tpu.memory_space<vmem>>
    %dma_start3A_1209 = arith.constant 0 : i32
    %dma_start3A_1210 = tpu.memref_slice %arg5[%dma_start3A_1203, %dma_start3A_1209] : memref<50x32xi32, #tpu.memory_space<vmem>> -> memref<1x32xi32, #tpu.memory_space<vmem>>
    %dma_start3A_1211 = tpu.memref_squeeze %dma_start3A_1210 : memref<1x32xi32, #tpu.memory_space<vmem>> -> memref<32xi32, #tpu.memory_space<vmem>>
    %dma_start3A_1212 = arith.constant 0 : i32
    %dma_start3A_1213 = arith.constant 0 : i32
    %dma_start3A_1214 = tpu.memref_slice %arg8[%dma_start3A_1212, %dma_start3A_1213] : memref<130x128xf32, #tpu.memory_space<vmem_shared>> -> memref<130x128xf32, #tpu.memory_space<vmem_shared>>
    tpu.enqueue_indirect_dma source(%dma_start3A_1214 : memref<130x128xf32, #tpu.memory_space<vmem_shared>>) target(%dma_start3A_1208 : memref<32x128xf32, #tpu.memory_space<vmem>>) offsets(%dma_start3A_1211 : memref<32xi32, #tpu.memory_space<vmem>>) semaphore(%arg9 : memref<!tpu.dma_semaphore, #tpu.memory_space<semaphore_mem>>)
    %dma_start3A_1215 = arith.constant 39 : i32
    %dma_start3A_1216 = arith.constant 9 : i32
    %dma_start3A_1217 = arith.constant 0 : i32
    %dma_start3A_1218 = arith.constant 0 : i32
    %dma_start3A_1219 = tpu.memref_slice %arg7[%dma_start3A_1216, %dma_start3A_1217, %dma_start3A_1218] : memref<10x32x128xf32, #tpu.memory_space<vmem>> -> memref<1x32x128xf32, #tpu.memory_space<vmem>>
    %dma_start3A_1220 = tpu.memref_squeeze %dma_start3A_1219 : memref<1x32x128xf32, #tpu.memory_space<vmem>> -> memref<32x128xf32, #tpu.memory_space<vmem>>
    %dma_start3A_1221 = arith.constant 0 : i32
    %dma_start3A_1222 = tpu.memref_slice %arg5[%dma_start3A_1215, %dma_start3A_1221] : memref<50x32xi32, #tpu.memory_space<vmem>> -> memref<1x32xi32, #tpu.memory_space<vmem>>
    %dma_start3A_1223 = tpu.memref_squeeze %dma_start3A_1222 : memref<1x32xi32, #tpu.memory_space<vmem>> -> memref<32xi32, #tpu.memory_space<vmem>>
    %dma_start3A_1224 = arith.constant 0 : i32
    %dma_start3A_1225 = arith.constant 0 : i32
    %dma_start3A_1226 = tpu.memref_slice %arg8[%dma_start3A_1224, %dma_start3A_1225] : memref<130x128xf32, #tpu.memory_space<vmem_shared>> -> memref<130x128xf32, #tpu.memory_space<vmem_shared>>
    tpu.enqueue_indirect_dma source(%dma_start3A_1226 : memref<130x128xf32, #tpu.memory_space<vmem_shared>>) target(%dma_start3A_1220 : memref<32x128xf32, #tpu.memory_space<vmem>>) offsets(%dma_start3A_1223 : memref<32xi32, #tpu.memory_space<vmem>>) semaphore(%arg9 : memref<!tpu.dma_semaphore, #tpu.memory_space<semaphore_mem>>)
    %dma_start3A_1227 = arith.constant 20 : i32
    %dma_start3A_1228 = arith.constant 0 : i32
    %dma_start3A_1229 = tpu.memref_slice %arg4[%dma_start3A_1227, %mul3A_2, %dma_start3A_1228] : memref<50x1024x2048xf32, #tpu.memory_space<hbm>> -> memref<10x32x128xf32, #tpu.memory_space<hbm>>
    %dma_start3A_1230 = arith.constant 20 : i32
    %dma_start3A_1231 = arith.constant 0 : i32
    %dma_start3A_1232 = tpu.memref_slice %arg4[%dma_start3A_1230, %mul3A_2, %dma_start3A_1231] : memref<50x1024x2048xf32, #tpu.memory_space<hbm>> -> memref<10x32x128xf32, #tpu.memory_space<hbm>>
    tpu.enqueue_dma source(%arg6 : memref<10x32x128xf32, #tpu.memory_space<vmem>>) target(%dma_start3A_1232 : memref<10x32x128xf32, #tpu.memory_space<hbm>>) target_semaphore(%arg10 : memref<!tpu.dma_semaphore, #tpu.memory_space<semaphore_mem>>)
    %dma_start3A_1233 = arith.constant 20 : i32
    %dma_start3A_1234 = arith.constant 128 : i32
    %dma_start3A_1235 = tpu.memref_slice %arg4[%dma_start3A_1233, %mul3A_2, %dma_start3A_1234] : memref<50x1024x2048xf32, #tpu.memory_space<hbm>> -> memref<10x32x128xf32, #tpu.memory_space<hbm>>
    %dma_start3A_1236 = arith.constant 20 : i32
    %dma_start3A_1237 = arith.constant 128 : i32
    %dma_start3A_1238 = tpu.memref_slice %arg4[%dma_start3A_1236, %mul3A_2, %dma_start3A_1237] : memref<50x1024x2048xf32, #tpu.memory_space<hbm>> -> memref<10x32x128xf32, #tpu.memory_space<hbm>>
    tpu.enqueue_dma source(%arg6 : memref<10x32x128xf32, #tpu.memory_space<vmem>>) target(%dma_start3A_1238 : memref<10x32x128xf32, #tpu.memory_space<hbm>>) target_semaphore(%arg10 : memref<!tpu.dma_semaphore, #tpu.memory_space<semaphore_mem>>)
    %dma_start3A_1239 = arith.constant 20 : i32
    %dma_start3A_1240 = arith.constant 256 : i32
    %dma_start3A_1241 = tpu.memref_slice %arg4[%dma_start3A_1239, %mul3A_2, %dma_start3A_1240] : memref<50x1024x2048xf32, #tpu.memory_space<hbm>> -> memref<10x32x128xf32, #tpu.memory_space<hbm>>
    %dma_start3A_1242 = arith.constant 20 : i32
    %dma_start3A_1243 = arith.constant 256 : i32
    %dma_start3A_1244 = tpu.memref_slice %arg4[%dma_start3A_1242, %mul3A_2, %dma_start3A_1243] : memref<50x1024x2048xf32, #tpu.memory_space<hbm>> -> memref<10x32x128xf32, #tpu.memory_space<hbm>>
    tpu.enqueue_dma source(%arg6 : memref<10x32x128xf32, #tpu.memory_space<vmem>>) target(%dma_start3A_1244 : memref<10x32x128xf32, #tpu.memory_space<hbm>>) target_semaphore(%arg10 : memref<!tpu.dma_semaphore, #tpu.memory_space<semaphore_mem>>)
    %dma_start3A_1245 = arith.constant 20 : i32
    %dma_start3A_1246 = arith.constant 384 : i32
    %dma_start3A_1247 = tpu.memref_slice %arg4[%dma_start3A_1245, %mul3A_2, %dma_start3A_1246] : memref<50x1024x2048xf32, #tpu.memory_space<hbm>> -> memref<10x32x128xf32, #tpu.memory_space<hbm>>
    %dma_start3A_1248 = arith.constant 20 : i32
    %dma_start3A_1249 = arith.constant 384 : i32
    %dma_start3A_1250 = tpu.memref_slice %arg4[%dma_start3A_1248, %mul3A_2, %dma_start3A_1249] : memref<50x1024x2048xf32, #tpu.memory_space<hbm>> -> memref<10x32x128xf32, #tpu.memory_space<hbm>>
    tpu.enqueue_dma source(%arg6 : memref<10x32x128xf32, #tpu.memory_space<vmem>>) target(%dma_start3A_1250 : memref<10x32x128xf32, #tpu.memory_space<hbm>>) target_semaphore(%arg10 : memref<!tpu.dma_semaphore, #tpu.memory_space<semaphore_mem>>)
    %dma_start3A_1251 = arith.constant 20 : i32
    %dma_start3A_1252 = arith.constant 512 : i32
    %dma_start3A_1253 = tpu.memref_slice %arg4[%dma_start3A_1251, %mul3A_2, %dma_start3A_1252] : memref<50x1024x2048xf32, #tpu.memory_space<hbm>> -> memref<10x32x128xf32, #tpu.memory_space<hbm>>
    %dma_start3A_1254 = arith.constant 20 : i32
    %dma_start3A_1255 = arith.constant 512 : i32
    %dma_start3A_1256 = tpu.memref_slice %arg4[%dma_start3A_1254, %mul3A_2, %dma_start3A_1255] : memref<50x1024x2048xf32, #tpu.memory_space<hbm>> -> memref<10x32x128xf32, #tpu.memory_space<hbm>>
    tpu.enqueue_dma source(%arg6 : memref<10x32x128xf32, #tpu.memory_space<vmem>>) target(%dma_start3A_1256 : memref<10x32x128xf32, #tpu.memory_space<hbm>>) target_semaphore(%arg10 : memref<!tpu.dma_semaphore, #tpu.memory_space<semaphore_mem>>)
    %dma_start3A_1257 = arith.constant 20 : i32
    %dma_start3A_1258 = arith.constant 640 : i32
    %dma_start3A_1259 = tpu.memref_slice %arg4[%dma_start3A_1257, %mul3A_2, %dma_start3A_1258] : memref<50x1024x2048xf32, #tpu.memory_space<hbm>> -> memref<10x32x128xf32, #tpu.memory_space<hbm>>
    %dma_start3A_1260 = arith.constant 20 : i32
    %dma_start3A_1261 = arith.constant 640 : i32
    %dma_start3A_1262 = tpu.memref_slice %arg4[%dma_start3A_1260, %mul3A_2, %dma_start3A_1261] : memref<50x1024x2048xf32, #tpu.memory_space<hbm>> -> memref<10x32x128xf32, #tpu.memory_space<hbm>>
    tpu.enqueue_dma source(%arg6 : memref<10x32x128xf32, #tpu.memory_space<vmem>>) target(%dma_start3A_1262 : memref<10x32x128xf32, #tpu.memory_space<hbm>>) target_semaphore(%arg10 : memref<!tpu.dma_semaphore, #tpu.memory_space<semaphore_mem>>)
    %dma_start3A_1263 = arith.constant 20 : i32
    %dma_start3A_1264 = arith.constant 768 : i32
    %dma_start3A_1265 = tpu.memref_slice %arg4[%dma_start3A_1263, %mul3A_2, %dma_start3A_1264] : memref<50x1024x2048xf32, #tpu.memory_space<hbm>> -> memref<10x32x128xf32, #tpu.memory_space<hbm>>
    %dma_start3A_1266 = arith.constant 20 : i32
    %dma_start3A_1267 = arith.constant 768 : i32
    %dma_start3A_1268 = tpu.memref_slice %arg4[%dma_start3A_1266, %mul3A_2, %dma_start3A_1267] : memref<50x1024x2048xf32, #tpu.memory_space<hbm>> -> memref<10x32x128xf32, #tpu.memory_space<hbm>>
    tpu.enqueue_dma source(%arg6 : memref<10x32x128xf32, #tpu.memory_space<vmem>>) target(%dma_start3A_1268 : memref<10x32x128xf32, #tpu.memory_space<hbm>>) target_semaphore(%arg10 : memref<!tpu.dma_semaphore, #tpu.memory_space<semaphore_mem>>)
    %dma_start3A_1269 = arith.constant 20 : i32
    %dma_start3A_1270 = arith.constant 896 : i32
    %dma_start3A_1271 = tpu.memref_slice %arg4[%dma_start3A_1269, %mul3A_2, %dma_start3A_1270] : memref<50x1024x2048xf32, #tpu.memory_space<hbm>> -> memref<10x32x128xf32, #tpu.memory_space<hbm>>
    %dma_start3A_1272 = arith.constant 20 : i32
    %dma_start3A_1273 = arith.constant 896 : i32
    %dma_start3A_1274 = tpu.memref_slice %arg4[%dma_start3A_1272, %mul3A_2, %dma_start3A_1273] : memref<50x1024x2048xf32, #tpu.memory_space<hbm>> -> memref<10x32x128xf32, #tpu.memory_space<hbm>>
    tpu.enqueue_dma source(%arg6 : memref<10x32x128xf32, #tpu.memory_space<vmem>>) target(%dma_start3A_1274 : memref<10x32x128xf32, #tpu.memory_space<hbm>>) target_semaphore(%arg10 : memref<!tpu.dma_semaphore, #tpu.memory_space<semaphore_mem>>)
    %dma_start3A_1275 = arith.constant 20 : i32
    %dma_start3A_1276 = arith.constant 1024 : i32
    %dma_start3A_1277 = tpu.memref_slice %arg4[%dma_start3A_1275, %mul3A_2, %dma_start3A_1276] : memref<50x1024x2048xf32, #tpu.memory_space<hbm>> -> memref<10x32x128xf32, #tpu.memory_space<hbm>>
    %dma_start3A_1278 = arith.constant 20 : i32
    %dma_start3A_1279 = arith.constant 1024 : i32
    %dma_start3A_1280 = tpu.memref_slice %arg4[%dma_start3A_1278, %mul3A_2, %dma_start3A_1279] : memref<50x1024x2048xf32, #tpu.memory_space<hbm>> -> memref<10x32x128xf32, #tpu.memory_space<hbm>>
    tpu.enqueue_dma source(%arg6 : memref<10x32x128xf32, #tpu.memory_space<vmem>>) target(%dma_start3A_1280 : memref<10x32x128xf32, #tpu.memory_space<hbm>>) target_semaphore(%arg10 : memref<!tpu.dma_semaphore, #tpu.memory_space<semaphore_mem>>)
    %dma_start3A_1281 = arith.constant 20 : i32
    %dma_start3A_1282 = arith.constant 1152 : i32
    %dma_start3A_1283 = tpu.memref_slice %arg4[%dma_start3A_1281, %mul3A_2, %dma_start3A_1282] : memref<50x1024x2048xf32, #tpu.memory_space<hbm>> -> memref<10x32x128xf32, #tpu.memory_space<hbm>>
    %dma_start3A_1284 = arith.constant 20 : i32
    %dma_start3A_1285 = arith.constant 1152 : i32
    %dma_start3A_1286 = tpu.memref_slice %arg4[%dma_start3A_1284, %mul3A_2, %dma_start3A_1285] : memref<50x1024x2048xf32, #tpu.memory_space<hbm>> -> memref<10x32x128xf32, #tpu.memory_space<hbm>>
    tpu.enqueue_dma source(%arg6 : memref<10x32x128xf32, #tpu.memory_space<vmem>>) target(%dma_start3A_1286 : memref<10x32x128xf32, #tpu.memory_space<hbm>>) target_semaphore(%arg10 : memref<!tpu.dma_semaphore, #tpu.memory_space<semaphore_mem>>)
    %dma_start3A_1287 = arith.constant 20 : i32
    %dma_start3A_1288 = arith.constant 1280 : i32
    %dma_start3A_1289 = tpu.memref_slice %arg4[%dma_start3A_1287, %mul3A_2, %dma_start3A_1288] : memref<50x1024x2048xf32, #tpu.memory_space<hbm>> -> memref<10x32x128xf32, #tpu.memory_space<hbm>>
    %dma_start3A_1290 = arith.constant 20 : i32
    %dma_start3A_1291 = arith.constant 1280 : i32
    %dma_start3A_1292 = tpu.memref_slice %arg4[%dma_start3A_1290, %mul3A_2, %dma_start3A_1291] : memref<50x1024x2048xf32, #tpu.memory_space<hbm>> -> memref<10x32x128xf32, #tpu.memory_space<hbm>>
    tpu.enqueue_dma source(%arg6 : memref<10x32x128xf32, #tpu.memory_space<vmem>>) target(%dma_start3A_1292 : memref<10x32x128xf32, #tpu.memory_space<hbm>>) target_semaphore(%arg10 : memref<!tpu.dma_semaphore, #tpu.memory_space<semaphore_mem>>)
    %dma_start3A_1293 = arith.constant 20 : i32
    %dma_start3A_1294 = arith.constant 1408 : i32
    %dma_start3A_1295 = tpu.memref_slice %arg4[%dma_start3A_1293, %mul3A_2, %dma_start3A_1294] : memref<50x1024x2048xf32, #tpu.memory_space<hbm>> -> memref<10x32x128xf32, #tpu.memory_space<hbm>>
    %dma_start3A_1296 = arith.constant 20 : i32
    %dma_start3A_1297 = arith.constant 1408 : i32
    %dma_start3A_1298 = tpu.memref_slice %arg4[%dma_start3A_1296, %mul3A_2, %dma_start3A_1297] : memref<50x1024x2048xf32, #tpu.memory_space<hbm>> -> memref<10x32x128xf32, #tpu.memory_space<hbm>>
    tpu.enqueue_dma source(%arg6 : memref<10x32x128xf32, #tpu.memory_space<vmem>>) target(%dma_start3A_1298 : memref<10x32x128xf32, #tpu.memory_space<hbm>>) target_semaphore(%arg10 : memref<!tpu.dma_semaphore, #tpu.memory_space<semaphore_mem>>)
    %dma_start3A_1299 = arith.constant 20 : i32
    %dma_start3A_1300 = arith.constant 1536 : i32
    %dma_start3A_1301 = tpu.memref_slice %arg4[%dma_start3A_1299, %mul3A_2, %dma_start3A_1300] : memref<50x1024x2048xf32, #tpu.memory_space<hbm>> -> memref<10x32x128xf32, #tpu.memory_space<hbm>>
    %dma_start3A_1302 = arith.constant 20 : i32
    %dma_start3A_1303 = arith.constant 1536 : i32
    %dma_start3A_1304 = tpu.memref_slice %arg4[%dma_start3A_1302, %mul3A_2, %dma_start3A_1303] : memref<50x1024x2048xf32, #tpu.memory_space<hbm>> -> memref<10x32x128xf32, #tpu.memory_space<hbm>>
    tpu.enqueue_dma source(%arg6 : memref<10x32x128xf32, #tpu.memory_space<vmem>>) target(%dma_start3A_1304 : memref<10x32x128xf32, #tpu.memory_space<hbm>>) target_semaphore(%arg10 : memref<!tpu.dma_semaphore, #tpu.memory_space<semaphore_mem>>)
    %dma_start3A_1305 = arith.constant 20 : i32
    %dma_start3A_1306 = arith.constant 1664 : i32
    %dma_start3A_1307 = tpu.memref_slice %arg4[%dma_start3A_1305, %mul3A_2, %dma_start3A_1306] : memref<50x1024x2048xf32, #tpu.memory_space<hbm>> -> memref<10x32x128xf32, #tpu.memory_space<hbm>>
    %dma_start3A_1308 = arith.constant 20 : i32
    %dma_start3A_1309 = arith.constant 1664 : i32
    %dma_start3A_1310 = tpu.memref_slice %arg4[%dma_start3A_1308, %mul3A_2, %dma_start3A_1309] : memref<50x1024x2048xf32, #tpu.memory_space<hbm>> -> memref<10x32x128xf32, #tpu.memory_space<hbm>>
    tpu.enqueue_dma source(%arg6 : memref<10x32x128xf32, #tpu.memory_space<vmem>>) target(%dma_start3A_1310 : memref<10x32x128xf32, #tpu.memory_space<hbm>>) target_semaphore(%arg10 : memref<!tpu.dma_semaphore, #tpu.memory_space<semaphore_mem>>)
    %dma_start3A_1311 = arith.constant 20 : i32
    %dma_start3A_1312 = arith.constant 1792 : i32
    %dma_start3A_1313 = tpu.memref_slice %arg4[%dma_start3A_1311, %mul3A_2, %dma_start3A_1312] : memref<50x1024x2048xf32, #tpu.memory_space<hbm>> -> memref<10x32x128xf32, #tpu.memory_space<hbm>>
    %dma_start3A_1314 = arith.constant 20 : i32
    %dma_start3A_1315 = arith.constant 1792 : i32
    %dma_start3A_1316 = tpu.memref_slice %arg4[%dma_start3A_1314, %mul3A_2, %dma_start3A_1315] : memref<50x1024x2048xf32, #tpu.memory_space<hbm>> -> memref<10x32x128xf32, #tpu.memory_space<hbm>>
    tpu.enqueue_dma source(%arg6 : memref<10x32x128xf32, #tpu.memory_space<vmem>>) target(%dma_start3A_1316 : memref<10x32x128xf32, #tpu.memory_space<hbm>>) target_semaphore(%arg10 : memref<!tpu.dma_semaphore, #tpu.memory_space<semaphore_mem>>)
    %dma_start3A_1317 = arith.constant 20 : i32
    %dma_start3A_1318 = arith.constant 1920 : i32
    %dma_start3A_1319 = tpu.memref_slice %arg4[%dma_start3A_1317, %mul3A_2, %dma_start3A_1318] : memref<50x1024x2048xf32, #tpu.memory_space<hbm>> -> memref<10x32x128xf32, #tpu.memory_space<hbm>>
    %dma_start3A_1320 = arith.constant 20 : i32
    %dma_start3A_1321 = arith.constant 1920 : i32
    %dma_start3A_1322 = tpu.memref_slice %arg4[%dma_start3A_1320, %mul3A_2, %dma_start3A_1321] : memref<50x1024x2048xf32, #tpu.memory_space<hbm>> -> memref<10x32x128xf32, #tpu.memory_space<hbm>>
    tpu.enqueue_dma source(%arg6 : memref<10x32x128xf32, #tpu.memory_space<vmem>>) target(%dma_start3A_1322 : memref<10x32x128xf32, #tpu.memory_space<hbm>>) target_semaphore(%arg10 : memref<!tpu.dma_semaphore, #tpu.memory_space<semaphore_mem>>)
    %dma_wait3A_1323 = arith.constant 30 : i32
    %dma_wait3A_1324 = arith.constant 0 : i32
    %dma_wait3A_1325 = arith.constant 0 : i32
    %dma_wait3A_1326 = arith.constant 0 : i32
    %dma_wait3A_1327 = tpu.memref_slice %arg7[%dma_wait3A_1324, %dma_wait3A_1325, %dma_wait3A_1326] : memref<10x32x128xf32, #tpu.memory_space<vmem>> -> memref<1x32x128xf32, #tpu.memory_space<vmem>>
    %dma_wait3A_1328 = tpu.memref_squeeze %dma_wait3A_1327 : memref<1x32x128xf32, #tpu.memory_space<vmem>> -> memref<32x128xf32, #tpu.memory_space<vmem>>
    %dma_wait3A_1329 = arith.constant 0 : i32
    %dma_wait3A_1330 = tpu.memref_slice %arg5[%dma_wait3A_1323, %dma_wait3A_1329] : memref<50x32xi32, #tpu.memory_space<vmem>> -> memref<1x32xi32, #tpu.memory_space<vmem>>
    %dma_wait3A_1331 = tpu.memref_squeeze %dma_wait3A_1330 : memref<1x32xi32, #tpu.memory_space<vmem>> -> memref<32xi32, #tpu.memory_space<vmem>>
    %dma_wait3A_1332 = arith.constant 0 : i32
    %dma_wait3A_1333 = arith.constant 0 : i32
    %dma_wait3A_1334 = tpu.memref_slice %arg8[%dma_wait3A_1332, %dma_wait3A_1333] : memref<130x128xf32, #tpu.memory_space<vmem_shared>> -> memref<130x128xf32, #tpu.memory_space<vmem_shared>>
    tpu.wait_indirect_dma semaphore(%arg9 : memref<!tpu.dma_semaphore, #tpu.memory_space<semaphore_mem>>) src(%dma_wait3A_1334 : memref<130x128xf32, #tpu.memory_space<vmem_shared>>) dst(%dma_wait3A_1328 : memref<32x128xf32, #tpu.memory_space<vmem>>)
    %dma_wait3A_1335 = arith.constant 31 : i32
    %dma_wait3A_1336 = arith.constant 1 : i32
    %dma_wait3A_1337 = arith.constant 0 : i32
    %dma_wait3A_1338 = arith.constant 0 : i32
    %dma_wait3A_1339 = tpu.memref_slice %arg7[%dma_wait3A_1336, %dma_wait3A_1337, %dma_wait3A_1338] : memref<10x32x128xf32, #tpu.memory_space<vmem>> -> memref<1x32x128xf32, #tpu.memory_space<vmem>>
    %dma_wait3A_1340 = tpu.memref_squeeze %dma_wait3A_1339 : memref<1x32x128xf32, #tpu.memory_space<vmem>> -> memref<32x128xf32, #tpu.memory_space<vmem>>
    %dma_wait3A_1341 = arith.constant 0 : i32
    %dma_wait3A_1342 = tpu.memref_slice %arg5[%dma_wait3A_1335, %dma_wait3A_1341] : memref<50x32xi32, #tpu.memory_space<vmem>> -> memref<1x32xi32, #tpu.memory_space<vmem>>
    %dma_wait3A_1343 = tpu.memref_squeeze %dma_wait3A_1342 : memref<1x32xi32, #tpu.memory_space<vmem>> -> memref<32xi32, #tpu.memory_space<vmem>>
    %dma_wait3A_1344 = arith.constant 0 : i32
    %dma_wait3A_1345 = arith.constant 0 : i32
    %dma_wait3A_1346 = tpu.memref_slice %arg8[%dma_wait3A_1344, %dma_wait3A_1345] : memref<130x128xf32, #tpu.memory_space<vmem_shared>> -> memref<130x128xf32, #tpu.memory_space<vmem_shared>>
    tpu.wait_indirect_dma semaphore(%arg9 : memref<!tpu.dma_semaphore, #tpu.memory_space<semaphore_mem>>) src(%dma_wait3A_1346 : memref<130x128xf32, #tpu.memory_space<vmem_shared>>) dst(%dma_wait3A_1340 : memref<32x128xf32, #tpu.memory_space<vmem>>)
    %dma_wait3A_1347 = arith.constant 32 : i32
    %dma_wait3A_1348 = arith.constant 2 : i32
    %dma_wait3A_1349 = arith.constant 0 : i32
    %dma_wait3A_1350 = arith.constant 0 : i32
    %dma_wait3A_1351 = tpu.memref_slice %arg7[%dma_wait3A_1348, %dma_wait3A_1349, %dma_wait3A_1350] : memref<10x32x128xf32, #tpu.memory_space<vmem>> -> memref<1x32x128xf32, #tpu.memory_space<vmem>>
    %dma_wait3A_1352 = tpu.memref_squeeze %dma_wait3A_1351 : memref<1x32x128xf32, #tpu.memory_space<vmem>> -> memref<32x128xf32, #tpu.memory_space<vmem>>
    %dma_wait3A_1353 = arith.constant 0 : i32
    %dma_wait3A_1354 = tpu.memref_slice %arg5[%dma_wait3A_1347, %dma_wait3A_1353] : memref<50x32xi32, #tpu.memory_space<vmem>> -> memref<1x32xi32, #tpu.memory_space<vmem>>
    %dma_wait3A_1355 = tpu.memref_squeeze %dma_wait3A_1354 : memref<1x32xi32, #tpu.memory_space<vmem>> -> memref<32xi32, #tpu.memory_space<vmem>>
    %dma_wait3A_1356 = arith.constant 0 : i32
    %dma_wait3A_1357 = arith.constant 0 : i32
    %dma_wait3A_1358 = tpu.memref_slice %arg8[%dma_wait3A_1356, %dma_wait3A_1357] : memref<130x128xf32, #tpu.memory_space<vmem_shared>> -> memref<130x128xf32, #tpu.memory_space<vmem_shared>>
    tpu.wait_indirect_dma semaphore(%arg9 : memref<!tpu.dma_semaphore, #tpu.memory_space<semaphore_mem>>) src(%dma_wait3A_1358 : memref<130x128xf32, #tpu.memory_space<vmem_shared>>) dst(%dma_wait3A_1352 : memref<32x128xf32, #tpu.memory_space<vmem>>)
    %dma_wait3A_1359 = arith.constant 33 : i32
    %dma_wait3A_1360 = arith.constant 3 : i32
    %dma_wait3A_1361 = arith.constant 0 : i32
    %dma_wait3A_1362 = arith.constant 0 : i32
    %dma_wait3A_1363 = tpu.memref_slice %arg7[%dma_wait3A_1360, %dma_wait3A_1361, %dma_wait3A_1362] : memref<10x32x128xf32, #tpu.memory_space<vmem>> -> memref<1x32x128xf32, #tpu.memory_space<vmem>>
    %dma_wait3A_1364 = tpu.memref_squeeze %dma_wait3A_1363 : memref<1x32x128xf32, #tpu.memory_space<vmem>> -> memref<32x128xf32, #tpu.memory_space<vmem>>
    %dma_wait3A_1365 = arith.constant 0 : i32
    %dma_wait3A_1366 = tpu.memref_slice %arg5[%dma_wait3A_1359, %dma_wait3A_1365] : memref<50x32xi32, #tpu.memory_space<vmem>> -> memref<1x32xi32, #tpu.memory_space<vmem>>
    %dma_wait3A_1367 = tpu.memref_squeeze %dma_wait3A_1366 : memref<1x32xi32, #tpu.memory_space<vmem>> -> memref<32xi32, #tpu.memory_space<vmem>>
    %dma_wait3A_1368 = arith.constant 0 : i32
    %dma_wait3A_1369 = arith.constant 0 : i32
    %dma_wait3A_1370 = tpu.memref_slice %arg8[%dma_wait3A_1368, %dma_wait3A_1369] : memref<130x128xf32, #tpu.memory_space<vmem_shared>> -> memref<130x128xf32, #tpu.memory_space<vmem_shared>>
    tpu.wait_indirect_dma semaphore(%arg9 : memref<!tpu.dma_semaphore, #tpu.memory_space<semaphore_mem>>) src(%dma_wait3A_1370 : memref<130x128xf32, #tpu.memory_space<vmem_shared>>) dst(%dma_wait3A_1364 : memref<32x128xf32, #tpu.memory_space<vmem>>)
    %dma_wait3A_1371 = arith.constant 34 : i32
    %dma_wait3A_1372 = arith.constant 4 : i32
    %dma_wait3A_1373 = arith.constant 0 : i32
    %dma_wait3A_1374 = arith.constant 0 : i32
    %dma_wait3A_1375 = tpu.memref_slice %arg7[%dma_wait3A_1372, %dma_wait3A_1373, %dma_wait3A_1374] : memref<10x32x128xf32, #tpu.memory_space<vmem>> -> memref<1x32x128xf32, #tpu.memory_space<vmem>>
    %dma_wait3A_1376 = tpu.memref_squeeze %dma_wait3A_1375 : memref<1x32x128xf32, #tpu.memory_space<vmem>> -> memref<32x128xf32, #tpu.memory_space<vmem>>
    %dma_wait3A_1377 = arith.constant 0 : i32
    %dma_wait3A_1378 = tpu.memref_slice %arg5[%dma_wait3A_1371, %dma_wait3A_1377] : memref<50x32xi32, #tpu.memory_space<vmem>> -> memref<1x32xi32, #tpu.memory_space<vmem>>
    %dma_wait3A_1379 = tpu.memref_squeeze %dma_wait3A_1378 : memref<1x32xi32, #tpu.memory_space<vmem>> -> memref<32xi32, #tpu.memory_space<vmem>>
    %dma_wait3A_1380 = arith.constant 0 : i32
    %dma_wait3A_1381 = arith.constant 0 : i32
    %dma_wait3A_1382 = tpu.memref_slice %arg8[%dma_wait3A_1380, %dma_wait3A_1381] : memref<130x128xf32, #tpu.memory_space<vmem_shared>> -> memref<130x128xf32, #tpu.memory_space<vmem_shared>>
    tpu.wait_indirect_dma semaphore(%arg9 : memref<!tpu.dma_semaphore, #tpu.memory_space<semaphore_mem>>) src(%dma_wait3A_1382 : memref<130x128xf32, #tpu.memory_space<vmem_shared>>) dst(%dma_wait3A_1376 : memref<32x128xf32, #tpu.memory_space<vmem>>)
    %dma_wait3A_1383 = arith.constant 35 : i32
    %dma_wait3A_1384 = arith.constant 5 : i32
    %dma_wait3A_1385 = arith.constant 0 : i32
    %dma_wait3A_1386 = arith.constant 0 : i32
    %dma_wait3A_1387 = tpu.memref_slice %arg7[%dma_wait3A_1384, %dma_wait3A_1385, %dma_wait3A_1386] : memref<10x32x128xf32, #tpu.memory_space<vmem>> -> memref<1x32x128xf32, #tpu.memory_space<vmem>>
    %dma_wait3A_1388 = tpu.memref_squeeze %dma_wait3A_1387 : memref<1x32x128xf32, #tpu.memory_space<vmem>> -> memref<32x128xf32, #tpu.memory_space<vmem>>
    %dma_wait3A_1389 = arith.constant 0 : i32
    %dma_wait3A_1390 = tpu.memref_slice %arg5[%dma_wait3A_1383, %dma_wait3A_1389] : memref<50x32xi32, #tpu.memory_space<vmem>> -> memref<1x32xi32, #tpu.memory_space<vmem>>
    %dma_wait3A_1391 = tpu.memref_squeeze %dma_wait3A_1390 : memref<1x32xi32, #tpu.memory_space<vmem>> -> memref<32xi32, #tpu.memory_space<vmem>>
    %dma_wait3A_1392 = arith.constant 0 : i32
    %dma_wait3A_1393 = arith.constant 0 : i32
    %dma_wait3A_1394 = tpu.memref_slice %arg8[%dma_wait3A_1392, %dma_wait3A_1393] : memref<130x128xf32, #tpu.memory_space<vmem_shared>> -> memref<130x128xf32, #tpu.memory_space<vmem_shared>>
    tpu.wait_indirect_dma semaphore(%arg9 : memref<!tpu.dma_semaphore, #tpu.memory_space<semaphore_mem>>) src(%dma_wait3A_1394 : memref<130x128xf32, #tpu.memory_space<vmem_shared>>) dst(%dma_wait3A_1388 : memref<32x128xf32, #tpu.memory_space<vmem>>)
    %dma_wait3A_1395 = arith.constant 36 : i32
    %dma_wait3A_1396 = arith.constant 6 : i32
    %dma_wait3A_1397 = arith.constant 0 : i32
    %dma_wait3A_1398 = arith.constant 0 : i32
    %dma_wait3A_1399 = tpu.memref_slice %arg7[%dma_wait3A_1396, %dma_wait3A_1397, %dma_wait3A_1398] : memref<10x32x128xf32, #tpu.memory_space<vmem>> -> memref<1x32x128xf32, #tpu.memory_space<vmem>>
    %dma_wait3A_1400 = tpu.memref_squeeze %dma_wait3A_1399 : memref<1x32x128xf32, #tpu.memory_space<vmem>> -> memref<32x128xf32, #tpu.memory_space<vmem>>
    %dma_wait3A_1401 = arith.constant 0 : i32
    %dma_wait3A_1402 = tpu.memref_slice %arg5[%dma_wait3A_1395, %dma_wait3A_1401] : memref<50x32xi32, #tpu.memory_space<vmem>> -> memref<1x32xi32, #tpu.memory_space<vmem>>
    %dma_wait3A_1403 = tpu.memref_squeeze %dma_wait3A_1402 : memref<1x32xi32, #tpu.memory_space<vmem>> -> memref<32xi32, #tpu.memory_space<vmem>>
    %dma_wait3A_1404 = arith.constant 0 : i32
    %dma_wait3A_1405 = arith.constant 0 : i32
    %dma_wait3A_1406 = tpu.memref_slice %arg8[%dma_wait3A_1404, %dma_wait3A_1405] : memref<130x128xf32, #tpu.memory_space<vmem_shared>> -> memref<130x128xf32, #tpu.memory_space<vmem_shared>>
    tpu.wait_indirect_dma semaphore(%arg9 : memref<!tpu.dma_semaphore, #tpu.memory_space<semaphore_mem>>) src(%dma_wait3A_1406 : memref<130x128xf32, #tpu.memory_space<vmem_shared>>) dst(%dma_wait3A_1400 : memref<32x128xf32, #tpu.memory_space<vmem>>)
    %dma_wait3A_1407 = arith.constant 37 : i32
    %dma_wait3A_1408 = arith.constant 7 : i32
    %dma_wait3A_1409 = arith.constant 0 : i32
    %dma_wait3A_1410 = arith.constant 0 : i32
    %dma_wait3A_1411 = tpu.memref_slice %arg7[%dma_wait3A_1408, %dma_wait3A_1409, %dma_wait3A_1410] : memref<10x32x128xf32, #tpu.memory_space<vmem>> -> memref<1x32x128xf32, #tpu.memory_space<vmem>>
    %dma_wait3A_1412 = tpu.memref_squeeze %dma_wait3A_1411 : memref<1x32x128xf32, #tpu.memory_space<vmem>> -> memref<32x128xf32, #tpu.memory_space<vmem>>
    %dma_wait3A_1413 = arith.constant 0 : i32
    %dma_wait3A_1414 = tpu.memref_slice %arg5[%dma_wait3A_1407, %dma_wait3A_1413] : memref<50x32xi32, #tpu.memory_space<vmem>> -> memref<1x32xi32, #tpu.memory_space<vmem>>
    %dma_wait3A_1415 = tpu.memref_squeeze %dma_wait3A_1414 : memref<1x32xi32, #tpu.memory_space<vmem>> -> memref<32xi32, #tpu.memory_space<vmem>>
    %dma_wait3A_1416 = arith.constant 0 : i32
    %dma_wait3A_1417 = arith.constant 0 : i32
    %dma_wait3A_1418 = tpu.memref_slice %arg8[%dma_wait3A_1416, %dma_wait3A_1417] : memref<130x128xf32, #tpu.memory_space<vmem_shared>> -> memref<130x128xf32, #tpu.memory_space<vmem_shared>>
    tpu.wait_indirect_dma semaphore(%arg9 : memref<!tpu.dma_semaphore, #tpu.memory_space<semaphore_mem>>) src(%dma_wait3A_1418 : memref<130x128xf32, #tpu.memory_space<vmem_shared>>) dst(%dma_wait3A_1412 : memref<32x128xf32, #tpu.memory_space<vmem>>)
    %dma_wait3A_1419 = arith.constant 38 : i32
    %dma_wait3A_1420 = arith.constant 8 : i32
    %dma_wait3A_1421 = arith.constant 0 : i32
    %dma_wait3A_1422 = arith.constant 0 : i32
    %dma_wait3A_1423 = tpu.memref_slice %arg7[%dma_wait3A_1420, %dma_wait3A_1421, %dma_wait3A_1422] : memref<10x32x128xf32, #tpu.memory_space<vmem>> -> memref<1x32x128xf32, #tpu.memory_space<vmem>>
    %dma_wait3A_1424 = tpu.memref_squeeze %dma_wait3A_1423 : memref<1x32x128xf32, #tpu.memory_space<vmem>> -> memref<32x128xf32, #tpu.memory_space<vmem>>
    %dma_wait3A_1425 = arith.constant 0 : i32
    %dma_wait3A_1426 = tpu.memref_slice %arg5[%dma_wait3A_1419, %dma_wait3A_1425] : memref<50x32xi32, #tpu.memory_space<vmem>> -> memref<1x32xi32, #tpu.memory_space<vmem>>
    %dma_wait3A_1427 = tpu.memref_squeeze %dma_wait3A_1426 : memref<1x32xi32, #tpu.memory_space<vmem>> -> memref<32xi32, #tpu.memory_space<vmem>>
    %dma_wait3A_1428 = arith.constant 0 : i32
    %dma_wait3A_1429 = arith.constant 0 : i32
    %dma_wait3A_1430 = tpu.memref_slice %arg8[%dma_wait3A_1428, %dma_wait3A_1429] : memref<130x128xf32, #tpu.memory_space<vmem_shared>> -> memref<130x128xf32, #tpu.memory_space<vmem_shared>>
    tpu.wait_indirect_dma semaphore(%arg9 : memref<!tpu.dma_semaphore, #tpu.memory_space<semaphore_mem>>) src(%dma_wait3A_1430 : memref<130x128xf32, #tpu.memory_space<vmem_shared>>) dst(%dma_wait3A_1424 : memref<32x128xf32, #tpu.memory_space<vmem>>)
    %dma_wait3A_1431 = arith.constant 39 : i32
    %dma_wait3A_1432 = arith.constant 9 : i32
    %dma_wait3A_1433 = arith.constant 0 : i32
    %dma_wait3A_1434 = arith.constant 0 : i32
    %dma_wait3A_1435 = tpu.memref_slice %arg7[%dma_wait3A_1432, %dma_wait3A_1433, %dma_wait3A_1434] : memref<10x32x128xf32, #tpu.memory_space<vmem>> -> memref<1x32x128xf32, #tpu.memory_space<vmem>>
    %dma_wait3A_1436 = tpu.memref_squeeze %dma_wait3A_1435 : memref<1x32x128xf32, #tpu.memory_space<vmem>> -> memref<32x128xf32, #tpu.memory_space<vmem>>
    %dma_wait3A_1437 = arith.constant 0 : i32
    %dma_wait3A_1438 = tpu.memref_slice %arg5[%dma_wait3A_1431, %dma_wait3A_1437] : memref<50x32xi32, #tpu.memory_space<vmem>> -> memref<1x32xi32, #tpu.memory_space<vmem>>
    %dma_wait3A_1439 = tpu.memref_squeeze %dma_wait3A_1438 : memref<1x32xi32, #tpu.memory_space<vmem>> -> memref<32xi32, #tpu.memory_space<vmem>>
    %dma_wait3A_1440 = arith.constant 0 : i32
    %dma_wait3A_1441 = arith.constant 0 : i32
    %dma_wait3A_1442 = tpu.memref_slice %arg8[%dma_wait3A_1440, %dma_wait3A_1441] : memref<130x128xf32, #tpu.memory_space<vmem_shared>> -> memref<130x128xf32, #tpu.memory_space<vmem_shared>>
    tpu.wait_indirect_dma semaphore(%arg9 : memref<!tpu.dma_semaphore, #tpu.memory_space<semaphore_mem>>) src(%dma_wait3A_1442 : memref<130x128xf32, #tpu.memory_space<vmem_shared>>) dst(%dma_wait3A_1436 : memref<32x128xf32, #tpu.memory_space<vmem>>)
    %dma_wait3A_1443 = arith.constant 20 : i32
    %dma_wait3A_1444 = arith.constant 0 : i32
    %dma_wait3A_1445 = tpu.memref_slice %arg4[%dma_wait3A_1443, %mul3A_2, %dma_wait3A_1444] : memref<50x1024x2048xf32, #tpu.memory_space<hbm>> -> memref<10x32x128xf32, #tpu.memory_space<hbm>>
    %dma_wait3A_1446 = arith.constant 20 : i32
    %dma_wait3A_1447 = arith.constant 0 : i32
    %dma_wait3A_1448 = tpu.memref_slice %arg4[%dma_wait3A_1446, %mul3A_2, %dma_wait3A_1447] : memref<50x1024x2048xf32, #tpu.memory_space<hbm>> -> memref<10x32x128xf32, #tpu.memory_space<hbm>>
    tpu.wait_dma2 semaphore(%arg10 : memref<!tpu.dma_semaphore, #tpu.memory_space<semaphore_mem>>) src(%arg6 : memref<10x32x128xf32, #tpu.memory_space<vmem>>) dst(%dma_wait3A_1448 : memref<10x32x128xf32, #tpu.memory_space<hbm>>)
    %dma_wait3A_1449 = arith.constant 20 : i32
    %dma_wait3A_1450 = arith.constant 128 : i32
    %dma_wait3A_1451 = tpu.memref_slice %arg4[%dma_wait3A_1449, %mul3A_2, %dma_wait3A_1450] : memref<50x1024x2048xf32, #tpu.memory_space<hbm>> -> memref<10x32x128xf32, #tpu.memory_space<hbm>>
    %dma_wait3A_1452 = arith.constant 20 : i32
    %dma_wait3A_1453 = arith.constant 128 : i32
    %dma_wait3A_1454 = tpu.memref_slice %arg4[%dma_wait3A_1452, %mul3A_2, %dma_wait3A_1453] : memref<50x1024x2048xf32, #tpu.memory_space<hbm>> -> memref<10x32x128xf32, #tpu.memory_space<hbm>>
    tpu.wait_dma2 semaphore(%arg10 : memref<!tpu.dma_semaphore, #tpu.memory_space<semaphore_mem>>) src(%arg6 : memref<10x32x128xf32, #tpu.memory_space<vmem>>) dst(%dma_wait3A_1454 : memref<10x32x128xf32, #tpu.memory_space<hbm>>)
    %dma_wait3A_1455 = arith.constant 20 : i32
    %dma_wait3A_1456 = arith.constant 256 : i32
    %dma_wait3A_1457 = tpu.memref_slice %arg4[%dma_wait3A_1455, %mul3A_2, %dma_wait3A_1456] : memref<50x1024x2048xf32, #tpu.memory_space<hbm>> -> memref<10x32x128xf32, #tpu.memory_space<hbm>>
    %dma_wait3A_1458 = arith.constant 20 : i32
    %dma_wait3A_1459 = arith.constant 256 : i32
    %dma_wait3A_1460 = tpu.memref_slice %arg4[%dma_wait3A_1458, %mul3A_2, %dma_wait3A_1459] : memref<50x1024x2048xf32, #tpu.memory_space<hbm>> -> memref<10x32x128xf32, #tpu.memory_space<hbm>>
    tpu.wait_dma2 semaphore(%arg10 : memref<!tpu.dma_semaphore, #tpu.memory_space<semaphore_mem>>) src(%arg6 : memref<10x32x128xf32, #tpu.memory_space<vmem>>) dst(%dma_wait3A_1460 : memref<10x32x128xf32, #tpu.memory_space<hbm>>)
    %dma_wait3A_1461 = arith.constant 20 : i32
    %dma_wait3A_1462 = arith.constant 384 : i32
    %dma_wait3A_1463 = tpu.memref_slice %arg4[%dma_wait3A_1461, %mul3A_2, %dma_wait3A_1462] : memref<50x1024x2048xf32, #tpu.memory_space<hbm>> -> memref<10x32x128xf32, #tpu.memory_space<hbm>>
    %dma_wait3A_1464 = arith.constant 20 : i32
    %dma_wait3A_1465 = arith.constant 384 : i32
    %dma_wait3A_1466 = tpu.memref_slice %arg4[%dma_wait3A_1464, %mul3A_2, %dma_wait3A_1465] : memref<50x1024x2048xf32, #tpu.memory_space<hbm>> -> memref<10x32x128xf32, #tpu.memory_space<hbm>>
    tpu.wait_dma2 semaphore(%arg10 : memref<!tpu.dma_semaphore, #tpu.memory_space<semaphore_mem>>) src(%arg6 : memref<10x32x128xf32, #tpu.memory_space<vmem>>) dst(%dma_wait3A_1466 : memref<10x32x128xf32, #tpu.memory_space<hbm>>)
    %dma_wait3A_1467 = arith.constant 20 : i32
    %dma_wait3A_1468 = arith.constant 512 : i32
    %dma_wait3A_1469 = tpu.memref_slice %arg4[%dma_wait3A_1467, %mul3A_2, %dma_wait3A_1468] : memref<50x1024x2048xf32, #tpu.memory_space<hbm>> -> memref<10x32x128xf32, #tpu.memory_space<hbm>>
    %dma_wait3A_1470 = arith.constant 20 : i32
    %dma_wait3A_1471 = arith.constant 512 : i32
    %dma_wait3A_1472 = tpu.memref_slice %arg4[%dma_wait3A_1470, %mul3A_2, %dma_wait3A_1471] : memref<50x1024x2048xf32, #tpu.memory_space<hbm>> -> memref<10x32x128xf32, #tpu.memory_space<hbm>>
    tpu.wait_dma2 semaphore(%arg10 : memref<!tpu.dma_semaphore, #tpu.memory_space<semaphore_mem>>) src(%arg6 : memref<10x32x128xf32, #tpu.memory_space<vmem>>) dst(%dma_wait3A_1472 : memref<10x32x128xf32, #tpu.memory_space<hbm>>)
    %dma_wait3A_1473 = arith.constant 20 : i32
    %dma_wait3A_1474 = arith.constant 640 : i32
    %dma_wait3A_1475 = tpu.memref_slice %arg4[%dma_wait3A_1473, %mul3A_2, %dma_wait3A_1474] : memref<50x1024x2048xf32, #tpu.memory_space<hbm>> -> memref<10x32x128xf32, #tpu.memory_space<hbm>>
    %dma_wait3A_1476 = arith.constant 20 : i32
    %dma_wait3A_1477 = arith.constant 640 : i32
    %dma_wait3A_1478 = tpu.memref_slice %arg4[%dma_wait3A_1476, %mul3A_2, %dma_wait3A_1477] : memref<50x1024x2048xf32, #tpu.memory_space<hbm>> -> memref<10x32x128xf32, #tpu.memory_space<hbm>>
    tpu.wait_dma2 semaphore(%arg10 : memref<!tpu.dma_semaphore, #tpu.memory_space<semaphore_mem>>) src(%arg6 : memref<10x32x128xf32, #tpu.memory_space<vmem>>) dst(%dma_wait3A_1478 : memref<10x32x128xf32, #tpu.memory_space<hbm>>)
    %dma_wait3A_1479 = arith.constant 20 : i32
    %dma_wait3A_1480 = arith.constant 768 : i32
    %dma_wait3A_1481 = tpu.memref_slice %arg4[%dma_wait3A_1479, %mul3A_2, %dma_wait3A_1480] : memref<50x1024x2048xf32, #tpu.memory_space<hbm>> -> memref<10x32x128xf32, #tpu.memory_space<hbm>>
    %dma_wait3A_1482 = arith.constant 20 : i32
    %dma_wait3A_1483 = arith.constant 768 : i32
    %dma_wait3A_1484 = tpu.memref_slice %arg4[%dma_wait3A_1482, %mul3A_2, %dma_wait3A_1483] : memref<50x1024x2048xf32, #tpu.memory_space<hbm>> -> memref<10x32x128xf32, #tpu.memory_space<hbm>>
    tpu.wait_dma2 semaphore(%arg10 : memref<!tpu.dma_semaphore, #tpu.memory_space<semaphore_mem>>) src(%arg6 : memref<10x32x128xf32, #tpu.memory_space<vmem>>) dst(%dma_wait3A_1484 : memref<10x32x128xf32, #tpu.memory_space<hbm>>)
    %dma_wait3A_1485 = arith.constant 20 : i32
    %dma_wait3A_1486 = arith.constant 896 : i32
    %dma_wait3A_1487 = tpu.memref_slice %arg4[%dma_wait3A_1485, %mul3A_2, %dma_wait3A_1486] : memref<50x1024x2048xf32, #tpu.memory_space<hbm>> -> memref<10x32x128xf32, #tpu.memory_space<hbm>>
    %dma_wait3A_1488 = arith.constant 20 : i32
    %dma_wait3A_1489 = arith.constant 896 : i32
    %dma_wait3A_1490 = tpu.memref_slice %arg4[%dma_wait3A_1488, %mul3A_2, %dma_wait3A_1489] : memref<50x1024x2048xf32, #tpu.memory_space<hbm>> -> memref<10x32x128xf32, #tpu.memory_space<hbm>>
    tpu.wait_dma2 semaphore(%arg10 : memref<!tpu.dma_semaphore, #tpu.memory_space<semaphore_mem>>) src(%arg6 : memref<10x32x128xf32, #tpu.memory_space<vmem>>) dst(%dma_wait3A_1490 : memref<10x32x128xf32, #tpu.memory_space<hbm>>)
    %dma_wait3A_1491 = arith.constant 20 : i32
    %dma_wait3A_1492 = arith.constant 1024 : i32
    %dma_wait3A_1493 = tpu.memref_slice %arg4[%dma_wait3A_1491, %mul3A_2, %dma_wait3A_1492] : memref<50x1024x2048xf32, #tpu.memory_space<hbm>> -> memref<10x32x128xf32, #tpu.memory_space<hbm>>
    %dma_wait3A_1494 = arith.constant 20 : i32
    %dma_wait3A_1495 = arith.constant 1024 : i32
    %dma_wait3A_1496 = tpu.memref_slice %arg4[%dma_wait3A_1494, %mul3A_2, %dma_wait3A_1495] : memref<50x1024x2048xf32, #tpu.memory_space<hbm>> -> memref<10x32x128xf32, #tpu.memory_space<hbm>>
    tpu.wait_dma2 semaphore(%arg10 : memref<!tpu.dma_semaphore, #tpu.memory_space<semaphore_mem>>) src(%arg6 : memref<10x32x128xf32, #tpu.memory_space<vmem>>) dst(%dma_wait3A_1496 : memref<10x32x128xf32, #tpu.memory_space<hbm>>)
    %dma_wait3A_1497 = arith.constant 20 : i32
    %dma_wait3A_1498 = arith.constant 1152 : i32
    %dma_wait3A_1499 = tpu.memref_slice %arg4[%dma_wait3A_1497, %mul3A_2, %dma_wait3A_1498] : memref<50x1024x2048xf32, #tpu.memory_space<hbm>> -> memref<10x32x128xf32, #tpu.memory_space<hbm>>
    %dma_wait3A_1500 = arith.constant 20 : i32
    %dma_wait3A_1501 = arith.constant 1152 : i32
    %dma_wait3A_1502 = tpu.memref_slice %arg4[%dma_wait3A_1500, %mul3A_2, %dma_wait3A_1501] : memref<50x1024x2048xf32, #tpu.memory_space<hbm>> -> memref<10x32x128xf32, #tpu.memory_space<hbm>>
    tpu.wait_dma2 semaphore(%arg10 : memref<!tpu.dma_semaphore, #tpu.memory_space<semaphore_mem>>) src(%arg6 : memref<10x32x128xf32, #tpu.memory_space<vmem>>) dst(%dma_wait3A_1502 : memref<10x32x128xf32, #tpu.memory_space<hbm>>)
    %dma_wait3A_1503 = arith.constant 20 : i32
    %dma_wait3A_1504 = arith.constant 1280 : i32
    %dma_wait3A_1505 = tpu.memref_slice %arg4[%dma_wait3A_1503, %mul3A_2, %dma_wait3A_1504] : memref<50x1024x2048xf32, #tpu.memory_space<hbm>> -> memref<10x32x128xf32, #tpu.memory_space<hbm>>
    %dma_wait3A_1506 = arith.constant 20 : i32
    %dma_wait3A_1507 = arith.constant 1280 : i32
    %dma_wait3A_1508 = tpu.memref_slice %arg4[%dma_wait3A_1506, %mul3A_2, %dma_wait3A_1507] : memref<50x1024x2048xf32, #tpu.memory_space<hbm>> -> memref<10x32x128xf32, #tpu.memory_space<hbm>>
    tpu.wait_dma2 semaphore(%arg10 : memref<!tpu.dma_semaphore, #tpu.memory_space<semaphore_mem>>) src(%arg6 : memref<10x32x128xf32, #tpu.memory_space<vmem>>) dst(%dma_wait3A_1508 : memref<10x32x128xf32, #tpu.memory_space<hbm>>)
    %dma_wait3A_1509 = arith.constant 20 : i32
    %dma_wait3A_1510 = arith.constant 1408 : i32
    %dma_wait3A_1511 = tpu.memref_slice %arg4[%dma_wait3A_1509, %mul3A_2, %dma_wait3A_1510] : memref<50x1024x2048xf32, #tpu.memory_space<hbm>> -> memref<10x32x128xf32, #tpu.memory_space<hbm>>
    %dma_wait3A_1512 = arith.constant 20 : i32
    %dma_wait3A_1513 = arith.constant 1408 : i32
    %dma_wait3A_1514 = tpu.memref_slice %arg4[%dma_wait3A_1512, %mul3A_2, %dma_wait3A_1513] : memref<50x1024x2048xf32, #tpu.memory_space<hbm>> -> memref<10x32x128xf32, #tpu.memory_space<hbm>>
    tpu.wait_dma2 semaphore(%arg10 : memref<!tpu.dma_semaphore, #tpu.memory_space<semaphore_mem>>) src(%arg6 : memref<10x32x128xf32, #tpu.memory_space<vmem>>) dst(%dma_wait3A_1514 : memref<10x32x128xf32, #tpu.memory_space<hbm>>)
    %dma_wait3A_1515 = arith.constant 20 : i32
    %dma_wait3A_1516 = arith.constant 1536 : i32
    %dma_wait3A_1517 = tpu.memref_slice %arg4[%dma_wait3A_1515, %mul3A_2, %dma_wait3A_1516] : memref<50x1024x2048xf32, #tpu.memory_space<hbm>> -> memref<10x32x128xf32, #tpu.memory_space<hbm>>
    %dma_wait3A_1518 = arith.constant 20 : i32
    %dma_wait3A_1519 = arith.constant 1536 : i32
    %dma_wait3A_1520 = tpu.memref_slice %arg4[%dma_wait3A_1518, %mul3A_2, %dma_wait3A_1519] : memref<50x1024x2048xf32, #tpu.memory_space<hbm>> -> memref<10x32x128xf32, #tpu.memory_space<hbm>>
    tpu.wait_dma2 semaphore(%arg10 : memref<!tpu.dma_semaphore, #tpu.memory_space<semaphore_mem>>) src(%arg6 : memref<10x32x128xf32, #tpu.memory_space<vmem>>) dst(%dma_wait3A_1520 : memref<10x32x128xf32, #tpu.memory_space<hbm>>)
    %dma_wait3A_1521 = arith.constant 20 : i32
    %dma_wait3A_1522 = arith.constant 1664 : i32
    %dma_wait3A_1523 = tpu.memref_slice %arg4[%dma_wait3A_1521, %mul3A_2, %dma_wait3A_1522] : memref<50x1024x2048xf32, #tpu.memory_space<hbm>> -> memref<10x32x128xf32, #tpu.memory_space<hbm>>
    %dma_wait3A_1524 = arith.constant 20 : i32
    %dma_wait3A_1525 = arith.constant 1664 : i32
    %dma_wait3A_1526 = tpu.memref_slice %arg4[%dma_wait3A_1524, %mul3A_2, %dma_wait3A_1525] : memref<50x1024x2048xf32, #tpu.memory_space<hbm>> -> memref<10x32x128xf32, #tpu.memory_space<hbm>>
    tpu.wait_dma2 semaphore(%arg10 : memref<!tpu.dma_semaphore, #tpu.memory_space<semaphore_mem>>) src(%arg6 : memref<10x32x128xf32, #tpu.memory_space<vmem>>) dst(%dma_wait3A_1526 : memref<10x32x128xf32, #tpu.memory_space<hbm>>)
    %dma_wait3A_1527 = arith.constant 20 : i32
    %dma_wait3A_1528 = arith.constant 1792 : i32
    %dma_wait3A_1529 = tpu.memref_slice %arg4[%dma_wait3A_1527, %mul3A_2, %dma_wait3A_1528] : memref<50x1024x2048xf32, #tpu.memory_space<hbm>> -> memref<10x32x128xf32, #tpu.memory_space<hbm>>
    %dma_wait3A_1530 = arith.constant 20 : i32
    %dma_wait3A_1531 = arith.constant 1792 : i32
    %dma_wait3A_1532 = tpu.memref_slice %arg4[%dma_wait3A_1530, %mul3A_2, %dma_wait3A_1531] : memref<50x1024x2048xf32, #tpu.memory_space<hbm>> -> memref<10x32x128xf32, #tpu.memory_space<hbm>>
    tpu.wait_dma2 semaphore(%arg10 : memref<!tpu.dma_semaphore, #tpu.memory_space<semaphore_mem>>) src(%arg6 : memref<10x32x128xf32, #tpu.memory_space<vmem>>) dst(%dma_wait3A_1532 : memref<10x32x128xf32, #tpu.memory_space<hbm>>)
    %dma_wait3A_1533 = arith.constant 20 : i32
    %dma_wait3A_1534 = arith.constant 1920 : i32
    %dma_wait3A_1535 = tpu.memref_slice %arg4[%dma_wait3A_1533, %mul3A_2, %dma_wait3A_1534] : memref<50x1024x2048xf32, #tpu.memory_space<hbm>> -> memref<10x32x128xf32, #tpu.memory_space<hbm>>
    %dma_wait3A_1536 = arith.constant 20 : i32
    %dma_wait3A_1537 = arith.constant 1920 : i32
    %dma_wait3A_1538 = tpu.memref_slice %arg4[%dma_wait3A_1536, %mul3A_2, %dma_wait3A_1537] : memref<50x1024x2048xf32, #tpu.memory_space<hbm>> -> memref<10x32x128xf32, #tpu.memory_space<hbm>>
    tpu.wait_dma2 semaphore(%arg10 : memref<!tpu.dma_semaphore, #tpu.memory_space<semaphore_mem>>) src(%arg6 : memref<10x32x128xf32, #tpu.memory_space<vmem>>) dst(%dma_wait3A_1538 : memref<10x32x128xf32, #tpu.memory_space<hbm>>)
    %dma_start3A_1539 = arith.constant 40 : i32
    %dma_start3A_1540 = arith.constant 0 : i32
    %dma_start3A_1541 = arith.constant 0 : i32
    %dma_start3A_1542 = arith.constant 0 : i32
    %dma_start3A_1543 = tpu.memref_slice %arg6[%dma_start3A_1540, %dma_start3A_1541, %dma_start3A_1542] : memref<10x32x128xf32, #tpu.memory_space<vmem>> -> memref<1x32x128xf32, #tpu.memory_space<vmem>>
    %dma_start3A_1544 = tpu.memref_squeeze %dma_start3A_1543 : memref<1x32x128xf32, #tpu.memory_space<vmem>> -> memref<32x128xf32, #tpu.memory_space<vmem>>
    %dma_start3A_1545 = arith.constant 0 : i32
    %dma_start3A_1546 = tpu.memref_slice %arg5[%dma_start3A_1539, %dma_start3A_1545] : memref<50x32xi32, #tpu.memory_space<vmem>> -> memref<1x32xi32, #tpu.memory_space<vmem>>
    %dma_start3A_1547 = tpu.memref_squeeze %dma_start3A_1546 : memref<1x32xi32, #tpu.memory_space<vmem>> -> memref<32xi32, #tpu.memory_space<vmem>>
    %dma_start3A_1548 = arith.constant 0 : i32
    %dma_start3A_1549 = arith.constant 0 : i32
    %dma_start3A_1550 = tpu.memref_slice %arg8[%dma_start3A_1548, %dma_start3A_1549] : memref<130x128xf32, #tpu.memory_space<vmem_shared>> -> memref<130x128xf32, #tpu.memory_space<vmem_shared>>
    tpu.enqueue_indirect_dma source(%dma_start3A_1550 : memref<130x128xf32, #tpu.memory_space<vmem_shared>>) target(%dma_start3A_1544 : memref<32x128xf32, #tpu.memory_space<vmem>>) offsets(%dma_start3A_1547 : memref<32xi32, #tpu.memory_space<vmem>>) semaphore(%arg9 : memref<!tpu.dma_semaphore, #tpu.memory_space<semaphore_mem>>)
    %dma_start3A_1551 = arith.constant 41 : i32
    %dma_start3A_1552 = arith.constant 1 : i32
    %dma_start3A_1553 = arith.constant 0 : i32
    %dma_start3A_1554 = arith.constant 0 : i32
    %dma_start3A_1555 = tpu.memref_slice %arg6[%dma_start3A_1552, %dma_start3A_1553, %dma_start3A_1554] : memref<10x32x128xf32, #tpu.memory_space<vmem>> -> memref<1x32x128xf32, #tpu.memory_space<vmem>>
    %dma_start3A_1556 = tpu.memref_squeeze %dma_start3A_1555 : memref<1x32x128xf32, #tpu.memory_space<vmem>> -> memref<32x128xf32, #tpu.memory_space<vmem>>
    %dma_start3A_1557 = arith.constant 0 : i32
    %dma_start3A_1558 = tpu.memref_slice %arg5[%dma_start3A_1551, %dma_start3A_1557] : memref<50x32xi32, #tpu.memory_space<vmem>> -> memref<1x32xi32, #tpu.memory_space<vmem>>
    %dma_start3A_1559 = tpu.memref_squeeze %dma_start3A_1558 : memref<1x32xi32, #tpu.memory_space<vmem>> -> memref<32xi32, #tpu.memory_space<vmem>>
    %dma_start3A_1560 = arith.constant 0 : i32
    %dma_start3A_1561 = arith.constant 0 : i32
    %dma_start3A_1562 = tpu.memref_slice %arg8[%dma_start3A_1560, %dma_start3A_1561] : memref<130x128xf32, #tpu.memory_space<vmem_shared>> -> memref<130x128xf32, #tpu.memory_space<vmem_shared>>
    tpu.enqueue_indirect_dma source(%dma_start3A_1562 : memref<130x128xf32, #tpu.memory_space<vmem_shared>>) target(%dma_start3A_1556 : memref<32x128xf32, #tpu.memory_space<vmem>>) offsets(%dma_start3A_1559 : memref<32xi32, #tpu.memory_space<vmem>>) semaphore(%arg9 : memref<!tpu.dma_semaphore, #tpu.memory_space<semaphore_mem>>)
    %dma_start3A_1563 = arith.constant 42 : i32
    %dma_start3A_1564 = arith.constant 2 : i32
    %dma_start3A_1565 = arith.constant 0 : i32
    %dma_start3A_1566 = arith.constant 0 : i32
    %dma_start3A_1567 = tpu.memref_slice %arg6[%dma_start3A_1564, %dma_start3A_1565, %dma_start3A_1566] : memref<10x32x128xf32, #tpu.memory_space<vmem>> -> memref<1x32x128xf32, #tpu.memory_space<vmem>>
    %dma_start3A_1568 = tpu.memref_squeeze %dma_start3A_1567 : memref<1x32x128xf32, #tpu.memory_space<vmem>> -> memref<32x128xf32, #tpu.memory_space<vmem>>
    %dma_start3A_1569 = arith.constant 0 : i32
    %dma_start3A_1570 = tpu.memref_slice %arg5[%dma_start3A_1563, %dma_start3A_1569] : memref<50x32xi32, #tpu.memory_space<vmem>> -> memref<1x32xi32, #tpu.memory_space<vmem>>
    %dma_start3A_1571 = tpu.memref_squeeze %dma_start3A_1570 : memref<1x32xi32, #tpu.memory_space<vmem>> -> memref<32xi32, #tpu.memory_space<vmem>>
    %dma_start3A_1572 = arith.constant 0 : i32
    %dma_start3A_1573 = arith.constant 0 : i32
    %dma_start3A_1574 = tpu.memref_slice %arg8[%dma_start3A_1572, %dma_start3A_1573] : memref<130x128xf32, #tpu.memory_space<vmem_shared>> -> memref<130x128xf32, #tpu.memory_space<vmem_shared>>
    tpu.enqueue_indirect_dma source(%dma_start3A_1574 : memref<130x128xf32, #tpu.memory_space<vmem_shared>>) target(%dma_start3A_1568 : memref<32x128xf32, #tpu.memory_space<vmem>>) offsets(%dma_start3A_1571 : memref<32xi32, #tpu.memory_space<vmem>>) semaphore(%arg9 : memref<!tpu.dma_semaphore, #tpu.memory_space<semaphore_mem>>)
    %dma_start3A_1575 = arith.constant 43 : i32
    %dma_start3A_1576 = arith.constant 3 : i32
    %dma_start3A_1577 = arith.constant 0 : i32
    %dma_start3A_1578 = arith.constant 0 : i32
    %dma_start3A_1579 = tpu.memref_slice %arg6[%dma_start3A_1576, %dma_start3A_1577, %dma_start3A_1578] : memref<10x32x128xf32, #tpu.memory_space<vmem>> -> memref<1x32x128xf32, #tpu.memory_space<vmem>>
    %dma_start3A_1580 = tpu.memref_squeeze %dma_start3A_1579 : memref<1x32x128xf32, #tpu.memory_space<vmem>> -> memref<32x128xf32, #tpu.memory_space<vmem>>
    %dma_start3A_1581 = arith.constant 0 : i32
    %dma_start3A_1582 = tpu.memref_slice %arg5[%dma_start3A_1575, %dma_start3A_1581] : memref<50x32xi32, #tpu.memory_space<vmem>> -> memref<1x32xi32, #tpu.memory_space<vmem>>
    %dma_start3A_1583 = tpu.memref_squeeze %dma_start3A_1582 : memref<1x32xi32, #tpu.memory_space<vmem>> -> memref<32xi32, #tpu.memory_space<vmem>>
    %dma_start3A_1584 = arith.constant 0 : i32
    %dma_start3A_1585 = arith.constant 0 : i32
    %dma_start3A_1586 = tpu.memref_slice %arg8[%dma_start3A_1584, %dma_start3A_1585] : memref<130x128xf32, #tpu.memory_space<vmem_shared>> -> memref<130x128xf32, #tpu.memory_space<vmem_shared>>
    tpu.enqueue_indirect_dma source(%dma_start3A_1586 : memref<130x128xf32, #tpu.memory_space<vmem_shared>>) target(%dma_start3A_1580 : memref<32x128xf32, #tpu.memory_space<vmem>>) offsets(%dma_start3A_1583 : memref<32xi32, #tpu.memory_space<vmem>>) semaphore(%arg9 : memref<!tpu.dma_semaphore, #tpu.memory_space<semaphore_mem>>)
    %dma_start3A_1587 = arith.constant 44 : i32
    %dma_start3A_1588 = arith.constant 4 : i32
    %dma_start3A_1589 = arith.constant 0 : i32
    %dma_start3A_1590 = arith.constant 0 : i32
    %dma_start3A_1591 = tpu.memref_slice %arg6[%dma_start3A_1588, %dma_start3A_1589, %dma_start3A_1590] : memref<10x32x128xf32, #tpu.memory_space<vmem>> -> memref<1x32x128xf32, #tpu.memory_space<vmem>>
    %dma_start3A_1592 = tpu.memref_squeeze %dma_start3A_1591 : memref<1x32x128xf32, #tpu.memory_space<vmem>> -> memref<32x128xf32, #tpu.memory_space<vmem>>
    %dma_start3A_1593 = arith.constant 0 : i32
    %dma_start3A_1594 = tpu.memref_slice %arg5[%dma_start3A_1587, %dma_start3A_1593] : memref<50x32xi32, #tpu.memory_space<vmem>> -> memref<1x32xi32, #tpu.memory_space<vmem>>
    %dma_start3A_1595 = tpu.memref_squeeze %dma_start3A_1594 : memref<1x32xi32, #tpu.memory_space<vmem>> -> memref<32xi32, #tpu.memory_space<vmem>>
    %dma_start3A_1596 = arith.constant 0 : i32
    %dma_start3A_1597 = arith.constant 0 : i32
    %dma_start3A_1598 = tpu.memref_slice %arg8[%dma_start3A_1596, %dma_start3A_1597] : memref<130x128xf32, #tpu.memory_space<vmem_shared>> -> memref<130x128xf32, #tpu.memory_space<vmem_shared>>
    tpu.enqueue_indirect_dma source(%dma_start3A_1598 : memref<130x128xf32, #tpu.memory_space<vmem_shared>>) target(%dma_start3A_1592 : memref<32x128xf32, #tpu.memory_space<vmem>>) offsets(%dma_start3A_1595 : memref<32xi32, #tpu.memory_space<vmem>>) semaphore(%arg9 : memref<!tpu.dma_semaphore, #tpu.memory_space<semaphore_mem>>)
    %dma_start3A_1599 = arith.constant 45 : i32
    %dma_start3A_1600 = arith.constant 5 : i32
    %dma_start3A_1601 = arith.constant 0 : i32
    %dma_start3A_1602 = arith.constant 0 : i32
    %dma_start3A_1603 = tpu.memref_slice %arg6[%dma_start3A_1600, %dma_start3A_1601, %dma_start3A_1602] : memref<10x32x128xf32, #tpu.memory_space<vmem>> -> memref<1x32x128xf32, #tpu.memory_space<vmem>>
    %dma_start3A_1604 = tpu.memref_squeeze %dma_start3A_1603 : memref<1x32x128xf32, #tpu.memory_space<vmem>> -> memref<32x128xf32, #tpu.memory_space<vmem>>
    %dma_start3A_1605 = arith.constant 0 : i32
    %dma_start3A_1606 = tpu.memref_slice %arg5[%dma_start3A_1599, %dma_start3A_1605] : memref<50x32xi32, #tpu.memory_space<vmem>> -> memref<1x32xi32, #tpu.memory_space<vmem>>
    %dma_start3A_1607 = tpu.memref_squeeze %dma_start3A_1606 : memref<1x32xi32, #tpu.memory_space<vmem>> -> memref<32xi32, #tpu.memory_space<vmem>>
    %dma_start3A_1608 = arith.constant 0 : i32
    %dma_start3A_1609 = arith.constant 0 : i32
    %dma_start3A_1610 = tpu.memref_slice %arg8[%dma_start3A_1608, %dma_start3A_1609] : memref<130x128xf32, #tpu.memory_space<vmem_shared>> -> memref<130x128xf32, #tpu.memory_space<vmem_shared>>
    tpu.enqueue_indirect_dma source(%dma_start3A_1610 : memref<130x128xf32, #tpu.memory_space<vmem_shared>>) target(%dma_start3A_1604 : memref<32x128xf32, #tpu.memory_space<vmem>>) offsets(%dma_start3A_1607 : memref<32xi32, #tpu.memory_space<vmem>>) semaphore(%arg9 : memref<!tpu.dma_semaphore, #tpu.memory_space<semaphore_mem>>)
    %dma_start3A_1611 = arith.constant 46 : i32
    %dma_start3A_1612 = arith.constant 6 : i32
    %dma_start3A_1613 = arith.constant 0 : i32
    %dma_start3A_1614 = arith.constant 0 : i32
    %dma_start3A_1615 = tpu.memref_slice %arg6[%dma_start3A_1612, %dma_start3A_1613, %dma_start3A_1614] : memref<10x32x128xf32, #tpu.memory_space<vmem>> -> memref<1x32x128xf32, #tpu.memory_space<vmem>>
    %dma_start3A_1616 = tpu.memref_squeeze %dma_start3A_1615 : memref<1x32x128xf32, #tpu.memory_space<vmem>> -> memref<32x128xf32, #tpu.memory_space<vmem>>
    %dma_start3A_1617 = arith.constant 0 : i32
    %dma_start3A_1618 = tpu.memref_slice %arg5[%dma_start3A_1611, %dma_start3A_1617] : memref<50x32xi32, #tpu.memory_space<vmem>> -> memref<1x32xi32, #tpu.memory_space<vmem>>
    %dma_start3A_1619 = tpu.memref_squeeze %dma_start3A_1618 : memref<1x32xi32, #tpu.memory_space<vmem>> -> memref<32xi32, #tpu.memory_space<vmem>>
    %dma_start3A_1620 = arith.constant 0 : i32
    %dma_start3A_1621 = arith.constant 0 : i32
    %dma_start3A_1622 = tpu.memref_slice %arg8[%dma_start3A_1620, %dma_start3A_1621] : memref<130x128xf32, #tpu.memory_space<vmem_shared>> -> memref<130x128xf32, #tpu.memory_space<vmem_shared>>
    tpu.enqueue_indirect_dma source(%dma_start3A_1622 : memref<130x128xf32, #tpu.memory_space<vmem_shared>>) target(%dma_start3A_1616 : memref<32x128xf32, #tpu.memory_space<vmem>>) offsets(%dma_start3A_1619 : memref<32xi32, #tpu.memory_space<vmem>>) semaphore(%arg9 : memref<!tpu.dma_semaphore, #tpu.memory_space<semaphore_mem>>)
    %dma_start3A_1623 = arith.constant 47 : i32
    %dma_start3A_1624 = arith.constant 7 : i32
    %dma_start3A_1625 = arith.constant 0 : i32
    %dma_start3A_1626 = arith.constant 0 : i32
    %dma_start3A_1627 = tpu.memref_slice %arg6[%dma_start3A_1624, %dma_start3A_1625, %dma_start3A_1626] : memref<10x32x128xf32, #tpu.memory_space<vmem>> -> memref<1x32x128xf32, #tpu.memory_space<vmem>>
    %dma_start3A_1628 = tpu.memref_squeeze %dma_start3A_1627 : memref<1x32x128xf32, #tpu.memory_space<vmem>> -> memref<32x128xf32, #tpu.memory_space<vmem>>
    %dma_start3A_1629 = arith.constant 0 : i32
    %dma_start3A_1630 = tpu.memref_slice %arg5[%dma_start3A_1623, %dma_start3A_1629] : memref<50x32xi32, #tpu.memory_space<vmem>> -> memref<1x32xi32, #tpu.memory_space<vmem>>
    %dma_start3A_1631 = tpu.memref_squeeze %dma_start3A_1630 : memref<1x32xi32, #tpu.memory_space<vmem>> -> memref<32xi32, #tpu.memory_space<vmem>>
    %dma_start3A_1632 = arith.constant 0 : i32
    %dma_start3A_1633 = arith.constant 0 : i32
    %dma_start3A_1634 = tpu.memref_slice %arg8[%dma_start3A_1632, %dma_start3A_1633] : memref<130x128xf32, #tpu.memory_space<vmem_shared>> -> memref<130x128xf32, #tpu.memory_space<vmem_shared>>
    tpu.enqueue_indirect_dma source(%dma_start3A_1634 : memref<130x128xf32, #tpu.memory_space<vmem_shared>>) target(%dma_start3A_1628 : memref<32x128xf32, #tpu.memory_space<vmem>>) offsets(%dma_start3A_1631 : memref<32xi32, #tpu.memory_space<vmem>>) semaphore(%arg9 : memref<!tpu.dma_semaphore, #tpu.memory_space<semaphore_mem>>)
    %dma_start3A_1635 = arith.constant 48 : i32
    %dma_start3A_1636 = arith.constant 8 : i32
    %dma_start3A_1637 = arith.constant 0 : i32
    %dma_start3A_1638 = arith.constant 0 : i32
    %dma_start3A_1639 = tpu.memref_slice %arg6[%dma_start3A_1636, %dma_start3A_1637, %dma_start3A_1638] : memref<10x32x128xf32, #tpu.memory_space<vmem>> -> memref<1x32x128xf32, #tpu.memory_space<vmem>>
    %dma_start3A_1640 = tpu.memref_squeeze %dma_start3A_1639 : memref<1x32x128xf32, #tpu.memory_space<vmem>> -> memref<32x128xf32, #tpu.memory_space<vmem>>
    %dma_start3A_1641 = arith.constant 0 : i32
    %dma_start3A_1642 = tpu.memref_slice %arg5[%dma_start3A_1635, %dma_start3A_1641] : memref<50x32xi32, #tpu.memory_space<vmem>> -> memref<1x32xi32, #tpu.memory_space<vmem>>
    %dma_start3A_1643 = tpu.memref_squeeze %dma_start3A_1642 : memref<1x32xi32, #tpu.memory_space<vmem>> -> memref<32xi32, #tpu.memory_space<vmem>>
    %dma_start3A_1644 = arith.constant 0 : i32
    %dma_start3A_1645 = arith.constant 0 : i32
    %dma_start3A_1646 = tpu.memref_slice %arg8[%dma_start3A_1644, %dma_start3A_1645] : memref<130x128xf32, #tpu.memory_space<vmem_shared>> -> memref<130x128xf32, #tpu.memory_space<vmem_shared>>
    tpu.enqueue_indirect_dma source(%dma_start3A_1646 : memref<130x128xf32, #tpu.memory_space<vmem_shared>>) target(%dma_start3A_1640 : memref<32x128xf32, #tpu.memory_space<vmem>>) offsets(%dma_start3A_1643 : memref<32xi32, #tpu.memory_space<vmem>>) semaphore(%arg9 : memref<!tpu.dma_semaphore, #tpu.memory_space<semaphore_mem>>)
    %dma_start3A_1647 = arith.constant 49 : i32
    %dma_start3A_1648 = arith.constant 9 : i32
    %dma_start3A_1649 = arith.constant 0 : i32
    %dma_start3A_1650 = arith.constant 0 : i32
    %dma_start3A_1651 = tpu.memref_slice %arg6[%dma_start3A_1648, %dma_start3A_1649, %dma_start3A_1650] : memref<10x32x128xf32, #tpu.memory_space<vmem>> -> memref<1x32x128xf32, #tpu.memory_space<vmem>>
    %dma_start3A_1652 = tpu.memref_squeeze %dma_start3A_1651 : memref<1x32x128xf32, #tpu.memory_space<vmem>> -> memref<32x128xf32, #tpu.memory_space<vmem>>
    %dma_start3A_1653 = arith.constant 0 : i32
    %dma_start3A_1654 = tpu.memref_slice %arg5[%dma_start3A_1647, %dma_start3A_1653] : memref<50x32xi32, #tpu.memory_space<vmem>> -> memref<1x32xi32, #tpu.memory_space<vmem>>
    %dma_start3A_1655 = tpu.memref_squeeze %dma_start3A_1654 : memref<1x32xi32, #tpu.memory_space<vmem>> -> memref<32xi32, #tpu.memory_space<vmem>>
    %dma_start3A_1656 = arith.constant 0 : i32
    %dma_start3A_1657 = arith.constant 0 : i32
    %dma_start3A_1658 = tpu.memref_slice %arg8[%dma_start3A_1656, %dma_start3A_1657] : memref<130x128xf32, #tpu.memory_space<vmem_shared>> -> memref<130x128xf32, #tpu.memory_space<vmem_shared>>
    tpu.enqueue_indirect_dma source(%dma_start3A_1658 : memref<130x128xf32, #tpu.memory_space<vmem_shared>>) target(%dma_start3A_1652 : memref<32x128xf32, #tpu.memory_space<vmem>>) offsets(%dma_start3A_1655 : memref<32xi32, #tpu.memory_space<vmem>>) semaphore(%arg9 : memref<!tpu.dma_semaphore, #tpu.memory_space<semaphore_mem>>)
    %dma_start3A_1659 = arith.constant 30 : i32
    %dma_start3A_1660 = arith.constant 0 : i32
    %dma_start3A_1661 = tpu.memref_slice %arg4[%dma_start3A_1659, %mul3A_2, %dma_start3A_1660] : memref<50x1024x2048xf32, #tpu.memory_space<hbm>> -> memref<10x32x128xf32, #tpu.memory_space<hbm>>
    %dma_start3A_1662 = arith.constant 30 : i32
    %dma_start3A_1663 = arith.constant 0 : i32
    %dma_start3A_1664 = tpu.memref_slice %arg4[%dma_start3A_1662, %mul3A_2, %dma_start3A_1663] : memref<50x1024x2048xf32, #tpu.memory_space<hbm>> -> memref<10x32x128xf32, #tpu.memory_space<hbm>>
    tpu.enqueue_dma source(%arg7 : memref<10x32x128xf32, #tpu.memory_space<vmem>>) target(%dma_start3A_1664 : memref<10x32x128xf32, #tpu.memory_space<hbm>>) target_semaphore(%arg11 : memref<!tpu.dma_semaphore, #tpu.memory_space<semaphore_mem>>)
    %dma_start3A_1665 = arith.constant 30 : i32
    %dma_start3A_1666 = arith.constant 128 : i32
    %dma_start3A_1667 = tpu.memref_slice %arg4[%dma_start3A_1665, %mul3A_2, %dma_start3A_1666] : memref<50x1024x2048xf32, #tpu.memory_space<hbm>> -> memref<10x32x128xf32, #tpu.memory_space<hbm>>
    %dma_start3A_1668 = arith.constant 30 : i32
    %dma_start3A_1669 = arith.constant 128 : i32
    %dma_start3A_1670 = tpu.memref_slice %arg4[%dma_start3A_1668, %mul3A_2, %dma_start3A_1669] : memref<50x1024x2048xf32, #tpu.memory_space<hbm>> -> memref<10x32x128xf32, #tpu.memory_space<hbm>>
    tpu.enqueue_dma source(%arg7 : memref<10x32x128xf32, #tpu.memory_space<vmem>>) target(%dma_start3A_1670 : memref<10x32x128xf32, #tpu.memory_space<hbm>>) target_semaphore(%arg11 : memref<!tpu.dma_semaphore, #tpu.memory_space<semaphore_mem>>)
    %dma_start3A_1671 = arith.constant 30 : i32
    %dma_start3A_1672 = arith.constant 256 : i32
    %dma_start3A_1673 = tpu.memref_slice %arg4[%dma_start3A_1671, %mul3A_2, %dma_start3A_1672] : memref<50x1024x2048xf32, #tpu.memory_space<hbm>> -> memref<10x32x128xf32, #tpu.memory_space<hbm>>
    %dma_start3A_1674 = arith.constant 30 : i32
    %dma_start3A_1675 = arith.constant 256 : i32
    %dma_start3A_1676 = tpu.memref_slice %arg4[%dma_start3A_1674, %mul3A_2, %dma_start3A_1675] : memref<50x1024x2048xf32, #tpu.memory_space<hbm>> -> memref<10x32x128xf32, #tpu.memory_space<hbm>>
    tpu.enqueue_dma source(%arg7 : memref<10x32x128xf32, #tpu.memory_space<vmem>>) target(%dma_start3A_1676 : memref<10x32x128xf32, #tpu.memory_space<hbm>>) target_semaphore(%arg11 : memref<!tpu.dma_semaphore, #tpu.memory_space<semaphore_mem>>)
    %dma_start3A_1677 = arith.constant 30 : i32
    %dma_start3A_1678 = arith.constant 384 : i32
    %dma_start3A_1679 = tpu.memref_slice %arg4[%dma_start3A_1677, %mul3A_2, %dma_start3A_1678] : memref<50x1024x2048xf32, #tpu.memory_space<hbm>> -> memref<10x32x128xf32, #tpu.memory_space<hbm>>
    %dma_start3A_1680 = arith.constant 30 : i32
    %dma_start3A_1681 = arith.constant 384 : i32
    %dma_start3A_1682 = tpu.memref_slice %arg4[%dma_start3A_1680, %mul3A_2, %dma_start3A_1681] : memref<50x1024x2048xf32, #tpu.memory_space<hbm>> -> memref<10x32x128xf32, #tpu.memory_space<hbm>>
    tpu.enqueue_dma source(%arg7 : memref<10x32x128xf32, #tpu.memory_space<vmem>>) target(%dma_start3A_1682 : memref<10x32x128xf32, #tpu.memory_space<hbm>>) target_semaphore(%arg11 : memref<!tpu.dma_semaphore, #tpu.memory_space<semaphore_mem>>)
    %dma_start3A_1683 = arith.constant 30 : i32
    %dma_start3A_1684 = arith.constant 512 : i32
    %dma_start3A_1685 = tpu.memref_slice %arg4[%dma_start3A_1683, %mul3A_2, %dma_start3A_1684] : memref<50x1024x2048xf32, #tpu.memory_space<hbm>> -> memref<10x32x128xf32, #tpu.memory_space<hbm>>
    %dma_start3A_1686 = arith.constant 30 : i32
    %dma_start3A_1687 = arith.constant 512 : i32
    %dma_start3A_1688 = tpu.memref_slice %arg4[%dma_start3A_1686, %mul3A_2, %dma_start3A_1687] : memref<50x1024x2048xf32, #tpu.memory_space<hbm>> -> memref<10x32x128xf32, #tpu.memory_space<hbm>>
    tpu.enqueue_dma source(%arg7 : memref<10x32x128xf32, #tpu.memory_space<vmem>>) target(%dma_start3A_1688 : memref<10x32x128xf32, #tpu.memory_space<hbm>>) target_semaphore(%arg11 : memref<!tpu.dma_semaphore, #tpu.memory_space<semaphore_mem>>)
    %dma_start3A_1689 = arith.constant 30 : i32
    %dma_start3A_1690 = arith.constant 640 : i32
    %dma_start3A_1691 = tpu.memref_slice %arg4[%dma_start3A_1689, %mul3A_2, %dma_start3A_1690] : memref<50x1024x2048xf32, #tpu.memory_space<hbm>> -> memref<10x32x128xf32, #tpu.memory_space<hbm>>
    %dma_start3A_1692 = arith.constant 30 : i32
    %dma_start3A_1693 = arith.constant 640 : i32
    %dma_start3A_1694 = tpu.memref_slice %arg4[%dma_start3A_1692, %mul3A_2, %dma_start3A_1693] : memref<50x1024x2048xf32, #tpu.memory_space<hbm>> -> memref<10x32x128xf32, #tpu.memory_space<hbm>>
    tpu.enqueue_dma source(%arg7 : memref<10x32x128xf32, #tpu.memory_space<vmem>>) target(%dma_start3A_1694 : memref<10x32x128xf32, #tpu.memory_space<hbm>>) target_semaphore(%arg11 : memref<!tpu.dma_semaphore, #tpu.memory_space<semaphore_mem>>)
    %dma_start3A_1695 = arith.constant 30 : i32
    %dma_start3A_1696 = arith.constant 768 : i32
    %dma_start3A_1697 = tpu.memref_slice %arg4[%dma_start3A_1695, %mul3A_2, %dma_start3A_1696] : memref<50x1024x2048xf32, #tpu.memory_space<hbm>> -> memref<10x32x128xf32, #tpu.memory_space<hbm>>
    %dma_start3A_1698 = arith.constant 30 : i32
    %dma_start3A_1699 = arith.constant 768 : i32
    %dma_start3A_1700 = tpu.memref_slice %arg4[%dma_start3A_1698, %mul3A_2, %dma_start3A_1699] : memref<50x1024x2048xf32, #tpu.memory_space<hbm>> -> memref<10x32x128xf32, #tpu.memory_space<hbm>>
    tpu.enqueue_dma source(%arg7 : memref<10x32x128xf32, #tpu.memory_space<vmem>>) target(%dma_start3A_1700 : memref<10x32x128xf32, #tpu.memory_space<hbm>>) target_semaphore(%arg11 : memref<!tpu.dma_semaphore, #tpu.memory_space<semaphore_mem>>)
    %dma_start3A_1701 = arith.constant 30 : i32
    %dma_start3A_1702 = arith.constant 896 : i32
    %dma_start3A_1703 = tpu.memref_slice %arg4[%dma_start3A_1701, %mul3A_2, %dma_start3A_1702] : memref<50x1024x2048xf32, #tpu.memory_space<hbm>> -> memref<10x32x128xf32, #tpu.memory_space<hbm>>
    %dma_start3A_1704 = arith.constant 30 : i32
    %dma_start3A_1705 = arith.constant 896 : i32
    %dma_start3A_1706 = tpu.memref_slice %arg4[%dma_start3A_1704, %mul3A_2, %dma_start3A_1705] : memref<50x1024x2048xf32, #tpu.memory_space<hbm>> -> memref<10x32x128xf32, #tpu.memory_space<hbm>>
    tpu.enqueue_dma source(%arg7 : memref<10x32x128xf32, #tpu.memory_space<vmem>>) target(%dma_start3A_1706 : memref<10x32x128xf32, #tpu.memory_space<hbm>>) target_semaphore(%arg11 : memref<!tpu.dma_semaphore, #tpu.memory_space<semaphore_mem>>)
    %dma_start3A_1707 = arith.constant 30 : i32
    %dma_start3A_1708 = arith.constant 1024 : i32
    %dma_start3A_1709 = tpu.memref_slice %arg4[%dma_start3A_1707, %mul3A_2, %dma_start3A_1708] : memref<50x1024x2048xf32, #tpu.memory_space<hbm>> -> memref<10x32x128xf32, #tpu.memory_space<hbm>>
    %dma_start3A_1710 = arith.constant 30 : i32
    %dma_start3A_1711 = arith.constant 1024 : i32
    %dma_start3A_1712 = tpu.memref_slice %arg4[%dma_start3A_1710, %mul3A_2, %dma_start3A_1711] : memref<50x1024x2048xf32, #tpu.memory_space<hbm>> -> memref<10x32x128xf32, #tpu.memory_space<hbm>>
    tpu.enqueue_dma source(%arg7 : memref<10x32x128xf32, #tpu.memory_space<vmem>>) target(%dma_start3A_1712 : memref<10x32x128xf32, #tpu.memory_space<hbm>>) target_semaphore(%arg11 : memref<!tpu.dma_semaphore, #tpu.memory_space<semaphore_mem>>)
    %dma_start3A_1713 = arith.constant 30 : i32
    %dma_start3A_1714 = arith.constant 1152 : i32
    %dma_start3A_1715 = tpu.memref_slice %arg4[%dma_start3A_1713, %mul3A_2, %dma_start3A_1714] : memref<50x1024x2048xf32, #tpu.memory_space<hbm>> -> memref<10x32x128xf32, #tpu.memory_space<hbm>>
    %dma_start3A_1716 = arith.constant 30 : i32
    %dma_start3A_1717 = arith.constant 1152 : i32
    %dma_start3A_1718 = tpu.memref_slice %arg4[%dma_start3A_1716, %mul3A_2, %dma_start3A_1717] : memref<50x1024x2048xf32, #tpu.memory_space<hbm>> -> memref<10x32x128xf32, #tpu.memory_space<hbm>>
    tpu.enqueue_dma source(%arg7 : memref<10x32x128xf32, #tpu.memory_space<vmem>>) target(%dma_start3A_1718 : memref<10x32x128xf32, #tpu.memory_space<hbm>>) target_semaphore(%arg11 : memref<!tpu.dma_semaphore, #tpu.memory_space<semaphore_mem>>)
    %dma_start3A_1719 = arith.constant 30 : i32
    %dma_start3A_1720 = arith.constant 1280 : i32
    %dma_start3A_1721 = tpu.memref_slice %arg4[%dma_start3A_1719, %mul3A_2, %dma_start3A_1720] : memref<50x1024x2048xf32, #tpu.memory_space<hbm>> -> memref<10x32x128xf32, #tpu.memory_space<hbm>>
    %dma_start3A_1722 = arith.constant 30 : i32
    %dma_start3A_1723 = arith.constant 1280 : i32
    %dma_start3A_1724 = tpu.memref_slice %arg4[%dma_start3A_1722, %mul3A_2, %dma_start3A_1723] : memref<50x1024x2048xf32, #tpu.memory_space<hbm>> -> memref<10x32x128xf32, #tpu.memory_space<hbm>>
    tpu.enqueue_dma source(%arg7 : memref<10x32x128xf32, #tpu.memory_space<vmem>>) target(%dma_start3A_1724 : memref<10x32x128xf32, #tpu.memory_space<hbm>>) target_semaphore(%arg11 : memref<!tpu.dma_semaphore, #tpu.memory_space<semaphore_mem>>)
    %dma_start3A_1725 = arith.constant 30 : i32
    %dma_start3A_1726 = arith.constant 1408 : i32
    %dma_start3A_1727 = tpu.memref_slice %arg4[%dma_start3A_1725, %mul3A_2, %dma_start3A_1726] : memref<50x1024x2048xf32, #tpu.memory_space<hbm>> -> memref<10x32x128xf32, #tpu.memory_space<hbm>>
    %dma_start3A_1728 = arith.constant 30 : i32
    %dma_start3A_1729 = arith.constant 1408 : i32
    %dma_start3A_1730 = tpu.memref_slice %arg4[%dma_start3A_1728, %mul3A_2, %dma_start3A_1729] : memref<50x1024x2048xf32, #tpu.memory_space<hbm>> -> memref<10x32x128xf32, #tpu.memory_space<hbm>>
    tpu.enqueue_dma source(%arg7 : memref<10x32x128xf32, #tpu.memory_space<vmem>>) target(%dma_start3A_1730 : memref<10x32x128xf32, #tpu.memory_space<hbm>>) target_semaphore(%arg11 : memref<!tpu.dma_semaphore, #tpu.memory_space<semaphore_mem>>)
    %dma_start3A_1731 = arith.constant 30 : i32
    %dma_start3A_1732 = arith.constant 1536 : i32
    %dma_start3A_1733 = tpu.memref_slice %arg4[%dma_start3A_1731, %mul3A_2, %dma_start3A_1732] : memref<50x1024x2048xf32, #tpu.memory_space<hbm>> -> memref<10x32x128xf32, #tpu.memory_space<hbm>>
    %dma_start3A_1734 = arith.constant 30 : i32
    %dma_start3A_1735 = arith.constant 1536 : i32
    %dma_start3A_1736 = tpu.memref_slice %arg4[%dma_start3A_1734, %mul3A_2, %dma_start3A_1735] : memref<50x1024x2048xf32, #tpu.memory_space<hbm>> -> memref<10x32x128xf32, #tpu.memory_space<hbm>>
    tpu.enqueue_dma source(%arg7 : memref<10x32x128xf32, #tpu.memory_space<vmem>>) target(%dma_start3A_1736 : memref<10x32x128xf32, #tpu.memory_space<hbm>>) target_semaphore(%arg11 : memref<!tpu.dma_semaphore, #tpu.memory_space<semaphore_mem>>)
    %dma_start3A_1737 = arith.constant 30 : i32
    %dma_start3A_1738 = arith.constant 1664 : i32
    %dma_start3A_1739 = tpu.memref_slice %arg4[%dma_start3A_1737, %mul3A_2, %dma_start3A_1738] : memref<50x1024x2048xf32, #tpu.memory_space<hbm>> -> memref<10x32x128xf32, #tpu.memory_space<hbm>>
    %dma_start3A_1740 = arith.constant 30 : i32
    %dma_start3A_1741 = arith.constant 1664 : i32
    %dma_start3A_1742 = tpu.memref_slice %arg4[%dma_start3A_1740, %mul3A_2, %dma_start3A_1741] : memref<50x1024x2048xf32, #tpu.memory_space<hbm>> -> memref<10x32x128xf32, #tpu.memory_space<hbm>>
    tpu.enqueue_dma source(%arg7 : memref<10x32x128xf32, #tpu.memory_space<vmem>>) target(%dma_start3A_1742 : memref<10x32x128xf32, #tpu.memory_space<hbm>>) target_semaphore(%arg11 : memref<!tpu.dma_semaphore, #tpu.memory_space<semaphore_mem>>)
    %dma_start3A_1743 = arith.constant 30 : i32
    %dma_start3A_1744 = arith.constant 1792 : i32
    %dma_start3A_1745 = tpu.memref_slice %arg4[%dma_start3A_1743, %mul3A_2, %dma_start3A_1744] : memref<50x1024x2048xf32, #tpu.memory_space<hbm>> -> memref<10x32x128xf32, #tpu.memory_space<hbm>>
    %dma_start3A_1746 = arith.constant 30 : i32
    %dma_start3A_1747 = arith.constant 1792 : i32
    %dma_start3A_1748 = tpu.memref_slice %arg4[%dma_start3A_1746, %mul3A_2, %dma_start3A_1747] : memref<50x1024x2048xf32, #tpu.memory_space<hbm>> -> memref<10x32x128xf32, #tpu.memory_space<hbm>>
    tpu.enqueue_dma source(%arg7 : memref<10x32x128xf32, #tpu.memory_space<vmem>>) target(%dma_start3A_1748 : memref<10x32x128xf32, #tpu.memory_space<hbm>>) target_semaphore(%arg11 : memref<!tpu.dma_semaphore, #tpu.memory_space<semaphore_mem>>)
    %dma_start3A_1749 = arith.constant 30 : i32
    %dma_start3A_1750 = arith.constant 1920 : i32
    %dma_start3A_1751 = tpu.memref_slice %arg4[%dma_start3A_1749, %mul3A_2, %dma_start3A_1750] : memref<50x1024x2048xf32, #tpu.memory_space<hbm>> -> memref<10x32x128xf32, #tpu.memory_space<hbm>>
    %dma_start3A_1752 = arith.constant 30 : i32
    %dma_start3A_1753 = arith.constant 1920 : i32
    %dma_start3A_1754 = tpu.memref_slice %arg4[%dma_start3A_1752, %mul3A_2, %dma_start3A_1753] : memref<50x1024x2048xf32, #tpu.memory_space<hbm>> -> memref<10x32x128xf32, #tpu.memory_space<hbm>>
    tpu.enqueue_dma source(%arg7 : memref<10x32x128xf32, #tpu.memory_space<vmem>>) target(%dma_start3A_1754 : memref<10x32x128xf32, #tpu.memory_space<hbm>>) target_semaphore(%arg11 : memref<!tpu.dma_semaphore, #tpu.memory_space<semaphore_mem>>)
    %dma_wait3A_1755 = arith.constant 40 : i32
    %dma_wait3A_1756 = arith.constant 0 : i32
    %dma_wait3A_1757 = arith.constant 0 : i32
    %dma_wait3A_1758 = arith.constant 0 : i32
    %dma_wait3A_1759 = tpu.memref_slice %arg6[%dma_wait3A_1756, %dma_wait3A_1757, %dma_wait3A_1758] : memref<10x32x128xf32, #tpu.memory_space<vmem>> -> memref<1x32x128xf32, #tpu.memory_space<vmem>>
    %dma_wait3A_1760 = tpu.memref_squeeze %dma_wait3A_1759 : memref<1x32x128xf32, #tpu.memory_space<vmem>> -> memref<32x128xf32, #tpu.memory_space<vmem>>
    %dma_wait3A_1761 = arith.constant 0 : i32
    %dma_wait3A_1762 = tpu.memref_slice %arg5[%dma_wait3A_1755, %dma_wait3A_1761] : memref<50x32xi32, #tpu.memory_space<vmem>> -> memref<1x32xi32, #tpu.memory_space<vmem>>
    %dma_wait3A_1763 = tpu.memref_squeeze %dma_wait3A_1762 : memref<1x32xi32, #tpu.memory_space<vmem>> -> memref<32xi32, #tpu.memory_space<vmem>>
    %dma_wait3A_1764 = arith.constant 0 : i32
    %dma_wait3A_1765 = arith.constant 0 : i32
    %dma_wait3A_1766 = tpu.memref_slice %arg8[%dma_wait3A_1764, %dma_wait3A_1765] : memref<130x128xf32, #tpu.memory_space<vmem_shared>> -> memref<130x128xf32, #tpu.memory_space<vmem_shared>>
    tpu.wait_indirect_dma semaphore(%arg9 : memref<!tpu.dma_semaphore, #tpu.memory_space<semaphore_mem>>) src(%dma_wait3A_1766 : memref<130x128xf32, #tpu.memory_space<vmem_shared>>) dst(%dma_wait3A_1760 : memref<32x128xf32, #tpu.memory_space<vmem>>)
    %dma_wait3A_1767 = arith.constant 41 : i32
    %dma_wait3A_1768 = arith.constant 1 : i32
    %dma_wait3A_1769 = arith.constant 0 : i32
    %dma_wait3A_1770 = arith.constant 0 : i32
    %dma_wait3A_1771 = tpu.memref_slice %arg6[%dma_wait3A_1768, %dma_wait3A_1769, %dma_wait3A_1770] : memref<10x32x128xf32, #tpu.memory_space<vmem>> -> memref<1x32x128xf32, #tpu.memory_space<vmem>>
    %dma_wait3A_1772 = tpu.memref_squeeze %dma_wait3A_1771 : memref<1x32x128xf32, #tpu.memory_space<vmem>> -> memref<32x128xf32, #tpu.memory_space<vmem>>
    %dma_wait3A_1773 = arith.constant 0 : i32
    %dma_wait3A_1774 = tpu.memref_slice %arg5[%dma_wait3A_1767, %dma_wait3A_1773] : memref<50x32xi32, #tpu.memory_space<vmem>> -> memref<1x32xi32, #tpu.memory_space<vmem>>
    %dma_wait3A_1775 = tpu.memref_squeeze %dma_wait3A_1774 : memref<1x32xi32, #tpu.memory_space<vmem>> -> memref<32xi32, #tpu.memory_space<vmem>>
    %dma_wait3A_1776 = arith.constant 0 : i32
    %dma_wait3A_1777 = arith.constant 0 : i32
    %dma_wait3A_1778 = tpu.memref_slice %arg8[%dma_wait3A_1776, %dma_wait3A_1777] : memref<130x128xf32, #tpu.memory_space<vmem_shared>> -> memref<130x128xf32, #tpu.memory_space<vmem_shared>>
    tpu.wait_indirect_dma semaphore(%arg9 : memref<!tpu.dma_semaphore, #tpu.memory_space<semaphore_mem>>) src(%dma_wait3A_1778 : memref<130x128xf32, #tpu.memory_space<vmem_shared>>) dst(%dma_wait3A_1772 : memref<32x128xf32, #tpu.memory_space<vmem>>)
    %dma_wait3A_1779 = arith.constant 42 : i32
    %dma_wait3A_1780 = arith.constant 2 : i32
    %dma_wait3A_1781 = arith.constant 0 : i32
    %dma_wait3A_1782 = arith.constant 0 : i32
    %dma_wait3A_1783 = tpu.memref_slice %arg6[%dma_wait3A_1780, %dma_wait3A_1781, %dma_wait3A_1782] : memref<10x32x128xf32, #tpu.memory_space<vmem>> -> memref<1x32x128xf32, #tpu.memory_space<vmem>>
    %dma_wait3A_1784 = tpu.memref_squeeze %dma_wait3A_1783 : memref<1x32x128xf32, #tpu.memory_space<vmem>> -> memref<32x128xf32, #tpu.memory_space<vmem>>
    %dma_wait3A_1785 = arith.constant 0 : i32
    %dma_wait3A_1786 = tpu.memref_slice %arg5[%dma_wait3A_1779, %dma_wait3A_1785] : memref<50x32xi32, #tpu.memory_space<vmem>> -> memref<1x32xi32, #tpu.memory_space<vmem>>
    %dma_wait3A_1787 = tpu.memref_squeeze %dma_wait3A_1786 : memref<1x32xi32, #tpu.memory_space<vmem>> -> memref<32xi32, #tpu.memory_space<vmem>>
    %dma_wait3A_1788 = arith.constant 0 : i32
    %dma_wait3A_1789 = arith.constant 0 : i32
    %dma_wait3A_1790 = tpu.memref_slice %arg8[%dma_wait3A_1788, %dma_wait3A_1789] : memref<130x128xf32, #tpu.memory_space<vmem_shared>> -> memref<130x128xf32, #tpu.memory_space<vmem_shared>>
    tpu.wait_indirect_dma semaphore(%arg9 : memref<!tpu.dma_semaphore, #tpu.memory_space<semaphore_mem>>) src(%dma_wait3A_1790 : memref<130x128xf32, #tpu.memory_space<vmem_shared>>) dst(%dma_wait3A_1784 : memref<32x128xf32, #tpu.memory_space<vmem>>)
    %dma_wait3A_1791 = arith.constant 43 : i32
    %dma_wait3A_1792 = arith.constant 3 : i32
    %dma_wait3A_1793 = arith.constant 0 : i32
    %dma_wait3A_1794 = arith.constant 0 : i32
    %dma_wait3A_1795 = tpu.memref_slice %arg6[%dma_wait3A_1792, %dma_wait3A_1793, %dma_wait3A_1794] : memref<10x32x128xf32, #tpu.memory_space<vmem>> -> memref<1x32x128xf32, #tpu.memory_space<vmem>>
    %dma_wait3A_1796 = tpu.memref_squeeze %dma_wait3A_1795 : memref<1x32x128xf32, #tpu.memory_space<vmem>> -> memref<32x128xf32, #tpu.memory_space<vmem>>
    %dma_wait3A_1797 = arith.constant 0 : i32
    %dma_wait3A_1798 = tpu.memref_slice %arg5[%dma_wait3A_1791, %dma_wait3A_1797] : memref<50x32xi32, #tpu.memory_space<vmem>> -> memref<1x32xi32, #tpu.memory_space<vmem>>
    %dma_wait3A_1799 = tpu.memref_squeeze %dma_wait3A_1798 : memref<1x32xi32, #tpu.memory_space<vmem>> -> memref<32xi32, #tpu.memory_space<vmem>>
    %dma_wait3A_1800 = arith.constant 0 : i32
    %dma_wait3A_1801 = arith.constant 0 : i32
    %dma_wait3A_1802 = tpu.memref_slice %arg8[%dma_wait3A_1800, %dma_wait3A_1801] : memref<130x128xf32, #tpu.memory_space<vmem_shared>> -> memref<130x128xf32, #tpu.memory_space<vmem_shared>>
    tpu.wait_indirect_dma semaphore(%arg9 : memref<!tpu.dma_semaphore, #tpu.memory_space<semaphore_mem>>) src(%dma_wait3A_1802 : memref<130x128xf32, #tpu.memory_space<vmem_shared>>) dst(%dma_wait3A_1796 : memref<32x128xf32, #tpu.memory_space<vmem>>)
    %dma_wait3A_1803 = arith.constant 44 : i32
    %dma_wait3A_1804 = arith.constant 4 : i32
    %dma_wait3A_1805 = arith.constant 0 : i32
    %dma_wait3A_1806 = arith.constant 0 : i32
    %dma_wait3A_1807 = tpu.memref_slice %arg6[%dma_wait3A_1804, %dma_wait3A_1805, %dma_wait3A_1806] : memref<10x32x128xf32, #tpu.memory_space<vmem>> -> memref<1x32x128xf32, #tpu.memory_space<vmem>>
    %dma_wait3A_1808 = tpu.memref_squeeze %dma_wait3A_1807 : memref<1x32x128xf32, #tpu.memory_space<vmem>> -> memref<32x128xf32, #tpu.memory_space<vmem>>
    %dma_wait3A_1809 = arith.constant 0 : i32
    %dma_wait3A_1810 = tpu.memref_slice %arg5[%dma_wait3A_1803, %dma_wait3A_1809] : memref<50x32xi32, #tpu.memory_space<vmem>> -> memref<1x32xi32, #tpu.memory_space<vmem>>
    %dma_wait3A_1811 = tpu.memref_squeeze %dma_wait3A_1810 : memref<1x32xi32, #tpu.memory_space<vmem>> -> memref<32xi32, #tpu.memory_space<vmem>>
    %dma_wait3A_1812 = arith.constant 0 : i32
    %dma_wait3A_1813 = arith.constant 0 : i32
    %dma_wait3A_1814 = tpu.memref_slice %arg8[%dma_wait3A_1812, %dma_wait3A_1813] : memref<130x128xf32, #tpu.memory_space<vmem_shared>> -> memref<130x128xf32, #tpu.memory_space<vmem_shared>>
    tpu.wait_indirect_dma semaphore(%arg9 : memref<!tpu.dma_semaphore, #tpu.memory_space<semaphore_mem>>) src(%dma_wait3A_1814 : memref<130x128xf32, #tpu.memory_space<vmem_shared>>) dst(%dma_wait3A_1808 : memref<32x128xf32, #tpu.memory_space<vmem>>)
    %dma_wait3A_1815 = arith.constant 45 : i32
    %dma_wait3A_1816 = arith.constant 5 : i32
    %dma_wait3A_1817 = arith.constant 0 : i32
    %dma_wait3A_1818 = arith.constant 0 : i32
    %dma_wait3A_1819 = tpu.memref_slice %arg6[%dma_wait3A_1816, %dma_wait3A_1817, %dma_wait3A_1818] : memref<10x32x128xf32, #tpu.memory_space<vmem>> -> memref<1x32x128xf32, #tpu.memory_space<vmem>>
    %dma_wait3A_1820 = tpu.memref_squeeze %dma_wait3A_1819 : memref<1x32x128xf32, #tpu.memory_space<vmem>> -> memref<32x128xf32, #tpu.memory_space<vmem>>
    %dma_wait3A_1821 = arith.constant 0 : i32
    %dma_wait3A_1822 = tpu.memref_slice %arg5[%dma_wait3A_1815, %dma_wait3A_1821] : memref<50x32xi32, #tpu.memory_space<vmem>> -> memref<1x32xi32, #tpu.memory_space<vmem>>
    %dma_wait3A_1823 = tpu.memref_squeeze %dma_wait3A_1822 : memref<1x32xi32, #tpu.memory_space<vmem>> -> memref<32xi32, #tpu.memory_space<vmem>>
    %dma_wait3A_1824 = arith.constant 0 : i32
    %dma_wait3A_1825 = arith.constant 0 : i32
    %dma_wait3A_1826 = tpu.memref_slice %arg8[%dma_wait3A_1824, %dma_wait3A_1825] : memref<130x128xf32, #tpu.memory_space<vmem_shared>> -> memref<130x128xf32, #tpu.memory_space<vmem_shared>>
    tpu.wait_indirect_dma semaphore(%arg9 : memref<!tpu.dma_semaphore, #tpu.memory_space<semaphore_mem>>) src(%dma_wait3A_1826 : memref<130x128xf32, #tpu.memory_space<vmem_shared>>) dst(%dma_wait3A_1820 : memref<32x128xf32, #tpu.memory_space<vmem>>)
    %dma_wait3A_1827 = arith.constant 46 : i32
    %dma_wait3A_1828 = arith.constant 6 : i32
    %dma_wait3A_1829 = arith.constant 0 : i32
    %dma_wait3A_1830 = arith.constant 0 : i32
    %dma_wait3A_1831 = tpu.memref_slice %arg6[%dma_wait3A_1828, %dma_wait3A_1829, %dma_wait3A_1830] : memref<10x32x128xf32, #tpu.memory_space<vmem>> -> memref<1x32x128xf32, #tpu.memory_space<vmem>>
    %dma_wait3A_1832 = tpu.memref_squeeze %dma_wait3A_1831 : memref<1x32x128xf32, #tpu.memory_space<vmem>> -> memref<32x128xf32, #tpu.memory_space<vmem>>
    %dma_wait3A_1833 = arith.constant 0 : i32
    %dma_wait3A_1834 = tpu.memref_slice %arg5[%dma_wait3A_1827, %dma_wait3A_1833] : memref<50x32xi32, #tpu.memory_space<vmem>> -> memref<1x32xi32, #tpu.memory_space<vmem>>
    %dma_wait3A_1835 = tpu.memref_squeeze %dma_wait3A_1834 : memref<1x32xi32, #tpu.memory_space<vmem>> -> memref<32xi32, #tpu.memory_space<vmem>>
    %dma_wait3A_1836 = arith.constant 0 : i32
    %dma_wait3A_1837 = arith.constant 0 : i32
    %dma_wait3A_1838 = tpu.memref_slice %arg8[%dma_wait3A_1836, %dma_wait3A_1837] : memref<130x128xf32, #tpu.memory_space<vmem_shared>> -> memref<130x128xf32, #tpu.memory_space<vmem_shared>>
    tpu.wait_indirect_dma semaphore(%arg9 : memref<!tpu.dma_semaphore, #tpu.memory_space<semaphore_mem>>) src(%dma_wait3A_1838 : memref<130x128xf32, #tpu.memory_space<vmem_shared>>) dst(%dma_wait3A_1832 : memref<32x128xf32, #tpu.memory_space<vmem>>)
    %dma_wait3A_1839 = arith.constant 47 : i32
    %dma_wait3A_1840 = arith.constant 7 : i32
    %dma_wait3A_1841 = arith.constant 0 : i32
    %dma_wait3A_1842 = arith.constant 0 : i32
    %dma_wait3A_1843 = tpu.memref_slice %arg6[%dma_wait3A_1840, %dma_wait3A_1841, %dma_wait3A_1842] : memref<10x32x128xf32, #tpu.memory_space<vmem>> -> memref<1x32x128xf32, #tpu.memory_space<vmem>>
    %dma_wait3A_1844 = tpu.memref_squeeze %dma_wait3A_1843 : memref<1x32x128xf32, #tpu.memory_space<vmem>> -> memref<32x128xf32, #tpu.memory_space<vmem>>
    %dma_wait3A_1845 = arith.constant 0 : i32
    %dma_wait3A_1846 = tpu.memref_slice %arg5[%dma_wait3A_1839, %dma_wait3A_1845] : memref<50x32xi32, #tpu.memory_space<vmem>> -> memref<1x32xi32, #tpu.memory_space<vmem>>
    %dma_wait3A_1847 = tpu.memref_squeeze %dma_wait3A_1846 : memref<1x32xi32, #tpu.memory_space<vmem>> -> memref<32xi32, #tpu.memory_space<vmem>>
    %dma_wait3A_1848 = arith.constant 0 : i32
    %dma_wait3A_1849 = arith.constant 0 : i32
    %dma_wait3A_1850 = tpu.memref_slice %arg8[%dma_wait3A_1848, %dma_wait3A_1849] : memref<130x128xf32, #tpu.memory_space<vmem_shared>> -> memref<130x128xf32, #tpu.memory_space<vmem_shared>>
    tpu.wait_indirect_dma semaphore(%arg9 : memref<!tpu.dma_semaphore, #tpu.memory_space<semaphore_mem>>) src(%dma_wait3A_1850 : memref<130x128xf32, #tpu.memory_space<vmem_shared>>) dst(%dma_wait3A_1844 : memref<32x128xf32, #tpu.memory_space<vmem>>)
    %dma_wait3A_1851 = arith.constant 48 : i32
    %dma_wait3A_1852 = arith.constant 8 : i32
    %dma_wait3A_1853 = arith.constant 0 : i32
    %dma_wait3A_1854 = arith.constant 0 : i32
    %dma_wait3A_1855 = tpu.memref_slice %arg6[%dma_wait3A_1852, %dma_wait3A_1853, %dma_wait3A_1854] : memref<10x32x128xf32, #tpu.memory_space<vmem>> -> memref<1x32x128xf32, #tpu.memory_space<vmem>>
    %dma_wait3A_1856 = tpu.memref_squeeze %dma_wait3A_1855 : memref<1x32x128xf32, #tpu.memory_space<vmem>> -> memref<32x128xf32, #tpu.memory_space<vmem>>
    %dma_wait3A_1857 = arith.constant 0 : i32
    %dma_wait3A_1858 = tpu.memref_slice %arg5[%dma_wait3A_1851, %dma_wait3A_1857] : memref<50x32xi32, #tpu.memory_space<vmem>> -> memref<1x32xi32, #tpu.memory_space<vmem>>
    %dma_wait3A_1859 = tpu.memref_squeeze %dma_wait3A_1858 : memref<1x32xi32, #tpu.memory_space<vmem>> -> memref<32xi32, #tpu.memory_space<vmem>>
    %dma_wait3A_1860 = arith.constant 0 : i32
    %dma_wait3A_1861 = arith.constant 0 : i32
    %dma_wait3A_1862 = tpu.memref_slice %arg8[%dma_wait3A_1860, %dma_wait3A_1861] : memref<130x128xf32, #tpu.memory_space<vmem_shared>> -> memref<130x128xf32, #tpu.memory_space<vmem_shared>>
    tpu.wait_indirect_dma semaphore(%arg9 : memref<!tpu.dma_semaphore, #tpu.memory_space<semaphore_mem>>) src(%dma_wait3A_1862 : memref<130x128xf32, #tpu.memory_space<vmem_shared>>) dst(%dma_wait3A_1856 : memref<32x128xf32, #tpu.memory_space<vmem>>)
    %dma_wait3A_1863 = arith.constant 49 : i32
    %dma_wait3A_1864 = arith.constant 9 : i32
    %dma_wait3A_1865 = arith.constant 0 : i32
    %dma_wait3A_1866 = arith.constant 0 : i32
    %dma_wait3A_1867 = tpu.memref_slice %arg6[%dma_wait3A_1864, %dma_wait3A_1865, %dma_wait3A_1866] : memref<10x32x128xf32, #tpu.memory_space<vmem>> -> memref<1x32x128xf32, #tpu.memory_space<vmem>>
    %dma_wait3A_1868 = tpu.memref_squeeze %dma_wait3A_1867 : memref<1x32x128xf32, #tpu.memory_space<vmem>> -> memref<32x128xf32, #tpu.memory_space<vmem>>
    %dma_wait3A_1869 = arith.constant 0 : i32
    %dma_wait3A_1870 = tpu.memref_slice %arg5[%dma_wait3A_1863, %dma_wait3A_1869] : memref<50x32xi32, #tpu.memory_space<vmem>> -> memref<1x32xi32, #tpu.memory_space<vmem>>
    %dma_wait3A_1871 = tpu.memref_squeeze %dma_wait3A_1870 : memref<1x32xi32, #tpu.memory_space<vmem>> -> memref<32xi32, #tpu.memory_space<vmem>>
    %dma_wait3A_1872 = arith.constant 0 : i32
    %dma_wait3A_1873 = arith.constant 0 : i32
    %dma_wait3A_1874 = tpu.memref_slice %arg8[%dma_wait3A_1872, %dma_wait3A_1873] : memref<130x128xf32, #tpu.memory_space<vmem_shared>> -> memref<130x128xf32, #tpu.memory_space<vmem_shared>>
    tpu.wait_indirect_dma semaphore(%arg9 : memref<!tpu.dma_semaphore, #tpu.memory_space<semaphore_mem>>) src(%dma_wait3A_1874 : memref<130x128xf32, #tpu.memory_space<vmem_shared>>) dst(%dma_wait3A_1868 : memref<32x128xf32, #tpu.memory_space<vmem>>)
    %dma_start3A_1875 = arith.constant 40 : i32
    %dma_start3A_1876 = arith.constant 0 : i32
    %dma_start3A_1877 = tpu.memref_slice %arg4[%dma_start3A_1875, %mul3A_2, %dma_start3A_1876] : memref<50x1024x2048xf32, #tpu.memory_space<hbm>> -> memref<10x32x128xf32, #tpu.memory_space<hbm>>
    %dma_start3A_1878 = arith.constant 40 : i32
    %dma_start3A_1879 = arith.constant 0 : i32
    %dma_start3A_1880 = tpu.memref_slice %arg4[%dma_start3A_1878, %mul3A_2, %dma_start3A_1879] : memref<50x1024x2048xf32, #tpu.memory_space<hbm>> -> memref<10x32x128xf32, #tpu.memory_space<hbm>>
    tpu.enqueue_dma source(%arg6 : memref<10x32x128xf32, #tpu.memory_space<vmem>>) target(%dma_start3A_1880 : memref<10x32x128xf32, #tpu.memory_space<hbm>>) target_semaphore(%arg10 : memref<!tpu.dma_semaphore, #tpu.memory_space<semaphore_mem>>)
    %dma_start3A_1881 = arith.constant 40 : i32
    %dma_start3A_1882 = arith.constant 128 : i32
    %dma_start3A_1883 = tpu.memref_slice %arg4[%dma_start3A_1881, %mul3A_2, %dma_start3A_1882] : memref<50x1024x2048xf32, #tpu.memory_space<hbm>> -> memref<10x32x128xf32, #tpu.memory_space<hbm>>
    %dma_start3A_1884 = arith.constant 40 : i32
    %dma_start3A_1885 = arith.constant 128 : i32
    %dma_start3A_1886 = tpu.memref_slice %arg4[%dma_start3A_1884, %mul3A_2, %dma_start3A_1885] : memref<50x1024x2048xf32, #tpu.memory_space<hbm>> -> memref<10x32x128xf32, #tpu.memory_space<hbm>>
    tpu.enqueue_dma source(%arg6 : memref<10x32x128xf32, #tpu.memory_space<vmem>>) target(%dma_start3A_1886 : memref<10x32x128xf32, #tpu.memory_space<hbm>>) target_semaphore(%arg10 : memref<!tpu.dma_semaphore, #tpu.memory_space<semaphore_mem>>)
    %dma_start3A_1887 = arith.constant 40 : i32
    %dma_start3A_1888 = arith.constant 256 : i32
    %dma_start3A_1889 = tpu.memref_slice %arg4[%dma_start3A_1887, %mul3A_2, %dma_start3A_1888] : memref<50x1024x2048xf32, #tpu.memory_space<hbm>> -> memref<10x32x128xf32, #tpu.memory_space<hbm>>
    %dma_start3A_1890 = arith.constant 40 : i32
    %dma_start3A_1891 = arith.constant 256 : i32
    %dma_start3A_1892 = tpu.memref_slice %arg4[%dma_start3A_1890, %mul3A_2, %dma_start3A_1891] : memref<50x1024x2048xf32, #tpu.memory_space<hbm>> -> memref<10x32x128xf32, #tpu.memory_space<hbm>>
    tpu.enqueue_dma source(%arg6 : memref<10x32x128xf32, #tpu.memory_space<vmem>>) target(%dma_start3A_1892 : memref<10x32x128xf32, #tpu.memory_space<hbm>>) target_semaphore(%arg10 : memref<!tpu.dma_semaphore, #tpu.memory_space<semaphore_mem>>)
    %dma_start3A_1893 = arith.constant 40 : i32
    %dma_start3A_1894 = arith.constant 384 : i32
    %dma_start3A_1895 = tpu.memref_slice %arg4[%dma_start3A_1893, %mul3A_2, %dma_start3A_1894] : memref<50x1024x2048xf32, #tpu.memory_space<hbm>> -> memref<10x32x128xf32, #tpu.memory_space<hbm>>
    %dma_start3A_1896 = arith.constant 40 : i32
    %dma_start3A_1897 = arith.constant 384 : i32
    %dma_start3A_1898 = tpu.memref_slice %arg4[%dma_start3A_1896, %mul3A_2, %dma_start3A_1897] : memref<50x1024x2048xf32, #tpu.memory_space<hbm>> -> memref<10x32x128xf32, #tpu.memory_space<hbm>>
    tpu.enqueue_dma source(%arg6 : memref<10x32x128xf32, #tpu.memory_space<vmem>>) target(%dma_start3A_1898 : memref<10x32x128xf32, #tpu.memory_space<hbm>>) target_semaphore(%arg10 : memref<!tpu.dma_semaphore, #tpu.memory_space<semaphore_mem>>)
    %dma_start3A_1899 = arith.constant 40 : i32
    %dma_start3A_1900 = arith.constant 512 : i32
    %dma_start3A_1901 = tpu.memref_slice %arg4[%dma_start3A_1899, %mul3A_2, %dma_start3A_1900] : memref<50x1024x2048xf32, #tpu.memory_space<hbm>> -> memref<10x32x128xf32, #tpu.memory_space<hbm>>
    %dma_start3A_1902 = arith.constant 40 : i32
    %dma_start3A_1903 = arith.constant 512 : i32
    %dma_start3A_1904 = tpu.memref_slice %arg4[%dma_start3A_1902, %mul3A_2, %dma_start3A_1903] : memref<50x1024x2048xf32, #tpu.memory_space<hbm>> -> memref<10x32x128xf32, #tpu.memory_space<hbm>>
    tpu.enqueue_dma source(%arg6 : memref<10x32x128xf32, #tpu.memory_space<vmem>>) target(%dma_start3A_1904 : memref<10x32x128xf32, #tpu.memory_space<hbm>>) target_semaphore(%arg10 : memref<!tpu.dma_semaphore, #tpu.memory_space<semaphore_mem>>)
    %dma_start3A_1905 = arith.constant 40 : i32
    %dma_start3A_1906 = arith.constant 640 : i32
    %dma_start3A_1907 = tpu.memref_slice %arg4[%dma_start3A_1905, %mul3A_2, %dma_start3A_1906] : memref<50x1024x2048xf32, #tpu.memory_space<hbm>> -> memref<10x32x128xf32, #tpu.memory_space<hbm>>
    %dma_start3A_1908 = arith.constant 40 : i32
    %dma_start3A_1909 = arith.constant 640 : i32
    %dma_start3A_1910 = tpu.memref_slice %arg4[%dma_start3A_1908, %mul3A_2, %dma_start3A_1909] : memref<50x1024x2048xf32, #tpu.memory_space<hbm>> -> memref<10x32x128xf32, #tpu.memory_space<hbm>>
    tpu.enqueue_dma source(%arg6 : memref<10x32x128xf32, #tpu.memory_space<vmem>>) target(%dma_start3A_1910 : memref<10x32x128xf32, #tpu.memory_space<hbm>>) target_semaphore(%arg10 : memref<!tpu.dma_semaphore, #tpu.memory_space<semaphore_mem>>)
    %dma_start3A_1911 = arith.constant 40 : i32
    %dma_start3A_1912 = arith.constant 768 : i32
    %dma_start3A_1913 = tpu.memref_slice %arg4[%dma_start3A_1911, %mul3A_2, %dma_start3A_1912] : memref<50x1024x2048xf32, #tpu.memory_space<hbm>> -> memref<10x32x128xf32, #tpu.memory_space<hbm>>
    %dma_start3A_1914 = arith.constant 40 : i32
    %dma_start3A_1915 = arith.constant 768 : i32
    %dma_start3A_1916 = tpu.memref_slice %arg4[%dma_start3A_1914, %mul3A_2, %dma_start3A_1915] : memref<50x1024x2048xf32, #tpu.memory_space<hbm>> -> memref<10x32x128xf32, #tpu.memory_space<hbm>>
    tpu.enqueue_dma source(%arg6 : memref<10x32x128xf32, #tpu.memory_space<vmem>>) target(%dma_start3A_1916 : memref<10x32x128xf32, #tpu.memory_space<hbm>>) target_semaphore(%arg10 : memref<!tpu.dma_semaphore, #tpu.memory_space<semaphore_mem>>)
    %dma_start3A_1917 = arith.constant 40 : i32
    %dma_start3A_1918 = arith.constant 896 : i32
    %dma_start3A_1919 = tpu.memref_slice %arg4[%dma_start3A_1917, %mul3A_2, %dma_start3A_1918] : memref<50x1024x2048xf32, #tpu.memory_space<hbm>> -> memref<10x32x128xf32, #tpu.memory_space<hbm>>
    %dma_start3A_1920 = arith.constant 40 : i32
    %dma_start3A_1921 = arith.constant 896 : i32
    %dma_start3A_1922 = tpu.memref_slice %arg4[%dma_start3A_1920, %mul3A_2, %dma_start3A_1921] : memref<50x1024x2048xf32, #tpu.memory_space<hbm>> -> memref<10x32x128xf32, #tpu.memory_space<hbm>>
    tpu.enqueue_dma source(%arg6 : memref<10x32x128xf32, #tpu.memory_space<vmem>>) target(%dma_start3A_1922 : memref<10x32x128xf32, #tpu.memory_space<hbm>>) target_semaphore(%arg10 : memref<!tpu.dma_semaphore, #tpu.memory_space<semaphore_mem>>)
    %dma_start3A_1923 = arith.constant 40 : i32
    %dma_start3A_1924 = arith.constant 1024 : i32
    %dma_start3A_1925 = tpu.memref_slice %arg4[%dma_start3A_1923, %mul3A_2, %dma_start3A_1924] : memref<50x1024x2048xf32, #tpu.memory_space<hbm>> -> memref<10x32x128xf32, #tpu.memory_space<hbm>>
    %dma_start3A_1926 = arith.constant 40 : i32
    %dma_start3A_1927 = arith.constant 1024 : i32
    %dma_start3A_1928 = tpu.memref_slice %arg4[%dma_start3A_1926, %mul3A_2, %dma_start3A_1927] : memref<50x1024x2048xf32, #tpu.memory_space<hbm>> -> memref<10x32x128xf32, #tpu.memory_space<hbm>>
    tpu.enqueue_dma source(%arg6 : memref<10x32x128xf32, #tpu.memory_space<vmem>>) target(%dma_start3A_1928 : memref<10x32x128xf32, #tpu.memory_space<hbm>>) target_semaphore(%arg10 : memref<!tpu.dma_semaphore, #tpu.memory_space<semaphore_mem>>)
    %dma_start3A_1929 = arith.constant 40 : i32
    %dma_start3A_1930 = arith.constant 1152 : i32
    %dma_start3A_1931 = tpu.memref_slice %arg4[%dma_start3A_1929, %mul3A_2, %dma_start3A_1930] : memref<50x1024x2048xf32, #tpu.memory_space<hbm>> -> memref<10x32x128xf32, #tpu.memory_space<hbm>>
    %dma_start3A_1932 = arith.constant 40 : i32
    %dma_start3A_1933 = arith.constant 1152 : i32
    %dma_start3A_1934 = tpu.memref_slice %arg4[%dma_start3A_1932, %mul3A_2, %dma_start3A_1933] : memref<50x1024x2048xf32, #tpu.memory_space<hbm>> -> memref<10x32x128xf32, #tpu.memory_space<hbm>>
    tpu.enqueue_dma source(%arg6 : memref<10x32x128xf32, #tpu.memory_space<vmem>>) target(%dma_start3A_1934 : memref<10x32x128xf32, #tpu.memory_space<hbm>>) target_semaphore(%arg10 : memref<!tpu.dma_semaphore, #tpu.memory_space<semaphore_mem>>)
    %dma_start3A_1935 = arith.constant 40 : i32
    %dma_start3A_1936 = arith.constant 1280 : i32
    %dma_start3A_1937 = tpu.memref_slice %arg4[%dma_start3A_1935, %mul3A_2, %dma_start3A_1936] : memref<50x1024x2048xf32, #tpu.memory_space<hbm>> -> memref<10x32x128xf32, #tpu.memory_space<hbm>>
    %dma_start3A_1938 = arith.constant 40 : i32
    %dma_start3A_1939 = arith.constant 1280 : i32
    %dma_start3A_1940 = tpu.memref_slice %arg4[%dma_start3A_1938, %mul3A_2, %dma_start3A_1939] : memref<50x1024x2048xf32, #tpu.memory_space<hbm>> -> memref<10x32x128xf32, #tpu.memory_space<hbm>>
    tpu.enqueue_dma source(%arg6 : memref<10x32x128xf32, #tpu.memory_space<vmem>>) target(%dma_start3A_1940 : memref<10x32x128xf32, #tpu.memory_space<hbm>>) target_semaphore(%arg10 : memref<!tpu.dma_semaphore, #tpu.memory_space<semaphore_mem>>)
    %dma_start3A_1941 = arith.constant 40 : i32
    %dma_start3A_1942 = arith.constant 1408 : i32
    %dma_start3A_1943 = tpu.memref_slice %arg4[%dma_start3A_1941, %mul3A_2, %dma_start3A_1942] : memref<50x1024x2048xf32, #tpu.memory_space<hbm>> -> memref<10x32x128xf32, #tpu.memory_space<hbm>>
    %dma_start3A_1944 = arith.constant 40 : i32
    %dma_start3A_1945 = arith.constant 1408 : i32
    %dma_start3A_1946 = tpu.memref_slice %arg4[%dma_start3A_1944, %mul3A_2, %dma_start3A_1945] : memref<50x1024x2048xf32, #tpu.memory_space<hbm>> -> memref<10x32x128xf32, #tpu.memory_space<hbm>>
    tpu.enqueue_dma source(%arg6 : memref<10x32x128xf32, #tpu.memory_space<vmem>>) target(%dma_start3A_1946 : memref<10x32x128xf32, #tpu.memory_space<hbm>>) target_semaphore(%arg10 : memref<!tpu.dma_semaphore, #tpu.memory_space<semaphore_mem>>)
    %dma_start3A_1947 = arith.constant 40 : i32
    %dma_start3A_1948 = arith.constant 1536 : i32
    %dma_start3A_1949 = tpu.memref_slice %arg4[%dma_start3A_1947, %mul3A_2, %dma_start3A_1948] : memref<50x1024x2048xf32, #tpu.memory_space<hbm>> -> memref<10x32x128xf32, #tpu.memory_space<hbm>>
    %dma_start3A_1950 = arith.constant 40 : i32
    %dma_start3A_1951 = arith.constant 1536 : i32
    %dma_start3A_1952 = tpu.memref_slice %arg4[%dma_start3A_1950, %mul3A_2, %dma_start3A_1951] : memref<50x1024x2048xf32, #tpu.memory_space<hbm>> -> memref<10x32x128xf32, #tpu.memory_space<hbm>>
    tpu.enqueue_dma source(%arg6 : memref<10x32x128xf32, #tpu.memory_space<vmem>>) target(%dma_start3A_1952 : memref<10x32x128xf32, #tpu.memory_space<hbm>>) target_semaphore(%arg10 : memref<!tpu.dma_semaphore, #tpu.memory_space<semaphore_mem>>)
    %dma_start3A_1953 = arith.constant 40 : i32
    %dma_start3A_1954 = arith.constant 1664 : i32
    %dma_start3A_1955 = tpu.memref_slice %arg4[%dma_start3A_1953, %mul3A_2, %dma_start3A_1954] : memref<50x1024x2048xf32, #tpu.memory_space<hbm>> -> memref<10x32x128xf32, #tpu.memory_space<hbm>>
    %dma_start3A_1956 = arith.constant 40 : i32
    %dma_start3A_1957 = arith.constant 1664 : i32
    %dma_start3A_1958 = tpu.memref_slice %arg4[%dma_start3A_1956, %mul3A_2, %dma_start3A_1957] : memref<50x1024x2048xf32, #tpu.memory_space<hbm>> -> memref<10x32x128xf32, #tpu.memory_space<hbm>>
    tpu.enqueue_dma source(%arg6 : memref<10x32x128xf32, #tpu.memory_space<vmem>>) target(%dma_start3A_1958 : memref<10x32x128xf32, #tpu.memory_space<hbm>>) target_semaphore(%arg10 : memref<!tpu.dma_semaphore, #tpu.memory_space<semaphore_mem>>)
    %dma_start3A_1959 = arith.constant 40 : i32
    %dma_start3A_1960 = arith.constant 1792 : i32
    %dma_start3A_1961 = tpu.memref_slice %arg4[%dma_start3A_1959, %mul3A_2, %dma_start3A_1960] : memref<50x1024x2048xf32, #tpu.memory_space<hbm>> -> memref<10x32x128xf32, #tpu.memory_space<hbm>>
    %dma_start3A_1962 = arith.constant 40 : i32
    %dma_start3A_1963 = arith.constant 1792 : i32
    %dma_start3A_1964 = tpu.memref_slice %arg4[%dma_start3A_1962, %mul3A_2, %dma_start3A_1963] : memref<50x1024x2048xf32, #tpu.memory_space<hbm>> -> memref<10x32x128xf32, #tpu.memory_space<hbm>>
    tpu.enqueue_dma source(%arg6 : memref<10x32x128xf32, #tpu.memory_space<vmem>>) target(%dma_start3A_1964 : memref<10x32x128xf32, #tpu.memory_space<hbm>>) target_semaphore(%arg10 : memref<!tpu.dma_semaphore, #tpu.memory_space<semaphore_mem>>)
    %dma_start3A_1965 = arith.constant 40 : i32
    %dma_start3A_1966 = arith.constant 1920 : i32
    %dma_start3A_1967 = tpu.memref_slice %arg4[%dma_start3A_1965, %mul3A_2, %dma_start3A_1966] : memref<50x1024x2048xf32, #tpu.memory_space<hbm>> -> memref<10x32x128xf32, #tpu.memory_space<hbm>>
    %dma_start3A_1968 = arith.constant 40 : i32
    %dma_start3A_1969 = arith.constant 1920 : i32
    %dma_start3A_1970 = tpu.memref_slice %arg4[%dma_start3A_1968, %mul3A_2, %dma_start3A_1969] : memref<50x1024x2048xf32, #tpu.memory_space<hbm>> -> memref<10x32x128xf32, #tpu.memory_space<hbm>>
    tpu.enqueue_dma source(%arg6 : memref<10x32x128xf32, #tpu.memory_space<vmem>>) target(%dma_start3A_1970 : memref<10x32x128xf32, #tpu.memory_space<hbm>>) target_semaphore(%arg10 : memref<!tpu.dma_semaphore, #tpu.memory_space<semaphore_mem>>)
    %dma_wait3A_1971 = arith.constant 40 : i32
    %dma_wait3A_1972 = arith.constant 0 : i32
    %dma_wait3A_1973 = tpu.memref_slice %arg4[%dma_wait3A_1971, %mul3A_2, %dma_wait3A_1972] : memref<50x1024x2048xf32, #tpu.memory_space<hbm>> -> memref<10x32x128xf32, #tpu.memory_space<hbm>>
    %dma_wait3A_1974 = arith.constant 40 : i32
    %dma_wait3A_1975 = arith.constant 0 : i32
    %dma_wait3A_1976 = tpu.memref_slice %arg4[%dma_wait3A_1974, %mul3A_2, %dma_wait3A_1975] : memref<50x1024x2048xf32, #tpu.memory_space<hbm>> -> memref<10x32x128xf32, #tpu.memory_space<hbm>>
    tpu.wait_dma2 semaphore(%arg10 : memref<!tpu.dma_semaphore, #tpu.memory_space<semaphore_mem>>) src(%arg6 : memref<10x32x128xf32, #tpu.memory_space<vmem>>) dst(%dma_wait3A_1976 : memref<10x32x128xf32, #tpu.memory_space<hbm>>)
    %dma_wait3A_1977 = arith.constant 40 : i32
    %dma_wait3A_1978 = arith.constant 128 : i32
    %dma_wait3A_1979 = tpu.memref_slice %arg4[%dma_wait3A_1977, %mul3A_2, %dma_wait3A_1978] : memref<50x1024x2048xf32, #tpu.memory_space<hbm>> -> memref<10x32x128xf32, #tpu.memory_space<hbm>>
    %dma_wait3A_1980 = arith.constant 40 : i32
    %dma_wait3A_1981 = arith.constant 128 : i32
    %dma_wait3A_1982 = tpu.memref_slice %arg4[%dma_wait3A_1980, %mul3A_2, %dma_wait3A_1981] : memref<50x1024x2048xf32, #tpu.memory_space<hbm>> -> memref<10x32x128xf32, #tpu.memory_space<hbm>>
    tpu.wait_dma2 semaphore(%arg10 : memref<!tpu.dma_semaphore, #tpu.memory_space<semaphore_mem>>) src(%arg6 : memref<10x32x128xf32, #tpu.memory_space<vmem>>) dst(%dma_wait3A_1982 : memref<10x32x128xf32, #tpu.memory_space<hbm>>)
    %dma_wait3A_1983 = arith.constant 40 : i32
    %dma_wait3A_1984 = arith.constant 256 : i32
    %dma_wait3A_1985 = tpu.memref_slice %arg4[%dma_wait3A_1983, %mul3A_2, %dma_wait3A_1984] : memref<50x1024x2048xf32, #tpu.memory_space<hbm>> -> memref<10x32x128xf32, #tpu.memory_space<hbm>>
    %dma_wait3A_1986 = arith.constant 40 : i32
    %dma_wait3A_1987 = arith.constant 256 : i32
    %dma_wait3A_1988 = tpu.memref_slice %arg4[%dma_wait3A_1986, %mul3A_2, %dma_wait3A_1987] : memref<50x1024x2048xf32, #tpu.memory_space<hbm>> -> memref<10x32x128xf32, #tpu.memory_space<hbm>>
    tpu.wait_dma2 semaphore(%arg10 : memref<!tpu.dma_semaphore, #tpu.memory_space<semaphore_mem>>) src(%arg6 : memref<10x32x128xf32, #tpu.memory_space<vmem>>) dst(%dma_wait3A_1988 : memref<10x32x128xf32, #tpu.memory_space<hbm>>)
    %dma_wait3A_1989 = arith.constant 40 : i32
    %dma_wait3A_1990 = arith.constant 384 : i32
    %dma_wait3A_1991 = tpu.memref_slice %arg4[%dma_wait3A_1989, %mul3A_2, %dma_wait3A_1990] : memref<50x1024x2048xf32, #tpu.memory_space<hbm>> -> memref<10x32x128xf32, #tpu.memory_space<hbm>>
    %dma_wait3A_1992 = arith.constant 40 : i32
    %dma_wait3A_1993 = arith.constant 384 : i32
    %dma_wait3A_1994 = tpu.memref_slice %arg4[%dma_wait3A_1992, %mul3A_2, %dma_wait3A_1993] : memref<50x1024x2048xf32, #tpu.memory_space<hbm>> -> memref<10x32x128xf32, #tpu.memory_space<hbm>>
    tpu.wait_dma2 semaphore(%arg10 : memref<!tpu.dma_semaphore, #tpu.memory_space<semaphore_mem>>) src(%arg6 : memref<10x32x128xf32, #tpu.memory_space<vmem>>) dst(%dma_wait3A_1994 : memref<10x32x128xf32, #tpu.memory_space<hbm>>)
    %dma_wait3A_1995 = arith.constant 40 : i32
    %dma_wait3A_1996 = arith.constant 512 : i32
    %dma_wait3A_1997 = tpu.memref_slice %arg4[%dma_wait3A_1995, %mul3A_2, %dma_wait3A_1996] : memref<50x1024x2048xf32, #tpu.memory_space<hbm>> -> memref<10x32x128xf32, #tpu.memory_space<hbm>>
    %dma_wait3A_1998 = arith.constant 40 : i32
    %dma_wait3A_1999 = arith.constant 512 : i32
    %dma_wait3A_2000 = tpu.memref_slice %arg4[%dma_wait3A_1998, %mul3A_2, %dma_wait3A_1999] : memref<50x1024x2048xf32, #tpu.memory_space<hbm>> -> memref<10x32x128xf32, #tpu.memory_space<hbm>>
    tpu.wait_dma2 semaphore(%arg10 : memref<!tpu.dma_semaphore, #tpu.memory_space<semaphore_mem>>) src(%arg6 : memref<10x32x128xf32, #tpu.memory_space<vmem>>) dst(%dma_wait3A_2000 : memref<10x32x128xf32, #tpu.memory_space<hbm>>)
    %dma_wait3A_2001 = arith.constant 40 : i32
    %dma_wait3A_2002 = arith.constant 640 : i32
    %dma_wait3A_2003 = tpu.memref_slice %arg4[%dma_wait3A_2001, %mul3A_2, %dma_wait3A_2002] : memref<50x1024x2048xf32, #tpu.memory_space<hbm>> -> memref<10x32x128xf32, #tpu.memory_space<hbm>>
    %dma_wait3A_2004 = arith.constant 40 : i32
    %dma_wait3A_2005 = arith.constant 640 : i32
    %dma_wait3A_2006 = tpu.memref_slice %arg4[%dma_wait3A_2004, %mul3A_2, %dma_wait3A_2005] : memref<50x1024x2048xf32, #tpu.memory_space<hbm>> -> memref<10x32x128xf32, #tpu.memory_space<hbm>>
    tpu.wait_dma2 semaphore(%arg10 : memref<!tpu.dma_semaphore, #tpu.memory_space<semaphore_mem>>) src(%arg6 : memref<10x32x128xf32, #tpu.memory_space<vmem>>) dst(%dma_wait3A_2006 : memref<10x32x128xf32, #tpu.memory_space<hbm>>)
    %dma_wait3A_2007 = arith.constant 40 : i32
    %dma_wait3A_2008 = arith.constant 768 : i32
    %dma_wait3A_2009 = tpu.memref_slice %arg4[%dma_wait3A_2007, %mul3A_2, %dma_wait3A_2008] : memref<50x1024x2048xf32, #tpu.memory_space<hbm>> -> memref<10x32x128xf32, #tpu.memory_space<hbm>>
    %dma_wait3A_2010 = arith.constant 40 : i32
    %dma_wait3A_2011 = arith.constant 768 : i32
    %dma_wait3A_2012 = tpu.memref_slice %arg4[%dma_wait3A_2010, %mul3A_2, %dma_wait3A_2011] : memref<50x1024x2048xf32, #tpu.memory_space<hbm>> -> memref<10x32x128xf32, #tpu.memory_space<hbm>>
    tpu.wait_dma2 semaphore(%arg10 : memref<!tpu.dma_semaphore, #tpu.memory_space<semaphore_mem>>) src(%arg6 : memref<10x32x128xf32, #tpu.memory_space<vmem>>) dst(%dma_wait3A_2012 : memref<10x32x128xf32, #tpu.memory_space<hbm>>)
    %dma_wait3A_2013 = arith.constant 40 : i32
    %dma_wait3A_2014 = arith.constant 896 : i32
    %dma_wait3A_2015 = tpu.memref_slice %arg4[%dma_wait3A_2013, %mul3A_2, %dma_wait3A_2014] : memref<50x1024x2048xf32, #tpu.memory_space<hbm>> -> memref<10x32x128xf32, #tpu.memory_space<hbm>>
    %dma_wait3A_2016 = arith.constant 40 : i32
    %dma_wait3A_2017 = arith.constant 896 : i32
    %dma_wait3A_2018 = tpu.memref_slice %arg4[%dma_wait3A_2016, %mul3A_2, %dma_wait3A_2017] : memref<50x1024x2048xf32, #tpu.memory_space<hbm>> -> memref<10x32x128xf32, #tpu.memory_space<hbm>>
    tpu.wait_dma2 semaphore(%arg10 : memref<!tpu.dma_semaphore, #tpu.memory_space<semaphore_mem>>) src(%arg6 : memref<10x32x128xf32, #tpu.memory_space<vmem>>) dst(%dma_wait3A_2018 : memref<10x32x128xf32, #tpu.memory_space<hbm>>)
    %dma_wait3A_2019 = arith.constant 40 : i32
    %dma_wait3A_2020 = arith.constant 1024 : i32
    %dma_wait3A_2021 = tpu.memref_slice %arg4[%dma_wait3A_2019, %mul3A_2, %dma_wait3A_2020] : memref<50x1024x2048xf32, #tpu.memory_space<hbm>> -> memref<10x32x128xf32, #tpu.memory_space<hbm>>
    %dma_wait3A_2022 = arith.constant 40 : i32
    %dma_wait3A_2023 = arith.constant 1024 : i32
    %dma_wait3A_2024 = tpu.memref_slice %arg4[%dma_wait3A_2022, %mul3A_2, %dma_wait3A_2023] : memref<50x1024x2048xf32, #tpu.memory_space<hbm>> -> memref<10x32x128xf32, #tpu.memory_space<hbm>>
    tpu.wait_dma2 semaphore(%arg10 : memref<!tpu.dma_semaphore, #tpu.memory_space<semaphore_mem>>) src(%arg6 : memref<10x32x128xf32, #tpu.memory_space<vmem>>) dst(%dma_wait3A_2024 : memref<10x32x128xf32, #tpu.memory_space<hbm>>)
    %dma_wait3A_2025 = arith.constant 40 : i32
    %dma_wait3A_2026 = arith.constant 1152 : i32
    %dma_wait3A_2027 = tpu.memref_slice %arg4[%dma_wait3A_2025, %mul3A_2, %dma_wait3A_2026] : memref<50x1024x2048xf32, #tpu.memory_space<hbm>> -> memref<10x32x128xf32, #tpu.memory_space<hbm>>
    %dma_wait3A_2028 = arith.constant 40 : i32
    %dma_wait3A_2029 = arith.constant 1152 : i32
    %dma_wait3A_2030 = tpu.memref_slice %arg4[%dma_wait3A_2028, %mul3A_2, %dma_wait3A_2029] : memref<50x1024x2048xf32, #tpu.memory_space<hbm>> -> memref<10x32x128xf32, #tpu.memory_space<hbm>>
    tpu.wait_dma2 semaphore(%arg10 : memref<!tpu.dma_semaphore, #tpu.memory_space<semaphore_mem>>) src(%arg6 : memref<10x32x128xf32, #tpu.memory_space<vmem>>) dst(%dma_wait3A_2030 : memref<10x32x128xf32, #tpu.memory_space<hbm>>)
    %dma_wait3A_2031 = arith.constant 40 : i32
    %dma_wait3A_2032 = arith.constant 1280 : i32
    %dma_wait3A_2033 = tpu.memref_slice %arg4[%dma_wait3A_2031, %mul3A_2, %dma_wait3A_2032] : memref<50x1024x2048xf32, #tpu.memory_space<hbm>> -> memref<10x32x128xf32, #tpu.memory_space<hbm>>
    %dma_wait3A_2034 = arith.constant 40 : i32
    %dma_wait3A_2035 = arith.constant 1280 : i32
    %dma_wait3A_2036 = tpu.memref_slice %arg4[%dma_wait3A_2034, %mul3A_2, %dma_wait3A_2035] : memref<50x1024x2048xf32, #tpu.memory_space<hbm>> -> memref<10x32x128xf32, #tpu.memory_space<hbm>>
    tpu.wait_dma2 semaphore(%arg10 : memref<!tpu.dma_semaphore, #tpu.memory_space<semaphore_mem>>) src(%arg6 : memref<10x32x128xf32, #tpu.memory_space<vmem>>) dst(%dma_wait3A_2036 : memref<10x32x128xf32, #tpu.memory_space<hbm>>)
    %dma_wait3A_2037 = arith.constant 40 : i32
    %dma_wait3A_2038 = arith.constant 1408 : i32
    %dma_wait3A_2039 = tpu.memref_slice %arg4[%dma_wait3A_2037, %mul3A_2, %dma_wait3A_2038] : memref<50x1024x2048xf32, #tpu.memory_space<hbm>> -> memref<10x32x128xf32, #tpu.memory_space<hbm>>
    %dma_wait3A_2040 = arith.constant 40 : i32
    %dma_wait3A_2041 = arith.constant 1408 : i32
    %dma_wait3A_2042 = tpu.memref_slice %arg4[%dma_wait3A_2040, %mul3A_2, %dma_wait3A_2041] : memref<50x1024x2048xf32, #tpu.memory_space<hbm>> -> memref<10x32x128xf32, #tpu.memory_space<hbm>>
    tpu.wait_dma2 semaphore(%arg10 : memref<!tpu.dma_semaphore, #tpu.memory_space<semaphore_mem>>) src(%arg6 : memref<10x32x128xf32, #tpu.memory_space<vmem>>) dst(%dma_wait3A_2042 : memref<10x32x128xf32, #tpu.memory_space<hbm>>)
    %dma_wait3A_2043 = arith.constant 40 : i32
    %dma_wait3A_2044 = arith.constant 1536 : i32
    %dma_wait3A_2045 = tpu.memref_slice %arg4[%dma_wait3A_2043, %mul3A_2, %dma_wait3A_2044] : memref<50x1024x2048xf32, #tpu.memory_space<hbm>> -> memref<10x32x128xf32, #tpu.memory_space<hbm>>
    %dma_wait3A_2046 = arith.constant 40 : i32
    %dma_wait3A_2047 = arith.constant 1536 : i32
    %dma_wait3A_2048 = tpu.memref_slice %arg4[%dma_wait3A_2046, %mul3A_2, %dma_wait3A_2047] : memref<50x1024x2048xf32, #tpu.memory_space<hbm>> -> memref<10x32x128xf32, #tpu.memory_space<hbm>>
    tpu.wait_dma2 semaphore(%arg10 : memref<!tpu.dma_semaphore, #tpu.memory_space<semaphore_mem>>) src(%arg6 : memref<10x32x128xf32, #tpu.memory_space<vmem>>) dst(%dma_wait3A_2048 : memref<10x32x128xf32, #tpu.memory_space<hbm>>)
    %dma_wait3A_2049 = arith.constant 40 : i32
    %dma_wait3A_2050 = arith.constant 1664 : i32
    %dma_wait3A_2051 = tpu.memref_slice %arg4[%dma_wait3A_2049, %mul3A_2, %dma_wait3A_2050] : memref<50x1024x2048xf32, #tpu.memory_space<hbm>> -> memref<10x32x128xf32, #tpu.memory_space<hbm>>
    %dma_wait3A_2052 = arith.constant 40 : i32
    %dma_wait3A_2053 = arith.constant 1664 : i32
    %dma_wait3A_2054 = tpu.memref_slice %arg4[%dma_wait3A_2052, %mul3A_2, %dma_wait3A_2053] : memref<50x1024x2048xf32, #tpu.memory_space<hbm>> -> memref<10x32x128xf32, #tpu.memory_space<hbm>>
    tpu.wait_dma2 semaphore(%arg10 : memref<!tpu.dma_semaphore, #tpu.memory_space<semaphore_mem>>) src(%arg6 : memref<10x32x128xf32, #tpu.memory_space<vmem>>) dst(%dma_wait3A_2054 : memref<10x32x128xf32, #tpu.memory_space<hbm>>)
    %dma_wait3A_2055 = arith.constant 40 : i32
    %dma_wait3A_2056 = arith.constant 1792 : i32
    %dma_wait3A_2057 = tpu.memref_slice %arg4[%dma_wait3A_2055, %mul3A_2, %dma_wait3A_2056] : memref<50x1024x2048xf32, #tpu.memory_space<hbm>> -> memref<10x32x128xf32, #tpu.memory_space<hbm>>
    %dma_wait3A_2058 = arith.constant 40 : i32
    %dma_wait3A_2059 = arith.constant 1792 : i32
    %dma_wait3A_2060 = tpu.memref_slice %arg4[%dma_wait3A_2058, %mul3A_2, %dma_wait3A_2059] : memref<50x1024x2048xf32, #tpu.memory_space<hbm>> -> memref<10x32x128xf32, #tpu.memory_space<hbm>>
    tpu.wait_dma2 semaphore(%arg10 : memref<!tpu.dma_semaphore, #tpu.memory_space<semaphore_mem>>) src(%arg6 : memref<10x32x128xf32, #tpu.memory_space<vmem>>) dst(%dma_wait3A_2060 : memref<10x32x128xf32, #tpu.memory_space<hbm>>)
    %dma_wait3A_2061 = arith.constant 40 : i32
    %dma_wait3A_2062 = arith.constant 1920 : i32
    %dma_wait3A_2063 = tpu.memref_slice %arg4[%dma_wait3A_2061, %mul3A_2, %dma_wait3A_2062] : memref<50x1024x2048xf32, #tpu.memory_space<hbm>> -> memref<10x32x128xf32, #tpu.memory_space<hbm>>
    %dma_wait3A_2064 = arith.constant 40 : i32
    %dma_wait3A_2065 = arith.constant 1920 : i32
    %dma_wait3A_2066 = tpu.memref_slice %arg4[%dma_wait3A_2064, %mul3A_2, %dma_wait3A_2065] : memref<50x1024x2048xf32, #tpu.memory_space<hbm>> -> memref<10x32x128xf32, #tpu.memory_space<hbm>>
    tpu.wait_dma2 semaphore(%arg10 : memref<!tpu.dma_semaphore, #tpu.memory_space<semaphore_mem>>) src(%arg6 : memref<10x32x128xf32, #tpu.memory_space<vmem>>) dst(%dma_wait3A_2066 : memref<10x32x128xf32, #tpu.memory_space<hbm>>)
    %dma_wait3A_2067 = arith.constant 30 : i32
    %dma_wait3A_2068 = arith.constant 0 : i32
    %dma_wait3A_2069 = tpu.memref_slice %arg4[%dma_wait3A_2067, %mul3A_2, %dma_wait3A_2068] : memref<50x1024x2048xf32, #tpu.memory_space<hbm>> -> memref<10x32x128xf32, #tpu.memory_space<hbm>>
    %dma_wait3A_2070 = arith.constant 30 : i32
    %dma_wait3A_2071 = arith.constant 0 : i32
    %dma_wait3A_2072 = tpu.memref_slice %arg4[%dma_wait3A_2070, %mul3A_2, %dma_wait3A_2071] : memref<50x1024x2048xf32, #tpu.memory_space<hbm>> -> memref<10x32x128xf32, #tpu.memory_space<hbm>>
    tpu.wait_dma2 semaphore(%arg11 : memref<!tpu.dma_semaphore, #tpu.memory_space<semaphore_mem>>) src(%arg7 : memref<10x32x128xf32, #tpu.memory_space<vmem>>) dst(%dma_wait3A_2072 : memref<10x32x128xf32, #tpu.memory_space<hbm>>)
    %dma_wait3A_2073 = arith.constant 30 : i32
    %dma_wait3A_2074 = arith.constant 128 : i32
    %dma_wait3A_2075 = tpu.memref_slice %arg4[%dma_wait3A_2073, %mul3A_2, %dma_wait3A_2074] : memref<50x1024x2048xf32, #tpu.memory_space<hbm>> -> memref<10x32x128xf32, #tpu.memory_space<hbm>>
    %dma_wait3A_2076 = arith.constant 30 : i32
    %dma_wait3A_2077 = arith.constant 128 : i32
    %dma_wait3A_2078 = tpu.memref_slice %arg4[%dma_wait3A_2076, %mul3A_2, %dma_wait3A_2077] : memref<50x1024x2048xf32, #tpu.memory_space<hbm>> -> memref<10x32x128xf32, #tpu.memory_space<hbm>>
    tpu.wait_dma2 semaphore(%arg11 : memref<!tpu.dma_semaphore, #tpu.memory_space<semaphore_mem>>) src(%arg7 : memref<10x32x128xf32, #tpu.memory_space<vmem>>) dst(%dma_wait3A_2078 : memref<10x32x128xf32, #tpu.memory_space<hbm>>)
    %dma_wait3A_2079 = arith.constant 30 : i32
    %dma_wait3A_2080 = arith.constant 256 : i32
    %dma_wait3A_2081 = tpu.memref_slice %arg4[%dma_wait3A_2079, %mul3A_2, %dma_wait3A_2080] : memref<50x1024x2048xf32, #tpu.memory_space<hbm>> -> memref<10x32x128xf32, #tpu.memory_space<hbm>>
    %dma_wait3A_2082 = arith.constant 30 : i32
    %dma_wait3A_2083 = arith.constant 256 : i32
    %dma_wait3A_2084 = tpu.memref_slice %arg4[%dma_wait3A_2082, %mul3A_2, %dma_wait3A_2083] : memref<50x1024x2048xf32, #tpu.memory_space<hbm>> -> memref<10x32x128xf32, #tpu.memory_space<hbm>>
    tpu.wait_dma2 semaphore(%arg11 : memref<!tpu.dma_semaphore, #tpu.memory_space<semaphore_mem>>) src(%arg7 : memref<10x32x128xf32, #tpu.memory_space<vmem>>) dst(%dma_wait3A_2084 : memref<10x32x128xf32, #tpu.memory_space<hbm>>)
    %dma_wait3A_2085 = arith.constant 30 : i32
    %dma_wait3A_2086 = arith.constant 384 : i32
    %dma_wait3A_2087 = tpu.memref_slice %arg4[%dma_wait3A_2085, %mul3A_2, %dma_wait3A_2086] : memref<50x1024x2048xf32, #tpu.memory_space<hbm>> -> memref<10x32x128xf32, #tpu.memory_space<hbm>>
    %dma_wait3A_2088 = arith.constant 30 : i32
    %dma_wait3A_2089 = arith.constant 384 : i32
    %dma_wait3A_2090 = tpu.memref_slice %arg4[%dma_wait3A_2088, %mul3A_2, %dma_wait3A_2089] : memref<50x1024x2048xf32, #tpu.memory_space<hbm>> -> memref<10x32x128xf32, #tpu.memory_space<hbm>>
    tpu.wait_dma2 semaphore(%arg11 : memref<!tpu.dma_semaphore, #tpu.memory_space<semaphore_mem>>) src(%arg7 : memref<10x32x128xf32, #tpu.memory_space<vmem>>) dst(%dma_wait3A_2090 : memref<10x32x128xf32, #tpu.memory_space<hbm>>)
    %dma_wait3A_2091 = arith.constant 30 : i32
    %dma_wait3A_2092 = arith.constant 512 : i32
    %dma_wait3A_2093 = tpu.memref_slice %arg4[%dma_wait3A_2091, %mul3A_2, %dma_wait3A_2092] : memref<50x1024x2048xf32, #tpu.memory_space<hbm>> -> memref<10x32x128xf32, #tpu.memory_space<hbm>>
    %dma_wait3A_2094 = arith.constant 30 : i32
    %dma_wait3A_2095 = arith.constant 512 : i32
    %dma_wait3A_2096 = tpu.memref_slice %arg4[%dma_wait3A_2094, %mul3A_2, %dma_wait3A_2095] : memref<50x1024x2048xf32, #tpu.memory_space<hbm>> -> memref<10x32x128xf32, #tpu.memory_space<hbm>>
    tpu.wait_dma2 semaphore(%arg11 : memref<!tpu.dma_semaphore, #tpu.memory_space<semaphore_mem>>) src(%arg7 : memref<10x32x128xf32, #tpu.memory_space<vmem>>) dst(%dma_wait3A_2096 : memref<10x32x128xf32, #tpu.memory_space<hbm>>)
    %dma_wait3A_2097 = arith.constant 30 : i32
    %dma_wait3A_2098 = arith.constant 640 : i32
    %dma_wait3A_2099 = tpu.memref_slice %arg4[%dma_wait3A_2097, %mul3A_2, %dma_wait3A_2098] : memref<50x1024x2048xf32, #tpu.memory_space<hbm>> -> memref<10x32x128xf32, #tpu.memory_space<hbm>>
    %dma_wait3A_2100 = arith.constant 30 : i32
    %dma_wait3A_2101 = arith.constant 640 : i32
    %dma_wait3A_2102 = tpu.memref_slice %arg4[%dma_wait3A_2100, %mul3A_2, %dma_wait3A_2101] : memref<50x1024x2048xf32, #tpu.memory_space<hbm>> -> memref<10x32x128xf32, #tpu.memory_space<hbm>>
    tpu.wait_dma2 semaphore(%arg11 : memref<!tpu.dma_semaphore, #tpu.memory_space<semaphore_mem>>) src(%arg7 : memref<10x32x128xf32, #tpu.memory_space<vmem>>) dst(%dma_wait3A_2102 : memref<10x32x128xf32, #tpu.memory_space<hbm>>)
    %dma_wait3A_2103 = arith.constant 30 : i32
    %dma_wait3A_2104 = arith.constant 768 : i32
    %dma_wait3A_2105 = tpu.memref_slice %arg4[%dma_wait3A_2103, %mul3A_2, %dma_wait3A_2104] : memref<50x1024x2048xf32, #tpu.memory_space<hbm>> -> memref<10x32x128xf32, #tpu.memory_space<hbm>>
    %dma_wait3A_2106 = arith.constant 30 : i32
    %dma_wait3A_2107 = arith.constant 768 : i32
    %dma_wait3A_2108 = tpu.memref_slice %arg4[%dma_wait3A_2106, %mul3A_2, %dma_wait3A_2107] : memref<50x1024x2048xf32, #tpu.memory_space<hbm>> -> memref<10x32x128xf32, #tpu.memory_space<hbm>>
    tpu.wait_dma2 semaphore(%arg11 : memref<!tpu.dma_semaphore, #tpu.memory_space<semaphore_mem>>) src(%arg7 : memref<10x32x128xf32, #tpu.memory_space<vmem>>) dst(%dma_wait3A_2108 : memref<10x32x128xf32, #tpu.memory_space<hbm>>)
    %dma_wait3A_2109 = arith.constant 30 : i32
    %dma_wait3A_2110 = arith.constant 896 : i32
    %dma_wait3A_2111 = tpu.memref_slice %arg4[%dma_wait3A_2109, %mul3A_2, %dma_wait3A_2110] : memref<50x1024x2048xf32, #tpu.memory_space<hbm>> -> memref<10x32x128xf32, #tpu.memory_space<hbm>>
    %dma_wait3A_2112 = arith.constant 30 : i32
    %dma_wait3A_2113 = arith.constant 896 : i32
    %dma_wait3A_2114 = tpu.memref_slice %arg4[%dma_wait3A_2112, %mul3A_2, %dma_wait3A_2113] : memref<50x1024x2048xf32, #tpu.memory_space<hbm>> -> memref<10x32x128xf32, #tpu.memory_space<hbm>>
    tpu.wait_dma2 semaphore(%arg11 : memref<!tpu.dma_semaphore, #tpu.memory_space<semaphore_mem>>) src(%arg7 : memref<10x32x128xf32, #tpu.memory_space<vmem>>) dst(%dma_wait3A_2114 : memref<10x32x128xf32, #tpu.memory_space<hbm>>)
    %dma_wait3A_2115 = arith.constant 30 : i32
    %dma_wait3A_2116 = arith.constant 1024 : i32
    %dma_wait3A_2117 = tpu.memref_slice %arg4[%dma_wait3A_2115, %mul3A_2, %dma_wait3A_2116] : memref<50x1024x2048xf32, #tpu.memory_space<hbm>> -> memref<10x32x128xf32, #tpu.memory_space<hbm>>
    %dma_wait3A_2118 = arith.constant 30 : i32
    %dma_wait3A_2119 = arith.constant 1024 : i32
    %dma_wait3A_2120 = tpu.memref_slice %arg4[%dma_wait3A_2118, %mul3A_2, %dma_wait3A_2119] : memref<50x1024x2048xf32, #tpu.memory_space<hbm>> -> memref<10x32x128xf32, #tpu.memory_space<hbm>>
    tpu.wait_dma2 semaphore(%arg11 : memref<!tpu.dma_semaphore, #tpu.memory_space<semaphore_mem>>) src(%arg7 : memref<10x32x128xf32, #tpu.memory_space<vmem>>) dst(%dma_wait3A_2120 : memref<10x32x128xf32, #tpu.memory_space<hbm>>)
    %dma_wait3A_2121 = arith.constant 30 : i32
    %dma_wait3A_2122 = arith.constant 1152 : i32
    %dma_wait3A_2123 = tpu.memref_slice %arg4[%dma_wait3A_2121, %mul3A_2, %dma_wait3A_2122] : memref<50x1024x2048xf32, #tpu.memory_space<hbm>> -> memref<10x32x128xf32, #tpu.memory_space<hbm>>
    %dma_wait3A_2124 = arith.constant 30 : i32
    %dma_wait3A_2125 = arith.constant 1152 : i32
    %dma_wait3A_2126 = tpu.memref_slice %arg4[%dma_wait3A_2124, %mul3A_2, %dma_wait3A_2125] : memref<50x1024x2048xf32, #tpu.memory_space<hbm>> -> memref<10x32x128xf32, #tpu.memory_space<hbm>>
    tpu.wait_dma2 semaphore(%arg11 : memref<!tpu.dma_semaphore, #tpu.memory_space<semaphore_mem>>) src(%arg7 : memref<10x32x128xf32, #tpu.memory_space<vmem>>) dst(%dma_wait3A_2126 : memref<10x32x128xf32, #tpu.memory_space<hbm>>)
    %dma_wait3A_2127 = arith.constant 30 : i32
    %dma_wait3A_2128 = arith.constant 1280 : i32
    %dma_wait3A_2129 = tpu.memref_slice %arg4[%dma_wait3A_2127, %mul3A_2, %dma_wait3A_2128] : memref<50x1024x2048xf32, #tpu.memory_space<hbm>> -> memref<10x32x128xf32, #tpu.memory_space<hbm>>
    %dma_wait3A_2130 = arith.constant 30 : i32
    %dma_wait3A_2131 = arith.constant 1280 : i32
    %dma_wait3A_2132 = tpu.memref_slice %arg4[%dma_wait3A_2130, %mul3A_2, %dma_wait3A_2131] : memref<50x1024x2048xf32, #tpu.memory_space<hbm>> -> memref<10x32x128xf32, #tpu.memory_space<hbm>>
    tpu.wait_dma2 semaphore(%arg11 : memref<!tpu.dma_semaphore, #tpu.memory_space<semaphore_mem>>) src(%arg7 : memref<10x32x128xf32, #tpu.memory_space<vmem>>) dst(%dma_wait3A_2132 : memref<10x32x128xf32, #tpu.memory_space<hbm>>)
    %dma_wait3A_2133 = arith.constant 30 : i32
    %dma_wait3A_2134 = arith.constant 1408 : i32
    %dma_wait3A_2135 = tpu.memref_slice %arg4[%dma_wait3A_2133, %mul3A_2, %dma_wait3A_2134] : memref<50x1024x2048xf32, #tpu.memory_space<hbm>> -> memref<10x32x128xf32, #tpu.memory_space<hbm>>
    %dma_wait3A_2136 = arith.constant 30 : i32
    %dma_wait3A_2137 = arith.constant 1408 : i32
    %dma_wait3A_2138 = tpu.memref_slice %arg4[%dma_wait3A_2136, %mul3A_2, %dma_wait3A_2137] : memref<50x1024x2048xf32, #tpu.memory_space<hbm>> -> memref<10x32x128xf32, #tpu.memory_space<hbm>>
    tpu.wait_dma2 semaphore(%arg11 : memref<!tpu.dma_semaphore, #tpu.memory_space<semaphore_mem>>) src(%arg7 : memref<10x32x128xf32, #tpu.memory_space<vmem>>) dst(%dma_wait3A_2138 : memref<10x32x128xf32, #tpu.memory_space<hbm>>)
    %dma_wait3A_2139 = arith.constant 30 : i32
    %dma_wait3A_2140 = arith.constant 1536 : i32
    %dma_wait3A_2141 = tpu.memref_slice %arg4[%dma_wait3A_2139, %mul3A_2, %dma_wait3A_2140] : memref<50x1024x2048xf32, #tpu.memory_space<hbm>> -> memref<10x32x128xf32, #tpu.memory_space<hbm>>
    %dma_wait3A_2142 = arith.constant 30 : i32
    %dma_wait3A_2143 = arith.constant 1536 : i32
    %dma_wait3A_2144 = tpu.memref_slice %arg4[%dma_wait3A_2142, %mul3A_2, %dma_wait3A_2143] : memref<50x1024x2048xf32, #tpu.memory_space<hbm>> -> memref<10x32x128xf32, #tpu.memory_space<hbm>>
    tpu.wait_dma2 semaphore(%arg11 : memref<!tpu.dma_semaphore, #tpu.memory_space<semaphore_mem>>) src(%arg7 : memref<10x32x128xf32, #tpu.memory_space<vmem>>) dst(%dma_wait3A_2144 : memref<10x32x128xf32, #tpu.memory_space<hbm>>)
    %dma_wait3A_2145 = arith.constant 30 : i32
    %dma_wait3A_2146 = arith.constant 1664 : i32
    %dma_wait3A_2147 = tpu.memref_slice %arg4[%dma_wait3A_2145, %mul3A_2, %dma_wait3A_2146] : memref<50x1024x2048xf32, #tpu.memory_space<hbm>> -> memref<10x32x128xf32, #tpu.memory_space<hbm>>
    %dma_wait3A_2148 = arith.constant 30 : i32
    %dma_wait3A_2149 = arith.constant 1664 : i32
    %dma_wait3A_2150 = tpu.memref_slice %arg4[%dma_wait3A_2148, %mul3A_2, %dma_wait3A_2149] : memref<50x1024x2048xf32, #tpu.memory_space<hbm>> -> memref<10x32x128xf32, #tpu.memory_space<hbm>>
    tpu.wait_dma2 semaphore(%arg11 : memref<!tpu.dma_semaphore, #tpu.memory_space<semaphore_mem>>) src(%arg7 : memref<10x32x128xf32, #tpu.memory_space<vmem>>) dst(%dma_wait3A_2150 : memref<10x32x128xf32, #tpu.memory_space<hbm>>)
    %dma_wait3A_2151 = arith.constant 30 : i32
    %dma_wait3A_2152 = arith.constant 1792 : i32
    %dma_wait3A_2153 = tpu.memref_slice %arg4[%dma_wait3A_2151, %mul3A_2, %dma_wait3A_2152] : memref<50x1024x2048xf32, #tpu.memory_space<hbm>> -> memref<10x32x128xf32, #tpu.memory_space<hbm>>
    %dma_wait3A_2154 = arith.constant 30 : i32
    %dma_wait3A_2155 = arith.constant 1792 : i32
    %dma_wait3A_2156 = tpu.memref_slice %arg4[%dma_wait3A_2154, %mul3A_2, %dma_wait3A_2155] : memref<50x1024x2048xf32, #tpu.memory_space<hbm>> -> memref<10x32x128xf32, #tpu.memory_space<hbm>>
    tpu.wait_dma2 semaphore(%arg11 : memref<!tpu.dma_semaphore, #tpu.memory_space<semaphore_mem>>) src(%arg7 : memref<10x32x128xf32, #tpu.memory_space<vmem>>) dst(%dma_wait3A_2156 : memref<10x32x128xf32, #tpu.memory_space<hbm>>)
    %dma_wait3A_2157 = arith.constant 30 : i32
    %dma_wait3A_2158 = arith.constant 1920 : i32
    %dma_wait3A_2159 = tpu.memref_slice %arg4[%dma_wait3A_2157, %mul3A_2, %dma_wait3A_2158] : memref<50x1024x2048xf32, #tpu.memory_space<hbm>> -> memref<10x32x128xf32, #tpu.memory_space<hbm>>
    %dma_wait3A_2160 = arith.constant 30 : i32
    %dma_wait3A_2161 = arith.constant 1920 : i32
    %dma_wait3A_2162 = tpu.memref_slice %arg4[%dma_wait3A_2160, %mul3A_2, %dma_wait3A_2161] : memref<50x1024x2048xf32, #tpu.memory_space<hbm>> -> memref<10x32x128xf32, #tpu.memory_space<hbm>>
    tpu.wait_dma2 semaphore(%arg11 : memref<!tpu.dma_semaphore, #tpu.memory_space<semaphore_mem>>) src(%arg7 : memref<10x32x128xf32, #tpu.memory_space<vmem>>) dst(%dma_wait3A_2162 : memref<10x32x128xf32, #tpu.memory_space<hbm>>)
    return
  }
}

module attributes {stable_mosaic.version = 14 : i64} {
  func.func @_scale_body(%arg0: memref<130x128xf32, #tpu.memory_space<vmem>>, %arg1: memref<130x128xf32, #tpu.memory_space<vmem>>) attributes {dimension_semantics = [], scalar_prefetch = 0 : i64, scratch_operands = 0 : i64, tpu.core_type = #tpu.core_type<tc>} {
    %get3A = arith.constant 0 : index
    %get3A_0 = arith.constant 0 : index
    %get3A_1 = vector.load %arg0[%get3A, %get3A_0] : memref<130x128xf32, #tpu.memory_space<vmem>>, vector<130x128xf32>
    %mul3A = arith.constant 11.3137083 : f32
    %mul3A_2 = vector.broadcast %mul3A : f32 to vector<130x128xf32>
    %mul3A_3 = arith.mulf %get3A_1, %mul3A_2 : vector<130x128xf32>
    %swap3A = arith.constant 0 : index
    %swap3A_4 = arith.constant 0 : index
    %swap3A_5 = vector.load %arg1[%swap3A, %swap3A_4] : memref<130x128xf32, #tpu.memory_space<vmem>>, vector<130x128xf32>
    tpu.vector_store %arg1[%swap3A, %swap3A_4], %mul3A_3 {strides = array<i32>} : memref<130x128xf32, #tpu.memory_space<vmem>>, vector<130x128xf32>,
    return
  }
}

</mosaic_0001>

<sc_bundles>
// kernel: kernel.4.cloned.1.call-start
scs
__scs_entry_jumppad:
0x0: {  	(pc) =	sbr.rel $0x88, $3  }
0x1: {  	(tag) =	ssettag $0x0;
	lr =	simm.s32 $0x1  }
0x2: {  	[smem:$0x3F9F] =	sst lr;
	_ =	strace $0xD0000000  }
0x3: {  	_ = 	snop  }
0x4: {  	_ = 	snop  }
0x5: {  	_ = 	snop  }
0x6: {  	_ = 	snop  }
0x7: {  	_ = 	snop  }
__scs_overlays_trampoline_lowered:
0x8: {  	[smem:$0x3FAE] =	sst s0  }
0x9: {  	[smem:$0x3FAF] =	sst s1  }
0xa: {  	[smem:$0x3FB0] =	sst s2  }
0xb: {  	[smem:$0x3FB1] =	sst s3  }
0xc: {  	[smem:$0x3FB2] =	sst s4  }
0xd: {  	[smem:$0x3FB3] =	sst s5  }
0xe: {  	[smem:$0x3FB4] =	sst s6  }
0xf: {  	[smem:$0x3FB5] =	sst s7  }
0x10: {  	[smem:$0x3FB6] =	sst s8  }
0x11: {  	[smem:$0x3FB7] =	sst s9;
	s0 =	simm.s32 @!p0 $0x0  }
0x12: {  	s1 =	sld [smem:$0x3F9D];
	s0 =	simm.s32 @p0 $0x1  }
0x13: {  	[smem:$0x3FB8] =	sst s0;
	s0 =	simm.s32 @!p1 $0x0  }
0x14: {  	s2 =	sld [smem:$0x3F9C];
	s0 =	simm.s32 @p1 $0x1  }
0x15: {  	[smem:$0x3FB9] =	sst s0;
	s0 =	simm.s32 @!p2 $0x0  }
0x16: {  	s3 =	sld [smem:$0x3FDB];
	s0 =	simm.s32 @p2 $0x1  }
0x17: {  	s4 =	simm.s32 $0x1BF5;
	[smem:$0x3FBB] =	sst s0  }
0x18: {  	s0 =	sld [smem:$0x3F9E];
	_ =	swait.ge [sflag:s4], $0x0  }
0x19: {  	s7 =	sld [smem:$0x3F9F]  }
0x1a: {  	s8 =	sadd.s32 $0xFFFFE003, lr  }
0x1b: {  	s9 =	sadd.s32 $0xFFFFFEF7, lr;
	s5 =	simm.s32 $0xFFFFFFFF;
	p2 =	slt.u32 s8, $0xFFFFF086  }
0x1c: {  	p1 =	slt.u32 s9, $0xF7A;
	s5 =	simm.s32 @!p2 $0x0  }
0x1d: {  	s5 =	simm.s32 @p1 $0x1;
	p0 =	seq.s32 s7, s2  }
0x1e: {  	s7 =	smul.u32 @!p0 $0xF7A, s2;
	p2 =	seq.s32 @!p0 s5, $0x0  }
0x1f: {  	s9 =	smul.u32 $0xF7A, s1;
	s8 =	simm.s32 @!p0 $0x1BF5;
	p2 =	por !p2, p0  }
0x20: {  	[sflag:s8] =	ssyncset.s32 @!p0 $0xFFFFF086;
	s6 =	sadd.s32 @!p0 s3, s7;
	s7 =	simm.s32 @!p0 $0x108  }
0x21: {  	s3 =	sadd.s32 s3, s9;
	s6 =	sadd.s32 @!p0 $0x88, s6;
	s7 =	simm.s32 @p2 $0x1082  }
0x22: {  	[simem:s7], [sflag:s8] =	dma.local @!p0 [hbm:s6], $0xF7A  }
0x23: {  	s9 =	sor.u32 $0xD0000000, s2;
	s6 =	simm.s32 $0x108;
	_ =	swait.ge @!p0 [sflag:s8], $0x0  }
0x24: {  	s3 =	sadd.s32 $0x88, s3;
	s6 =	simm.s32 @!p1 $0x1082;
	[sflag:s4] =	ssyncset.s32 $0xFFFFF086  }
0x25: {  	[simem:s6], [sflag:s4] =	dma.local [hbm:s3], $0xF7A  }
0x26: {  	[smem:$0x3F9F] =	sst s1;
	(tag) =	ssettag s2;
	_ =	strace s9  }
0x27: {  	s1 =	sld [smem:$0x3FAF]  }
0x28: {  	s2 =	sld [smem:$0x3FB0]  }
0x29: {  	s4 =	sld [smem:$0x3FB2]  }
0x2a: {  	p0 =	seq.s32 s5, $0x0;
	s5 =	sld [smem:$0x3FB3]  }
0x2b: {  	s6 =	sld [smem:$0x3FB4]  }
0x2c: {  	s7 =	sld [smem:$0x3FB5]  }
0x2d: {  	s3 =	simm.s32 $0x108;
	s8 =	sld [smem:$0x3FB6]  }
0x2e: {  	s3 =	simm.s32 @!p0 $0x1082;
	s9 =	sld [smem:$0x3FB7]  }
0x2f: {  	lr =	sadd.s32 s0, s3;
	s0 =	sld [smem:$0x3FAE]  }
0x30: {  	s3 =	sld [smem:$0x3FB1]  }
0x31: {  	[smem:$0x3FBA] =	sst s10  }
0x32: {  	s10 =	sld [smem:$0x3FB8];
	_ =	sdelay $0x3  }
0x33: {  	p0 =	seq.s32 s10, $0x1;
	s10 =	sld [smem:$0x3FBA];
	_ =	sdelay $0x3  }
0x34: {  	[smem:$0x3FBA] =	sst s10  }
0x35: {  	s10 =	sld [smem:$0x3FB9];
	_ =	sdelay $0x3  }
0x36: {  	p1 =	seq.s32 s10, $0x1;
	s10 =	sld [smem:$0x3FBA];
	_ =	sdelay $0x3  }
0x37: {  	[smem:$0x3FBA] =	sst s10  }
0x38: {  	s10 =	sld [smem:$0x3FBB]  }
0x39: {  	_ = 	snop;
	(pc) =	sbr.ind lr, $3  }
0x3a: {  	_ = 	snop  }
0x3b: {  	_ = 	snop  }
0x3c: {  	p2 =	seq.s32 s10, $0x1;
	s10 =	sld [smem:$0x3FBA]  }
0x3d: {  	_ =	shalt  }
0x3e: {  	_ =	shalt  }
0x3f: {  	_ =	shalt  }
0x40: {  	_ =	shalt  }
0x41: {  	_ =	shalt  }
0x42: {  	_ =	shalt  }
0x43: {  	_ =	shalt  }
0x44: {  	_ =	shalt  }
0x45: {  	_ =	shalt  }
0x46: {  	_ =	shalt  }
0x47: {  	_ =	shalt  }
0x48: {  	_ =	shalt  }
0x49: {  	_ =	shalt  }
0x4a: {  	_ =	shalt  }
0x4b: {  	_ =	shalt  }
0x4c: {  	_ =	shalt  }
0x4d: {  	_ =	shalt  }
0x4e: {  	_ =	shalt  }
0x4f: {  	_ =	shalt  }
0x50: {  	_ =	shalt  }
0x51: {  	_ =	shalt  }
0x52: {  	_ =	shalt  }
0x53: {  	_ =	shalt  }
0x54: {  	_ =	shalt  }
0x55: {  	_ =	shalt  }
0x56: {  	_ =	shalt  }
0x57: {  	_ =	shalt  }
0x58: {  	_ =	shalt  }
0x59: {  	_ =	shalt  }
0x5a: {  	_ =	shalt  }
0x5b: {  	_ =	shalt  }
0x5c: {  	_ =	shalt  }
0x5d: {  	_ =	shalt  }
0x5e: {  	_ =	shalt  }
0x5f: {  	_ =	shalt  }
0x60: {  	_ =	shalt  }
0x61: {  	_ =	shalt  }
0x62: {  	_ =	shalt  }
0x63: {  	_ =	shalt  }
0x64: {  	_ =	shalt  }
0x65: {  	_ =	shalt  }
0x66: {  	_ =	shalt  }
0x67: {  	_ =	shalt  }
0x68: {  	_ =	shalt  }
0x69: {  	_ =	shalt  }
0x6a: {  	_ =	shalt  }
0x6b: {  	_ =	shalt  }
0x6c: {  	_ =	shalt  }
0x6d: {  	_ =	shalt  }
0x6e: {  	_ =	shalt  }
0x6f: {  	_ =	shalt  }
0x70: {  	_ =	shalt  }
0x71: {  	_ =	shalt  }
0x72: {  	_ =	shalt  }
0x73: {  	_ =	shalt  }
0x74: {  	_ =	shalt  }
0x75: {  	_ =	shalt  }
0x76: {  	_ =	shalt  }
0x77: {  	_ =	shalt  }
0x78: {  	_ =	shalt  }
0x79: {  	_ =	shalt  }
0x7a: {  	_ =	shalt  }
0x7b: {  	_ =	shalt  }
0x7c: {  	_ =	shalt  }
0x7d: {  	_ =	shalt  }
0x7e: {  	_ =	shalt  }
0x7f: {  	_ =	shalt  }
0x80: {  	_ =	shalt  }
0x81: {  	_ =	shalt  }
0x82: {  	_ =	shalt  }
0x83: {  	_ =	shalt  }
0x84: {  	_ =	shalt  }
0x85: {  	_ =	shalt  }
0x86: {  	_ =	shalt  }
0x87: {  	_ =	shalt  }
.Lfunc_end0:
.L_simem_size_0:
called_computation_lowered:
.L_overlay_start_0:
0x88: {  	s2 =	sld [smem:$0x3FD9]  }
0x89: {  	s3 =	sld [smem:$0x3FFE];
	_ =	sdelay $0x1  }
0x8a: {  	s1 =	srdreg.scid  }
0x8b: {  	s0 =	sand.u32 $0x1, s1  }
0x8c: {  	s17 =	sshll.u32 s0, $0xA;
	s2 =	sadd.s32 s3, s2  }
0x8d: {  	s2 =	sadd.s32 s2, s17  }
0x8e: {  	[smem:$0x3FC6] =	sst s2  }
0x8f: {  	_ = 	snop  }
0x90: {  	s2 =	sld [smem:$0x3FD0];
	(tm) =	ssettm $0x1  }
0x91: {  	s18 =	sld [smem:$0x3FFB];
	_ =	sdelay $0x3  }
0x92: {  	_ =	strace s18  }
0x93: {  	s3 =	sld [smem:$0x3FFC];
	_ =	sdelay $0x3  }
0x94: {  	_ =	strace s3  }
0x95: {  	s3 =	sld [smem:$0x3FFD];
	_ =	sdelay $0x3  }
0x96: {  	_ =	strace s3  }
0x97: {  	_ =	strace $0x8FFFFFFF  }
0x98: {  	s19 =	sld [smem:$0x3FDB];
	_ =	sdelay $0x1  }
0x99: {  	s4 =	simm.s32 $_scs_section_size  }
0x9a: {  	s5 =	simm.s32 $_size__tile_overlayer_lowered;
	s6 =	simm.s32 $_tile_overlayer_lowered  }
0x9b: {  	s22 =	simm.s32 $0x1BFF;
	s21 =	sshll.u32 s6, $0x1;
	s3 =	sadd.s32 s4, s19  }
0x9c: {  	s7 =	simm.s32 $0x0;
	s20 =	sshll.u32 s5, $0x1;
	s5 =	sadd.s32 s21, s3  }
0x9d: {  	[timem:s7], [sflag:s22] =	dma.local [hbm:s5], s20  }
0x9e: {  	_ =	swait.ge [sflag:s22], s20  }
0x9f: {  	s4 =	ssub.s32 $0x0, s20;
	[sflag:s22] =	ssyncset.done $0x0  }
0xa0: {  	[sflag:s22] =	ssyncadd.s32 s4;
	_ =	sdelay $0x1  }
0xa1: {  	s23 =	simm.s32 $0x1B8B  }
0xa2: {  	_ =	swait.ge [sflag:s23], $0x1  }
0xa3: {  	[sflag:s23] =	ssyncset.done $0x0  }
0xa4: {  	s25 =	simm.s32 $0x1B8E;
	s24 =	sld [smem:$0x3FFE];
	[sflag:s23] =	ssyncadd.s32 $0xFFFFFFFF  }
0xa5: {  	s26 =	simm.s32 $execute0_lowered;
	[smem:$0x3FD2] =	sst s25  }
0xa6: {  	s5 =	sshll.u32 s26, $0x1;
	_ =	strace $0x80000046;
	[dreg:$0x1] =	wrdreg $0xFFFFFFFF  }
0xa7: {  	s28 =	simm.s32 $_size_execute0_lowered;
	s3 =	sadd.s32 s3, s5;
	[dreg:$0x0] =	wrdreg $0x0  }
0xa8: {  	s5 =	sshll.u32 s28, $0x1;
	[dreg:$0x2] =	wrdreg s3  }
0xa9: {  	[dreg:$0x3] =	wrdreg s5  }
0xaa: {  	[dreg:$0x4] =	wrdreg $0xC0  }
0xab: {  	_ =	task [dreg:s7], $0x5FFFF  }
0xac: {  	[dreg:$0x1] =	wrdreg $0xFFFFFFFF  }
0xad: {  	[dreg:$0x0] =	wrdreg $0x60  }
0xae: {  	[dreg:$0x2] =	wrdreg s24  }
0xaf: {  	[dreg:$0x3] =	wrdreg s2  }
0xb0: {  	[dreg:$0x4] =	wrdreg $0x15C000  }
0xb1: {  	[dreg:$0x5] =	wrdreg $0x9  }
0xb2: {  	_ =	task.clear_ibuf [dreg:s7], $0x6FFFF;
	_ =	strace $0x90000046  }
0xb3: {  	s29 =	simm.s32 $0x9;
	_ =	strace $0x80000048  }
0xb4: {  	_ =	swait.ge [sflag:s29], $0x1  }
0xb5: {  	[sflag:s29] =	ssyncadd.s32 $0xFFFFFFFF  }
0xb6: {  	_ =	strace $0x90000048  }
0xb7: {  	_ =	sfence  }
0xb8: {  	s30 =	sld [smem:$0x0];
	_ =	sdelay $0x2  }
0xb9: {  	s31 =	sshll.u32 s1, $0xD;
	s1 =	sshrl.u32 s1, $0x2  }
0xba: {  	s3 =	sand.u32 $0x4000, s31;
	s1 =	sadd.s32 s1, s30  }
0xbb: {  	s0 =	sor.u32 s3, s0;
	s1 =	sshll.u32 s1, $0x11  }
0xbc: {  	s0 =	sor.u32 s1, s0  }
0xbd: {  	s0 =	sadd.s32 $0x8F2B, s0  }
0xbe: {  	[sflag:s0] =	ssyncadd.remote.s32 $0x1  }
0xbf: {  	_ =	sfence.sel $0xFFFF  }
0xc0: {  	[dreg:$0x0] =	wrdreg $0xFFFFFFFF;
	(pc) =	sbr.abs _section_cstart, $3  }
0xc1: {  	[dreg:$0x1] =	wrdreg $0xFFFFFFFF  }
0xc2: {  	_ =	task.clear_ibuf [dreg:s7], $0x2FFFF;
	_ =	strace $0x9FFFFFFF  }
0xc3: {  	(tm) =	ssettm $0x7FFFFFFF  }
tec
execute0_lowered:
.L_overlay_start_1:
0x0: {  	(tag) =	ssettag $0x1  }
0x1: {  	s2 =	rddreg [dreg:$0x0]  }
0x2: {  	s1 =	srdreg.scid;
	s3 =	rddreg [dreg:$0x1]  }
0x3: {  	s7 =	simm.s32 $0x0;
	s4 =	sand.u32 $0x1, s1;
	s1 =	rddreg [dreg:$0x2]  }
0x4: {  	[smem:$0x7FF] =	sst s7;
	s8 =	sadd.s32 $0x800, s2  }
0x5: {  	s9 =	simm.s32 $0x80;
	_ =	strace $0x80000047;
	[dreg:$0x4] =	wrdreg s8  }
0x6: {  	s10 =	simm.s32 $0x100;
	[dreg:$0x6] =	wrdreg s9  }
0x7: {  	s11 =	simm.s32 $0x180;
	[dreg:$0x7] =	wrdreg s10  }
0x8: {  	s12 =	simm.s32 $0x200;
	[dreg:$0x8] =	wrdreg s11  }
0x9: {  	s13 =	simm.s32 $0x280;
	[dreg:$0x9] =	wrdreg s12  }
0xa: {  	s14 =	simm.s32 $0x300;
	[dreg:$0xa] =	wrdreg s13  }
0xb: {  	s15 =	simm.s32 $0x380;
	[dreg:$0xb] =	wrdreg s14  }
0xc: {  	s16 =	simm.s32 $0x480;
	[dreg:$0xc] =	wrdreg s15  }
0xd: {  	s17 =	simm.s32 $0x500;
	[dreg:$0xd] =	wrdreg s16  }
0xe: {  	s18 =	simm.s32 $0x580;
	[dreg:$0xe] =	wrdreg s17  }
0xf: {  	s19 =	simm.s32 $0x600;
	[dreg:$0xf] =	wrdreg s18  }
0x10: {  	s20 =	simm.s32 $0x680;
	[dreg:$0x10] =	wrdreg s19  }
0x11: {  	s21 =	simm.s32 $0x700;
	[dreg:$0x11] =	wrdreg s20  }
0x12: {  	s22 =	simm.s32 $0x780;
	[dreg:$0x12] =	wrdreg s21  }
0x13: {  	s23 =	simm.s32 $0x800;
	[dreg:$0x13] =	wrdreg s22  }
0x14: {  	s24 =	simm.s32 $0x880;
	[dreg:$0x14] =	wrdreg s23  }
0x15: {  	s25 =	simm.s32 $0x900;
	[dreg:$0x15] =	wrdreg s24  }
0x16: {  	s26 =	simm.s32 $0x980;
	[dreg:$0x16] =	wrdreg s25  }
0x17: {  	s7 =	simm.s32 $0xA80;
	[dreg:$0x17] =	wrdreg s26  }
0x18: {  	[dreg:$0x19] =	wrdreg s7;
	s8 =	simm.s32 $0xB00  }
0x19: {  	s9 =	simm.s32 $0xB80;
	[dreg:$0x1a] =	wrdreg s8  }
0x1a: {  	s11 =	simm.s32 $0xC00;
	[dreg:$0x1b] =	wrdreg s9  }
0x1b: {  	s12 =	simm.s32 $0xC80;
	[dreg:$0x1c] =	wrdreg s11  }
0x1c: {  	s13 =	simm.s32 $0xD00;
	[dreg:$0x1d] =	wrdreg s12  }
0x1d: {  	s14 =	simm.s32 $0xD80;
	[dreg:$0x1e] =	wrdreg s13  }
0x1e: {  	s15 =	simm.s32 $0xE00;
	[dreg:$0x1f] =	wrdreg s14  }
0x1f: {  	s17 =	simm.s32 $0xE80;
	[smem:$0x79B] =	sst s15  }
0x20: {  	s19 =	simm.s32 $0xF00;
	[smem:$0x79D] =	sst s17  }
0x21: {  	s0 =	stileid.u32;
	s21 =	simm.s32 $0xF80;
	[smem:$0x79F] =	sst s19  }
0x22: {  	s5 =	sshll.u32 s0, $0x1;
	s23 =	simm.s32 $0x1000;
	[smem:$0x7A1] =	sst s21  }
0x23: {  	s5 =	sor.u32 s4, s5;
	s25 =	simm.s32 $0x1080;
	[smem:$0x7A3] =	sst s23  }
0x24: {  	s6 =	smul.u32 $0x380, s5;
	[smem:$0x7A5] =	sst s25;
	s8 =	simm.s32 $0x1180  }
0x25: {  	s5 =	sshll.u32 s5, $0xD;
	s12 =	simm.s32 $0x1280;
	[smem:$0x7A9] =	sst s8  }
0x26: {  	s14 =	simm.s32 $0x1300;
	s3 =	sadd.s32 s3, s5;
	[smem:$0x7AD] =	sst s12  }
0x27: {  	[smem:$0x7AF] =	sst s14;
	s2 =	sadd.s32 s6, s2;
	s6 =	simm.s32 $0xA00  }
0x28: {  	s5 =	sadd.s32 $0x280080, s3;
	[dreg:$0x18] =	wrdreg s6  }
0x29: {  	s16 =	sadd.s32 $0x280100, s3;
	[smem:$0x799] =	sst s5  }
0x2a: {  	s18 =	sadd.s32 $0x280180, s3;
	[smem:$0x79A] =	sst s16  }
0x2b: {  	s20 =	sadd.s32 $0x280200, s3;
	[smem:$0x79C] =	sst s18  }
0x2c: {  	s22 =	sadd.s32 $0x280280, s3;
	[smem:$0x79E] =	sst s20  }
0x2d: {  	s24 =	sadd.s32 $0x280300, s3;
	[smem:$0x7A0] =	sst s22  }
0x2e: {  	s26 =	sadd.s32 $0x280380, s3;
	[smem:$0x7A2] =	sst s24  }
0x2f: {  	s7 =	sadd.s32 $0x280400, s3;
	[smem:$0x7A4] =	sst s26  }
0x30: {  	s9 =	sadd.s32 $0x280480, s3;
	[smem:$0x7A6] =	sst s7  }
0x31: {  	s11 =	sadd.s32 $0x280500, s3;
	[smem:$0x7A8] =	sst s9  }
0x32: {  	s13 =	sadd.s32 $0x280580, s3;
	[smem:$0x7AA] =	sst s11  }
0x33: {  	s15 =	sadd.s32 $0x280600, s3;
	[smem:$0x7AC] =	sst s13  }
0x34: {  	s17 =	sadd.s32 $0x280680, s3;
	[smem:$0x7AE] =	sst s15  }
0x35: {  	s19 =	sadd.s32 $0x280700, s3;
	[smem:$0x7B0] =	sst s17  }
0x36: {  	s21 =	sadd.s32 $0x280780, s3;
	[smem:$0x7B2] =	sst s19  }
0x37: {  	s23 =	sadd.s32 $0x500080, s3;
	[smem:$0x7B4] =	sst s21  }
0x38: {  	s25 =	sadd.s32 $0x500100, s3;
	[smem:$0x7B6] =	sst s23  }
0x39: {  	s8 =	sadd.s32 $0x500200, s3;
	[smem:$0x7B8] =	sst s25  }
0x3a: {  	s12 =	sadd.s32 $0x500300, s3;
	[smem:$0x7BC] =	sst s8  }
0x3b: {  	s14 =	sadd.s32 $0x500380, s3;
	[smem:$0x7C1] =	sst s12  }
0x3c: {  	s2 =	sadd.s32 $0x1200, s2;
	[smem:$0x7C3] =	sst s14  }
0x3d: {  	s6 =	simm.s32 $0x1100;
	[dreg:$0x5] =	wrdreg s2  }
0x3e: {  	s16 =	simm.s32 $0x1380;
	[smem:$0x7A7] =	sst s6  }
0x3f: {  	s18 =	simm.s32 $0x1400;
	[smem:$0x7B1] =	sst s16  }
0x40: {  	s20 =	simm.s32 $0x1480;
	[smem:$0x7B3] =	sst s18  }
0x41: {  	s22 =	simm.s32 $0x1500;
	[smem:$0x7B5] =	sst s20  }
0x42: {  	s24 =	simm.s32 $0x1580;
	[smem:$0x7B7] =	sst s22  }
0x43: {  	s26 =	simm.s32 $0x1600;
	[smem:$0x7B9] =	sst s24  }
0x44: {  	s7 =	simm.s32 $0x1680;
	[smem:$0x7BB] =	sst s26  }
0x45: {  	s9 =	simm.s32 $0x1700;
	[smem:$0x7BD] =	sst s7  }
0x46: {  	s11 =	sadd.s32 $0x500280, s3;
	[smem:$0x7BE] =	sst s9  }
0x47: {  	s13 =	sadd.s32 $0x200, s3;
	[smem:$0x7BF] =	sst s11  }
0x48: {  	s15 =	simm.s32 $0x1800;
	[smem:$0x7C2] =	sst s13  }
0x49: {  	s17 =	sadd.s32 $0x500480, s3;
	[smem:$0x7C4] =	sst s15  }
0x4a: {  	s19 =	sadd.s32 $0x500500, s3;
	[smem:$0x7C6] =	sst s17  }
0x4b: {  	s21 =	sadd.s32 $0x500580, s3;
	[smem:$0x7C8] =	sst s19  }
0x4c: {  	s23 =	sadd.s32 $0x500680, s3;
	[smem:$0x7CA] =	sst s21  }
0x4d: {  	s25 =	sadd.s32 $0x80, s3;
	[smem:$0x7CC] =	sst s23  }
0x4e: {  	s5 =	sadd.s32 $0x780100, s3;
	[smem:$0x7CE] =	sst s25  }
0x4f: {  	s8 =	sadd.s32 $0x780200, s3;
	[smem:$0x7D2] =	sst s5  }
0x50: {  	s4 =	ssub.s32 $0x2, s4;
	s12 =	sadd.s32 $0x780380, s3;
	[smem:$0x7D5] =	sst s8  }
0x51: {  	s10 =	sshrl.u32 s4, $0x1;
	s14 =	sadd.s32 $0x780400, s3;
	[smem:$0x7D9] =	sst s12  }
0x52: {  	s2 =	ssub.s32 s4, s10;
	s10 =	simm.s32 $0x1200;
	[smem:$0x7DB] =	sst s14  }
0x53: {  	s6 =	sadd.s32 $0x500180, s3;
	[smem:$0x7AB] =	sst s10  }
0x54: {  	s16 =	sadd.s32 $0x500400, s3;
	[smem:$0x7BA] =	sst s6  }
0x55: {  	s18 =	sadd.s32 $0x500, s3;
	[smem:$0x7C5] =	sst s16  }
0x56: {  	s20 =	simm.s32 $0x1880;
	[smem:$0x7C7] =	sst s18  }
0x57: {  	s22 =	sadd.s32 $0x500600, s3;
	[smem:$0x7C9] =	sst s20  }
0x58: {  	s24 =	sadd.s32 $0x500700, s3;
	[smem:$0x7CB] =	sst s22  }
0x59: {  	s26 =	sadd.s32 $0x500780, s3;
	[smem:$0x7CD] =	sst s24  }
0x5a: {  	s4 =	sadd.s32 $0x100, s3;
	[smem:$0x7CF] =	sst s26  }
0x5b: {  	s7 =	sadd.s32 $0x280, s3;
	[smem:$0x7D1] =	sst s4  }
0x5c: {  	s9 =	sadd.s32 $0x780280, s3;
	[smem:$0x7D4] =	sst s7  }
0x5d: {  	s11 =	sadd.s32 $0x780300, s3;
	[smem:$0x7D6] =	sst s9  }
0x5e: {  	s13 =	sadd.s32 $0x400, s3;
	[smem:$0x7D8] =	sst s11  }
0x5f: {  	s15 =	sadd.s32 $0x780480, s3;
	[smem:$0x7DA] =	sst s13  }
0x60: {  	s17 =	sadd.s32 $0x780500, s3;
	[smem:$0x7DC] =	sst s15  }
0x61: {  	s19 =	sadd.s32 $0x600, s3;
	[smem:$0x7DE] =	sst s17  }
0x62: {  	s21 =	sadd.s32 $0x780680, s3;
	[smem:$0x7E0] =	sst s19  }
0x63: {  	s23 =	sadd.s32 $0x700, s3;
	[smem:$0x7E2] =	sst s21  }
0x64: {  	s25 =	sadd.s32 $0x780780, s3;
	[smem:$0x7E3] =	sst s23  }
0x65: {  	s5 =	sadd.s32 $0x180, s3;
	[smem:$0x7E5] =	sst s25  }
0x66: {  	s8 =	sadd.s32 $0x280000, s3;
	[smem:$0x7E9] =	sst s5  }
0x67: {  	s12 =	sadd.s32 $0xA00300, s3;
	[smem:$0x7EC] =	sst s8  }
0x68: {  	s14 =	sadd.s32 $0x480, s3;
	[smem:$0x7F0] =	sst s12  }
0x69: {  	s10 =	simm.s32 $0x1780;
	[smem:$0x7F2] =	sst s14  }
0x6a: {  	s22 =	smax.u32 s2, $0x1;
	s2 =	sadd.s32 $0x780080, s3;
	[smem:$0x7C0] =	sst s10  }
0x6b: {  	s6 =	sadd.s32 $0x780180, s3;
	[smem:$0x7D0] =	sst s2  }
0x6c: {  	s16 =	sadd.s32 $0x580, s3;
	[smem:$0x7D3] =	sst s6  }
0x6d: {  	s18 =	sadd.s32 $0x780580, s3;
	[smem:$0x7DD] =	sst s16  }
0x6e: {  	s20 =	sadd.s32 $0x780600, s3;
	[smem:$0x7DF] =	sst s18  }
0x6f: {  	s28 =	simm.s32 $0x2C00;
	s24 =	sadd.s32 $0x780700, s3;
	[smem:$0x7E1] =	sst s20  }
0x70: {  	s26 =	sadd.s32 $0x780, s3;
	s4 =	sadd.s32 $0xA00080, s3;
	[smem:$0x7E4] =	sst s24  }
0x71: {  	s29 =	simm.s32 $0x3C00;
	s7 =	sadd.s32 $0xA00180, s3;
	[smem:$0x7E6] =	sst s26  }
0x72: {  	s30 =	simm.s32 $0x4C00;
	s9 =	sadd.s32 $0xA00200, s3;
	[smem:$0x7E8] =	sst s4  }
0x73: {  	s31 =	simm.s32 $0x5C00;
	s13 =	sadd.s32 $0xA00380, s3;
	[smem:$0x7EB] =	sst s7  }
0x74: {  	s11 =	sadd.s32 $0x380, s3;
	s15 =	sadd.s32 $0xA00400, s3;
	[smem:$0x7ED] =	sst s9  }
0x75: {  	p0 =	sne.s32 s0, $0x0;
	s19 =	sadd.s32 $0xA00580, s3;
	[smem:$0x7EF] =	sst s11  }
0x76: {  	s0 =	simm.s32 $0x6C00;
	s21 =	sadd.s32 $0xA00600, s3;
	[smem:$0x7F1] =	sst s13  }
0x77: {  	s17 =	sadd.s32 $0x500000, s3;
	s23 =	sadd.s32 $0xA00680, s3;
	[smem:$0x7F3] =	sst s15  }
0x78: {  	s25 =	sadd.s32 $0xA00700, s3;
	s5 =	simm.s32 $0x400;
	[smem:$0x7F5] =	sst s17  }
0x79: {  	s8 =	simm.s32 $0x1;
	s12 =	simm.s32 $0xEC00;
	[smem:$0x7F7] =	sst s19  }
0x7a: {  	s14 =	simm.s32 $0x10C00;
	s6 =	sadd.s32 $0xA00100, s3;
	[smem:$0x7F9] =	sst s21  }
0x7b: {  	s10 =	sadd.s32 $0x300, s3;
	s16 =	sadd.s32 $0xA00480, s3;
	[smem:$0x7FA] =	sst s23  }
0x7c: {  	s2 =	sadd.s32 $0xA00000, s3;
	s18 =	sadd.s32 $0xA00500, s3;
	[smem:$0x7FC] =	sst s25  }
0x7d: {  	s20 =	sadd.s32 $0x680, s3;
	s24 =	sadd.s32 $0x780000, s3;
	[smem:$0x7D7] =	sst s10  }
0x7e: {  	s26 =	sadd.s32 $0xA00780, s3;
	s25 =	simm.s32 $0x20;
	[smem:$0x7E7] =	sst s2  }
0x7f: {  	s4 =	simm.s32 $0x8C00;
	s7 =	simm.s32 $0xAC00;
	[smem:$0x7EA] =	sst s6  }
0x80: {  	s9 =	simm.s32 $0xBC00;
	s11 =	simm.s32 $0xDC00;
	[smem:$0x7F4] =	sst s16  }
0x81: {  	s13 =	simm.s32 $0xFC00;
	s15 =	simm.s32 $0x11C00;
	[smem:$0x7F6] =	sst s18  }
0x82: {  	s17 =	simm.s32 $0x13C00;
	s19 =	simm.s32 $0x4000;
	[smem:$0x7F8] =	sst s20  }
0x83: {  	s21 =	simm.s32 $0x3;
	s10 =	sadd.s32 $0xA00280, s3;
	[smem:$0x7FB] =	sst s24  }
0x84: {  	[smem:$0x7FD] =	sst s26;
	s26 =	simm.s32 $0x1C00;
	s2 =	simm.s32 $0x7C00  }
0x85: {  	s6 =	simm.s32 $0x9C00;
	s16 =	simm.s32 $0x12C00;
	s18 =	simm.s32 $0x14C00  }
0x86: {  	s20 =	simm.s32 $0x2;
	[smem:$0x7EE] =	sst s10;
	s10 =	simm.s32 $0xCC00  }
.LBB2_1:
0x87: {  	[smem:$0x798] =	sst s22  }
0x88: {  	s22 =	rddreg [dreg:$0x4];
	s23 =	sshrl.u32 @!p0 s1, $0x3;
	s24 =	simm.s32 @!p0 $0x1C04  }
0x89: {  	[spmem:s23], [sflag:s24] =	dma.local @!p0 [hbm:s22], $0x820  }
0x8a: {  	s22 =	simm.s32 @!p0 $0x4  }
0x8b: {  	_ =	swait.ge @!p0 [sflag:s22], $0x820  }
0x8c: {  	[sflag:s22] =	ssyncset.done @!p0 $0x0  }
0x8d: {  	s24 =	simm.s32 $0x0;
	s23 =	rddreg [dreg:$0x5];
	[sflag:s22] =	ssyncadd.s32 @!p0 $0xFFFFF7E0  }
0x8e: {  	[tilespmem:s24], [sflag:$0x4] =	stream.linear.gather [hbm4b:s23+s24], $0x1900, $0x38;
	[tilespmem:$0x16010] =	vst v63  }
0x8f: {  	s23 =	simm.s32 $0x4  }
0x90: {  	_ =	swait.ge [sflag:s23], $0x1900  }
0x91: {  	[sflag:s23] =	ssyncset.done $0x0  }
0x92: {  	[sflag:s23] =	ssyncadd.s32 $0xFFFFE700  }
0x93: {  	[bflag:$0x0] =	sbarrier.arrive $0xFFFF  }
0x94: {  	[tilespmem:s26], [sflag:$0x1] =	stream.indirect.gather [spmem:s1], $0x80, s24, s25, $0xb8;
	[tilespmem:$0x16010] =	vst v63  }
0x95: {  	s22 =	rddreg [dreg:$0x6]  }
0x96: {  	[tilespmem:s28], [sflag:$0x1] =	stream.indirect.gather [spmem:s1], $0x80, s22, s25, $0xb8;
	[tilespmem:$0x16010] =	vst v63  }
0x97: {  	s23 =	rddreg [dreg:$0x7]  }
0x98: {  	[tilespmem:s29], [sflag:$0x1] =	stream.indirect.gather [spmem:s1], $0x80, s23, s25, $0xb8;
	[tilespmem:$0x16010] =	vst v63  }
0x99: {  	s24 =	rddreg [dreg:$0x8]  }
0x9a: {  	[tilespmem:s30], [sflag:$0x1] =	stream.indirect.gather [spmem:s1], $0x80, s24, s25, $0xb8;
	[tilespmem:$0x16010] =	vst v63  }
0x9b: {  	s23 =	rddreg [dreg:$0x9]  }
0x9c: {  	[tilespmem:s31], [sflag:$0x1] =	stream.indirect.gather [spmem:s1], $0x80, s23, s25, $0xb8;
	[tilespmem:$0x16010] =	vst v63  }
0x9d: {  	s24 =	rddreg [dreg:$0xa]  }
0x9e: {  	[tilespmem:s0], [sflag:$0x1] =	stream.indirect.gather [spmem:s1], $0x80, s24, s25, $0xb8;
	[tilespmem:$0x16010] =	vst v63  }
0x9f: {  	s23 =	rddreg [dreg:$0xb]  }
0xa0: {  	[tilespmem:s2], [sflag:$0x1] =	stream.indirect.gather [spmem:s1], $0x80, s23, s25, $0xb8;
	[tilespmem:$0x16010] =	vst v63  }
0xa1: {  	s24 =	rddreg [dreg:$0xc]  }
0xa2: {  	[tilespmem:s4], [sflag:$0x1] =	stream.indirect.gather [spmem:s1], $0x80, s24, s25, $0xb8;
	[tilespmem:$0x16010] =	vst v63  }
0xa3: {  	_ = 	snop  }
0xa4: {  	[tilespmem:s6], [sflag:$0x1] =	stream.indirect.gather [spmem:s1], $0x80, s5, s25, $0xb8;
	[tilespmem:$0x16010] =	vst v63  }
0xa5: {  	s24 =	rddreg [dreg:$0xd]  }
0xa6: {  	[tilespmem:s7], [sflag:$0x1] =	stream.indirect.gather [spmem:s1], $0x80, s24, s25, $0xb8;
	[tilespmem:$0x16010] =	vst v63  }
0xa7: {  	_ =	swait.ge [sflag:s8], $0x1000  }
0xa8: {  	[sflag:s8] =	ssyncset.done $0x0  }
0xa9: {  	[sflag:s8] =	ssyncadd.s32 $0xFFFFF000  }
0xaa: {  	_ =	swait.ge [sflag:s8], $0x1000  }
0xab: {  	[sflag:s8] =	ssyncset.done $0x0  }
0xac: {  	[sflag:s8] =	ssyncadd.s32 $0xFFFFF000  }
0xad: {  	_ =	swait.ge [sflag:s8], $0x1000  }
0xae: {  	[sflag:s8] =	ssyncset.done $0x0  }
0xaf: {  	[sflag:s8] =	ssyncadd.s32 $0xFFFFF000  }
0xb0: {  	_ =	swait.ge [sflag:s8], $0x1000  }
0xb1: {  	[sflag:s8] =	ssyncset.done $0x0  }
0xb2: {  	[sflag:s8] =	ssyncadd.s32 $0xFFFFF000  }
0xb3: {  	_ =	swait.ge [sflag:s8], $0x1000  }
0xb4: {  	[sflag:s8] =	ssyncset.done $0x0  }
0xb5: {  	[sflag:s8] =	ssyncadd.s32 $0xFFFFF000  }
0xb6: {  	_ =	swait.ge [sflag:s8], $0x1000  }
0xb7: {  	[sflag:s8] =	ssyncset.done $0x0  }
0xb8: {  	[sflag:s8] =	ssyncadd.s32 $0xFFFFF000  }
0xb9: {  	_ =	swait.ge [sflag:s8], $0x1000  }
0xba: {  	[sflag:s8] =	ssyncset.done $0x0  }
0xbb: {  	[sflag:s8] =	ssyncadd.s32 $0xFFFFF000  }
0xbc: {  	_ =	swait.ge [sflag:s8], $0x1000  }
0xbd: {  	[sflag:s8] =	ssyncset.done $0x0  }
0xbe: {  	[sflag:s8] =	ssyncadd.s32 $0xFFFFF000  }
0xbf: {  	_ =	swait.ge [sflag:s8], $0x1000  }
0xc0: {  	[sflag:s8] =	ssyncset.done $0x0  }
0xc1: {  	[sflag:s8] =	ssyncadd.s32 $0xFFFFF000  }
0xc2: {  	_ =	swait.ge [sflag:s8], $0x1000  }
0xc3: {  	[sflag:s8] =	ssyncset.done $0x0  }
0xc4: {  	s23 =	rddreg [dreg:$0xe];
	[sflag:s8] =	ssyncadd.s32 $0xFFFFF000  }
0xc5: {  	[tilespmem:s9], [sflag:$0x1] =	stream.indirect.gather [spmem:s1], $0x80, s23, s25, $0xb8;
	[tilespmem:$0x16010] =	vst v63  }
0xc6: {  	s24 =	rddreg [dreg:$0xf]  }
0xc7: {  	[tilespmem:s10], [sflag:$0x1] =	stream.indirect.gather [spmem:s1], $0x80, s24, s25, $0xb8;
	[tilespmem:$0x16010] =	vst v63  }
0xc8: {  	s22 =	rddreg [dreg:$0x10]  }
0xc9: {  	[tilespmem:s11], [sflag:$0x1] =	stream.indirect.gather [spmem:s1], $0x80, s22, s25, $0xb8;
	[tilespmem:$0x16010] =	vst v63  }
0xca: {  	s24 =	rddreg [dreg:$0x11]  }
0xcb: {  	[tilespmem:s12], [sflag:$0x1] =	stream.indirect.gather [spmem:s1], $0x80, s24, s25, $0xb8;
	[tilespmem:$0x16010] =	vst v63  }
0xcc: {  	s22 =	rddreg [dreg:$0x12]  }
0xcd: {  	[tilespmem:s13], [sflag:$0x1] =	stream.indirect.gather [spmem:s1], $0x80, s22, s25, $0xb8;
	[tilespmem:$0x16010] =	vst v63  }
0xce: {  	s24 =	rddreg [dreg:$0x13]  }
0xcf: {  	[tilespmem:s14], [sflag:$0x1] =	stream.indirect.gather [spmem:s1], $0x80, s24, s25, $0xb8;
	[tilespmem:$0x16010] =	vst v63  }
0xd0: {  	s22 =	rddreg [dreg:$0x14]  }
0xd1: {  	[tilespmem:s15], [sflag:$0x1] =	stream.indirect.gather [spmem:s1], $0x80, s22, s25, $0xb8;
	[tilespmem:$0x16010] =	vst v63  }
0xd2: {  	s24 =	rddreg [dreg:$0x15]  }
0xd3: {  	[tilespmem:s16], [sflag:$0x1] =	stream.indirect.gather [spmem:s1], $0x80, s24, s25, $0xb8;
	[tilespmem:$0x16010] =	vst v63  }
0xd4: {  	s22 =	rddreg [dreg:$0x16]  }
0xd5: {  	[tilespmem:s17], [sflag:$0x1] =	stream.indirect.gather [spmem:s1], $0x80, s22, s25, $0xb8;
	[tilespmem:$0x16010] =	vst v63  }
0xd6: {  	s24 =	rddreg [dreg:$0x17]  }
0xd7: {  	[tilespmem:s18], [sflag:$0x1] =	stream.indirect.gather [spmem:s1], $0x80, s24, s25, $0xb8;
	[tilespmem:$0x16010] =	vst v63  }
0xd8: {  	_ = 	snop  }
0xd9: {  	[hbm4b:s3+s5] =	stream.strided.scatter [tilespmem:s26], [sflag:$0x2], $0x1000, s19, s5, $0x38;
	[tilespmem:$0x16010] =	vst v63  }
0xda: {  	s23 =	sadd.s32 $0x40000, s3  }
0xdb: {  	[hbm4b:s23+s5] =	stream.strided.scatter [tilespmem:s28], [sflag:$0x2], $0x1000, s19, s5, $0x38;
	[tilespmem:$0x16010] =	vst v63  }
0xdc: {  	s24 =	sadd.s32 $0x80000, s3  }
0xdd: {  	[hbm4b:s24+s5] =	stream.strided.scatter [tilespmem:s29], [sflag:$0x2], $0x1000, s19, s5, $0x38;
	[tilespmem:$0x16010] =	vst v63  }
0xde: {  	s23 =	sadd.s32 $0xC0000, s3  }
0xdf: {  	[hbm4b:s23+s5] =	stream.strided.scatter [tilespmem:s30], [sflag:$0x2], $0x1000, s19, s5, $0x38;
	[tilespmem:$0x16010] =	vst v63  }
0xe0: {  	s24 =	sadd.s32 $0x100000, s3  }
0xe1: {  	[hbm4b:s24+s5] =	stream.strided.scatter [tilespmem:s31], [sflag:$0x2], $0x1000, s19, s5, $0x38;
	[tilespmem:$0x16010] =	vst v63  }
0xe2: {  	s23 =	sadd.s32 $0x140000, s3  }
0xe3: {  	[hbm4b:s23+s5] =	stream.strided.scatter [tilespmem:s0], [sflag:$0x2], $0x1000, s19, s5, $0x38;
	[tilespmem:$0x16010] =	vst v63  }
0xe4: {  	s24 =	sadd.s32 $0x180000, s3  }
0xe5: {  	[hbm4b:s24+s5] =	stream.strided.scatter [tilespmem:s2], [sflag:$0x2], $0x1000, s19, s5, $0x38;
	[tilespmem:$0x16010] =	vst v63  }
0xe6: {  	s23 =	sadd.s32 $0x1C0000, s3  }
0xe7: {  	[hbm4b:s23+s5] =	stream.strided.scatter [tilespmem:s4], [sflag:$0x2], $0x1000, s19, s5, $0x38;
	[tilespmem:$0x16010] =	vst v63  }
0xe8: {  	s24 =	sadd.s32 $0x200000, s3  }
0xe9: {  	[hbm4b:s24+s5] =	stream.strided.scatter [tilespmem:s6], [sflag:$0x2], $0x1000, s19, s5, $0x38;
	[tilespmem:$0x16010] =	vst v63  }
0xea: {  	s23 =	sadd.s32 $0x240000, s3  }
0xeb: {  	[hbm4b:s23+s5] =	stream.strided.scatter [tilespmem:s7], [sflag:$0x2], $0x1000, s19, s5, $0x38;
	[tilespmem:$0x16010] =	vst v63  }
0xec: {  	s23 =	sld [smem:$0x7CE];
	_ =	sdelay $0x2  }
0xed: {  	[hbm4b:s23+s5] =	stream.strided.scatter [tilespmem:s26], [sflag:$0x2], $0x1000, s19, s5, $0x38;
	[tilespmem:$0x16010] =	vst v63  }
0xee: {  	s24 =	sadd.s32 $0x40000, s23  }
0xef: {  	[hbm4b:s24+s5] =	stream.strided.scatter [tilespmem:s28], [sflag:$0x2], $0x1000, s19, s5, $0x38;
	[tilespmem:$0x16010] =	vst v63  }
0xf0: {  	s24 =	sadd.s32 $0x80000, s23  }
0xf1: {  	[hbm4b:s24+s5] =	stream.strided.scatter [tilespmem:s29], [sflag:$0x2], $0x1000, s19, s5, $0x38;
	[tilespmem:$0x16010] =	vst v63  }
0xf2: {  	s24 =	sadd.s32 $0xC0000, s23  }
0xf3: {  	[hbm4b:s24+s5] =	stream.strided.scatter [tilespmem:s30], [sflag:$0x2], $0x1000, s19, s5, $0x38;
	[tilespmem:$0x16010] =	vst v63  }
0xf4: {  	s24 =	sadd.s32 $0x100000, s23  }
0xf5: {  	[hbm4b:s24+s5] =	stream.strided.scatter [tilespmem:s31], [sflag:$0x2], $0x1000, s19, s5, $0x38;
	[tilespmem:$0x16010] =	vst v63  }
0xf6: {  	s24 =	sadd.s32 $0x140000, s23  }
0xf7: {  	[hbm4b:s24+s5] =	stream.strided.scatter [tilespmem:s0], [sflag:$0x2], $0x1000, s19, s5, $0x38;
	[tilespmem:$0x16010] =	vst v63  }
0xf8: {  	s24 =	sadd.s32 $0x180000, s23  }
0xf9: {  	[hbm4b:s24+s5] =	stream.strided.scatter [tilespmem:s2], [sflag:$0x2], $0x1000, s19, s5, $0x38;
	[tilespmem:$0x16010] =	vst v63  }
0xfa: {  	s24 =	sadd.s32 $0x1C0000, s23  }
0xfb: {  	[hbm4b:s24+s5] =	stream.strided.scatter [tilespmem:s4], [sflag:$0x2], $0x1000, s19, s5, $0x38;
	[tilespmem:$0x16010] =	vst v63  }
0xfc: {  	s24 =	sadd.s32 $0x200000, s23  }
0xfd: {  	[hbm4b:s24+s5] =	stream.strided.scatter [tilespmem:s6], [sflag:$0x2], $0x1000, s19, s5, $0x38;
	[tilespmem:$0x16010] =	vst v63  }
0xfe: {  	s23 =	sadd.s32 $0x240000, s23  }
0xff: {  	[hbm4b:s23+s5] =	stream.strided.scatter [tilespmem:s7], [sflag:$0x2], $0x1000, s19, s5, $0x38;
	[tilespmem:$0x16010] =	vst v63  }
0x100: {  	s23 =	sld [smem:$0x7D1];
	_ =	sdelay $0x2  }
0x101: {  	[hbm4b:s23+s5] =	stream.strided.scatter [tilespmem:s26], [sflag:$0x2], $0x1000, s19, s5, $0x38;
	[tilespmem:$0x16010] =	vst v63  }
0x102: {  	s24 =	sadd.s32 $0x40000, s23  }
0x103: {  	[hbm4b:s24+s5] =	stream.strided.scatter [tilespmem:s28], [sflag:$0x2], $0x1000, s19, s5, $0x38;
	[tilespmem:$0x16010] =	vst v63  }
0x104: {  	s24 =	sadd.s32 $0x80000, s23  }
0x105: {  	[hbm4b:s24+s5] =	stream.strided.scatter [tilespmem:s29], [sflag:$0x2], $0x1000, s19, s5, $0x38;
	[tilespmem:$0x16010] =	vst v63  }
0x106: {  	s24 =	sadd.s32 $0xC0000, s23  }
0x107: {  	[hbm4b:s24+s5] =	stream.strided.scatter [tilespmem:s30], [sflag:$0x2], $0x1000, s19, s5, $0x38;
	[tilespmem:$0x16010] =	vst v63  }
0x108: {  	s24 =	sadd.s32 $0x100000, s23  }
0x109: {  	[hbm4b:s24+s5] =	stream.strided.scatter [tilespmem:s31], [sflag:$0x2], $0x1000, s19, s5, $0x38;
	[tilespmem:$0x16010] =	vst v63  }
0x10a: {  	s24 =	sadd.s32 $0x140000, s23  }
0x10b: {  	[hbm4b:s24+s5] =	stream.strided.scatter [tilespmem:s0], [sflag:$0x2], $0x1000, s19, s5, $0x38;
	[tilespmem:$0x16010] =	vst v63  }
0x10c: {  	s24 =	sadd.s32 $0x180000, s23  }
0x10d: {  	[hbm4b:s24+s5] =	stream.strided.scatter [tilespmem:s2], [sflag:$0x2], $0x1000, s19, s5, $0x38;
	[tilespmem:$0x16010] =	vst v63  }
0x10e: {  	s24 =	sadd.s32 $0x1C0000, s23  }
0x10f: {  	[hbm4b:s24+s5] =	stream.strided.scatter [tilespmem:s4], [sflag:$0x2], $0x1000, s19, s5, $0x38;
	[tilespmem:$0x16010] =	vst v63  }
0x110: {  	s24 =	sadd.s32 $0x200000, s23  }
0x111: {  	[hbm4b:s24+s5] =	stream.strided.scatter [tilespmem:s6], [sflag:$0x2], $0x1000, s19, s5, $0x38;
	[tilespmem:$0x16010] =	vst v63  }
0x112: {  	s23 =	sadd.s32 $0x240000, s23  }
0x113: {  	[hbm4b:s23+s5] =	stream.strided.scatter [tilespmem:s7], [sflag:$0x2], $0x1000, s19, s5, $0x38;
	[tilespmem:$0x16010] =	vst v63  }
0x114: {  	s23 =	sld [smem:$0x7E9];
	_ =	sdelay $0x2  }
0x115: {  	[hbm4b:s23+s5] =	stream.strided.scatter [tilespmem:s26], [sflag:$0x2], $0x1000, s19, s5, $0x38;
	[tilespmem:$0x16010] =	vst v63  }
0x116: {  	s24 =	sadd.s32 $0x40000, s23  }
0x117: {  	[hbm4b:s24+s5] =	stream.strided.scatter [tilespmem:s28], [sflag:$0x2], $0x1000, s19, s5, $0x38;
	[tilespmem:$0x16010] =	vst v63  }
0x118: {  	s24 =	sadd.s32 $0x80000, s23  }
0x119: {  	[hbm4b:s24+s5] =	stream.strided.scatter [tilespmem:s29], [sflag:$0x2], $0x1000, s19, s5, $0x38;
	[tilespmem:$0x16010] =	vst v63  }
0x11a: {  	s24 =	sadd.s32 $0xC0000, s23  }
0x11b: {  	[hbm4b:s24+s5] =	stream.strided.scatter [tilespmem:s30], [sflag:$0x2], $0x1000, s19, s5, $0x38;
	[tilespmem:$0x16010] =	vst v63  }
0x11c: {  	s24 =	sadd.s32 $0x100000, s23  }
0x11d: {  	[hbm4b:s24+s5] =	stream.strided.scatter [tilespmem:s31], [sflag:$0x2], $0x1000, s19, s5, $0x38;
	[tilespmem:$0x16010] =	vst v63  }
0x11e: {  	s24 =	sadd.s32 $0x140000, s23  }
0x11f: {  	[hbm4b:s24+s5] =	stream.strided.scatter [tilespmem:s0], [sflag:$0x2], $0x1000, s19, s5, $0x38;
	[tilespmem:$0x16010] =	vst v63  }
0x120: {  	s24 =	sadd.s32 $0x180000, s23  }
0x121: {  	[hbm4b:s24+s5] =	stream.strided.scatter [tilespmem:s2], [sflag:$0x2], $0x1000, s19, s5, $0x38;
	[tilespmem:$0x16010] =	vst v63  }
0x122: {  	s24 =	sadd.s32 $0x1C0000, s23  }
0x123: {  	[hbm4b:s24+s5] =	stream.strided.scatter [tilespmem:s4], [sflag:$0x2], $0x1000, s19, s5, $0x38;
	[tilespmem:$0x16010] =	vst v63  }
0x124: {  	s24 =	sadd.s32 $0x200000, s23  }
0x125: {  	[hbm4b:s24+s5] =	stream.strided.scatter [tilespmem:s6], [sflag:$0x2], $0x1000, s19, s5, $0x38;
	[tilespmem:$0x16010] =	vst v63  }
0x126: {  	s23 =	sadd.s32 $0x240000, s23  }
0x127: {  	[hbm4b:s23+s5] =	stream.strided.scatter [tilespmem:s7], [sflag:$0x2], $0x1000, s19, s5, $0x38;
	[tilespmem:$0x16010] =	vst v63  }
0x128: {  	s23 =	sld [smem:$0x7C2];
	_ =	sdelay $0x2  }
0x129: {  	[hbm4b:s23+s5] =	stream.strided.scatter [tilespmem:s26], [sflag:$0x2], $0x1000, s19, s5, $0x38;
	[tilespmem:$0x16010] =	vst v63  }
0x12a: {  	s24 =	sadd.s32 $0x40000, s23  }
0x12b: {  	[hbm4b:s24+s5] =	stream.strided.scatter [tilespmem:s28], [sflag:$0x2], $0x1000, s19, s5, $0x38;
	[tilespmem:$0x16010] =	vst v63  }
0x12c: {  	s24 =	sadd.s32 $0x80000, s23  }
0x12d: {  	[hbm4b:s24+s5] =	stream.strided.scatter [tilespmem:s29], [sflag:$0x2], $0x1000, s19, s5, $0x38;
	[tilespmem:$0x16010] =	vst v63  }
0x12e: {  	s24 =	sadd.s32 $0xC0000, s23  }
0x12f: {  	[hbm4b:s24+s5] =	stream.strided.scatter [tilespmem:s30], [sflag:$0x2], $0x1000, s19, s5, $0x38;
	[tilespmem:$0x16010] =	vst v63  }
0x130: {  	s24 =	sadd.s32 $0x100000, s23  }
0x131: {  	[hbm4b:s24+s5] =	stream.strided.scatter [tilespmem:s31], [sflag:$0x2], $0x1000, s19, s5, $0x38;
	[tilespmem:$0x16010] =	vst v63  }
0x132: {  	s24 =	sadd.s32 $0x140000, s23  }
0x133: {  	[hbm4b:s24+s5] =	stream.strided.scatter [tilespmem:s0], [sflag:$0x2], $0x1000, s19, s5, $0x38;
	[tilespmem:$0x16010] =	vst v63  }
0x134: {  	s24 =	sadd.s32 $0x180000, s23  }
0x135: {  	[hbm4b:s24+s5] =	stream.strided.scatter [tilespmem:s2], [sflag:$0x2], $0x1000, s19, s5, $0x38;
	[tilespmem:$0x16010] =	vst v63  }
0x136: {  	s24 =	sadd.s32 $0x1C0000, s23  }
0x137: {  	[hbm4b:s24+s5] =	stream.strided.scatter [tilespmem:s4], [sflag:$0x2], $0x1000, s19, s5, $0x38;
	[tilespmem:$0x16010] =	vst v63  }
0x138: {  	s24 =	sadd.s32 $0x200000, s23  }
0x139: {  	[hbm4b:s24+s5] =	stream.strided.scatter [tilespmem:s6], [sflag:$0x2], $0x1000, s19, s5, $0x38;
	[tilespmem:$0x16010] =	vst v63  }
0x13a: {  	s23 =	sadd.s32 $0x240000, s23  }
0x13b: {  	[hbm4b:s23+s5] =	stream.strided.scatter [tilespmem:s7], [sflag:$0x2], $0x1000, s19, s5, $0x38;
	[tilespmem:$0x16010] =	vst v63  }
0x13c: {  	s23 =	sld [smem:$0x7D4];
	_ =	sdelay $0x2  }
0x13d: {  	[hbm4b:s23+s5] =	stream.strided.scatter [tilespmem:s26], [sflag:$0x2], $0x1000, s19, s5, $0x38;
	[tilespmem:$0x16010] =	vst v63  }
0x13e: {  	s24 =	sadd.s32 $0x40000, s23  }
0x13f: {  	[hbm4b:s24+s5] =	stream.strided.scatter [tilespmem:s28], [sflag:$0x2], $0x1000, s19, s5, $0x38;
	[tilespmem:$0x16010] =	vst v63  }
0x140: {  	s24 =	sadd.s32 $0x80000, s23  }
0x141: {  	[hbm4b:s24+s5] =	stream.strided.scatter [tilespmem:s29], [sflag:$0x2], $0x1000, s19, s5, $0x38;
	[tilespmem:$0x16010] =	vst v63  }
0x142: {  	s24 =	sadd.s32 $0xC0000, s23  }
0x143: {  	[hbm4b:s24+s5] =	stream.strided.scatter [tilespmem:s30], [sflag:$0x2], $0x1000, s19, s5, $0x38;
	[tilespmem:$0x16010] =	vst v63  }
0x144: {  	s24 =	sadd.s32 $0x100000, s23  }
0x145: {  	[hbm4b:s24+s5] =	stream.strided.scatter [tilespmem:s31], [sflag:$0x2], $0x1000, s19, s5, $0x38;
	[tilespmem:$0x16010] =	vst v63  }
0x146: {  	s24 =	sadd.s32 $0x140000, s23  }
0x147: {  	[hbm4b:s24+s5] =	stream.strided.scatter [tilespmem:s0], [sflag:$0x2], $0x1000, s19, s5, $0x38;
	[tilespmem:$0x16010] =	vst v63  }
0x148: {  	s24 =	sadd.s32 $0x180000, s23  }
0x149: {  	[hbm4b:s24+s5] =	stream.strided.scatter [tilespmem:s2], [sflag:$0x2], $0x1000, s19, s5, $0x38;
	[tilespmem:$0x16010] =	vst v63  }
0x14a: {  	s24 =	sadd.s32 $0x1C0000, s23  }
0x14b: {  	[hbm4b:s24+s5] =	stream.strided.scatter [tilespmem:s4], [sflag:$0x2], $0x1000, s19, s5, $0x38;
	[tilespmem:$0x16010] =	vst v63  }
0x14c: {  	s24 =	sadd.s32 $0x200000, s23  }
0x14d: {  	[hbm4b:s24+s5] =	stream.strided.scatter [tilespmem:s6], [sflag:$0x2], $0x1000, s19, s5, $0x38;
	[tilespmem:$0x16010] =	vst v63  }
0x14e: {  	s23 =	sadd.s32 $0x240000, s23  }
0x14f: {  	[hbm4b:s23+s5] =	stream.strided.scatter [tilespmem:s7], [sflag:$0x2], $0x1000, s19, s5, $0x38;
	[tilespmem:$0x16010] =	vst v63  }
0x150: {  	s23 =	sld [smem:$0x7D7];
	_ =	sdelay $0x2  }
0x151: {  	[hbm4b:s23+s5] =	stream.strided.scatter [tilespmem:s26], [sflag:$0x2], $0x1000, s19, s5, $0x38;
	[tilespmem:$0x16010] =	vst v63  }
0x152: {  	s24 =	sadd.s32 $0x40000, s23  }
0x153: {  	[hbm4b:s24+s5] =	stream.strided.scatter [tilespmem:s28], [sflag:$0x2], $0x1000, s19, s5, $0x38;
	[tilespmem:$0x16010] =	vst v63  }
0x154: {  	s24 =	sadd.s32 $0x80000, s23  }
0x155: {  	[hbm4b:s24+s5] =	stream.strided.scatter [tilespmem:s29], [sflag:$0x2], $0x1000, s19, s5, $0x38;
	[tilespmem:$0x16010] =	vst v63  }
0x156: {  	s24 =	sadd.s32 $0xC0000, s23  }
0x157: {  	[hbm4b:s24+s5] =	stream.strided.scatter [tilespmem:s30], [sflag:$0x2], $0x1000, s19, s5, $0x38;
	[tilespmem:$0x16010] =	vst v63  }
0x158: {  	s24 =	sadd.s32 $0x100000, s23  }
0x159: {  	[hbm4b:s24+s5] =	stream.strided.scatter [tilespmem:s31], [sflag:$0x2], $0x1000, s19, s5, $0x38;
	[tilespmem:$0x16010] =	vst v63  }
0x15a: {  	s24 =	sadd.s32 $0x140000, s23  }
0x15b: {  	[hbm4b:s24+s5] =	stream.strided.scatter [tilespmem:s0], [sflag:$0x2], $0x1000, s19, s5, $0x38;
	[tilespmem:$0x16010] =	vst v63  }
0x15c: {  	s24 =	sadd.s32 $0x180000, s23  }
0x15d: {  	[hbm4b:s24+s5] =	stream.strided.scatter [tilespmem:s2], [sflag:$0x2], $0x1000, s19, s5, $0x38;
	[tilespmem:$0x16010] =	vst v63  }
0x15e: {  	s24 =	sadd.s32 $0x1C0000, s23  }
0x15f: {  	[hbm4b:s24+s5] =	stream.strided.scatter [tilespmem:s4], [sflag:$0x2], $0x1000, s19, s5, $0x38;
	[tilespmem:$0x16010] =	vst v63  }
0x160: {  	s24 =	sadd.s32 $0x200000, s23  }
0x161: {  	[hbm4b:s24+s5] =	stream.strided.scatter [tilespmem:s6], [sflag:$0x2], $0x1000, s19, s5, $0x38;
	[tilespmem:$0x16010] =	vst v63  }
0x162: {  	s23 =	sadd.s32 $0x240000, s23  }
0x163: {  	[hbm4b:s23+s5] =	stream.strided.scatter [tilespmem:s7], [sflag:$0x2], $0x1000, s19, s5, $0x38;
	[tilespmem:$0x16010] =	vst v63  }
0x164: {  	s23 =	sld [smem:$0x7EF];
	_ =	sdelay $0x2  }
0x165: {  	[hbm4b:s23+s5] =	stream.strided.scatter [tilespmem:s26], [sflag:$0x2], $0x1000, s19, s5, $0x38;
	[tilespmem:$0x16010] =	vst v63  }
0x166: {  	s24 =	sadd.s32 $0x40000, s23  }
0x167: {  	[hbm4b:s24+s5] =	stream.strided.scatter [tilespmem:s28], [sflag:$0x2], $0x1000, s19, s5, $0x38;
	[tilespmem:$0x16010] =	vst v63  }
0x168: {  	s24 =	sadd.s32 $0x80000, s23  }
0x169: {  	[hbm4b:s24+s5] =	stream.strided.scatter [tilespmem:s29], [sflag:$0x2], $0x1000, s19, s5, $0x38;
	[tilespmem:$0x16010] =	vst v63  }
0x16a: {  	s24 =	sadd.s32 $0xC0000, s23  }
0x16b: {  	[hbm4b:s24+s5] =	stream.strided.scatter [tilespmem:s30], [sflag:$0x2], $0x1000, s19, s5, $0x38;
	[tilespmem:$0x16010] =	vst v63  }
0x16c: {  	s24 =	sadd.s32 $0x100000, s23  }
0x16d: {  	[hbm4b:s24+s5] =	stream.strided.scatter [tilespmem:s31], [sflag:$0x2], $0x1000, s19, s5, $0x38;
	[tilespmem:$0x16010] =	vst v63  }
0x16e: {  	s24 =	sadd.s32 $0x140000, s23  }
0x16f: {  	[hbm4b:s24+s5] =	stream.strided.scatter [tilespmem:s0], [sflag:$0x2], $0x1000, s19, s5, $0x38;
	[tilespmem:$0x16010] =	vst v63  }
0x170: {  	s24 =	sadd.s32 $0x180000, s23  }
0x171: {  	[hbm4b:s24+s5] =	stream.strided.scatter [tilespmem:s2], [sflag:$0x2], $0x1000, s19, s5, $0x38;
	[tilespmem:$0x16010] =	vst v63  }
0x172: {  	s24 =	sadd.s32 $0x1C0000, s23  }
0x173: {  	[hbm4b:s24+s5] =	stream.strided.scatter [tilespmem:s4], [sflag:$0x2], $0x1000, s19, s5, $0x38;
	[tilespmem:$0x16010] =	vst v63  }
0x174: {  	s24 =	sadd.s32 $0x200000, s23  }
0x175: {  	[hbm4b:s24+s5] =	stream.strided.scatter [tilespmem:s6], [sflag:$0x2], $0x1000, s19, s5, $0x38;
	[tilespmem:$0x16010] =	vst v63  }
0x176: {  	s23 =	sadd.s32 $0x240000, s23  }
0x177: {  	[hbm4b:s23+s5] =	stream.strided.scatter [tilespmem:s7], [sflag:$0x2], $0x1000, s19, s5, $0x38;
	[tilespmem:$0x16010] =	vst v63  }
0x178: {  	s23 =	sld [smem:$0x7DA];
	_ =	sdelay $0x2  }
0x179: {  	[hbm4b:s23+s5] =	stream.strided.scatter [tilespmem:s26], [sflag:$0x2], $0x1000, s19, s5, $0x38;
	[tilespmem:$0x16010] =	vst v63  }
0x17a: {  	s24 =	sadd.s32 $0x40000, s23  }
0x17b: {  	[hbm4b:s24+s5] =	stream.strided.scatter [tilespmem:s28], [sflag:$0x2], $0x1000, s19, s5, $0x38;
	[tilespmem:$0x16010] =	vst v63  }
0x17c: {  	s24 =	sadd.s32 $0x80000, s23  }
0x17d: {  	[hbm4b:s24+s5] =	stream.strided.scatter [tilespmem:s29], [sflag:$0x2], $0x1000, s19, s5, $0x38;
	[tilespmem:$0x16010] =	vst v63  }
0x17e: {  	s24 =	sadd.s32 $0xC0000, s23  }
0x17f: {  	[hbm4b:s24+s5] =	stream.strided.scatter [tilespmem:s30], [sflag:$0x2], $0x1000, s19, s5, $0x38;
	[tilespmem:$0x16010] =	vst v63  }
0x180: {  	s24 =	sadd.s32 $0x100000, s23  }
0x181: {  	[hbm4b:s24+s5] =	stream.strided.scatter [tilespmem:s31], [sflag:$0x2], $0x1000, s19, s5, $0x38;
	[tilespmem:$0x16010] =	vst v63  }
0x182: {  	s24 =	sadd.s32 $0x140000, s23  }
0x183: {  	[hbm4b:s24+s5] =	stream.strided.scatter [tilespmem:s0], [sflag:$0x2], $0x1000, s19, s5, $0x38;
	[tilespmem:$0x16010] =	vst v63  }
0x184: {  	s24 =	sadd.s32 $0x180000, s23  }
0x185: {  	[hbm4b:s24+s5] =	stream.strided.scatter [tilespmem:s2], [sflag:$0x2], $0x1000, s19, s5, $0x38;
	[tilespmem:$0x16010] =	vst v63  }
0x186: {  	s24 =	sadd.s32 $0x1C0000, s23  }
0x187: {  	[hbm4b:s24+s5] =	stream.strided.scatter [tilespmem:s4], [sflag:$0x2], $0x1000, s19, s5, $0x38;
	[tilespmem:$0x16010] =	vst v63  }
0x188: {  	s24 =	sadd.s32 $0x200000, s23  }
0x189: {  	[hbm4b:s24+s5] =	stream.strided.scatter [tilespmem:s6], [sflag:$0x2], $0x1000, s19, s5, $0x38;
	[tilespmem:$0x16010] =	vst v63  }
0x18a: {  	s23 =	sadd.s32 $0x240000, s23  }
0x18b: {  	[hbm4b:s23+s5] =	stream.strided.scatter [tilespmem:s7], [sflag:$0x2], $0x1000, s19, s5, $0x38;
	[tilespmem:$0x16010] =	vst v63  }
0x18c: {  	s23 =	sld [smem:$0x7F2];
	_ =	sdelay $0x2  }
0x18d: {  	[hbm4b:s23+s5] =	stream.strided.scatter [tilespmem:s26], [sflag:$0x2], $0x1000, s19, s5, $0x38;
	[tilespmem:$0x16010] =	vst v63  }
0x18e: {  	s24 =	sadd.s32 $0x40000, s23  }
0x18f: {  	[hbm4b:s24+s5] =	stream.strided.scatter [tilespmem:s28], [sflag:$0x2], $0x1000, s19, s5, $0x38;
	[tilespmem:$0x16010] =	vst v63  }
0x190: {  	s24 =	sadd.s32 $0x80000, s23  }
0x191: {  	[hbm4b:s24+s5] =	stream.strided.scatter [tilespmem:s29], [sflag:$0x2], $0x1000, s19, s5, $0x38;
	[tilespmem:$0x16010] =	vst v63  }
0x192: {  	s24 =	sadd.s32 $0xC0000, s23  }
0x193: {  	[hbm4b:s24+s5] =	stream.strided.scatter [tilespmem:s30], [sflag:$0x2], $0x1000, s19, s5, $0x38;
	[tilespmem:$0x16010] =	vst v63  }
0x194: {  	s24 =	sadd.s32 $0x100000, s23  }
0x195: {  	[hbm4b:s24+s5] =	stream.strided.scatter [tilespmem:s31], [sflag:$0x2], $0x1000, s19, s5, $0x38;
	[tilespmem:$0x16010] =	vst v63  }
0x196: {  	s24 =	sadd.s32 $0x140000, s23  }
0x197: {  	[hbm4b:s24+s5] =	stream.strided.scatter [tilespmem:s0], [sflag:$0x2], $0x1000, s19, s5, $0x38;
	[tilespmem:$0x16010] =	vst v63  }
0x198: {  	s24 =	sadd.s32 $0x180000, s23  }
0x199: {  	[hbm4b:s24+s5] =	stream.strided.scatter [tilespmem:s2], [sflag:$0x2], $0x1000, s19, s5, $0x38;
	[tilespmem:$0x16010] =	vst v63  }
0x19a: {  	s24 =	sadd.s32 $0x1C0000, s23  }
0x19b: {  	[hbm4b:s24+s5] =	stream.strided.scatter [tilespmem:s4], [sflag:$0x2], $0x1000, s19, s5, $0x38;
	[tilespmem:$0x16010] =	vst v63  }
0x19c: {  	s24 =	sadd.s32 $0x200000, s23  }
0x19d: {  	[hbm4b:s24+s5] =	stream.strided.scatter [tilespmem:s6], [sflag:$0x2], $0x1000, s19, s5, $0x38;
	[tilespmem:$0x16010] =	vst v63  }
0x19e: {  	s23 =	sadd.s32 $0x240000, s23  }
0x19f: {  	[hbm4b:s23+s5] =	stream.strided.scatter [tilespmem:s7], [sflag:$0x2], $0x1000, s19, s5, $0x38;
	[tilespmem:$0x16010] =	vst v63  }
0x1a0: {  	s23 =	sld [smem:$0x7C7];
	_ =	sdelay $0x2  }
0x1a1: {  	[hbm4b:s23+s5] =	stream.strided.scatter [tilespmem:s26], [sflag:$0x2], $0x1000, s19, s5, $0x38;
	[tilespmem:$0x16010] =	vst v63  }
0x1a2: {  	s24 =	sadd.s32 $0x40000, s23  }
0x1a3: {  	[hbm4b:s24+s5] =	stream.strided.scatter [tilespmem:s28], [sflag:$0x2], $0x1000, s19, s5, $0x38;
	[tilespmem:$0x16010] =	vst v63  }
0x1a4: {  	s24 =	sadd.s32 $0x80000, s23  }
0x1a5: {  	[hbm4b:s24+s5] =	stream.strided.scatter [tilespmem:s29], [sflag:$0x2], $0x1000, s19, s5, $0x38;
	[tilespmem:$0x16010] =	vst v63  }
0x1a6: {  	s24 =	sadd.s32 $0xC0000, s23  }
0x1a7: {  	[hbm4b:s24+s5] =	stream.strided.scatter [tilespmem:s30], [sflag:$0x2], $0x1000, s19, s5, $0x38;
	[tilespmem:$0x16010] =	vst v63  }
0x1a8: {  	s24 =	sadd.s32 $0x100000, s23  }
0x1a9: {  	[hbm4b:s24+s5] =	stream.strided.scatter [tilespmem:s31], [sflag:$0x2], $0x1000, s19, s5, $0x38;
	[tilespmem:$0x16010] =	vst v63  }
0x1aa: {  	s24 =	sadd.s32 $0x140000, s23  }
0x1ab: {  	[hbm4b:s24+s5] =	stream.strided.scatter [tilespmem:s0], [sflag:$0x2], $0x1000, s19, s5, $0x38;
	[tilespmem:$0x16010] =	vst v63  }
0x1ac: {  	s24 =	sadd.s32 $0x180000, s23  }
0x1ad: {  	[hbm4b:s24+s5] =	stream.strided.scatter [tilespmem:s2], [sflag:$0x2], $0x1000, s19, s5, $0x38;
	[tilespmem:$0x16010] =	vst v63  }
0x1ae: {  	s24 =	sadd.s32 $0x1C0000, s23  }
0x1af: {  	[hbm4b:s24+s5] =	stream.strided.scatter [tilespmem:s4], [sflag:$0x2], $0x1000, s19, s5, $0x38;
	[tilespmem:$0x16010] =	vst v63  }
0x1b0: {  	s24 =	sadd.s32 $0x200000, s23  }
0x1b1: {  	[hbm4b:s24+s5] =	stream.strided.scatter [tilespmem:s6], [sflag:$0x2], $0x1000, s19, s5, $0x38;
	[tilespmem:$0x16010] =	vst v63  }
0x1b2: {  	s23 =	sadd.s32 $0x240000, s23  }
0x1b3: {  	[hbm4b:s23+s5] =	stream.strided.scatter [tilespmem:s7], [sflag:$0x2], $0x1000, s19, s5, $0x38;
	[tilespmem:$0x16010] =	vst v63  }
0x1b4: {  	s23 =	sld [smem:$0x7DD];
	_ =	sdelay $0x2  }
0x1b5: {  	[hbm4b:s23+s5] =	stream.strided.scatter [tilespmem:s26], [sflag:$0x2], $0x1000, s19, s5, $0x38;
	[tilespmem:$0x16010] =	vst v63  }
0x1b6: {  	s24 =	sadd.s32 $0x40000, s23  }
0x1b7: {  	[hbm4b:s24+s5] =	stream.strided.scatter [tilespmem:s28], [sflag:$0x2], $0x1000, s19, s5, $0x38;
	[tilespmem:$0x16010] =	vst v63  }
0x1b8: {  	s24 =	sadd.s32 $0x80000, s23  }
0x1b9: {  	[hbm4b:s24+s5] =	stream.strided.scatter [tilespmem:s29], [sflag:$0x2], $0x1000, s19, s5, $0x38;
	[tilespmem:$0x16010] =	vst v63  }
0x1ba: {  	s24 =	sadd.s32 $0xC0000, s23  }
0x1bb: {  	[hbm4b:s24+s5] =	stream.strided.scatter [tilespmem:s30], [sflag:$0x2], $0x1000, s19, s5, $0x38;
	[tilespmem:$0x16010] =	vst v63  }
0x1bc: {  	s24 =	sadd.s32 $0x100000, s23  }
0x1bd: {  	[hbm4b:s24+s5] =	stream.strided.scatter [tilespmem:s31], [sflag:$0x2], $0x1000, s19, s5, $0x38;
	[tilespmem:$0x16010] =	vst v63  }
0x1be: {  	s24 =	sadd.s32 $0x140000, s23  }
0x1bf: {  	[hbm4b:s24+s5] =	stream.strided.scatter [tilespmem:s0], [sflag:$0x2], $0x1000, s19, s5, $0x38;
	[tilespmem:$0x16010] =	vst v63  }
0x1c0: {  	s24 =	sadd.s32 $0x180000, s23  }
0x1c1: {  	[hbm4b:s24+s5] =	stream.strided.scatter [tilespmem:s2], [sflag:$0x2], $0x1000, s19, s5, $0x38;
	[tilespmem:$0x16010] =	vst v63  }
0x1c2: {  	s24 =	sadd.s32 $0x1C0000, s23  }
0x1c3: {  	[hbm4b:s24+s5] =	stream.strided.scatter [tilespmem:s4], [sflag:$0x2], $0x1000, s19, s5, $0x38;
	[tilespmem:$0x16010] =	vst v63  }
0x1c4: {  	s24 =	sadd.s32 $0x200000, s23  }
0x1c5: {  	[hbm4b:s24+s5] =	stream.strided.scatter [tilespmem:s6], [sflag:$0x2], $0x1000, s19, s5, $0x38;
	[tilespmem:$0x16010] =	vst v63  }
0x1c6: {  	s23 =	sadd.s32 $0x240000, s23  }
0x1c7: {  	[hbm4b:s23+s5] =	stream.strided.scatter [tilespmem:s7], [sflag:$0x2], $0x1000, s19, s5, $0x38;
	[tilespmem:$0x16010] =	vst v63  }
0x1c8: {  	s23 =	sld [smem:$0x7E0];
	_ =	sdelay $0x2  }
0x1c9: {  	[hbm4b:s23+s5] =	stream.strided.scatter [tilespmem:s26], [sflag:$0x2], $0x1000, s19, s5, $0x38;
	[tilespmem:$0x16010] =	vst v63  }
0x1ca: {  	s24 =	sadd.s32 $0x40000, s23  }
0x1cb: {  	[hbm4b:s24+s5] =	stream.strided.scatter [tilespmem:s28], [sflag:$0x2], $0x1000, s19, s5, $0x38;
	[tilespmem:$0x16010] =	vst v63  }
0x1cc: {  	s24 =	sadd.s32 $0x80000, s23  }
0x1cd: {  	[hbm4b:s24+s5] =	stream.strided.scatter [tilespmem:s29], [sflag:$0x2], $0x1000, s19, s5, $0x38;
	[tilespmem:$0x16010] =	vst v63  }
0x1ce: {  	s24 =	sadd.s32 $0xC0000, s23  }
0x1cf: {  	[hbm4b:s24+s5] =	stream.strided.scatter [tilespmem:s30], [sflag:$0x2], $0x1000, s19, s5, $0x38;
	[tilespmem:$0x16010] =	vst v63  }
0x1d0: {  	s24 =	sadd.s32 $0x100000, s23  }
0x1d1: {  	[hbm4b:s24+s5] =	stream.strided.scatter [tilespmem:s31], [sflag:$0x2], $0x1000, s19, s5, $0x38;
	[tilespmem:$0x16010] =	vst v63  }
0x1d2: {  	s24 =	sadd.s32 $0x140000, s23  }
0x1d3: {  	[hbm4b:s24+s5] =	stream.strided.scatter [tilespmem:s0], [sflag:$0x2], $0x1000, s19, s5, $0x38;
	[tilespmem:$0x16010] =	vst v63  }
0x1d4: {  	s24 =	sadd.s32 $0x180000, s23  }
0x1d5: {  	[hbm4b:s24+s5] =	stream.strided.scatter [tilespmem:s2], [sflag:$0x2], $0x1000, s19, s5, $0x38;
	[tilespmem:$0x16010] =	vst v63  }
0x1d6: {  	s24 =	sadd.s32 $0x1C0000, s23  }
0x1d7: {  	[hbm4b:s24+s5] =	stream.strided.scatter [tilespmem:s4], [sflag:$0x2], $0x1000, s19, s5, $0x38;
	[tilespmem:$0x16010] =	vst v63  }
0x1d8: {  	s24 =	sadd.s32 $0x200000, s23  }
0x1d9: {  	[hbm4b:s24+s5] =	stream.strided.scatter [tilespmem:s6], [sflag:$0x2], $0x1000, s19, s5, $0x38;
	[tilespmem:$0x16010] =	vst v63  }
0x1da: {  	s23 =	sadd.s32 $0x240000, s23  }
0x1db: {  	[hbm4b:s23+s5] =	stream.strided.scatter [tilespmem:s7], [sflag:$0x2], $0x1000, s19, s5, $0x38;
	[tilespmem:$0x16010] =	vst v63  }
0x1dc: {  	s23 =	sld [smem:$0x7F8];
	_ =	sdelay $0x2  }
0x1dd: {  	[hbm4b:s23+s5] =	stream.strided.scatter [tilespmem:s26], [sflag:$0x2], $0x1000, s19, s5, $0x38;
	[tilespmem:$0x16010] =	vst v63  }
0x1de: {  	s24 =	sadd.s32 $0x40000, s23  }
0x1df: {  	[hbm4b:s24+s5] =	stream.strided.scatter [tilespmem:s28], [sflag:$0x2], $0x1000, s19, s5, $0x38;
	[tilespmem:$0x16010] =	vst v63  }
0x1e0: {  	s24 =	sadd.s32 $0x80000, s23  }
0x1e1: {  	[hbm4b:s24+s5] =	stream.strided.scatter [tilespmem:s29], [sflag:$0x2], $0x1000, s19, s5, $0x38;
	[tilespmem:$0x16010] =	vst v63  }
0x1e2: {  	s24 =	sadd.s32 $0xC0000, s23  }
0x1e3: {  	[hbm4b:s24+s5] =	stream.strided.scatter [tilespmem:s30], [sflag:$0x2], $0x1000, s19, s5, $0x38;
	[tilespmem:$0x16010] =	vst v63  }
0x1e4: {  	s24 =	sadd.s32 $0x100000, s23  }
0x1e5: {  	[hbm4b:s24+s5] =	stream.strided.scatter [tilespmem:s31], [sflag:$0x2], $0x1000, s19, s5, $0x38;
	[tilespmem:$0x16010] =	vst v63  }
0x1e6: {  	s24 =	sadd.s32 $0x140000, s23  }
0x1e7: {  	[hbm4b:s24+s5] =	stream.strided.scatter [tilespmem:s0], [sflag:$0x2], $0x1000, s19, s5, $0x38;
	[tilespmem:$0x16010] =	vst v63  }
0x1e8: {  	s24 =	sadd.s32 $0x180000, s23  }
0x1e9: {  	[hbm4b:s24+s5] =	stream.strided.scatter [tilespmem:s2], [sflag:$0x2], $0x1000, s19, s5, $0x38;
	[tilespmem:$0x16010] =	vst v63  }
0x1ea: {  	s24 =	sadd.s32 $0x1C0000, s23  }
0x1eb: {  	[hbm4b:s24+s5] =	stream.strided.scatter [tilespmem:s4], [sflag:$0x2], $0x1000, s19, s5, $0x38;
	[tilespmem:$0x16010] =	vst v63  }
0x1ec: {  	s24 =	sadd.s32 $0x200000, s23  }
0x1ed: {  	[hbm4b:s24+s5] =	stream.strided.scatter [tilespmem:s6], [sflag:$0x2], $0x1000, s19, s5, $0x38;
	[tilespmem:$0x16010] =	vst v63  }
0x1ee: {  	s23 =	sadd.s32 $0x240000, s23  }
0x1ef: {  	[hbm4b:s23+s5] =	stream.strided.scatter [tilespmem:s7], [sflag:$0x2], $0x1000, s19, s5, $0x38;
	[tilespmem:$0x16010] =	vst v63  }
0x1f0: {  	s23 =	sld [smem:$0x7E3];
	_ =	sdelay $0x2  }
0x1f1: {  	[hbm4b:s23+s5] =	stream.strided.scatter [tilespmem:s26], [sflag:$0x2], $0x1000, s19, s5, $0x38;
	[tilespmem:$0x16010] =	vst v63  }
0x1f2: {  	s24 =	sadd.s32 $0x40000, s23  }
0x1f3: {  	[hbm4b:s24+s5] =	stream.strided.scatter [tilespmem:s28], [sflag:$0x2], $0x1000, s19, s5, $0x38;
	[tilespmem:$0x16010] =	vst v63  }
0x1f4: {  	s24 =	sadd.s32 $0x80000, s23  }
0x1f5: {  	[hbm4b:s24+s5] =	stream.strided.scatter [tilespmem:s29], [sflag:$0x2], $0x1000, s19, s5, $0x38;
	[tilespmem:$0x16010] =	vst v63  }
0x1f6: {  	s24 =	sadd.s32 $0xC0000, s23  }
0x1f7: {  	[hbm4b:s24+s5] =	stream.strided.scatter [tilespmem:s30], [sflag:$0x2], $0x1000, s19, s5, $0x38;
	[tilespmem:$0x16010] =	vst v63  }
0x1f8: {  	s24 =	sadd.s32 $0x100000, s23  }
0x1f9: {  	[hbm4b:s24+s5] =	stream.strided.scatter [tilespmem:s31], [sflag:$0x2], $0x1000, s19, s5, $0x38;
	[tilespmem:$0x16010] =	vst v63  }
0x1fa: {  	s24 =	sadd.s32 $0x140000, s23  }
0x1fb: {  	[hbm4b:s24+s5] =	stream.strided.scatter [tilespmem:s0], [sflag:$0x2], $0x1000, s19, s5, $0x38;
	[tilespmem:$0x16010] =	vst v63  }
0x1fc: {  	s24 =	sadd.s32 $0x180000, s23  }
0x1fd: {  	[hbm4b:s24+s5] =	stream.strided.scatter [tilespmem:s2], [sflag:$0x2], $0x1000, s19, s5, $0x38;
	[tilespmem:$0x16010] =	vst v63  }
0x1fe: {  	s24 =	sadd.s32 $0x1C0000, s23  }
0x1ff: {  	[hbm4b:s24+s5] =	stream.strided.scatter [tilespmem:s4], [sflag:$0x2], $0x1000, s19, s5, $0x38;
	[tilespmem:$0x16010] =	vst v63  }
0x200: {  	s24 =	sadd.s32 $0x200000, s23  }
0x201: {  	[hbm4b:s24+s5] =	stream.strided.scatter [tilespmem:s6], [sflag:$0x2], $0x1000, s19, s5, $0x38;
	[tilespmem:$0x16010] =	vst v63  }
0x202: {  	s23 =	sadd.s32 $0x240000, s23  }
0x203: {  	[hbm4b:s23+s5] =	stream.strided.scatter [tilespmem:s7], [sflag:$0x2], $0x1000, s19, s5, $0x38;
	[tilespmem:$0x16010] =	vst v63  }
0x204: {  	s23 =	sld [smem:$0x7E6];
	_ =	sdelay $0x2  }
0x205: {  	[hbm4b:s23+s5] =	stream.strided.scatter [tilespmem:s26], [sflag:$0x2], $0x1000, s19, s5, $0x38;
	[tilespmem:$0x16010] =	vst v63  }
0x206: {  	s24 =	sadd.s32 $0x40000, s23  }
0x207: {  	[hbm4b:s24+s5] =	stream.strided.scatter [tilespmem:s28], [sflag:$0x2], $0x1000, s19, s5, $0x38;
	[tilespmem:$0x16010] =	vst v63  }
0x208: {  	s24 =	sadd.s32 $0x80000, s23  }
0x209: {  	[hbm4b:s24+s5] =	stream.strided.scatter [tilespmem:s29], [sflag:$0x2], $0x1000, s19, s5, $0x38;
	[tilespmem:$0x16010] =	vst v63  }
0x20a: {  	s24 =	sadd.s32 $0xC0000, s23  }
0x20b: {  	[hbm4b:s24+s5] =	stream.strided.scatter [tilespmem:s30], [sflag:$0x2], $0x1000, s19, s5, $0x38;
	[tilespmem:$0x16010] =	vst v63  }
0x20c: {  	s24 =	sadd.s32 $0x100000, s23  }
0x20d: {  	[hbm4b:s24+s5] =	stream.strided.scatter [tilespmem:s31], [sflag:$0x2], $0x1000, s19, s5, $0x38;
	[tilespmem:$0x16010] =	vst v63  }
0x20e: {  	s24 =	sadd.s32 $0x140000, s23  }
0x20f: {  	[hbm4b:s24+s5] =	stream.strided.scatter [tilespmem:s0], [sflag:$0x2], $0x1000, s19, s5, $0x38;
	[tilespmem:$0x16010] =	vst v63  }
0x210: {  	s24 =	sadd.s32 $0x180000, s23  }
0x211: {  	[hbm4b:s24+s5] =	stream.strided.scatter [tilespmem:s2], [sflag:$0x2], $0x1000, s19, s5, $0x38;
	[tilespmem:$0x16010] =	vst v63  }
0x212: {  	s24 =	sadd.s32 $0x1C0000, s23  }
0x213: {  	[hbm4b:s24+s5] =	stream.strided.scatter [tilespmem:s4], [sflag:$0x2], $0x1000, s19, s5, $0x38;
	[tilespmem:$0x16010] =	vst v63  }
0x214: {  	s24 =	sadd.s32 $0x200000, s23  }
0x215: {  	[hbm4b:s24+s5] =	stream.strided.scatter [tilespmem:s6], [sflag:$0x2], $0x1000, s19, s5, $0x38;
	[tilespmem:$0x16010] =	vst v63  }
0x216: {  	s24 =	sadd.s32 $0x240000, s23  }
0x217: {  	[hbm4b:s24+s5] =	stream.strided.scatter [tilespmem:s7], [sflag:$0x2], $0x1000, s19, s5, $0x38;
	[tilespmem:$0x16010] =	vst v63  }
0x218: {  	_ =	swait.ge [sflag:s8], $0x1000  }
0x219: {  	[sflag:s8] =	ssyncset.done $0x0  }
0x21a: {  	[sflag:s8] =	ssyncadd.s32 $0xFFFFF000  }
0x21b: {  	_ =	swait.ge [sflag:s8], $0x1000  }
0x21c: {  	[sflag:s8] =	ssyncset.done $0x0  }
0x21d: {  	[sflag:s8] =	ssyncadd.s32 $0xFFFFF000  }
0x21e: {  	_ =	swait.ge [sflag:s8], $0x1000  }
0x21f: {  	[sflag:s8] =	ssyncset.done $0x0  }
0x220: {  	[sflag:s8] =	ssyncadd.s32 $0xFFFFF000  }
0x221: {  	_ =	swait.ge [sflag:s8], $0x1000  }
0x222: {  	[sflag:s8] =	ssyncset.done $0x0  }
0x223: {  	[sflag:s8] =	ssyncadd.s32 $0xFFFFF000  }
0x224: {  	_ =	swait.ge [sflag:s8], $0x1000  }
0x225: {  	[sflag:s8] =	ssyncset.done $0x0  }
0x226: {  	[sflag:s8] =	ssyncadd.s32 $0xFFFFF000  }
0x227: {  	_ =	swait.ge [sflag:s8], $0x1000  }
0x228: {  	[sflag:s8] =	ssyncset.done $0x0  }
0x229: {  	[sflag:s8] =	ssyncadd.s32 $0xFFFFF000  }
0x22a: {  	_ =	swait.ge [sflag:s8], $0x1000  }
0x22b: {  	[sflag:s8] =	ssyncset.done $0x0  }
0x22c: {  	[sflag:s8] =	ssyncadd.s32 $0xFFFFF000  }
0x22d: {  	_ =	swait.ge [sflag:s8], $0x1000  }
0x22e: {  	[sflag:s8] =	ssyncset.done $0x0  }
0x22f: {  	[sflag:s8] =	ssyncadd.s32 $0xFFFFF000  }
0x230: {  	_ =	swait.ge [sflag:s8], $0x1000  }
0x231: {  	[sflag:s8] =	ssyncset.done $0x0  }
0x232: {  	[sflag:s8] =	ssyncadd.s32 $0xFFFFF000  }
0x233: {  	_ =	swait.ge [sflag:s8], $0x1000  }
0x234: {  	[sflag:s8] =	ssyncset.done $0x0  }
0x235: {  	[sflag:s8] =	ssyncadd.s32 $0xFFFFF000  }
0x236: {  	_ =	swait.ge [sflag:s20], $0xA000  }
0x237: {  	[sflag:s20] =	ssyncset.done $0x0  }
0x238: {  	[sflag:s20] =	ssyncadd.s32 $0xFFFF6000  }
0x239: {  	_ =	swait.ge [sflag:s20], $0xA000  }
0x23a: {  	[sflag:s20] =	ssyncset.done $0x0  }
0x23b: {  	[sflag:s20] =	ssyncadd.s32 $0xFFFF6000  }
0x23c: {  	_ =	swait.ge [sflag:s20], $0xA000  }
0x23d: {  	[sflag:s20] =	ssyncset.done $0x0  }
0x23e: {  	[sflag:s20] =	ssyncadd.s32 $0xFFFF6000  }
0x23f: {  	_ =	swait.ge [sflag:s20], $0xA000  }
0x240: {  	[sflag:s20] =	ssyncset.done $0x0  }
0x241: {  	[sflag:s20] =	ssyncadd.s32 $0xFFFF6000  }
0x242: {  	_ =	swait.ge [sflag:s20], $0xA000  }
0x243: {  	[sflag:s20] =	ssyncset.done $0x0  }
0x244: {  	[sflag:s20] =	ssyncadd.s32 $0xFFFF6000  }
0x245: {  	_ =	swait.ge [sflag:s20], $0xA000  }
0x246: {  	[sflag:s20] =	ssyncset.done $0x0  }
0x247: {  	[sflag:s20] =	ssyncadd.s32 $0xFFFF6000  }
0x248: {  	_ =	swait.ge [sflag:s20], $0xA000  }
0x249: {  	[sflag:s20] =	ssyncset.done $0x0  }
0x24a: {  	[sflag:s20] =	ssyncadd.s32 $0xFFFF6000  }
0x24b: {  	_ =	swait.ge [sflag:s20], $0xA000  }
0x24c: {  	[sflag:s20] =	ssyncset.done $0x0  }
0x24d: {  	[sflag:s20] =	ssyncadd.s32 $0xFFFF6000  }
0x24e: {  	_ =	swait.ge [sflag:s20], $0xA000  }
0x24f: {  	[sflag:s20] =	ssyncset.done $0x0  }
0x250: {  	[sflag:s20] =	ssyncadd.s32 $0xFFFF6000  }
0x251: {  	_ =	swait.ge [sflag:s20], $0xA000  }
0x252: {  	[sflag:s20] =	ssyncset.done $0x0  }
0x253: {  	[sflag:s20] =	ssyncadd.s32 $0xFFFF6000  }
0x254: {  	_ =	swait.ge [sflag:s20], $0xA000  }
0x255: {  	[sflag:s20] =	ssyncset.done $0x0  }
0x256: {  	[sflag:s20] =	ssyncadd.s32 $0xFFFF6000  }
0x257: {  	_ =	swait.ge [sflag:s20], $0xA000  }
0x258: {  	[sflag:s20] =	ssyncset.done $0x0  }
0x259: {  	[sflag:s20] =	ssyncadd.s32 $0xFFFF6000  }
0x25a: {  	_ =	swait.ge [sflag:s20], $0xA000  }
0x25b: {  	[sflag:s20] =	ssyncset.done $0x0  }
0x25c: {  	[sflag:s20] =	ssyncadd.s32 $0xFFFF6000  }
0x25d: {  	_ =	swait.ge [sflag:s20], $0xA000  }
0x25e: {  	[sflag:s20] =	ssyncset.done $0x0  }
0x25f: {  	[sflag:s20] =	ssyncadd.s32 $0xFFFF6000  }
0x260: {  	_ =	swait.ge [sflag:s20], $0xA000  }
0x261: {  	[sflag:s20] =	ssyncset.done $0x0  }
0x262: {  	[sflag:s20] =	ssyncadd.s32 $0xFFFF6000  }
0x263: {  	_ =	swait.ge [sflag:s20], $0xA000  }
0x264: {  	s23 =	rddreg [dreg:$0x18];
	[sflag:s20] =	ssyncset.done $0x0  }
0x265: {  	s24 =	rddreg [dreg:$0x19];
	[sflag:s20] =	ssyncadd.s32 $0xFFFF6000  }
0x266: {  	[tilespmem:s26], [sflag:$0x1] =	stream.indirect.gather [spmem:s1], $0x80, s23, s25, $0xb8;
	[tilespmem:$0x16010] =	vst v63  }
0x267: {  	s22 =	rddreg [dreg:$0x1a]  }
0x268: {  	[tilespmem:s28], [sflag:$0x1] =	stream.indirect.gather [spmem:s1], $0x80, s24, s25, $0xb8;
	[tilespmem:$0x16010] =	vst v63  }
0x269: {  	s24 =	rddreg [dreg:$0x1b]  }
0x26a: {  	[tilespmem:s29], [sflag:$0x1] =	stream.indirect.gather [spmem:s1], $0x80, s22, s25, $0xb8;
	[tilespmem:$0x16010] =	vst v63  }
0x26b: {  	s22 =	rddreg [dreg:$0x1c]  }
0x26c: {  	[tilespmem:s30], [sflag:$0x1] =	stream.indirect.gather [spmem:s1], $0x80, s24, s25, $0xb8;
	[tilespmem:$0x16010] =	vst v63  }
0x26d: {  	s24 =	rddreg [dreg:$0x1d]  }
0x26e: {  	[tilespmem:s31], [sflag:$0x1] =	stream.indirect.gather [spmem:s1], $0x80, s22, s25, $0xb8;
	[tilespmem:$0x16010] =	vst v63  }
0x26f: {  	s22 =	rddreg [dreg:$0x1e]  }
0x270: {  	[tilespmem:s0], [sflag:$0x1] =	stream.indirect.gather [spmem:s1], $0x80, s24, s25, $0xb8;
	[tilespmem:$0x16010] =	vst v63  }
0x271: {  	s24 =	rddreg [dreg:$0x1f]  }
0x272: {  	[tilespmem:s2], [sflag:$0x1] =	stream.indirect.gather [spmem:s1], $0x80, s22, s25, $0xb8;
	[tilespmem:$0x16010] =	vst v63  }
0x273: {  	s22 =	sld [smem:$0x79B]  }
0x274: {  	[tilespmem:s4], [sflag:$0x1] =	stream.indirect.gather [spmem:s1], $0x80, s24, s25, $0xb8;
	[tilespmem:$0x16010] =	vst v63  }
0x275: {  	s24 =	sld [smem:$0x79D]  }
0x276: {  	[tilespmem:s6], [sflag:$0x1] =	stream.indirect.gather [spmem:s1], $0x80, s22, s25, $0xb8;
	[tilespmem:$0x16010] =	vst v63  }
0x277: {  	s23 =	sld [smem:$0x7EC]  }
0x278: {  	[tilespmem:s7], [sflag:$0x1] =	stream.indirect.gather [spmem:s1], $0x80, s24, s25, $0xb8;
	[tilespmem:$0x16010] =	vst v63  }
0x279: {  	_ = 	snop  }
0x27a: {  	[hbm4b:s23+s5] =	stream.strided.scatter [tilespmem:s9], [sflag:$0x3], $0x1000, s19, s5, $0x38;
	[tilespmem:$0x16010] =	vst v63  }
0x27b: {  	s24 =	sadd.s32 $0x40000, s23  }
0x27c: {  	[hbm4b:s24+s5] =	stream.strided.scatter [tilespmem:s10], [sflag:$0x3], $0x1000, s19, s5, $0x38;
	[tilespmem:$0x16010] =	vst v63  }
0x27d: {  	s24 =	sadd.s32 $0x80000, s23  }
0x27e: {  	[hbm4b:s24+s5] =	stream.strided.scatter [tilespmem:s11], [sflag:$0x3], $0x1000, s19, s5, $0x38;
	[tilespmem:$0x16010] =	vst v63  }
0x27f: {  	s24 =	sadd.s32 $0xC0000, s23  }
0x280: {  	[hbm4b:s24+s5] =	stream.strided.scatter [tilespmem:s12], [sflag:$0x3], $0x1000, s19, s5, $0x38;
	[tilespmem:$0x16010] =	vst v63  }
0x281: {  	s24 =	sadd.s32 $0x100000, s23  }
0x282: {  	[hbm4b:s24+s5] =	stream.strided.scatter [tilespmem:s13], [sflag:$0x3], $0x1000, s19, s5, $0x38;
	[tilespmem:$0x16010] =	vst v63  }
0x283: {  	s24 =	sadd.s32 $0x140000, s23  }
0x284: {  	[hbm4b:s24+s5] =	stream.strided.scatter [tilespmem:s14], [sflag:$0x3], $0x1000, s19, s5, $0x38;
	[tilespmem:$0x16010] =	vst v63  }
0x285: {  	s24 =	sadd.s32 $0x180000, s23  }
0x286: {  	[hbm4b:s24+s5] =	stream.strided.scatter [tilespmem:s15], [sflag:$0x3], $0x1000, s19, s5, $0x38;
	[tilespmem:$0x16010] =	vst v63  }
0x287: {  	s24 =	sadd.s32 $0x1C0000, s23  }
0x288: {  	[hbm4b:s24+s5] =	stream.strided.scatter [tilespmem:s16], [sflag:$0x3], $0x1000, s19, s5, $0x38;
	[tilespmem:$0x16010] =	vst v63  }
0x289: {  	s24 =	sadd.s32 $0x200000, s23  }
0x28a: {  	[hbm4b:s24+s5] =	stream.strided.scatter [tilespmem:s17], [sflag:$0x3], $0x1000, s19, s5, $0x38;
	[tilespmem:$0x16010] =	vst v63  }
0x28b: {  	s23 =	sadd.s32 $0x240000, s23  }
0x28c: {  	[hbm4b:s23+s5] =	stream.strided.scatter [tilespmem:s18], [sflag:$0x3], $0x1000, s19, s5, $0x38;
	[tilespmem:$0x16010] =	vst v63  }
0x28d: {  	s23 =	sld [smem:$0x799];
	_ =	sdelay $0x2  }
0x28e: {  	[hbm4b:s23+s5] =	stream.strided.scatter [tilespmem:s9], [sflag:$0x3], $0x1000, s19, s5, $0x38;
	[tilespmem:$0x16010] =	vst v63  }
0x28f: {  	s24 =	sadd.s32 $0x40000, s23  }
0x290: {  	[hbm4b:s24+s5] =	stream.strided.scatter [tilespmem:s10], [sflag:$0x3], $0x1000, s19, s5, $0x38;
	[tilespmem:$0x16010] =	vst v63  }
0x291: {  	s24 =	sadd.s32 $0x80000, s23  }
0x292: {  	[hbm4b:s24+s5] =	stream.strided.scatter [tilespmem:s11], [sflag:$0x3], $0x1000, s19, s5, $0x38;
	[tilespmem:$0x16010] =	vst v63  }
0x293: {  	s24 =	sadd.s32 $0xC0000, s23  }
0x294: {  	[hbm4b:s24+s5] =	stream.strided.scatter [tilespmem:s12], [sflag:$0x3], $0x1000, s19, s5, $0x38;
	[tilespmem:$0x16010] =	vst v63  }
0x295: {  	s24 =	sadd.s32 $0x100000, s23  }
0x296: {  	[hbm4b:s24+s5] =	stream.strided.scatter [tilespmem:s13], [sflag:$0x3], $0x1000, s19, s5, $0x38;
	[tilespmem:$0x16010] =	vst v63  }
0x297: {  	s24 =	sadd.s32 $0x140000, s23  }
0x298: {  	[hbm4b:s24+s5] =	stream.strided.scatter [tilespmem:s14], [sflag:$0x3], $0x1000, s19, s5, $0x38;
	[tilespmem:$0x16010] =	vst v63  }
0x299: {  	s24 =	sadd.s32 $0x180000, s23  }
0x29a: {  	[hbm4b:s24+s5] =	stream.strided.scatter [tilespmem:s15], [sflag:$0x3], $0x1000, s19, s5, $0x38;
	[tilespmem:$0x16010] =	vst v63  }
0x29b: {  	s24 =	sadd.s32 $0x1C0000, s23  }
0x29c: {  	[hbm4b:s24+s5] =	stream.strided.scatter [tilespmem:s16], [sflag:$0x3], $0x1000, s19, s5, $0x38;
	[tilespmem:$0x16010] =	vst v63  }
0x29d: {  	s24 =	sadd.s32 $0x200000, s23  }
0x29e: {  	[hbm4b:s24+s5] =	stream.strided.scatter [tilespmem:s17], [sflag:$0x3], $0x1000, s19, s5, $0x38;
	[tilespmem:$0x16010] =	vst v63  }
0x29f: {  	s23 =	sadd.s32 $0x240000, s23  }
0x2a0: {  	[hbm4b:s23+s5] =	stream.strided.scatter [tilespmem:s18], [sflag:$0x3], $0x1000, s19, s5, $0x38;
	[tilespmem:$0x16010] =	vst v63  }
0x2a1: {  	s23 =	sld [smem:$0x79A];
	_ =	sdelay $0x2  }
0x2a2: {  	[hbm4b:s23+s5] =	stream.strided.scatter [tilespmem:s9], [sflag:$0x3], $0x1000, s19, s5, $0x38;
	[tilespmem:$0x16010] =	vst v63  }
0x2a3: {  	s24 =	sadd.s32 $0x40000, s23  }
0x2a4: {  	[hbm4b:s24+s5] =	stream.strided.scatter [tilespmem:s10], [sflag:$0x3], $0x1000, s19, s5, $0x38;
	[tilespmem:$0x16010] =	vst v63  }
0x2a5: {  	s24 =	sadd.s32 $0x80000, s23  }
0x2a6: {  	[hbm4b:s24+s5] =	stream.strided.scatter [tilespmem:s11], [sflag:$0x3], $0x1000, s19, s5, $0x38;
	[tilespmem:$0x16010] =	vst v63  }
0x2a7: {  	s24 =	sadd.s32 $0xC0000, s23  }
0x2a8: {  	[hbm4b:s24+s5] =	stream.strided.scatter [tilespmem:s12], [sflag:$0x3], $0x1000, s19, s5, $0x38;
	[tilespmem:$0x16010] =	vst v63  }
0x2a9: {  	s24 =	sadd.s32 $0x100000, s23  }
0x2aa: {  	[hbm4b:s24+s5] =	stream.strided.scatter [tilespmem:s13], [sflag:$0x3], $0x1000, s19, s5, $0x38;
	[tilespmem:$0x16010] =	vst v63  }
0x2ab: {  	s24 =	sadd.s32 $0x140000, s23  }
0x2ac: {  	[hbm4b:s24+s5] =	stream.strided.scatter [tilespmem:s14], [sflag:$0x3], $0x1000, s19, s5, $0x38;
	[tilespmem:$0x16010] =	vst v63  }
0x2ad: {  	s24 =	sadd.s32 $0x180000, s23  }
0x2ae: {  	[hbm4b:s24+s5] =	stream.strided.scatter [tilespmem:s15], [sflag:$0x3], $0x1000, s19, s5, $0x38;
	[tilespmem:$0x16010] =	vst v63  }
0x2af: {  	s24 =	sadd.s32 $0x1C0000, s23  }
0x2b0: {  	[hbm4b:s24+s5] =	stream.strided.scatter [tilespmem:s16], [sflag:$0x3], $0x1000, s19, s5, $0x38;
	[tilespmem:$0x16010] =	vst v63  }
0x2b1: {  	s24 =	sadd.s32 $0x200000, s23  }
0x2b2: {  	[hbm4b:s24+s5] =	stream.strided.scatter [tilespmem:s17], [sflag:$0x3], $0x1000, s19, s5, $0x38;
	[tilespmem:$0x16010] =	vst v63  }
0x2b3: {  	s23 =	sadd.s32 $0x240000, s23  }
0x2b4: {  	[hbm4b:s23+s5] =	stream.strided.scatter [tilespmem:s18], [sflag:$0x3], $0x1000, s19, s5, $0x38;
	[tilespmem:$0x16010] =	vst v63  }
0x2b5: {  	s23 =	sld [smem:$0x79C];
	_ =	sdelay $0x2  }
0x2b6: {  	[hbm4b:s23+s5] =	stream.strided.scatter [tilespmem:s9], [sflag:$0x3], $0x1000, s19, s5, $0x38;
	[tilespmem:$0x16010] =	vst v63  }
0x2b7: {  	s24 =	sadd.s32 $0x40000, s23  }
0x2b8: {  	[hbm4b:s24+s5] =	stream.strided.scatter [tilespmem:s10], [sflag:$0x3], $0x1000, s19, s5, $0x38;
	[tilespmem:$0x16010] =	vst v63  }
0x2b9: {  	s24 =	sadd.s32 $0x80000, s23  }
0x2ba: {  	[hbm4b:s24+s5] =	stream.strided.scatter [tilespmem:s11], [sflag:$0x3], $0x1000, s19, s5, $0x38;
	[tilespmem:$0x16010] =	vst v63  }
0x2bb: {  	s24 =	sadd.s32 $0xC0000, s23  }
0x2bc: {  	[hbm4b:s24+s5] =	stream.strided.scatter [tilespmem:s12], [sflag:$0x3], $0x1000, s19, s5, $0x38;
	[tilespmem:$0x16010] =	vst v63  }
0x2bd: {  	s24 =	sadd.s32 $0x100000, s23  }
0x2be: {  	[hbm4b:s24+s5] =	stream.strided.scatter [tilespmem:s13], [sflag:$0x3], $0x1000, s19, s5, $0x38;
	[tilespmem:$0x16010] =	vst v63  }
0x2bf: {  	s24 =	sadd.s32 $0x140000, s23  }
0x2c0: {  	[hbm4b:s24+s5] =	stream.strided.scatter [tilespmem:s14], [sflag:$0x3], $0x1000, s19, s5, $0x38;
	[tilespmem:$0x16010] =	vst v63  }
0x2c1: {  	s24 =	sadd.s32 $0x180000, s23  }
0x2c2: {  	[hbm4b:s24+s5] =	stream.strided.scatter [tilespmem:s15], [sflag:$0x3], $0x1000, s19, s5, $0x38;
	[tilespmem:$0x16010] =	vst v63  }
0x2c3: {  	s24 =	sadd.s32 $0x1C0000, s23  }
0x2c4: {  	[hbm4b:s24+s5] =	stream.strided.scatter [tilespmem:s16], [sflag:$0x3], $0x1000, s19, s5, $0x38;
	[tilespmem:$0x16010] =	vst v63  }
0x2c5: {  	s24 =	sadd.s32 $0x200000, s23  }
0x2c6: {  	[hbm4b:s24+s5] =	stream.strided.scatter [tilespmem:s17], [sflag:$0x3], $0x1000, s19, s5, $0x38;
	[tilespmem:$0x16010] =	vst v63  }
0x2c7: {  	s23 =	sadd.s32 $0x240000, s23  }
0x2c8: {  	[hbm4b:s23+s5] =	stream.strided.scatter [tilespmem:s18], [sflag:$0x3], $0x1000, s19, s5, $0x38;
	[tilespmem:$0x16010] =	vst v63  }
0x2c9: {  	s23 =	sld [smem:$0x79E];
	_ =	sdelay $0x2  }
0x2ca: {  	[hbm4b:s23+s5] =	stream.strided.scatter [tilespmem:s9], [sflag:$0x3], $0x1000, s19, s5, $0x38;
	[tilespmem:$0x16010] =	vst v63  }
0x2cb: {  	s24 =	sadd.s32 $0x40000, s23  }
0x2cc: {  	[hbm4b:s24+s5] =	stream.strided.scatter [tilespmem:s10], [sflag:$0x3], $0x1000, s19, s5, $0x38;
	[tilespmem:$0x16010] =	vst v63  }
0x2cd: {  	s24 =	sadd.s32 $0x80000, s23  }
0x2ce: {  	[hbm4b:s24+s5] =	stream.strided.scatter [tilespmem:s11], [sflag:$0x3], $0x1000, s19, s5, $0x38;
	[tilespmem:$0x16010] =	vst v63  }
0x2cf: {  	s24 =	sadd.s32 $0xC0000, s23  }
0x2d0: {  	[hbm4b:s24+s5] =	stream.strided.scatter [tilespmem:s12], [sflag:$0x3], $0x1000, s19, s5, $0x38;
	[tilespmem:$0x16010] =	vst v63  }
0x2d1: {  	s24 =	sadd.s32 $0x100000, s23  }
0x2d2: {  	[hbm4b:s24+s5] =	stream.strided.scatter [tilespmem:s13], [sflag:$0x3], $0x1000, s19, s5, $0x38;
	[tilespmem:$0x16010] =	vst v63  }
0x2d3: {  	s24 =	sadd.s32 $0x140000, s23  }
0x2d4: {  	[hbm4b:s24+s5] =	stream.strided.scatter [tilespmem:s14], [sflag:$0x3], $0x1000, s19, s5, $0x38;
	[tilespmem:$0x16010] =	vst v63  }
0x2d5: {  	s24 =	sadd.s32 $0x180000, s23  }
0x2d6: {  	[hbm4b:s24+s5] =	stream.strided.scatter [tilespmem:s15], [sflag:$0x3], $0x1000, s19, s5, $0x38;
	[tilespmem:$0x16010] =	vst v63  }
0x2d7: {  	s24 =	sadd.s32 $0x1C0000, s23  }
0x2d8: {  	[hbm4b:s24+s5] =	stream.strided.scatter [tilespmem:s16], [sflag:$0x3], $0x1000, s19, s5, $0x38;
	[tilespmem:$0x16010] =	vst v63  }
0x2d9: {  	s24 =	sadd.s32 $0x200000, s23  }
0x2da: {  	[hbm4b:s24+s5] =	stream.strided.scatter [tilespmem:s17], [sflag:$0x3], $0x1000, s19, s5, $0x38;
	[tilespmem:$0x16010] =	vst v63  }
0x2db: {  	s23 =	sadd.s32 $0x240000, s23  }
0x2dc: {  	[hbm4b:s23+s5] =	stream.strided.scatter [tilespmem:s18], [sflag:$0x3], $0x1000, s19, s5, $0x38;
	[tilespmem:$0x16010] =	vst v63  }
0x2dd: {  	s23 =	sld [smem:$0x7A0];
	_ =	sdelay $0x2  }
0x2de: {  	[hbm4b:s23+s5] =	stream.strided.scatter [tilespmem:s9], [sflag:$0x3], $0x1000, s19, s5, $0x38;
	[tilespmem:$0x16010] =	vst v63  }
0x2df: {  	s24 =	sadd.s32 $0x40000, s23  }
0x2e0: {  	[hbm4b:s24+s5] =	stream.strided.scatter [tilespmem:s10], [sflag:$0x3], $0x1000, s19, s5, $0x38;
	[tilespmem:$0x16010] =	vst v63  }
0x2e1: {  	s24 =	sadd.s32 $0x80000, s23  }
0x2e2: {  	[hbm4b:s24+s5] =	stream.strided.scatter [tilespmem:s11], [sflag:$0x3], $0x1000, s19, s5, $0x38;
	[tilespmem:$0x16010] =	vst v63  }
0x2e3: {  	s24 =	sadd.s32 $0xC0000, s23  }
0x2e4: {  	[hbm4b:s24+s5] =	stream.strided.scatter [tilespmem:s12], [sflag:$0x3], $0x1000, s19, s5, $0x38;
	[tilespmem:$0x16010] =	vst v63  }
0x2e5: {  	s24 =	sadd.s32 $0x100000, s23  }
0x2e6: {  	[hbm4b:s24+s5] =	stream.strided.scatter [tilespmem:s13], [sflag:$0x3], $0x1000, s19, s5, $0x38;
	[tilespmem:$0x16010] =	vst v63  }
0x2e7: {  	s24 =	sadd.s32 $0x140000, s23  }
0x2e8: {  	[hbm4b:s24+s5] =	stream.strided.scatter [tilespmem:s14], [sflag:$0x3], $0x1000, s19, s5, $0x38;
	[tilespmem:$0x16010] =	vst v63  }
0x2e9: {  	s24 =	sadd.s32 $0x180000, s23  }
0x2ea: {  	[hbm4b:s24+s5] =	stream.strided.scatter [tilespmem:s15], [sflag:$0x3], $0x1000, s19, s5, $0x38;
	[tilespmem:$0x16010] =	vst v63  }
0x2eb: {  	s24 =	sadd.s32 $0x1C0000, s23  }
0x2ec: {  	[hbm4b:s24+s5] =	stream.strided.scatter [tilespmem:s16], [sflag:$0x3], $0x1000, s19, s5, $0x38;
	[tilespmem:$0x16010] =	vst v63  }
0x2ed: {  	s24 =	sadd.s32 $0x200000, s23  }
0x2ee: {  	[hbm4b:s24+s5] =	stream.strided.scatter [tilespmem:s17], [sflag:$0x3], $0x1000, s19, s5, $0x38;
	[tilespmem:$0x16010] =	vst v63  }
0x2ef: {  	s23 =	sadd.s32 $0x240000, s23  }
0x2f0: {  	[hbm4b:s23+s5] =	stream.strided.scatter [tilespmem:s18], [sflag:$0x3], $0x1000, s19, s5, $0x38;
	[tilespmem:$0x16010] =	vst v63  }
0x2f1: {  	s23 =	sld [smem:$0x7A2];
	_ =	sdelay $0x2  }
0x2f2: {  	[hbm4b:s23+s5] =	stream.strided.scatter [tilespmem:s9], [sflag:$0x3], $0x1000, s19, s5, $0x38;
	[tilespmem:$0x16010] =	vst v63  }
0x2f3: {  	s24 =	sadd.s32 $0x40000, s23  }
0x2f4: {  	[hbm4b:s24+s5] =	stream.strided.scatter [tilespmem:s10], [sflag:$0x3], $0x1000, s19, s5, $0x38;
	[tilespmem:$0x16010] =	vst v63  }
0x2f5: {  	s24 =	sadd.s32 $0x80000, s23  }
0x2f6: {  	[hbm4b:s24+s5] =	stream.strided.scatter [tilespmem:s11], [sflag:$0x3], $0x1000, s19, s5, $0x38;
	[tilespmem:$0x16010] =	vst v63  }
0x2f7: {  	s24 =	sadd.s32 $0xC0000, s23  }
0x2f8: {  	[hbm4b:s24+s5] =	stream.strided.scatter [tilespmem:s12], [sflag:$0x3], $0x1000, s19, s5, $0x38;
	[tilespmem:$0x16010] =	vst v63  }
0x2f9: {  	s24 =	sadd.s32 $0x100000, s23  }
0x2fa: {  	[hbm4b:s24+s5] =	stream.strided.scatter [tilespmem:s13], [sflag:$0x3], $0x1000, s19, s5, $0x38;
	[tilespmem:$0x16010] =	vst v63  }
0x2fb: {  	s24 =	sadd.s32 $0x140000, s23  }
0x2fc: {  	[hbm4b:s24+s5] =	stream.strided.scatter [tilespmem:s14], [sflag:$0x3], $0x1000, s19, s5, $0x38;
	[tilespmem:$0x16010] =	vst v63  }
0x2fd: {  	s24 =	sadd.s32 $0x180000, s23  }
0x2fe: {  	[hbm4b:s24+s5] =	stream.strided.scatter [tilespmem:s15], [sflag:$0x3], $0x1000, s19, s5, $0x38;
	[tilespmem:$0x16010] =	vst v63  }
0x2ff: {  	s24 =	sadd.s32 $0x1C0000, s23  }
0x300: {  	[hbm4b:s24+s5] =	stream.strided.scatter [tilespmem:s16], [sflag:$0x3], $0x1000, s19, s5, $0x38;
	[tilespmem:$0x16010] =	vst v63  }
0x301: {  	s24 =	sadd.s32 $0x200000, s23  }
0x302: {  	[hbm4b:s24+s5] =	stream.strided.scatter [tilespmem:s17], [sflag:$0x3], $0x1000, s19, s5, $0x38;
	[tilespmem:$0x16010] =	vst v63  }
0x303: {  	s23 =	sadd.s32 $0x240000, s23  }
0x304: {  	[hbm4b:s23+s5] =	stream.strided.scatter [tilespmem:s18], [sflag:$0x3], $0x1000, s19, s5, $0x38;
	[tilespmem:$0x16010] =	vst v63  }
0x305: {  	s23 =	sld [smem:$0x7A4];
	_ =	sdelay $0x2  }
0x306: {  	[hbm4b:s23+s5] =	stream.strided.scatter [tilespmem:s9], [sflag:$0x3], $0x1000, s19, s5, $0x38;
	[tilespmem:$0x16010] =	vst v63  }
0x307: {  	s24 =	sadd.s32 $0x40000, s23  }
0x308: {  	[hbm4b:s24+s5] =	stream.strided.scatter [tilespmem:s10], [sflag:$0x3], $0x1000, s19, s5, $0x38;
	[tilespmem:$0x16010] =	vst v63  }
0x309: {  	s24 =	sadd.s32 $0x80000, s23  }
0x30a: {  	[hbm4b:s24+s5] =	stream.strided.scatter [tilespmem:s11], [sflag:$0x3], $0x1000, s19, s5, $0x38;
	[tilespmem:$0x16010] =	vst v63  }
0x30b: {  	s24 =	sadd.s32 $0xC0000, s23  }
0x30c: {  	[hbm4b:s24+s5] =	stream.strided.scatter [tilespmem:s12], [sflag:$0x3], $0x1000, s19, s5, $0x38;
	[tilespmem:$0x16010] =	vst v63  }
0x30d: {  	s24 =	sadd.s32 $0x100000, s23  }
0x30e: {  	[hbm4b:s24+s5] =	stream.strided.scatter [tilespmem:s13], [sflag:$0x3], $0x1000, s19, s5, $0x38;
	[tilespmem:$0x16010] =	vst v63  }
0x30f: {  	s24 =	sadd.s32 $0x140000, s23  }
0x310: {  	[hbm4b:s24+s5] =	stream.strided.scatter [tilespmem:s14], [sflag:$0x3], $0x1000, s19, s5, $0x38;
	[tilespmem:$0x16010] =	vst v63  }
0x311: {  	s24 =	sadd.s32 $0x180000, s23  }
0x312: {  	[hbm4b:s24+s5] =	stream.strided.scatter [tilespmem:s15], [sflag:$0x3], $0x1000, s19, s5, $0x38;
	[tilespmem:$0x16010] =	vst v63  }
0x313: {  	s24 =	sadd.s32 $0x1C0000, s23  }
0x314: {  	[hbm4b:s24+s5] =	stream.strided.scatter [tilespmem:s16], [sflag:$0x3], $0x1000, s19, s5, $0x38;
	[tilespmem:$0x16010] =	vst v63  }
0x315: {  	s24 =	sadd.s32 $0x200000, s23  }
0x316: {  	[hbm4b:s24+s5] =	stream.strided.scatter [tilespmem:s17], [sflag:$0x3], $0x1000, s19, s5, $0x38;
	[tilespmem:$0x16010] =	vst v63  }
0x317: {  	s23 =	sadd.s32 $0x240000, s23  }
0x318: {  	[hbm4b:s23+s5] =	stream.strided.scatter [tilespmem:s18], [sflag:$0x3], $0x1000, s19, s5, $0x38;
	[tilespmem:$0x16010] =	vst v63  }
0x319: {  	s23 =	sld [smem:$0x7A6];
	_ =	sdelay $0x2  }
0x31a: {  	[hbm4b:s23+s5] =	stream.strided.scatter [tilespmem:s9], [sflag:$0x3], $0x1000, s19, s5, $0x38;
	[tilespmem:$0x16010] =	vst v63  }
0x31b: {  	s24 =	sadd.s32 $0x40000, s23  }
0x31c: {  	[hbm4b:s24+s5] =	stream.strided.scatter [tilespmem:s10], [sflag:$0x3], $0x1000, s19, s5, $0x38;
	[tilespmem:$0x16010] =	vst v63  }
0x31d: {  	s24 =	sadd.s32 $0x80000, s23  }
0x31e: {  	[hbm4b:s24+s5] =	stream.strided.scatter [tilespmem:s11], [sflag:$0x3], $0x1000, s19, s5, $0x38;
	[tilespmem:$0x16010] =	vst v63  }
0x31f: {  	s24 =	sadd.s32 $0xC0000, s23  }
0x320: {  	[hbm4b:s24+s5] =	stream.strided.scatter [tilespmem:s12], [sflag:$0x3], $0x1000, s19, s5, $0x38;
	[tilespmem:$0x16010] =	vst v63  }
0x321: {  	s24 =	sadd.s32 $0x100000, s23  }
0x322: {  	[hbm4b:s24+s5] =	stream.strided.scatter [tilespmem:s13], [sflag:$0x3], $0x1000, s19, s5, $0x38;
	[tilespmem:$0x16010] =	vst v63  }
0x323: {  	s24 =	sadd.s32 $0x140000, s23  }
0x324: {  	[hbm4b:s24+s5] =	stream.strided.scatter [tilespmem:s14], [sflag:$0x3], $0x1000, s19, s5, $0x38;
	[tilespmem:$0x16010] =	vst v63  }
0x325: {  	s24 =	sadd.s32 $0x180000, s23  }
0x326: {  	[hbm4b:s24+s5] =	stream.strided.scatter [tilespmem:s15], [sflag:$0x3], $0x1000, s19, s5, $0x38;
	[tilespmem:$0x16010] =	vst v63  }
0x327: {  	s24 =	sadd.s32 $0x1C0000, s23  }
0x328: {  	[hbm4b:s24+s5] =	stream.strided.scatter [tilespmem:s16], [sflag:$0x3], $0x1000, s19, s5, $0x38;
	[tilespmem:$0x16010] =	vst v63  }
0x329: {  	s24 =	sadd.s32 $0x200000, s23  }
0x32a: {  	[hbm4b:s24+s5] =	stream.strided.scatter [tilespmem:s17], [sflag:$0x3], $0x1000, s19, s5, $0x38;
	[tilespmem:$0x16010] =	vst v63  }
0x32b: {  	s23 =	sadd.s32 $0x240000, s23  }
0x32c: {  	[hbm4b:s23+s5] =	stream.strided.scatter [tilespmem:s18], [sflag:$0x3], $0x1000, s19, s5, $0x38;
	[tilespmem:$0x16010] =	vst v63  }
0x32d: {  	s23 =	sld [smem:$0x7A8];
	_ =	sdelay $0x2  }
0x32e: {  	[hbm4b:s23+s5] =	stream.strided.scatter [tilespmem:s9], [sflag:$0x3], $0x1000, s19, s5, $0x38;
	[tilespmem:$0x16010] =	vst v63  }
0x32f: {  	s24 =	sadd.s32 $0x40000, s23  }
0x330: {  	[hbm4b:s24+s5] =	stream.strided.scatter [tilespmem:s10], [sflag:$0x3], $0x1000, s19, s5, $0x38;
	[tilespmem:$0x16010] =	vst v63  }
0x331: {  	s24 =	sadd.s32 $0x80000, s23  }
0x332: {  	[hbm4b:s24+s5] =	stream.strided.scatter [tilespmem:s11], [sflag:$0x3], $0x1000, s19, s5, $0x38;
	[tilespmem:$0x16010] =	vst v63  }
0x333: {  	s24 =	sadd.s32 $0xC0000, s23  }
0x334: {  	[hbm4b:s24+s5] =	stream.strided.scatter [tilespmem:s12], [sflag:$0x3], $0x1000, s19, s5, $0x38;
	[tilespmem:$0x16010] =	vst v63  }
0x335: {  	s24 =	sadd.s32 $0x100000, s23  }
0x336: {  	[hbm4b:s24+s5] =	stream.strided.scatter [tilespmem:s13], [sflag:$0x3], $0x1000, s19, s5, $0x38;
	[tilespmem:$0x16010] =	vst v63  }
0x337: {  	s24 =	sadd.s32 $0x140000, s23  }
0x338: {  	[hbm4b:s24+s5] =	stream.strided.scatter [tilespmem:s14], [sflag:$0x3], $0x1000, s19, s5, $0x38;
	[tilespmem:$0x16010] =	vst v63  }
0x339: {  	s24 =	sadd.s32 $0x180000, s23  }
0x33a: {  	[hbm4b:s24+s5] =	stream.strided.scatter [tilespmem:s15], [sflag:$0x3], $0x1000, s19, s5, $0x38;
	[tilespmem:$0x16010] =	vst v63  }
0x33b: {  	s24 =	sadd.s32 $0x1C0000, s23  }
0x33c: {  	[hbm4b:s24+s5] =	stream.strided.scatter [tilespmem:s16], [sflag:$0x3], $0x1000, s19, s5, $0x38;
	[tilespmem:$0x16010] =	vst v63  }
0x33d: {  	s24 =	sadd.s32 $0x200000, s23  }
0x33e: {  	[hbm4b:s24+s5] =	stream.strided.scatter [tilespmem:s17], [sflag:$0x3], $0x1000, s19, s5, $0x38;
	[tilespmem:$0x16010] =	vst v63  }
0x33f: {  	s23 =	sadd.s32 $0x240000, s23  }
0x340: {  	[hbm4b:s23+s5] =	stream.strided.scatter [tilespmem:s18], [sflag:$0x3], $0x1000, s19, s5, $0x38;
	[tilespmem:$0x16010] =	vst v63  }
0x341: {  	s23 =	sld [smem:$0x7AA];
	_ =	sdelay $0x2  }
0x342: {  	[hbm4b:s23+s5] =	stream.strided.scatter [tilespmem:s9], [sflag:$0x3], $0x1000, s19, s5, $0x38;
	[tilespmem:$0x16010] =	vst v63  }
0x343: {  	s24 =	sadd.s32 $0x40000, s23  }
0x344: {  	[hbm4b:s24+s5] =	stream.strided.scatter [tilespmem:s10], [sflag:$0x3], $0x1000, s19, s5, $0x38;
	[tilespmem:$0x16010] =	vst v63  }
0x345: {  	s24 =	sadd.s32 $0x80000, s23  }
0x346: {  	[hbm4b:s24+s5] =	stream.strided.scatter [tilespmem:s11], [sflag:$0x3], $0x1000, s19, s5, $0x38;
	[tilespmem:$0x16010] =	vst v63  }
0x347: {  	s24 =	sadd.s32 $0xC0000, s23  }
0x348: {  	[hbm4b:s24+s5] =	stream.strided.scatter [tilespmem:s12], [sflag:$0x3], $0x1000, s19, s5, $0x38;
	[tilespmem:$0x16010] =	vst v63  }
0x349: {  	s24 =	sadd.s32 $0x100000, s23  }
0x34a: {  	[hbm4b:s24+s5] =	stream.strided.scatter [tilespmem:s13], [sflag:$0x3], $0x1000, s19, s5, $0x38;
	[tilespmem:$0x16010] =	vst v63  }
0x34b: {  	s24 =	sadd.s32 $0x140000, s23  }
0x34c: {  	[hbm4b:s24+s5] =	stream.strided.scatter [tilespmem:s14], [sflag:$0x3], $0x1000, s19, s5, $0x38;
	[tilespmem:$0x16010] =	vst v63  }
0x34d: {  	s24 =	sadd.s32 $0x180000, s23  }
0x34e: {  	[hbm4b:s24+s5] =	stream.strided.scatter [tilespmem:s15], [sflag:$0x3], $0x1000, s19, s5, $0x38;
	[tilespmem:$0x16010] =	vst v63  }
0x34f: {  	s24 =	sadd.s32 $0x1C0000, s23  }
0x350: {  	[hbm4b:s24+s5] =	stream.strided.scatter [tilespmem:s16], [sflag:$0x3], $0x1000, s19, s5, $0x38;
	[tilespmem:$0x16010] =	vst v63  }
0x351: {  	s24 =	sadd.s32 $0x200000, s23  }
0x352: {  	[hbm4b:s24+s5] =	stream.strided.scatter [tilespmem:s17], [sflag:$0x3], $0x1000, s19, s5, $0x38;
	[tilespmem:$0x16010] =	vst v63  }
0x353: {  	s23 =	sadd.s32 $0x240000, s23  }
0x354: {  	[hbm4b:s23+s5] =	stream.strided.scatter [tilespmem:s18], [sflag:$0x3], $0x1000, s19, s5, $0x38;
	[tilespmem:$0x16010] =	vst v63  }
0x355: {  	s23 =	sld [smem:$0x7AC];
	_ =	sdelay $0x2  }
0x356: {  	[hbm4b:s23+s5] =	stream.strided.scatter [tilespmem:s9], [sflag:$0x3], $0x1000, s19, s5, $0x38;
	[tilespmem:$0x16010] =	vst v63  }
0x357: {  	s24 =	sadd.s32 $0x40000, s23  }
0x358: {  	[hbm4b:s24+s5] =	stream.strided.scatter [tilespmem:s10], [sflag:$0x3], $0x1000, s19, s5, $0x38;
	[tilespmem:$0x16010] =	vst v63  }
0x359: {  	s24 =	sadd.s32 $0x80000, s23  }
0x35a: {  	[hbm4b:s24+s5] =	stream.strided.scatter [tilespmem:s11], [sflag:$0x3], $0x1000, s19, s5, $0x38;
	[tilespmem:$0x16010] =	vst v63  }
0x35b: {  	s24 =	sadd.s32 $0xC0000, s23  }
0x35c: {  	[hbm4b:s24+s5] =	stream.strided.scatter [tilespmem:s12], [sflag:$0x3], $0x1000, s19, s5, $0x38;
	[tilespmem:$0x16010] =	vst v63  }
0x35d: {  	s24 =	sadd.s32 $0x100000, s23  }
0x35e: {  	[hbm4b:s24+s5] =	stream.strided.scatter [tilespmem:s13], [sflag:$0x3], $0x1000, s19, s5, $0x38;
	[tilespmem:$0x16010] =	vst v63  }
0x35f: {  	s24 =	sadd.s32 $0x140000, s23  }
0x360: {  	[hbm4b:s24+s5] =	stream.strided.scatter [tilespmem:s14], [sflag:$0x3], $0x1000, s19, s5, $0x38;
	[tilespmem:$0x16010] =	vst v63  }
0x361: {  	s24 =	sadd.s32 $0x180000, s23  }
0x362: {  	[hbm4b:s24+s5] =	stream.strided.scatter [tilespmem:s15], [sflag:$0x3], $0x1000, s19, s5, $0x38;
	[tilespmem:$0x16010] =	vst v63  }
0x363: {  	s24 =	sadd.s32 $0x1C0000, s23  }
0x364: {  	[hbm4b:s24+s5] =	stream.strided.scatter [tilespmem:s16], [sflag:$0x3], $0x1000, s19, s5, $0x38;
	[tilespmem:$0x16010] =	vst v63  }
0x365: {  	s24 =	sadd.s32 $0x200000, s23  }
0x366: {  	[hbm4b:s24+s5] =	stream.strided.scatter [tilespmem:s17], [sflag:$0x3], $0x1000, s19, s5, $0x38;
	[tilespmem:$0x16010] =	vst v63  }
0x367: {  	s23 =	sadd.s32 $0x240000, s23  }
0x368: {  	[hbm4b:s23+s5] =	stream.strided.scatter [tilespmem:s18], [sflag:$0x3], $0x1000, s19, s5, $0x38;
	[tilespmem:$0x16010] =	vst v63  }
0x369: {  	s23 =	sld [smem:$0x7AE];
	_ =	sdelay $0x2  }
0x36a: {  	[hbm4b:s23+s5] =	stream.strided.scatter [tilespmem:s9], [sflag:$0x3], $0x1000, s19, s5, $0x38;
	[tilespmem:$0x16010] =	vst v63  }
0x36b: {  	s24 =	sadd.s32 $0x40000, s23  }
0x36c: {  	[hbm4b:s24+s5] =	stream.strided.scatter [tilespmem:s10], [sflag:$0x3], $0x1000, s19, s5, $0x38;
	[tilespmem:$0x16010] =	vst v63  }
0x36d: {  	s24 =	sadd.s32 $0x80000, s23  }
0x36e: {  	[hbm4b:s24+s5] =	stream.strided.scatter [tilespmem:s11], [sflag:$0x3], $0x1000, s19, s5, $0x38;
	[tilespmem:$0x16010] =	vst v63  }
0x36f: {  	s24 =	sadd.s32 $0xC0000, s23  }
0x370: {  	[hbm4b:s24+s5] =	stream.strided.scatter [tilespmem:s12], [sflag:$0x3], $0x1000, s19, s5, $0x38;
	[tilespmem:$0x16010] =	vst v63  }
0x371: {  	s24 =	sadd.s32 $0x100000, s23  }
0x372: {  	[hbm4b:s24+s5] =	stream.strided.scatter [tilespmem:s13], [sflag:$0x3], $0x1000, s19, s5, $0x38;
	[tilespmem:$0x16010] =	vst v63  }
0x373: {  	s24 =	sadd.s32 $0x140000, s23  }
0x374: {  	[hbm4b:s24+s5] =	stream.strided.scatter [tilespmem:s14], [sflag:$0x3], $0x1000, s19, s5, $0x38;
	[tilespmem:$0x16010] =	vst v63  }
0x375: {  	s24 =	sadd.s32 $0x180000, s23  }
0x376: {  	[hbm4b:s24+s5] =	stream.strided.scatter [tilespmem:s15], [sflag:$0x3], $0x1000, s19, s5, $0x38;
	[tilespmem:$0x16010] =	vst v63  }
0x377: {  	s24 =	sadd.s32 $0x1C0000, s23  }
0x378: {  	[hbm4b:s24+s5] =	stream.strided.scatter [tilespmem:s16], [sflag:$0x3], $0x1000, s19, s5, $0x38;
	[tilespmem:$0x16010] =	vst v63  }
0x379: {  	s24 =	sadd.s32 $0x200000, s23  }
0x37a: {  	[hbm4b:s24+s5] =	stream.strided.scatter [tilespmem:s17], [sflag:$0x3], $0x1000, s19, s5, $0x38;
	[tilespmem:$0x16010] =	vst v63  }
0x37b: {  	s23 =	sadd.s32 $0x240000, s23  }
0x37c: {  	[hbm4b:s23+s5] =	stream.strided.scatter [tilespmem:s18], [sflag:$0x3], $0x1000, s19, s5, $0x38;
	[tilespmem:$0x16010] =	vst v63  }
0x37d: {  	s23 =	sld [smem:$0x7B0];
	_ =	sdelay $0x2  }
0x37e: {  	[hbm4b:s23+s5] =	stream.strided.scatter [tilespmem:s9], [sflag:$0x3], $0x1000, s19, s5, $0x38;
	[tilespmem:$0x16010] =	vst v63  }
0x37f: {  	s24 =	sadd.s32 $0x40000, s23  }
0x380: {  	[hbm4b:s24+s5] =	stream.strided.scatter [tilespmem:s10], [sflag:$0x3], $0x1000, s19, s5, $0x38;
	[tilespmem:$0x16010] =	vst v63  }
0x381: {  	s24 =	sadd.s32 $0x80000, s23  }
0x382: {  	[hbm4b:s24+s5] =	stream.strided.scatter [tilespmem:s11], [sflag:$0x3], $0x1000, s19, s5, $0x38;
	[tilespmem:$0x16010] =	vst v63  }
0x383: {  	s24 =	sadd.s32 $0xC0000, s23  }
0x384: {  	[hbm4b:s24+s5] =	stream.strided.scatter [tilespmem:s12], [sflag:$0x3], $0x1000, s19, s5, $0x38;
	[tilespmem:$0x16010] =	vst v63  }
0x385: {  	s24 =	sadd.s32 $0x100000, s23  }
0x386: {  	[hbm4b:s24+s5] =	stream.strided.scatter [tilespmem:s13], [sflag:$0x3], $0x1000, s19, s5, $0x38;
	[tilespmem:$0x16010] =	vst v63  }
0x387: {  	s24 =	sadd.s32 $0x140000, s23  }
0x388: {  	[hbm4b:s24+s5] =	stream.strided.scatter [tilespmem:s14], [sflag:$0x3], $0x1000, s19, s5, $0x38;
	[tilespmem:$0x16010] =	vst v63  }
0x389: {  	s24 =	sadd.s32 $0x180000, s23  }
0x38a: {  	[hbm4b:s24+s5] =	stream.strided.scatter [tilespmem:s15], [sflag:$0x3], $0x1000, s19, s5, $0x38;
	[tilespmem:$0x16010] =	vst v63  }
0x38b: {  	s24 =	sadd.s32 $0x1C0000, s23  }
0x38c: {  	[hbm4b:s24+s5] =	stream.strided.scatter [tilespmem:s16], [sflag:$0x3], $0x1000, s19, s5, $0x38;
	[tilespmem:$0x16010] =	vst v63  }
0x38d: {  	s24 =	sadd.s32 $0x200000, s23  }
0x38e: {  	[hbm4b:s24+s5] =	stream.strided.scatter [tilespmem:s17], [sflag:$0x3], $0x1000, s19, s5, $0x38;
	[tilespmem:$0x16010] =	vst v63  }
0x38f: {  	s23 =	sadd.s32 $0x240000, s23  }
0x390: {  	[hbm4b:s23+s5] =	stream.strided.scatter [tilespmem:s18], [sflag:$0x3], $0x1000, s19, s5, $0x38;
	[tilespmem:$0x16010] =	vst v63  }
0x391: {  	s23 =	sld [smem:$0x7B2];
	_ =	sdelay $0x2  }
0x392: {  	[hbm4b:s23+s5] =	stream.strided.scatter [tilespmem:s9], [sflag:$0x3], $0x1000, s19, s5, $0x38;
	[tilespmem:$0x16010] =	vst v63  }
0x393: {  	s24 =	sadd.s32 $0x40000, s23  }
0x394: {  	[hbm4b:s24+s5] =	stream.strided.scatter [tilespmem:s10], [sflag:$0x3], $0x1000, s19, s5, $0x38;
	[tilespmem:$0x16010] =	vst v63  }
0x395: {  	s24 =	sadd.s32 $0x80000, s23  }
0x396: {  	[hbm4b:s24+s5] =	stream.strided.scatter [tilespmem:s11], [sflag:$0x3], $0x1000, s19, s5, $0x38;
	[tilespmem:$0x16010] =	vst v63  }
0x397: {  	s24 =	sadd.s32 $0xC0000, s23  }
0x398: {  	[hbm4b:s24+s5] =	stream.strided.scatter [tilespmem:s12], [sflag:$0x3], $0x1000, s19, s5, $0x38;
	[tilespmem:$0x16010] =	vst v63  }
0x399: {  	s24 =	sadd.s32 $0x100000, s23  }
0x39a: {  	[hbm4b:s24+s5] =	stream.strided.scatter [tilespmem:s13], [sflag:$0x3], $0x1000, s19, s5, $0x38;
	[tilespmem:$0x16010] =	vst v63  }
0x39b: {  	s24 =	sadd.s32 $0x140000, s23  }
0x39c: {  	[hbm4b:s24+s5] =	stream.strided.scatter [tilespmem:s14], [sflag:$0x3], $0x1000, s19, s5, $0x38;
	[tilespmem:$0x16010] =	vst v63  }
0x39d: {  	s24 =	sadd.s32 $0x180000, s23  }
0x39e: {  	[hbm4b:s24+s5] =	stream.strided.scatter [tilespmem:s15], [sflag:$0x3], $0x1000, s19, s5, $0x38;
	[tilespmem:$0x16010] =	vst v63  }
0x39f: {  	s24 =	sadd.s32 $0x1C0000, s23  }
0x3a0: {  	[hbm4b:s24+s5] =	stream.strided.scatter [tilespmem:s16], [sflag:$0x3], $0x1000, s19, s5, $0x38;
	[tilespmem:$0x16010] =	vst v63  }
0x3a1: {  	s24 =	sadd.s32 $0x200000, s23  }
0x3a2: {  	[hbm4b:s24+s5] =	stream.strided.scatter [tilespmem:s17], [sflag:$0x3], $0x1000, s19, s5, $0x38;
	[tilespmem:$0x16010] =	vst v63  }
0x3a3: {  	s23 =	sadd.s32 $0x240000, s23  }
0x3a4: {  	[hbm4b:s23+s5] =	stream.strided.scatter [tilespmem:s18], [sflag:$0x3], $0x1000, s19, s5, $0x38;
	[tilespmem:$0x16010] =	vst v63  }
0x3a5: {  	s23 =	sld [smem:$0x7B4];
	_ =	sdelay $0x2  }
0x3a6: {  	[hbm4b:s23+s5] =	stream.strided.scatter [tilespmem:s9], [sflag:$0x3], $0x1000, s19, s5, $0x38;
	[tilespmem:$0x16010] =	vst v63  }
0x3a7: {  	s24 =	sadd.s32 $0x40000, s23  }
0x3a8: {  	[hbm4b:s24+s5] =	stream.strided.scatter [tilespmem:s10], [sflag:$0x3], $0x1000, s19, s5, $0x38;
	[tilespmem:$0x16010] =	vst v63  }
0x3a9: {  	s24 =	sadd.s32 $0x80000, s23  }
0x3aa: {  	[hbm4b:s24+s5] =	stream.strided.scatter [tilespmem:s11], [sflag:$0x3], $0x1000, s19, s5, $0x38;
	[tilespmem:$0x16010] =	vst v63  }
0x3ab: {  	s24 =	sadd.s32 $0xC0000, s23  }
0x3ac: {  	[hbm4b:s24+s5] =	stream.strided.scatter [tilespmem:s12], [sflag:$0x3], $0x1000, s19, s5, $0x38;
	[tilespmem:$0x16010] =	vst v63  }
0x3ad: {  	s24 =	sadd.s32 $0x100000, s23  }
0x3ae: {  	[hbm4b:s24+s5] =	stream.strided.scatter [tilespmem:s13], [sflag:$0x3], $0x1000, s19, s5, $0x38;
	[tilespmem:$0x16010] =	vst v63  }
0x3af: {  	s24 =	sadd.s32 $0x140000, s23  }
0x3b0: {  	[hbm4b:s24+s5] =	stream.strided.scatter [tilespmem:s14], [sflag:$0x3], $0x1000, s19, s5, $0x38;
	[tilespmem:$0x16010] =	vst v63  }
0x3b1: {  	s24 =	sadd.s32 $0x180000, s23  }
0x3b2: {  	[hbm4b:s24+s5] =	stream.strided.scatter [tilespmem:s15], [sflag:$0x3], $0x1000, s19, s5, $0x38;
	[tilespmem:$0x16010] =	vst v63  }
0x3b3: {  	s24 =	sadd.s32 $0x1C0000, s23  }
0x3b4: {  	[hbm4b:s24+s5] =	stream.strided.scatter [tilespmem:s16], [sflag:$0x3], $0x1000, s19, s5, $0x38;
	[tilespmem:$0x16010] =	vst v63  }
0x3b5: {  	s24 =	sadd.s32 $0x200000, s23  }
0x3b6: {  	[hbm4b:s24+s5] =	stream.strided.scatter [tilespmem:s17], [sflag:$0x3], $0x1000, s19, s5, $0x38;
	[tilespmem:$0x16010] =	vst v63  }
0x3b7: {  	s24 =	sadd.s32 $0x240000, s23  }
0x3b8: {  	[hbm4b:s24+s5] =	stream.strided.scatter [tilespmem:s18], [sflag:$0x3], $0x1000, s19, s5, $0x38;
	[tilespmem:$0x16010] =	vst v63  }
0x3b9: {  	_ =	swait.ge [sflag:s8], $0x1000  }
0x3ba: {  	[sflag:s8] =	ssyncset.done $0x0  }
0x3bb: {  	[sflag:s8] =	ssyncadd.s32 $0xFFFFF000  }
0x3bc: {  	_ =	swait.ge [sflag:s8], $0x1000  }
0x3bd: {  	[sflag:s8] =	ssyncset.done $0x0  }
0x3be: {  	[sflag:s8] =	ssyncadd.s32 $0xFFFFF000  }
0x3bf: {  	_ =	swait.ge [sflag:s8], $0x1000  }
0x3c0: {  	[sflag:s8] =	ssyncset.done $0x0  }
0x3c1: {  	[sflag:s8] =	ssyncadd.s32 $0xFFFFF000  }
0x3c2: {  	_ =	swait.ge [sflag:s8], $0x1000  }
0x3c3: {  	[sflag:s8] =	ssyncset.done $0x0  }
0x3c4: {  	[sflag:s8] =	ssyncadd.s32 $0xFFFFF000  }
0x3c5: {  	_ =	swait.ge [sflag:s8], $0x1000  }
0x3c6: {  	[sflag:s8] =	ssyncset.done $0x0  }
0x3c7: {  	[sflag:s8] =	ssyncadd.s32 $0xFFFFF000  }
0x3c8: {  	_ =	swait.ge [sflag:s8], $0x1000  }
0x3c9: {  	[sflag:s8] =	ssyncset.done $0x0  }
0x3ca: {  	[sflag:s8] =	ssyncadd.s32 $0xFFFFF000  }
0x3cb: {  	_ =	swait.ge [sflag:s8], $0x1000  }
0x3cc: {  	[sflag:s8] =	ssyncset.done $0x0  }
0x3cd: {  	[sflag:s8] =	ssyncadd.s32 $0xFFFFF000  }
0x3ce: {  	_ =	swait.ge [sflag:s8], $0x1000  }
0x3cf: {  	[sflag:s8] =	ssyncset.done $0x0  }
0x3d0: {  	[sflag:s8] =	ssyncadd.s32 $0xFFFFF000  }
0x3d1: {  	_ =	swait.ge [sflag:s8], $0x1000  }
0x3d2: {  	[sflag:s8] =	ssyncset.done $0x0  }
0x3d3: {  	[sflag:s8] =	ssyncadd.s32 $0xFFFFF000  }
0x3d4: {  	_ =	swait.ge [sflag:s8], $0x1000  }
0x3d5: {  	[sflag:s8] =	ssyncset.done $0x0  }
0x3d6: {  	[sflag:s8] =	ssyncadd.s32 $0xFFFFF000  }
0x3d7: {  	_ =	swait.ge [sflag:s21], $0xA000  }
0x3d8: {  	[sflag:s21] =	ssyncset.done $0x0  }
0x3d9: {  	[sflag:s21] =	ssyncadd.s32 $0xFFFF6000  }
0x3da: {  	_ =	swait.ge [sflag:s21], $0xA000  }
0x3db: {  	[sflag:s21] =	ssyncset.done $0x0  }
0x3dc: {  	[sflag:s21] =	ssyncadd.s32 $0xFFFF6000  }
0x3dd: {  	_ =	swait.ge [sflag:s21], $0xA000  }
0x3de: {  	[sflag:s21] =	ssyncset.done $0x0  }
0x3df: {  	[sflag:s21] =	ssyncadd.s32 $0xFFFF6000  }
0x3e0: {  	_ =	swait.ge [sflag:s21], $0xA000  }
0x3e1: {  	[sflag:s21] =	ssyncset.done $0x0  }
0x3e2: {  	[sflag:s21] =	ssyncadd.s32 $0xFFFF6000  }
0x3e3: {  	_ =	swait.ge [sflag:s21], $0xA000  }
0x3e4: {  	[sflag:s21] =	ssyncset.done $0x0  }
0x3e5: {  	[sflag:s21] =	ssyncadd.s32 $0xFFFF6000  }
0x3e6: {  	_ =	swait.ge [sflag:s21], $0xA000  }
0x3e7: {  	[sflag:s21] =	ssyncset.done $0x0  }
0x3e8: {  	[sflag:s21] =	ssyncadd.s32 $0xFFFF6000  }
0x3e9: {  	_ =	swait.ge [sflag:s21], $0xA000  }
0x3ea: {  	[sflag:s21] =	ssyncset.done $0x0  }
0x3eb: {  	[sflag:s21] =	ssyncadd.s32 $0xFFFF6000  }
0x3ec: {  	_ =	swait.ge [sflag:s21], $0xA000  }
0x3ed: {  	[sflag:s21] =	ssyncset.done $0x0  }
0x3ee: {  	[sflag:s21] =	ssyncadd.s32 $0xFFFF6000  }
0x3ef: {  	_ =	swait.ge [sflag:s21], $0xA000  }
0x3f0: {  	[sflag:s21] =	ssyncset.done $0x0  }
0x3f1: {  	[sflag:s21] =	ssyncadd.s32 $0xFFFF6000  }
0x3f2: {  	_ =	swait.ge [sflag:s21], $0xA000  }
0x3f3: {  	[sflag:s21] =	ssyncset.done $0x0  }
0x3f4: {  	[sflag:s21] =	ssyncadd.s32 $0xFFFF6000  }
0x3f5: {  	_ =	swait.ge [sflag:s21], $0xA000  }
0x3f6: {  	[sflag:s21] =	ssyncset.done $0x0  }
0x3f7: {  	[sflag:s21] =	ssyncadd.s32 $0xFFFF6000  }
0x3f8: {  	_ =	swait.ge [sflag:s21], $0xA000  }
0x3f9: {  	[sflag:s21] =	ssyncset.done $0x0  }
0x3fa: {  	[sflag:s21] =	ssyncadd.s32 $0xFFFF6000  }
0x3fb: {  	_ =	swait.ge [sflag:s21], $0xA000  }
0x3fc: {  	[sflag:s21] =	ssyncset.done $0x0  }
0x3fd: {  	[sflag:s21] =	ssyncadd.s32 $0xFFFF6000  }
0x3fe: {  	_ =	swait.ge [sflag:s21], $0xA000  }
0x3ff: {  	[sflag:s21] =	ssyncset.done $0x0  }
0x400: {  	[sflag:s21] =	ssyncadd.s32 $0xFFFF6000  }
0x401: {  	_ =	swait.ge [sflag:s21], $0xA000  }
0x402: {  	[sflag:s21] =	ssyncset.done $0x0  }
0x403: {  	[sflag:s21] =	ssyncadd.s32 $0xFFFF6000  }
0x404: {  	_ =	swait.ge [sflag:s21], $0xA000  }
0x405: {  	s23 =	sld [smem:$0x79F]  }
0x406: {  	[sflag:s21] =	ssyncset.done $0x0  }
0x407: {  	s24 =	sld [smem:$0x7A1];
	[sflag:s21] =	ssyncadd.s32 $0xFFFF6000  }
0x408: {  	[tilespmem:s9], [sflag:$0x1] =	stream.indirect.gather [spmem:s1], $0x80, s23, s25, $0xb8;
	[tilespmem:$0x16010] =	vst v63  }
0x409: {  	s22 =	sld [smem:$0x7A3]  }
0x40a: {  	[tilespmem:s10], [sflag:$0x1] =	stream.indirect.gather [spmem:s1], $0x80, s24, s25, $0xb8;
	[tilespmem:$0x16010] =	vst v63  }
0x40b: {  	s24 =	sld [smem:$0x7A5]  }
0x40c: {  	[tilespmem:s11], [sflag:$0x1] =	stream.indirect.gather [spmem:s1], $0x80, s22, s25, $0xb8;
	[tilespmem:$0x16010] =	vst v63  }
0x40d: {  	s22 =	sld [smem:$0x7A7]  }
0x40e: {  	[tilespmem:s12], [sflag:$0x1] =	stream.indirect.gather [spmem:s1], $0x80, s24, s25, $0xb8;
	[tilespmem:$0x16010] =	vst v63  }
0x40f: {  	s24 =	sld [smem:$0x7A9]  }
0x410: {  	[tilespmem:s13], [sflag:$0x1] =	stream.indirect.gather [spmem:s1], $0x80, s22, s25, $0xb8;
	[tilespmem:$0x16010] =	vst v63  }
0x411: {  	s22 =	sld [smem:$0x7AB]  }
0x412: {  	[tilespmem:s14], [sflag:$0x1] =	stream.indirect.gather [spmem:s1], $0x80, s24, s25, $0xb8;
	[tilespmem:$0x16010] =	vst v63  }
0x413: {  	s24 =	sld [smem:$0x7AD]  }
0x414: {  	[tilespmem:s15], [sflag:$0x1] =	stream.indirect.gather [spmem:s1], $0x80, s22, s25, $0xb8;
	[tilespmem:$0x16010] =	vst v63  }
0x415: {  	s22 =	sld [smem:$0x7AF]  }
0x416: {  	[tilespmem:s16], [sflag:$0x1] =	stream.indirect.gather [spmem:s1], $0x80, s24, s25, $0xb8;
	[tilespmem:$0x16010] =	vst v63  }
0x417: {  	s24 =	sld [smem:$0x7B1]  }
0x418: {  	[tilespmem:s17], [sflag:$0x1] =	stream.indirect.gather [spmem:s1], $0x80, s22, s25, $0xb8;
	[tilespmem:$0x16010] =	vst v63  }
0x419: {  	s23 =	sld [smem:$0x7F5]  }
0x41a: {  	[tilespmem:s18], [sflag:$0x1] =	stream.indirect.gather [spmem:s1], $0x80, s24, s25, $0xb8;
	[tilespmem:$0x16010] =	vst v63  }
0x41b: {  	_ = 	snop  }
0x41c: {  	[hbm4b:s23+s5] =	stream.strided.scatter [tilespmem:s26], [sflag:$0x2], $0x1000, s19, s5, $0x38;
	[tilespmem:$0x16010] =	vst v63  }
0x41d: {  	s24 =	sadd.s32 $0x40000, s23  }
0x41e: {  	[hbm4b:s24+s5] =	stream.strided.scatter [tilespmem:s28], [sflag:$0x2], $0x1000, s19, s5, $0x38;
	[tilespmem:$0x16010] =	vst v63  }
0x41f: {  	s24 =	sadd.s32 $0x80000, s23  }
0x420: {  	[hbm4b:s24+s5] =	stream.strided.scatter [tilespmem:s29], [sflag:$0x2], $0x1000, s19, s5, $0x38;
	[tilespmem:$0x16010] =	vst v63  }
0x421: {  	s24 =	sadd.s32 $0xC0000, s23  }
0x422: {  	[hbm4b:s24+s5] =	stream.strided.scatter [tilespmem:s30], [sflag:$0x2], $0x1000, s19, s5, $0x38;
	[tilespmem:$0x16010] =	vst v63  }
0x423: {  	s24 =	sadd.s32 $0x100000, s23  }
0x424: {  	[hbm4b:s24+s5] =	stream.strided.scatter [tilespmem:s31], [sflag:$0x2], $0x1000, s19, s5, $0x38;
	[tilespmem:$0x16010] =	vst v63  }
0x425: {  	s24 =	sadd.s32 $0x140000, s23  }
0x426: {  	[hbm4b:s24+s5] =	stream.strided.scatter [tilespmem:s0], [sflag:$0x2], $0x1000, s19, s5, $0x38;
	[tilespmem:$0x16010] =	vst v63  }
0x427: {  	s24 =	sadd.s32 $0x180000, s23  }
0x428: {  	[hbm4b:s24+s5] =	stream.strided.scatter [tilespmem:s2], [sflag:$0x2], $0x1000, s19, s5, $0x38;
	[tilespmem:$0x16010] =	vst v63  }
0x429: {  	s24 =	sadd.s32 $0x1C0000, s23  }
0x42a: {  	[hbm4b:s24+s5] =	stream.strided.scatter [tilespmem:s4], [sflag:$0x2], $0x1000, s19, s5, $0x38;
	[tilespmem:$0x16010] =	vst v63  }
0x42b: {  	s24 =	sadd.s32 $0x200000, s23  }
0x42c: {  	[hbm4b:s24+s5] =	stream.strided.scatter [tilespmem:s6], [sflag:$0x2], $0x1000, s19, s5, $0x38;
	[tilespmem:$0x16010] =	vst v63  }
0x42d: {  	s23 =	sadd.s32 $0x240000, s23  }
0x42e: {  	[hbm4b:s23+s5] =	stream.strided.scatter [tilespmem:s7], [sflag:$0x2], $0x1000, s19, s5, $0x38;
	[tilespmem:$0x16010] =	vst v63  }
0x42f: {  	s23 =	sld [smem:$0x7B6];
	_ =	sdelay $0x2  }
0x430: {  	[hbm4b:s23+s5] =	stream.strided.scatter [tilespmem:s26], [sflag:$0x2], $0x1000, s19, s5, $0x38;
	[tilespmem:$0x16010] =	vst v63  }
0x431: {  	s24 =	sadd.s32 $0x40000, s23  }
0x432: {  	[hbm4b:s24+s5] =	stream.strided.scatter [tilespmem:s28], [sflag:$0x2], $0x1000, s19, s5, $0x38;
	[tilespmem:$0x16010] =	vst v63  }
0x433: {  	s24 =	sadd.s32 $0x80000, s23  }
0x434: {  	[hbm4b:s24+s5] =	stream.strided.scatter [tilespmem:s29], [sflag:$0x2], $0x1000, s19, s5, $0x38;
	[tilespmem:$0x16010] =	vst v63  }
0x435: {  	s24 =	sadd.s32 $0xC0000, s23  }
0x436: {  	[hbm4b:s24+s5] =	stream.strided.scatter [tilespmem:s30], [sflag:$0x2], $0x1000, s19, s5, $0x38;
	[tilespmem:$0x16010] =	vst v63  }
0x437: {  	s24 =	sadd.s32 $0x100000, s23  }
0x438: {  	[hbm4b:s24+s5] =	stream.strided.scatter [tilespmem:s31], [sflag:$0x2], $0x1000, s19, s5, $0x38;
	[tilespmem:$0x16010] =	vst v63  }
0x439: {  	s24 =	sadd.s32 $0x140000, s23  }
0x43a: {  	[hbm4b:s24+s5] =	stream.strided.scatter [tilespmem:s0], [sflag:$0x2], $0x1000, s19, s5, $0x38;
	[tilespmem:$0x16010] =	vst v63  }
0x43b: {  	s24 =	sadd.s32 $0x180000, s23  }
0x43c: {  	[hbm4b:s24+s5] =	stream.strided.scatter [tilespmem:s2], [sflag:$0x2], $0x1000, s19, s5, $0x38;
	[tilespmem:$0x16010] =	vst v63  }
0x43d: {  	s24 =	sadd.s32 $0x1C0000, s23  }
0x43e: {  	[hbm4b:s24+s5] =	stream.strided.scatter [tilespmem:s4], [sflag:$0x2], $0x1000, s19, s5, $0x38;
	[tilespmem:$0x16010] =	vst v63  }
0x43f: {  	s24 =	sadd.s32 $0x200000, s23  }
0x440: {  	[hbm4b:s24+s5] =	stream.strided.scatter [tilespmem:s6], [sflag:$0x2], $0x1000, s19, s5, $0x38;
	[tilespmem:$0x16010] =	vst v63  }
0x441: {  	s23 =	sadd.s32 $0x240000, s23  }
0x442: {  	[hbm4b:s23+s5] =	stream.strided.scatter [tilespmem:s7], [sflag:$0x2], $0x1000, s19, s5, $0x38;
	[tilespmem:$0x16010] =	vst v63  }
0x443: {  	s23 =	sld [smem:$0x7B8];
	_ =	sdelay $0x2  }
0x444: {  	[hbm4b:s23+s5] =	stream.strided.scatter [tilespmem:s26], [sflag:$0x2], $0x1000, s19, s5, $0x38;
	[tilespmem:$0x16010] =	vst v63  }
0x445: {  	s24 =	sadd.s32 $0x40000, s23  }
0x446: {  	[hbm4b:s24+s5] =	stream.strided.scatter [tilespmem:s28], [sflag:$0x2], $0x1000, s19, s5, $0x38;
	[tilespmem:$0x16010] =	vst v63  }
0x447: {  	s24 =	sadd.s32 $0x80000, s23  }
0x448: {  	[hbm4b:s24+s5] =	stream.strided.scatter [tilespmem:s29], [sflag:$0x2], $0x1000, s19, s5, $0x38;
	[tilespmem:$0x16010] =	vst v63  }
0x449: {  	s24 =	sadd.s32 $0xC0000, s23  }
0x44a: {  	[hbm4b:s24+s5] =	stream.strided.scatter [tilespmem:s30], [sflag:$0x2], $0x1000, s19, s5, $0x38;
	[tilespmem:$0x16010] =	vst v63  }
0x44b: {  	s24 =	sadd.s32 $0x100000, s23  }
0x44c: {  	[hbm4b:s24+s5] =	stream.strided.scatter [tilespmem:s31], [sflag:$0x2], $0x1000, s19, s5, $0x38;
	[tilespmem:$0x16010] =	vst v63  }
0x44d: {  	s24 =	sadd.s32 $0x140000, s23  }
0x44e: {  	[hbm4b:s24+s5] =	stream.strided.scatter [tilespmem:s0], [sflag:$0x2], $0x1000, s19, s5, $0x38;
	[tilespmem:$0x16010] =	vst v63  }
0x44f: {  	s24 =	sadd.s32 $0x180000, s23  }
0x450: {  	[hbm4b:s24+s5] =	stream.strided.scatter [tilespmem:s2], [sflag:$0x2], $0x1000, s19, s5, $0x38;
	[tilespmem:$0x16010] =	vst v63  }
0x451: {  	s24 =	sadd.s32 $0x1C0000, s23  }
0x452: {  	[hbm4b:s24+s5] =	stream.strided.scatter [tilespmem:s4], [sflag:$0x2], $0x1000, s19, s5, $0x38;
	[tilespmem:$0x16010] =	vst v63  }
0x453: {  	s24 =	sadd.s32 $0x200000, s23  }
0x454: {  	[hbm4b:s24+s5] =	stream.strided.scatter [tilespmem:s6], [sflag:$0x2], $0x1000, s19, s5, $0x38;
	[tilespmem:$0x16010] =	vst v63  }
0x455: {  	s23 =	sadd.s32 $0x240000, s23  }
0x456: {  	[hbm4b:s23+s5] =	stream.strided.scatter [tilespmem:s7], [sflag:$0x2], $0x1000, s19, s5, $0x38;
	[tilespmem:$0x16010] =	vst v63  }
0x457: {  	s23 =	sld [smem:$0x7BA];
	_ =	sdelay $0x2  }
0x458: {  	[hbm4b:s23+s5] =	stream.strided.scatter [tilespmem:s26], [sflag:$0x2], $0x1000, s19, s5, $0x38;
	[tilespmem:$0x16010] =	vst v63  }
0x459: {  	s24 =	sadd.s32 $0x40000, s23  }
0x45a: {  	[hbm4b:s24+s5] =	stream.strided.scatter [tilespmem:s28], [sflag:$0x2], $0x1000, s19, s5, $0x38;
	[tilespmem:$0x16010] =	vst v63  }
0x45b: {  	s24 =	sadd.s32 $0x80000, s23  }
0x45c: {  	[hbm4b:s24+s5] =	stream.strided.scatter [tilespmem:s29], [sflag:$0x2], $0x1000, s19, s5, $0x38;
	[tilespmem:$0x16010] =	vst v63  }
0x45d: {  	s24 =	sadd.s32 $0xC0000, s23  }
0x45e: {  	[hbm4b:s24+s5] =	stream.strided.scatter [tilespmem:s30], [sflag:$0x2], $0x1000, s19, s5, $0x38;
	[tilespmem:$0x16010] =	vst v63  }
0x45f: {  	s24 =	sadd.s32 $0x100000, s23  }
0x460: {  	[hbm4b:s24+s5] =	stream.strided.scatter [tilespmem:s31], [sflag:$0x2], $0x1000, s19, s5, $0x38;
	[tilespmem:$0x16010] =	vst v63  }
0x461: {  	s24 =	sadd.s32 $0x140000, s23  }
0x462: {  	[hbm4b:s24+s5] =	stream.strided.scatter [tilespmem:s0], [sflag:$0x2], $0x1000, s19, s5, $0x38;
	[tilespmem:$0x16010] =	vst v63  }
0x463: {  	s24 =	sadd.s32 $0x180000, s23  }
0x464: {  	[hbm4b:s24+s5] =	stream.strided.scatter [tilespmem:s2], [sflag:$0x2], $0x1000, s19, s5, $0x38;
	[tilespmem:$0x16010] =	vst v63  }
0x465: {  	s24 =	sadd.s32 $0x1C0000, s23  }
0x466: {  	[hbm4b:s24+s5] =	stream.strided.scatter [tilespmem:s4], [sflag:$0x2], $0x1000, s19, s5, $0x38;
	[tilespmem:$0x16010] =	vst v63  }
0x467: {  	s24 =	sadd.s32 $0x200000, s23  }
0x468: {  	[hbm4b:s24+s5] =	stream.strided.scatter [tilespmem:s6], [sflag:$0x2], $0x1000, s19, s5, $0x38;
	[tilespmem:$0x16010] =	vst v63  }
0x469: {  	s23 =	sadd.s32 $0x240000, s23  }
0x46a: {  	[hbm4b:s23+s5] =	stream.strided.scatter [tilespmem:s7], [sflag:$0x2], $0x1000, s19, s5, $0x38;
	[tilespmem:$0x16010] =	vst v63  }
0x46b: {  	s23 =	sld [smem:$0x7BC];
	_ =	sdelay $0x2  }
0x46c: {  	[hbm4b:s23+s5] =	stream.strided.scatter [tilespmem:s26], [sflag:$0x2], $0x1000, s19, s5, $0x38;
	[tilespmem:$0x16010] =	vst v63  }
0x46d: {  	s24 =	sadd.s32 $0x40000, s23  }
0x46e: {  	[hbm4b:s24+s5] =	stream.strided.scatter [tilespmem:s28], [sflag:$0x2], $0x1000, s19, s5, $0x38;
	[tilespmem:$0x16010] =	vst v63  }
0x46f: {  	s24 =	sadd.s32 $0x80000, s23  }
0x470: {  	[hbm4b:s24+s5] =	stream.strided.scatter [tilespmem:s29], [sflag:$0x2], $0x1000, s19, s5, $0x38;
	[tilespmem:$0x16010] =	vst v63  }
0x471: {  	s24 =	sadd.s32 $0xC0000, s23  }
0x472: {  	[hbm4b:s24+s5] =	stream.strided.scatter [tilespmem:s30], [sflag:$0x2], $0x1000, s19, s5, $0x38;
	[tilespmem:$0x16010] =	vst v63  }
0x473: {  	s24 =	sadd.s32 $0x100000, s23  }
0x474: {  	[hbm4b:s24+s5] =	stream.strided.scatter [tilespmem:s31], [sflag:$0x2], $0x1000, s19, s5, $0x38;
	[tilespmem:$0x16010] =	vst v63  }
0x475: {  	s24 =	sadd.s32 $0x140000, s23  }
0x476: {  	[hbm4b:s24+s5] =	stream.strided.scatter [tilespmem:s0], [sflag:$0x2], $0x1000, s19, s5, $0x38;
	[tilespmem:$0x16010] =	vst v63  }
0x477: {  	s24 =	sadd.s32 $0x180000, s23  }
0x478: {  	[hbm4b:s24+s5] =	stream.strided.scatter [tilespmem:s2], [sflag:$0x2], $0x1000, s19, s5, $0x38;
	[tilespmem:$0x16010] =	vst v63  }
0x479: {  	s24 =	sadd.s32 $0x1C0000, s23  }
0x47a: {  	[hbm4b:s24+s5] =	stream.strided.scatter [tilespmem:s4], [sflag:$0x2], $0x1000, s19, s5, $0x38;
	[tilespmem:$0x16010] =	vst v63  }
0x47b: {  	s24 =	sadd.s32 $0x200000, s23  }
0x47c: {  	[hbm4b:s24+s5] =	stream.strided.scatter [tilespmem:s6], [sflag:$0x2], $0x1000, s19, s5, $0x38;
	[tilespmem:$0x16010] =	vst v63  }
0x47d: {  	s23 =	sadd.s32 $0x240000, s23  }
0x47e: {  	[hbm4b:s23+s5] =	stream.strided.scatter [tilespmem:s7], [sflag:$0x2], $0x1000, s19, s5, $0x38;
	[tilespmem:$0x16010] =	vst v63  }
0x47f: {  	s23 =	sld [smem:$0x7BF];
	_ =	sdelay $0x2  }
0x480: {  	[hbm4b:s23+s5] =	stream.strided.scatter [tilespmem:s26], [sflag:$0x2], $0x1000, s19, s5, $0x38;
	[tilespmem:$0x16010] =	vst v63  }
0x481: {  	s24 =	sadd.s32 $0x40000, s23  }
0x482: {  	[hbm4b:s24+s5] =	stream.strided.scatter [tilespmem:s28], [sflag:$0x2], $0x1000, s19, s5, $0x38;
	[tilespmem:$0x16010] =	vst v63  }
0x483: {  	s24 =	sadd.s32 $0x80000, s23  }
0x484: {  	[hbm4b:s24+s5] =	stream.strided.scatter [tilespmem:s29], [sflag:$0x2], $0x1000, s19, s5, $0x38;
	[tilespmem:$0x16010] =	vst v63  }
0x485: {  	s24 =	sadd.s32 $0xC0000, s23  }
0x486: {  	[hbm4b:s24+s5] =	stream.strided.scatter [tilespmem:s30], [sflag:$0x2], $0x1000, s19, s5, $0x38;
	[tilespmem:$0x16010] =	vst v63  }
0x487: {  	s24 =	sadd.s32 $0x100000, s23  }
0x488: {  	[hbm4b:s24+s5] =	stream.strided.scatter [tilespmem:s31], [sflag:$0x2], $0x1000, s19, s5, $0x38;
	[tilespmem:$0x16010] =	vst v63  }
0x489: {  	s24 =	sadd.s32 $0x140000, s23  }
0x48a: {  	[hbm4b:s24+s5] =	stream.strided.scatter [tilespmem:s0], [sflag:$0x2], $0x1000, s19, s5, $0x38;
	[tilespmem:$0x16010] =	vst v63  }
0x48b: {  	s24 =	sadd.s32 $0x180000, s23  }
0x48c: {  	[hbm4b:s24+s5] =	stream.strided.scatter [tilespmem:s2], [sflag:$0x2], $0x1000, s19, s5, $0x38;
	[tilespmem:$0x16010] =	vst v63  }
0x48d: {  	s24 =	sadd.s32 $0x1C0000, s23  }
0x48e: {  	[hbm4b:s24+s5] =	stream.strided.scatter [tilespmem:s4], [sflag:$0x2], $0x1000, s19, s5, $0x38;
	[tilespmem:$0x16010] =	vst v63  }
0x48f: {  	s24 =	sadd.s32 $0x200000, s23  }
0x490: {  	[hbm4b:s24+s5] =	stream.strided.scatter [tilespmem:s6], [sflag:$0x2], $0x1000, s19, s5, $0x38;
	[tilespmem:$0x16010] =	vst v63  }
0x491: {  	s23 =	sadd.s32 $0x240000, s23  }
0x492: {  	[hbm4b:s23+s5] =	stream.strided.scatter [tilespmem:s7], [sflag:$0x2], $0x1000, s19, s5, $0x38;
	[tilespmem:$0x16010] =	vst v63  }
0x493: {  	s23 =	sld [smem:$0x7C1];
	_ =	sdelay $0x2  }
0x494: {  	[hbm4b:s23+s5] =	stream.strided.scatter [tilespmem:s26], [sflag:$0x2], $0x1000, s19, s5, $0x38;
	[tilespmem:$0x16010] =	vst v63  }
0x495: {  	s24 =	sadd.s32 $0x40000, s23  }
0x496: {  	[hbm4b:s24+s5] =	stream.strided.scatter [tilespmem:s28], [sflag:$0x2], $0x1000, s19, s5, $0x38;
	[tilespmem:$0x16010] =	vst v63  }
0x497: {  	s24 =	sadd.s32 $0x80000, s23  }
0x498: {  	[hbm4b:s24+s5] =	stream.strided.scatter [tilespmem:s29], [sflag:$0x2], $0x1000, s19, s5, $0x38;
	[tilespmem:$0x16010] =	vst v63  }
0x499: {  	s24 =	sadd.s32 $0xC0000, s23  }
0x49a: {  	[hbm4b:s24+s5] =	stream.strided.scatter [tilespmem:s30], [sflag:$0x2], $0x1000, s19, s5, $0x38;
	[tilespmem:$0x16010] =	vst v63  }
0x49b: {  	s24 =	sadd.s32 $0x100000, s23  }
0x49c: {  	[hbm4b:s24+s5] =	stream.strided.scatter [tilespmem:s31], [sflag:$0x2], $0x1000, s19, s5, $0x38;
	[tilespmem:$0x16010] =	vst v63  }
0x49d: {  	s24 =	sadd.s32 $0x140000, s23  }
0x49e: {  	[hbm4b:s24+s5] =	stream.strided.scatter [tilespmem:s0], [sflag:$0x2], $0x1000, s19, s5, $0x38;
	[tilespmem:$0x16010] =	vst v63  }
0x49f: {  	s24 =	sadd.s32 $0x180000, s23  }
0x4a0: {  	[hbm4b:s24+s5] =	stream.strided.scatter [tilespmem:s2], [sflag:$0x2], $0x1000, s19, s5, $0x38;
	[tilespmem:$0x16010] =	vst v63  }
0x4a1: {  	s24 =	sadd.s32 $0x1C0000, s23  }
0x4a2: {  	[hbm4b:s24+s5] =	stream.strided.scatter [tilespmem:s4], [sflag:$0x2], $0x1000, s19, s5, $0x38;
	[tilespmem:$0x16010] =	vst v63  }
0x4a3: {  	s24 =	sadd.s32 $0x200000, s23  }
0x4a4: {  	[hbm4b:s24+s5] =	stream.strided.scatter [tilespmem:s6], [sflag:$0x2], $0x1000, s19, s5, $0x38;
	[tilespmem:$0x16010] =	vst v63  }
0x4a5: {  	s23 =	sadd.s32 $0x240000, s23  }
0x4a6: {  	[hbm4b:s23+s5] =	stream.strided.scatter [tilespmem:s7], [sflag:$0x2], $0x1000, s19, s5, $0x38;
	[tilespmem:$0x16010] =	vst v63  }
0x4a7: {  	s23 =	sld [smem:$0x7C3];
	_ =	sdelay $0x2  }
0x4a8: {  	[hbm4b:s23+s5] =	stream.strided.scatter [tilespmem:s26], [sflag:$0x2], $0x1000, s19, s5, $0x38;
	[tilespmem:$0x16010] =	vst v63  }
0x4a9: {  	s24 =	sadd.s32 $0x40000, s23  }
0x4aa: {  	[hbm4b:s24+s5] =	stream.strided.scatter [tilespmem:s28], [sflag:$0x2], $0x1000, s19, s5, $0x38;
	[tilespmem:$0x16010] =	vst v63  }
0x4ab: {  	s24 =	sadd.s32 $0x80000, s23  }
0x4ac: {  	[hbm4b:s24+s5] =	stream.strided.scatter [tilespmem:s29], [sflag:$0x2], $0x1000, s19, s5, $0x38;
	[tilespmem:$0x16010] =	vst v63  }
0x4ad: {  	s24 =	sadd.s32 $0xC0000, s23  }
0x4ae: {  	[hbm4b:s24+s5] =	stream.strided.scatter [tilespmem:s30], [sflag:$0x2], $0x1000, s19, s5, $0x38;
	[tilespmem:$0x16010] =	vst v63  }
0x4af: {  	s24 =	sadd.s32 $0x100000, s23  }
0x4b0: {  	[hbm4b:s24+s5] =	stream.strided.scatter [tilespmem:s31], [sflag:$0x2], $0x1000, s19, s5, $0x38;
	[tilespmem:$0x16010] =	vst v63  }
0x4b1: {  	s24 =	sadd.s32 $0x140000, s23  }
0x4b2: {  	[hbm4b:s24+s5] =	stream.strided.scatter [tilespmem:s0], [sflag:$0x2], $0x1000, s19, s5, $0x38;
	[tilespmem:$0x16010] =	vst v63  }
0x4b3: {  	s24 =	sadd.s32 $0x180000, s23  }
0x4b4: {  	[hbm4b:s24+s5] =	stream.strided.scatter [tilespmem:s2], [sflag:$0x2], $0x1000, s19, s5, $0x38;
	[tilespmem:$0x16010] =	vst v63  }
0x4b5: {  	s24 =	sadd.s32 $0x1C0000, s23  }
0x4b6: {  	[hbm4b:s24+s5] =	stream.strided.scatter [tilespmem:s4], [sflag:$0x2], $0x1000, s19, s5, $0x38;
	[tilespmem:$0x16010] =	vst v63  }
0x4b7: {  	s24 =	sadd.s32 $0x200000, s23  }
0x4b8: {  	[hbm4b:s24+s5] =	stream.strided.scatter [tilespmem:s6], [sflag:$0x2], $0x1000, s19, s5, $0x38;
	[tilespmem:$0x16010] =	vst v63  }
0x4b9: {  	s23 =	sadd.s32 $0x240000, s23  }
0x4ba: {  	[hbm4b:s23+s5] =	stream.strided.scatter [tilespmem:s7], [sflag:$0x2], $0x1000, s19, s5, $0x38;
	[tilespmem:$0x16010] =	vst v63  }
0x4bb: {  	s23 =	sld [smem:$0x7C5];
	_ =	sdelay $0x2  }
0x4bc: {  	[hbm4b:s23+s5] =	stream.strided.scatter [tilespmem:s26], [sflag:$0x2], $0x1000, s19, s5, $0x38;
	[tilespmem:$0x16010] =	vst v63  }
0x4bd: {  	s24 =	sadd.s32 $0x40000, s23  }
0x4be: {  	[hbm4b:s24+s5] =	stream.strided.scatter [tilespmem:s28], [sflag:$0x2], $0x1000, s19, s5, $0x38;
	[tilespmem:$0x16010] =	vst v63  }
0x4bf: {  	s24 =	sadd.s32 $0x80000, s23  }
0x4c0: {  	[hbm4b:s24+s5] =	stream.strided.scatter [tilespmem:s29], [sflag:$0x2], $0x1000, s19, s5, $0x38;
	[tilespmem:$0x16010] =	vst v63  }
0x4c1: {  	s24 =	sadd.s32 $0xC0000, s23  }
0x4c2: {  	[hbm4b:s24+s5] =	stream.strided.scatter [tilespmem:s30], [sflag:$0x2], $0x1000, s19, s5, $0x38;
	[tilespmem:$0x16010] =	vst v63  }
0x4c3: {  	s24 =	sadd.s32 $0x100000, s23  }
0x4c4: {  	[hbm4b:s24+s5] =	stream.strided.scatter [tilespmem:s31], [sflag:$0x2], $0x1000, s19, s5, $0x38;
	[tilespmem:$0x16010] =	vst v63  }
0x4c5: {  	s24 =	sadd.s32 $0x140000, s23  }
0x4c6: {  	[hbm4b:s24+s5] =	stream.strided.scatter [tilespmem:s0], [sflag:$0x2], $0x1000, s19, s5, $0x38;
	[tilespmem:$0x16010] =	vst v63  }
0x4c7: {  	s24 =	sadd.s32 $0x180000, s23  }
0x4c8: {  	[hbm4b:s24+s5] =	stream.strided.scatter [tilespmem:s2], [sflag:$0x2], $0x1000, s19, s5, $0x38;
	[tilespmem:$0x16010] =	vst v63  }
0x4c9: {  	s24 =	sadd.s32 $0x1C0000, s23  }
0x4ca: {  	[hbm4b:s24+s5] =	stream.strided.scatter [tilespmem:s4], [sflag:$0x2], $0x1000, s19, s5, $0x38;
	[tilespmem:$0x16010] =	vst v63  }
0x4cb: {  	s24 =	sadd.s32 $0x200000, s23  }
0x4cc: {  	[hbm4b:s24+s5] =	stream.strided.scatter [tilespmem:s6], [sflag:$0x2], $0x1000, s19, s5, $0x38;
	[tilespmem:$0x16010] =	vst v63  }
0x4cd: {  	s23 =	sadd.s32 $0x240000, s23  }
0x4ce: {  	[hbm4b:s23+s5] =	stream.strided.scatter [tilespmem:s7], [sflag:$0x2], $0x1000, s19, s5, $0x38;
	[tilespmem:$0x16010] =	vst v63  }
0x4cf: {  	s23 =	sld [smem:$0x7C6];
	_ =	sdelay $0x2  }
0x4d0: {  	[hbm4b:s23+s5] =	stream.strided.scatter [tilespmem:s26], [sflag:$0x2], $0x1000, s19, s5, $0x38;
	[tilespmem:$0x16010] =	vst v63  }
0x4d1: {  	s24 =	sadd.s32 $0x40000, s23  }
0x4d2: {  	[hbm4b:s24+s5] =	stream.strided.scatter [tilespmem:s28], [sflag:$0x2], $0x1000, s19, s5, $0x38;
	[tilespmem:$0x16010] =	vst v63  }
0x4d3: {  	s24 =	sadd.s32 $0x80000, s23  }
0x4d4: {  	[hbm4b:s24+s5] =	stream.strided.scatter [tilespmem:s29], [sflag:$0x2], $0x1000, s19, s5, $0x38;
	[tilespmem:$0x16010] =	vst v63  }
0x4d5: {  	s24 =	sadd.s32 $0xC0000, s23  }
0x4d6: {  	[hbm4b:s24+s5] =	stream.strided.scatter [tilespmem:s30], [sflag:$0x2], $0x1000, s19, s5, $0x38;
	[tilespmem:$0x16010] =	vst v63  }
0x4d7: {  	s24 =	sadd.s32 $0x100000, s23  }
0x4d8: {  	[hbm4b:s24+s5] =	stream.strided.scatter [tilespmem:s31], [sflag:$0x2], $0x1000, s19, s5, $0x38;
	[tilespmem:$0x16010] =	vst v63  }
0x4d9: {  	s24 =	sadd.s32 $0x140000, s23  }
0x4da: {  	[hbm4b:s24+s5] =	stream.strided.scatter [tilespmem:s0], [sflag:$0x2], $0x1000, s19, s5, $0x38;
	[tilespmem:$0x16010] =	vst v63  }
0x4db: {  	s24 =	sadd.s32 $0x180000, s23  }
0x4dc: {  	[hbm4b:s24+s5] =	stream.strided.scatter [tilespmem:s2], [sflag:$0x2], $0x1000, s19, s5, $0x38;
	[tilespmem:$0x16010] =	vst v63  }
0x4dd: {  	s24 =	sadd.s32 $0x1C0000, s23  }
0x4de: {  	[hbm4b:s24+s5] =	stream.strided.scatter [tilespmem:s4], [sflag:$0x2], $0x1000, s19, s5, $0x38;
	[tilespmem:$0x16010] =	vst v63  }
0x4df: {  	s24 =	sadd.s32 $0x200000, s23  }
0x4e0: {  	[hbm4b:s24+s5] =	stream.strided.scatter [tilespmem:s6], [sflag:$0x2], $0x1000, s19, s5, $0x38;
	[tilespmem:$0x16010] =	vst v63  }
0x4e1: {  	s23 =	sadd.s32 $0x240000, s23  }
0x4e2: {  	[hbm4b:s23+s5] =	stream.strided.scatter [tilespmem:s7], [sflag:$0x2], $0x1000, s19, s5, $0x38;
	[tilespmem:$0x16010] =	vst v63  }
0x4e3: {  	s23 =	sld [smem:$0x7C8];
	_ =	sdelay $0x2  }
0x4e4: {  	[hbm4b:s23+s5] =	stream.strided.scatter [tilespmem:s26], [sflag:$0x2], $0x1000, s19, s5, $0x38;
	[tilespmem:$0x16010] =	vst v63  }
0x4e5: {  	s24 =	sadd.s32 $0x40000, s23  }
0x4e6: {  	[hbm4b:s24+s5] =	stream.strided.scatter [tilespmem:s28], [sflag:$0x2], $0x1000, s19, s5, $0x38;
	[tilespmem:$0x16010] =	vst v63  }
0x4e7: {  	s24 =	sadd.s32 $0x80000, s23  }
0x4e8: {  	[hbm4b:s24+s5] =	stream.strided.scatter [tilespmem:s29], [sflag:$0x2], $0x1000, s19, s5, $0x38;
	[tilespmem:$0x16010] =	vst v63  }
0x4e9: {  	s24 =	sadd.s32 $0xC0000, s23  }
0x4ea: {  	[hbm4b:s24+s5] =	stream.strided.scatter [tilespmem:s30], [sflag:$0x2], $0x1000, s19, s5, $0x38;
	[tilespmem:$0x16010] =	vst v63  }
0x4eb: {  	s24 =	sadd.s32 $0x100000, s23  }
0x4ec: {  	[hbm4b:s24+s5] =	stream.strided.scatter [tilespmem:s31], [sflag:$0x2], $0x1000, s19, s5, $0x38;
	[tilespmem:$0x16010] =	vst v63  }
0x4ed: {  	s24 =	sadd.s32 $0x140000, s23  }
0x4ee: {  	[hbm4b:s24+s5] =	stream.strided.scatter [tilespmem:s0], [sflag:$0x2], $0x1000, s19, s5, $0x38;
	[tilespmem:$0x16010] =	vst v63  }
0x4ef: {  	s24 =	sadd.s32 $0x180000, s23  }
0x4f0: {  	[hbm4b:s24+s5] =	stream.strided.scatter [tilespmem:s2], [sflag:$0x2], $0x1000, s19, s5, $0x38;
	[tilespmem:$0x16010] =	vst v63  }
0x4f1: {  	s24 =	sadd.s32 $0x1C0000, s23  }
0x4f2: {  	[hbm4b:s24+s5] =	stream.strided.scatter [tilespmem:s4], [sflag:$0x2], $0x1000, s19, s5, $0x38;
	[tilespmem:$0x16010] =	vst v63  }
0x4f3: {  	s24 =	sadd.s32 $0x200000, s23  }
0x4f4: {  	[hbm4b:s24+s5] =	stream.strided.scatter [tilespmem:s6], [sflag:$0x2], $0x1000, s19, s5, $0x38;
	[tilespmem:$0x16010] =	vst v63  }
0x4f5: {  	s23 =	sadd.s32 $0x240000, s23  }
0x4f6: {  	[hbm4b:s23+s5] =	stream.strided.scatter [tilespmem:s7], [sflag:$0x2], $0x1000, s19, s5, $0x38;
	[tilespmem:$0x16010] =	vst v63  }
0x4f7: {  	s23 =	sld [smem:$0x7CA];
	_ =	sdelay $0x2  }
0x4f8: {  	[hbm4b:s23+s5] =	stream.strided.scatter [tilespmem:s26], [sflag:$0x2], $0x1000, s19, s5, $0x38;
	[tilespmem:$0x16010] =	vst v63  }
0x4f9: {  	s24 =	sadd.s32 $0x40000, s23  }
0x4fa: {  	[hbm4b:s24+s5] =	stream.strided.scatter [tilespmem:s28], [sflag:$0x2], $0x1000, s19, s5, $0x38;
	[tilespmem:$0x16010] =	vst v63  }
0x4fb: {  	s24 =	sadd.s32 $0x80000, s23  }
0x4fc: {  	[hbm4b:s24+s5] =	stream.strided.scatter [tilespmem:s29], [sflag:$0x2], $0x1000, s19, s5, $0x38;
	[tilespmem:$0x16010] =	vst v63  }
0x4fd: {  	s24 =	sadd.s32 $0xC0000, s23  }
0x4fe: {  	[hbm4b:s24+s5] =	stream.strided.scatter [tilespmem:s30], [sflag:$0x2], $0x1000, s19, s5, $0x38;
	[tilespmem:$0x16010] =	vst v63  }
0x4ff: {  	s24 =	sadd.s32 $0x100000, s23  }
0x500: {  	[hbm4b:s24+s5] =	stream.strided.scatter [tilespmem:s31], [sflag:$0x2], $0x1000, s19, s5, $0x38;
	[tilespmem:$0x16010] =	vst v63  }
0x501: {  	s24 =	sadd.s32 $0x140000, s23  }
0x502: {  	[hbm4b:s24+s5] =	stream.strided.scatter [tilespmem:s0], [sflag:$0x2], $0x1000, s19, s5, $0x38;
	[tilespmem:$0x16010] =	vst v63  }
0x503: {  	s24 =	sadd.s32 $0x180000, s23  }
0x504: {  	[hbm4b:s24+s5] =	stream.strided.scatter [tilespmem:s2], [sflag:$0x2], $0x1000, s19, s5, $0x38;
	[tilespmem:$0x16010] =	vst v63  }
0x505: {  	s24 =	sadd.s32 $0x1C0000, s23  }
0x506: {  	[hbm4b:s24+s5] =	stream.strided.scatter [tilespmem:s4], [sflag:$0x2], $0x1000, s19, s5, $0x38;
	[tilespmem:$0x16010] =	vst v63  }
0x507: {  	s24 =	sadd.s32 $0x200000, s23  }
0x508: {  	[hbm4b:s24+s5] =	stream.strided.scatter [tilespmem:s6], [sflag:$0x2], $0x1000, s19, s5, $0x38;
	[tilespmem:$0x16010] =	vst v63  }
0x509: {  	s23 =	sadd.s32 $0x240000, s23  }
0x50a: {  	[hbm4b:s23+s5] =	stream.strided.scatter [tilespmem:s7], [sflag:$0x2], $0x1000, s19, s5, $0x38;
	[tilespmem:$0x16010] =	vst v63  }
0x50b: {  	s23 =	sld [smem:$0x7CB];
	_ =	sdelay $0x2  }
0x50c: {  	[hbm4b:s23+s5] =	stream.strided.scatter [tilespmem:s26], [sflag:$0x2], $0x1000, s19, s5, $0x38;
	[tilespmem:$0x16010] =	vst v63  }
0x50d: {  	s24 =	sadd.s32 $0x40000, s23  }
0x50e: {  	[hbm4b:s24+s5] =	stream.strided.scatter [tilespmem:s28], [sflag:$0x2], $0x1000, s19, s5, $0x38;
	[tilespmem:$0x16010] =	vst v63  }
0x50f: {  	s24 =	sadd.s32 $0x80000, s23  }
0x510: {  	[hbm4b:s24+s5] =	stream.strided.scatter [tilespmem:s29], [sflag:$0x2], $0x1000, s19, s5, $0x38;
	[tilespmem:$0x16010] =	vst v63  }
0x511: {  	s24 =	sadd.s32 $0xC0000, s23  }
0x512: {  	[hbm4b:s24+s5] =	stream.strided.scatter [tilespmem:s30], [sflag:$0x2], $0x1000, s19, s5, $0x38;
	[tilespmem:$0x16010] =	vst v63  }
0x513: {  	s24 =	sadd.s32 $0x100000, s23  }
0x514: {  	[hbm4b:s24+s5] =	stream.strided.scatter [tilespmem:s31], [sflag:$0x2], $0x1000, s19, s5, $0x38;
	[tilespmem:$0x16010] =	vst v63  }
0x515: {  	s24 =	sadd.s32 $0x140000, s23  }
0x516: {  	[hbm4b:s24+s5] =	stream.strided.scatter [tilespmem:s0], [sflag:$0x2], $0x1000, s19, s5, $0x38;
	[tilespmem:$0x16010] =	vst v63  }
0x517: {  	s24 =	sadd.s32 $0x180000, s23  }
0x518: {  	[hbm4b:s24+s5] =	stream.strided.scatter [tilespmem:s2], [sflag:$0x2], $0x1000, s19, s5, $0x38;
	[tilespmem:$0x16010] =	vst v63  }
0x519: {  	s24 =	sadd.s32 $0x1C0000, s23  }
0x51a: {  	[hbm4b:s24+s5] =	stream.strided.scatter [tilespmem:s4], [sflag:$0x2], $0x1000, s19, s5, $0x38;
	[tilespmem:$0x16010] =	vst v63  }
0x51b: {  	s24 =	sadd.s32 $0x200000, s23  }
0x51c: {  	[hbm4b:s24+s5] =	stream.strided.scatter [tilespmem:s6], [sflag:$0x2], $0x1000, s19, s5, $0x38;
	[tilespmem:$0x16010] =	vst v63  }
0x51d: {  	s23 =	sadd.s32 $0x240000, s23  }
0x51e: {  	[hbm4b:s23+s5] =	stream.strided.scatter [tilespmem:s7], [sflag:$0x2], $0x1000, s19, s5, $0x38;
	[tilespmem:$0x16010] =	vst v63  }
0x51f: {  	s23 =	sld [smem:$0x7CC];
	_ =	sdelay $0x2  }
0x520: {  	[hbm4b:s23+s5] =	stream.strided.scatter [tilespmem:s26], [sflag:$0x2], $0x1000, s19, s5, $0x38;
	[tilespmem:$0x16010] =	vst v63  }
0x521: {  	s24 =	sadd.s32 $0x40000, s23  }
0x522: {  	[hbm4b:s24+s5] =	stream.strided.scatter [tilespmem:s28], [sflag:$0x2], $0x1000, s19, s5, $0x38;
	[tilespmem:$0x16010] =	vst v63  }
0x523: {  	s24 =	sadd.s32 $0x80000, s23  }
0x524: {  	[hbm4b:s24+s5] =	stream.strided.scatter [tilespmem:s29], [sflag:$0x2], $0x1000, s19, s5, $0x38;
	[tilespmem:$0x16010] =	vst v63  }
0x525: {  	s24 =	sadd.s32 $0xC0000, s23  }
0x526: {  	[hbm4b:s24+s5] =	stream.strided.scatter [tilespmem:s30], [sflag:$0x2], $0x1000, s19, s5, $0x38;
	[tilespmem:$0x16010] =	vst v63  }
0x527: {  	s24 =	sadd.s32 $0x100000, s23  }
0x528: {  	[hbm4b:s24+s5] =	stream.strided.scatter [tilespmem:s31], [sflag:$0x2], $0x1000, s19, s5, $0x38;
	[tilespmem:$0x16010] =	vst v63  }
0x529: {  	s24 =	sadd.s32 $0x140000, s23  }
0x52a: {  	[hbm4b:s24+s5] =	stream.strided.scatter [tilespmem:s0], [sflag:$0x2], $0x1000, s19, s5, $0x38;
	[tilespmem:$0x16010] =	vst v63  }
0x52b: {  	s24 =	sadd.s32 $0x180000, s23  }
0x52c: {  	[hbm4b:s24+s5] =	stream.strided.scatter [tilespmem:s2], [sflag:$0x2], $0x1000, s19, s5, $0x38;
	[tilespmem:$0x16010] =	vst v63  }
0x52d: {  	s24 =	sadd.s32 $0x1C0000, s23  }
0x52e: {  	[hbm4b:s24+s5] =	stream.strided.scatter [tilespmem:s4], [sflag:$0x2], $0x1000, s19, s5, $0x38;
	[tilespmem:$0x16010] =	vst v63  }
0x52f: {  	s24 =	sadd.s32 $0x200000, s23  }
0x530: {  	[hbm4b:s24+s5] =	stream.strided.scatter [tilespmem:s6], [sflag:$0x2], $0x1000, s19, s5, $0x38;
	[tilespmem:$0x16010] =	vst v63  }
0x531: {  	s23 =	sadd.s32 $0x240000, s23  }
0x532: {  	[hbm4b:s23+s5] =	stream.strided.scatter [tilespmem:s7], [sflag:$0x2], $0x1000, s19, s5, $0x38;
	[tilespmem:$0x16010] =	vst v63  }
0x533: {  	s23 =	sld [smem:$0x7CD];
	_ =	sdelay $0x2  }
0x534: {  	[hbm4b:s23+s5] =	stream.strided.scatter [tilespmem:s26], [sflag:$0x2], $0x1000, s19, s5, $0x38;
	[tilespmem:$0x16010] =	vst v63  }
0x535: {  	s24 =	sadd.s32 $0x40000, s23  }
0x536: {  	[hbm4b:s24+s5] =	stream.strided.scatter [tilespmem:s28], [sflag:$0x2], $0x1000, s19, s5, $0x38;
	[tilespmem:$0x16010] =	vst v63  }
0x537: {  	s24 =	sadd.s32 $0x80000, s23  }
0x538: {  	[hbm4b:s24+s5] =	stream.strided.scatter [tilespmem:s29], [sflag:$0x2], $0x1000, s19, s5, $0x38;
	[tilespmem:$0x16010] =	vst v63  }
0x539: {  	s24 =	sadd.s32 $0xC0000, s23  }
0x53a: {  	[hbm4b:s24+s5] =	stream.strided.scatter [tilespmem:s30], [sflag:$0x2], $0x1000, s19, s5, $0x38;
	[tilespmem:$0x16010] =	vst v63  }
0x53b: {  	s24 =	sadd.s32 $0x100000, s23  }
0x53c: {  	[hbm4b:s24+s5] =	stream.strided.scatter [tilespmem:s31], [sflag:$0x2], $0x1000, s19, s5, $0x38;
	[tilespmem:$0x16010] =	vst v63  }
0x53d: {  	s24 =	sadd.s32 $0x140000, s23  }
0x53e: {  	[hbm4b:s24+s5] =	stream.strided.scatter [tilespmem:s0], [sflag:$0x2], $0x1000, s19, s5, $0x38;
	[tilespmem:$0x16010] =	vst v63  }
0x53f: {  	s24 =	sadd.s32 $0x180000, s23  }
0x540: {  	[hbm4b:s24+s5] =	stream.strided.scatter [tilespmem:s2], [sflag:$0x2], $0x1000, s19, s5, $0x38;
	[tilespmem:$0x16010] =	vst v63  }
0x541: {  	s24 =	sadd.s32 $0x1C0000, s23  }
0x542: {  	[hbm4b:s24+s5] =	stream.strided.scatter [tilespmem:s4], [sflag:$0x2], $0x1000, s19, s5, $0x38;
	[tilespmem:$0x16010] =	vst v63  }
0x543: {  	s24 =	sadd.s32 $0x200000, s23  }
0x544: {  	[hbm4b:s24+s5] =	stream.strided.scatter [tilespmem:s6], [sflag:$0x2], $0x1000, s19, s5, $0x38;
	[tilespmem:$0x16010] =	vst v63  }
0x545: {  	s23 =	sadd.s32 $0x240000, s23  }
0x546: {  	[hbm4b:s23+s5] =	stream.strided.scatter [tilespmem:s7], [sflag:$0x2], $0x1000, s19, s5, $0x38;
	[tilespmem:$0x16010] =	vst v63  }
0x547: {  	s23 =	sld [smem:$0x7CF];
	_ =	sdelay $0x2  }
0x548: {  	[hbm4b:s23+s5] =	stream.strided.scatter [tilespmem:s26], [sflag:$0x2], $0x1000, s19, s5, $0x38;
	[tilespmem:$0x16010] =	vst v63  }
0x549: {  	s24 =	sadd.s32 $0x40000, s23  }
0x54a: {  	[hbm4b:s24+s5] =	stream.strided.scatter [tilespmem:s28], [sflag:$0x2], $0x1000, s19, s5, $0x38;
	[tilespmem:$0x16010] =	vst v63  }
0x54b: {  	s24 =	sadd.s32 $0x80000, s23  }
0x54c: {  	[hbm4b:s24+s5] =	stream.strided.scatter [tilespmem:s29], [sflag:$0x2], $0x1000, s19, s5, $0x38;
	[tilespmem:$0x16010] =	vst v63  }
0x54d: {  	s24 =	sadd.s32 $0xC0000, s23  }
0x54e: {  	[hbm4b:s24+s5] =	stream.strided.scatter [tilespmem:s30], [sflag:$0x2], $0x1000, s19, s5, $0x38;
	[tilespmem:$0x16010] =	vst v63  }
0x54f: {  	s24 =	sadd.s32 $0x100000, s23  }
0x550: {  	[hbm4b:s24+s5] =	stream.strided.scatter [tilespmem:s31], [sflag:$0x2], $0x1000, s19, s5, $0x38;
	[tilespmem:$0x16010] =	vst v63  }
0x551: {  	s24 =	sadd.s32 $0x140000, s23  }
0x552: {  	[hbm4b:s24+s5] =	stream.strided.scatter [tilespmem:s0], [sflag:$0x2], $0x1000, s19, s5, $0x38;
	[tilespmem:$0x16010] =	vst v63  }
0x553: {  	s24 =	sadd.s32 $0x180000, s23  }
0x554: {  	[hbm4b:s24+s5] =	stream.strided.scatter [tilespmem:s2], [sflag:$0x2], $0x1000, s19, s5, $0x38;
	[tilespmem:$0x16010] =	vst v63  }
0x555: {  	s24 =	sadd.s32 $0x1C0000, s23  }
0x556: {  	[hbm4b:s24+s5] =	stream.strided.scatter [tilespmem:s4], [sflag:$0x2], $0x1000, s19, s5, $0x38;
	[tilespmem:$0x16010] =	vst v63  }
0x557: {  	s24 =	sadd.s32 $0x200000, s23  }
0x558: {  	[hbm4b:s24+s5] =	stream.strided.scatter [tilespmem:s6], [sflag:$0x2], $0x1000, s19, s5, $0x38;
	[tilespmem:$0x16010] =	vst v63  }
0x559: {  	s24 =	sadd.s32 $0x240000, s23  }
0x55a: {  	[hbm4b:s24+s5] =	stream.strided.scatter [tilespmem:s7], [sflag:$0x2], $0x1000, s19, s5, $0x38;
	[tilespmem:$0x16010] =	vst v63  }
0x55b: {  	_ =	swait.ge [sflag:s8], $0x1000  }
0x55c: {  	[sflag:s8] =	ssyncset.done $0x0  }
0x55d: {  	[sflag:s8] =	ssyncadd.s32 $0xFFFFF000  }
0x55e: {  	_ =	swait.ge [sflag:s8], $0x1000  }
0x55f: {  	[sflag:s8] =	ssyncset.done $0x0  }
0x560: {  	[sflag:s8] =	ssyncadd.s32 $0xFFFFF000  }
0x561: {  	_ =	swait.ge [sflag:s8], $0x1000  }
0x562: {  	[sflag:s8] =	ssyncset.done $0x0  }
0x563: {  	[sflag:s8] =	ssyncadd.s32 $0xFFFFF000  }
0x564: {  	_ =	swait.ge [sflag:s8], $0x1000  }
0x565: {  	[sflag:s8] =	ssyncset.done $0x0  }
0x566: {  	[sflag:s8] =	ssyncadd.s32 $0xFFFFF000  }
0x567: {  	_ =	swait.ge [sflag:s8], $0x1000  }
0x568: {  	[sflag:s8] =	ssyncset.done $0x0  }
0x569: {  	[sflag:s8] =	ssyncadd.s32 $0xFFFFF000  }
0x56a: {  	_ =	swait.ge [sflag:s8], $0x1000  }
0x56b: {  	[sflag:s8] =	ssyncset.done $0x0  }
0x56c: {  	[sflag:s8] =	ssyncadd.s32 $0xFFFFF000  }
0x56d: {  	_ =	swait.ge [sflag:s8], $0x1000  }
0x56e: {  	[sflag:s8] =	ssyncset.done $0x0  }
0x56f: {  	[sflag:s8] =	ssyncadd.s32 $0xFFFFF000  }
0x570: {  	_ =	swait.ge [sflag:s8], $0x1000  }
0x571: {  	[sflag:s8] =	ssyncset.done $0x0  }
0x572: {  	[sflag:s8] =	ssyncadd.s32 $0xFFFFF000  }
0x573: {  	_ =	swait.ge [sflag:s8], $0x1000  }
0x574: {  	[sflag:s8] =	ssyncset.done $0x0  }
0x575: {  	[sflag:s8] =	ssyncadd.s32 $0xFFFFF000  }
0x576: {  	_ =	swait.ge [sflag:s8], $0x1000  }
0x577: {  	[sflag:s8] =	ssyncset.done $0x0  }
0x578: {  	[sflag:s8] =	ssyncadd.s32 $0xFFFFF000  }
0x579: {  	_ =	swait.ge [sflag:s20], $0xA000  }
0x57a: {  	[sflag:s20] =	ssyncset.done $0x0  }
0x57b: {  	[sflag:s20] =	ssyncadd.s32 $0xFFFF6000  }
0x57c: {  	_ =	swait.ge [sflag:s20], $0xA000  }
0x57d: {  	[sflag:s20] =	ssyncset.done $0x0  }
0x57e: {  	[sflag:s20] =	ssyncadd.s32 $0xFFFF6000  }
0x57f: {  	_ =	swait.ge [sflag:s20], $0xA000  }
0x580: {  	[sflag:s20] =	ssyncset.done $0x0  }
0x581: {  	[sflag:s20] =	ssyncadd.s32 $0xFFFF6000  }
0x582: {  	_ =	swait.ge [sflag:s20], $0xA000  }
0x583: {  	[sflag:s20] =	ssyncset.done $0x0  }
0x584: {  	[sflag:s20] =	ssyncadd.s32 $0xFFFF6000  }
0x585: {  	_ =	swait.ge [sflag:s20], $0xA000  }
0x586: {  	[sflag:s20] =	ssyncset.done $0x0  }
0x587: {  	[sflag:s20] =	ssyncadd.s32 $0xFFFF6000  }
0x588: {  	_ =	swait.ge [sflag:s20], $0xA000  }
0x589: {  	[sflag:s20] =	ssyncset.done $0x0  }
0x58a: {  	[sflag:s20] =	ssyncadd.s32 $0xFFFF6000  }
0x58b: {  	_ =	swait.ge [sflag:s20], $0xA000  }
0x58c: {  	[sflag:s20] =	ssyncset.done $0x0  }
0x58d: {  	[sflag:s20] =	ssyncadd.s32 $0xFFFF6000  }
0x58e: {  	_ =	swait.ge [sflag:s20], $0xA000  }
0x58f: {  	[sflag:s20] =	ssyncset.done $0x0  }
0x590: {  	[sflag:s20] =	ssyncadd.s32 $0xFFFF6000  }
0x591: {  	_ =	swait.ge [sflag:s20], $0xA000  }
0x592: {  	[sflag:s20] =	ssyncset.done $0x0  }
0x593: {  	[sflag:s20] =	ssyncadd.s32 $0xFFFF6000  }
0x594: {  	_ =	swait.ge [sflag:s20], $0xA000  }
0x595: {  	[sflag:s20] =	ssyncset.done $0x0  }
0x596: {  	[sflag:s20] =	ssyncadd.s32 $0xFFFF6000  }
0x597: {  	_ =	swait.ge [sflag:s20], $0xA000  }
0x598: {  	[sflag:s20] =	ssyncset.done $0x0  }
0x599: {  	[sflag:s20] =	ssyncadd.s32 $0xFFFF6000  }
0x59a: {  	_ =	swait.ge [sflag:s20], $0xA000  }
0x59b: {  	[sflag:s20] =	ssyncset.done $0x0  }
0x59c: {  	[sflag:s20] =	ssyncadd.s32 $0xFFFF6000  }
0x59d: {  	_ =	swait.ge [sflag:s20], $0xA000  }
0x59e: {  	[sflag:s20] =	ssyncset.done $0x0  }
0x59f: {  	[sflag:s20] =	ssyncadd.s32 $0xFFFF6000  }
0x5a0: {  	_ =	swait.ge [sflag:s20], $0xA000  }
0x5a1: {  	[sflag:s20] =	ssyncset.done $0x0  }
0x5a2: {  	[sflag:s20] =	ssyncadd.s32 $0xFFFF6000  }
0x5a3: {  	_ =	swait.ge [sflag:s20], $0xA000  }
0x5a4: {  	[sflag:s20] =	ssyncset.done $0x0  }
0x5a5: {  	[sflag:s20] =	ssyncadd.s32 $0xFFFF6000  }
0x5a6: {  	_ =	swait.ge [sflag:s20], $0xA000  }
0x5a7: {  	s23 =	sld [smem:$0x7B3]  }
0x5a8: {  	[sflag:s20] =	ssyncset.done $0x0  }
0x5a9: {  	s24 =	sld [smem:$0x7B5];
	[sflag:s20] =	ssyncadd.s32 $0xFFFF6000  }
0x5aa: {  	[tilespmem:s26], [sflag:$0x1] =	stream.indirect.gather [spmem:s1], $0x80, s23, s25, $0xb8;
	[tilespmem:$0x16010] =	vst v63  }
0x5ab: {  	s22 =	sld [smem:$0x7B7]  }
0x5ac: {  	[tilespmem:s28], [sflag:$0x1] =	stream.indirect.gather [spmem:s1], $0x80, s24, s25, $0xb8;
	[tilespmem:$0x16010] =	vst v63  }
0x5ad: {  	s24 =	sld [smem:$0x7B9]  }
0x5ae: {  	[tilespmem:s29], [sflag:$0x1] =	stream.indirect.gather [spmem:s1], $0x80, s22, s25, $0xb8;
	[tilespmem:$0x16010] =	vst v63  }
0x5af: {  	s22 =	sld [smem:$0x7BB]  }
0x5b0: {  	[tilespmem:s30], [sflag:$0x1] =	stream.indirect.gather [spmem:s1], $0x80, s24, s25, $0xb8;
	[tilespmem:$0x16010] =	vst v63  }
0x5b1: {  	s24 =	sld [smem:$0x7BD]  }
0x5b2: {  	[tilespmem:s31], [sflag:$0x1] =	stream.indirect.gather [spmem:s1], $0x80, s22, s25, $0xb8;
	[tilespmem:$0x16010] =	vst v63  }
0x5b3: {  	s22 =	sld [smem:$0x7BE]  }
0x5b4: {  	[tilespmem:s0], [sflag:$0x1] =	stream.indirect.gather [spmem:s1], $0x80, s24, s25, $0xb8;
	[tilespmem:$0x16010] =	vst v63  }
0x5b5: {  	s24 =	sld [smem:$0x7C0]  }
0x5b6: {  	[tilespmem:s2], [sflag:$0x1] =	stream.indirect.gather [spmem:s1], $0x80, s22, s25, $0xb8;
	[tilespmem:$0x16010] =	vst v63  }
0x5b7: {  	s22 =	sld [smem:$0x7C4]  }
0x5b8: {  	[tilespmem:s4], [sflag:$0x1] =	stream.indirect.gather [spmem:s1], $0x80, s24, s25, $0xb8;
	[tilespmem:$0x16010] =	vst v63  }
0x5b9: {  	s24 =	sld [smem:$0x7C9]  }
0x5ba: {  	[tilespmem:s6], [sflag:$0x1] =	stream.indirect.gather [spmem:s1], $0x80, s22, s25, $0xb8;
	[tilespmem:$0x16010] =	vst v63  }
0x5bb: {  	s23 =	sld [smem:$0x7FB]  }
0x5bc: {  	[tilespmem:s7], [sflag:$0x1] =	stream.indirect.gather [spmem:s1], $0x80, s24, s25, $0xb8;
	[tilespmem:$0x16010] =	vst v63  }
0x5bd: {  	_ = 	snop  }
0x5be: {  	[hbm4b:s23+s5] =	stream.strided.scatter [tilespmem:s9], [sflag:$0x3], $0x1000, s19, s5, $0x38;
	[tilespmem:$0x16010] =	vst v63  }
0x5bf: {  	s24 =	sadd.s32 $0x40000, s23  }
0x5c0: {  	[hbm4b:s24+s5] =	stream.strided.scatter [tilespmem:s10], [sflag:$0x3], $0x1000, s19, s5, $0x38;
	[tilespmem:$0x16010] =	vst v63  }
0x5c1: {  	s24 =	sadd.s32 $0x80000, s23  }
0x5c2: {  	[hbm4b:s24+s5] =	stream.strided.scatter [tilespmem:s11], [sflag:$0x3], $0x1000, s19, s5, $0x38;
	[tilespmem:$0x16010] =	vst v63  }
0x5c3: {  	s24 =	sadd.s32 $0xC0000, s23  }
0x5c4: {  	[hbm4b:s24+s5] =	stream.strided.scatter [tilespmem:s12], [sflag:$0x3], $0x1000, s19, s5, $0x38;
	[tilespmem:$0x16010] =	vst v63  }
0x5c5: {  	s24 =	sadd.s32 $0x100000, s23  }
0x5c6: {  	[hbm4b:s24+s5] =	stream.strided.scatter [tilespmem:s13], [sflag:$0x3], $0x1000, s19, s5, $0x38;
	[tilespmem:$0x16010] =	vst v63  }
0x5c7: {  	s24 =	sadd.s32 $0x140000, s23  }
0x5c8: {  	[hbm4b:s24+s5] =	stream.strided.scatter [tilespmem:s14], [sflag:$0x3], $0x1000, s19, s5, $0x38;
	[tilespmem:$0x16010] =	vst v63  }
0x5c9: {  	s24 =	sadd.s32 $0x180000, s23  }
0x5ca: {  	[hbm4b:s24+s5] =	stream.strided.scatter [tilespmem:s15], [sflag:$0x3], $0x1000, s19, s5, $0x38;
	[tilespmem:$0x16010] =	vst v63  }
0x5cb: {  	s24 =	sadd.s32 $0x1C0000, s23  }
0x5cc: {  	[hbm4b:s24+s5] =	stream.strided.scatter [tilespmem:s16], [sflag:$0x3], $0x1000, s19, s5, $0x38;
	[tilespmem:$0x16010] =	vst v63  }
0x5cd: {  	s24 =	sadd.s32 $0x200000, s23  }
0x5ce: {  	[hbm4b:s24+s5] =	stream.strided.scatter [tilespmem:s17], [sflag:$0x3], $0x1000, s19, s5, $0x38;
	[tilespmem:$0x16010] =	vst v63  }
0x5cf: {  	s23 =	sadd.s32 $0x240000, s23  }
0x5d0: {  	[hbm4b:s23+s5] =	stream.strided.scatter [tilespmem:s18], [sflag:$0x3], $0x1000, s19, s5, $0x38;
	[tilespmem:$0x16010] =	vst v63  }
0x5d1: {  	s23 =	sld [smem:$0x7D0];
	_ =	sdelay $0x2  }
0x5d2: {  	[hbm4b:s23+s5] =	stream.strided.scatter [tilespmem:s9], [sflag:$0x3], $0x1000, s19, s5, $0x38;
	[tilespmem:$0x16010] =	vst v63  }
0x5d3: {  	s24 =	sadd.s32 $0x40000, s23  }
0x5d4: {  	[hbm4b:s24+s5] =	stream.strided.scatter [tilespmem:s10], [sflag:$0x3], $0x1000, s19, s5, $0x38;
	[tilespmem:$0x16010] =	vst v63  }
0x5d5: {  	s24 =	sadd.s32 $0x80000, s23  }
0x5d6: {  	[hbm4b:s24+s5] =	stream.strided.scatter [tilespmem:s11], [sflag:$0x3], $0x1000, s19, s5, $0x38;
	[tilespmem:$0x16010] =	vst v63  }
0x5d7: {  	s24 =	sadd.s32 $0xC0000, s23  }
0x5d8: {  	[hbm4b:s24+s5] =	stream.strided.scatter [tilespmem:s12], [sflag:$0x3], $0x1000, s19, s5, $0x38;
	[tilespmem:$0x16010] =	vst v63  }
0x5d9: {  	s24 =	sadd.s32 $0x100000, s23  }
0x5da: {  	[hbm4b:s24+s5] =	stream.strided.scatter [tilespmem:s13], [sflag:$0x3], $0x1000, s19, s5, $0x38;
	[tilespmem:$0x16010] =	vst v63  }
0x5db: {  	s24 =	sadd.s32 $0x140000, s23  }
0x5dc: {  	[hbm4b:s24+s5] =	stream.strided.scatter [tilespmem:s14], [sflag:$0x3], $0x1000, s19, s5, $0x38;
	[tilespmem:$0x16010] =	vst v63  }
0x5dd: {  	s24 =	sadd.s32 $0x180000, s23  }
0x5de: {  	[hbm4b:s24+s5] =	stream.strided.scatter [tilespmem:s15], [sflag:$0x3], $0x1000, s19, s5, $0x38;
	[tilespmem:$0x16010] =	vst v63  }
0x5df: {  	s24 =	sadd.s32 $0x1C0000, s23  }
0x5e0: {  	[hbm4b:s24+s5] =	stream.strided.scatter [tilespmem:s16], [sflag:$0x3], $0x1000, s19, s5, $0x38;
	[tilespmem:$0x16010] =	vst v63  }
0x5e1: {  	s24 =	sadd.s32 $0x200000, s23  }
0x5e2: {  	[hbm4b:s24+s5] =	stream.strided.scatter [tilespmem:s17], [sflag:$0x3], $0x1000, s19, s5, $0x38;
	[tilespmem:$0x16010] =	vst v63  }
0x5e3: {  	s23 =	sadd.s32 $0x240000, s23  }
0x5e4: {  	[hbm4b:s23+s5] =	stream.strided.scatter [tilespmem:s18], [sflag:$0x3], $0x1000, s19, s5, $0x38;
	[tilespmem:$0x16010] =	vst v63  }
0x5e5: {  	s23 =	sld [smem:$0x7D2];
	_ =	sdelay $0x2  }
0x5e6: {  	[hbm4b:s23+s5] =	stream.strided.scatter [tilespmem:s9], [sflag:$0x3], $0x1000, s19, s5, $0x38;
	[tilespmem:$0x16010] =	vst v63  }
0x5e7: {  	s24 =	sadd.s32 $0x40000, s23  }
0x5e8: {  	[hbm4b:s24+s5] =	stream.strided.scatter [tilespmem:s10], [sflag:$0x3], $0x1000, s19, s5, $0x38;
	[tilespmem:$0x16010] =	vst v63  }
0x5e9: {  	s24 =	sadd.s32 $0x80000, s23  }
0x5ea: {  	[hbm4b:s24+s5] =	stream.strided.scatter [tilespmem:s11], [sflag:$0x3], $0x1000, s19, s5, $0x38;
	[tilespmem:$0x16010] =	vst v63  }
0x5eb: {  	s24 =	sadd.s32 $0xC0000, s23  }
0x5ec: {  	[hbm4b:s24+s5] =	stream.strided.scatter [tilespmem:s12], [sflag:$0x3], $0x1000, s19, s5, $0x38;
	[tilespmem:$0x16010] =	vst v63  }
0x5ed: {  	s24 =	sadd.s32 $0x100000, s23  }
0x5ee: {  	[hbm4b:s24+s5] =	stream.strided.scatter [tilespmem:s13], [sflag:$0x3], $0x1000, s19, s5, $0x38;
	[tilespmem:$0x16010] =	vst v63  }
0x5ef: {  	s24 =	sadd.s32 $0x140000, s23  }
0x5f0: {  	[hbm4b:s24+s5] =	stream.strided.scatter [tilespmem:s14], [sflag:$0x3], $0x1000, s19, s5, $0x38;
	[tilespmem:$0x16010] =	vst v63  }
0x5f1: {  	s24 =	sadd.s32 $0x180000, s23  }
0x5f2: {  	[hbm4b:s24+s5] =	stream.strided.scatter [tilespmem:s15], [sflag:$0x3], $0x1000, s19, s5, $0x38;
	[tilespmem:$0x16010] =	vst v63  }
0x5f3: {  	s24 =	sadd.s32 $0x1C0000, s23  }
0x5f4: {  	[hbm4b:s24+s5] =	stream.strided.scatter [tilespmem:s16], [sflag:$0x3], $0x1000, s19, s5, $0x38;
	[tilespmem:$0x16010] =	vst v63  }
0x5f5: {  	s24 =	sadd.s32 $0x200000, s23  }
0x5f6: {  	[hbm4b:s24+s5] =	stream.strided.scatter [tilespmem:s17], [sflag:$0x3], $0x1000, s19, s5, $0x38;
	[tilespmem:$0x16010] =	vst v63  }
0x5f7: {  	s23 =	sadd.s32 $0x240000, s23  }
0x5f8: {  	[hbm4b:s23+s5] =	stream.strided.scatter [tilespmem:s18], [sflag:$0x3], $0x1000, s19, s5, $0x38;
	[tilespmem:$0x16010] =	vst v63  }
0x5f9: {  	s23 =	sld [smem:$0x7D3];
	_ =	sdelay $0x2  }
0x5fa: {  	[hbm4b:s23+s5] =	stream.strided.scatter [tilespmem:s9], [sflag:$0x3], $0x1000, s19, s5, $0x38;
	[tilespmem:$0x16010] =	vst v63  }
0x5fb: {  	s24 =	sadd.s32 $0x40000, s23  }
0x5fc: {  	[hbm4b:s24+s5] =	stream.strided.scatter [tilespmem:s10], [sflag:$0x3], $0x1000, s19, s5, $0x38;
	[tilespmem:$0x16010] =	vst v63  }
0x5fd: {  	s24 =	sadd.s32 $0x80000, s23  }
0x5fe: {  	[hbm4b:s24+s5] =	stream.strided.scatter [tilespmem:s11], [sflag:$0x3], $0x1000, s19, s5, $0x38;
	[tilespmem:$0x16010] =	vst v63  }
0x5ff: {  	s24 =	sadd.s32 $0xC0000, s23  }
0x600: {  	[hbm4b:s24+s5] =	stream.strided.scatter [tilespmem:s12], [sflag:$0x3], $0x1000, s19, s5, $0x38;
	[tilespmem:$0x16010] =	vst v63  }
0x601: {  	s24 =	sadd.s32 $0x100000, s23  }
0x602: {  	[hbm4b:s24+s5] =	stream.strided.scatter [tilespmem:s13], [sflag:$0x3], $0x1000, s19, s5, $0x38;
	[tilespmem:$0x16010] =	vst v63  }
0x603: {  	s24 =	sadd.s32 $0x140000, s23  }
0x604: {  	[hbm4b:s24+s5] =	stream.strided.scatter [tilespmem:s14], [sflag:$0x3], $0x1000, s19, s5, $0x38;
	[tilespmem:$0x16010] =	vst v63  }
0x605: {  	s24 =	sadd.s32 $0x180000, s23  }
0x606: {  	[hbm4b:s24+s5] =	stream.strided.scatter [tilespmem:s15], [sflag:$0x3], $0x1000, s19, s5, $0x38;
	[tilespmem:$0x16010] =	vst v63  }
0x607: {  	s24 =	sadd.s32 $0x1C0000, s23  }
0x608: {  	[hbm4b:s24+s5] =	stream.strided.scatter [tilespmem:s16], [sflag:$0x3], $0x1000, s19, s5, $0x38;
	[tilespmem:$0x16010] =	vst v63  }
0x609: {  	s24 =	sadd.s32 $0x200000, s23  }
0x60a: {  	[hbm4b:s24+s5] =	stream.strided.scatter [tilespmem:s17], [sflag:$0x3], $0x1000, s19, s5, $0x38;
	[tilespmem:$0x16010] =	vst v63  }
0x60b: {  	s23 =	sadd.s32 $0x240000, s23  }
0x60c: {  	[hbm4b:s23+s5] =	stream.strided.scatter [tilespmem:s18], [sflag:$0x3], $0x1000, s19, s5, $0x38;
	[tilespmem:$0x16010] =	vst v63  }
0x60d: {  	s23 =	sld [smem:$0x7D5];
	_ =	sdelay $0x2  }
0x60e: {  	[hbm4b:s23+s5] =	stream.strided.scatter [tilespmem:s9], [sflag:$0x3], $0x1000, s19, s5, $0x38;
	[tilespmem:$0x16010] =	vst v63  }
0x60f: {  	s24 =	sadd.s32 $0x40000, s23  }
0x610: {  	[hbm4b:s24+s5] =	stream.strided.scatter [tilespmem:s10], [sflag:$0x3], $0x1000, s19, s5, $0x38;
	[tilespmem:$0x16010] =	vst v63  }
0x611: {  	s24 =	sadd.s32 $0x80000, s23  }
0x612: {  	[hbm4b:s24+s5] =	stream.strided.scatter [tilespmem:s11], [sflag:$0x3], $0x1000, s19, s5, $0x38;
	[tilespmem:$0x16010] =	vst v63  }
0x613: {  	s24 =	sadd.s32 $0xC0000, s23  }
0x614: {  	[hbm4b:s24+s5] =	stream.strided.scatter [tilespmem:s12], [sflag:$0x3], $0x1000, s19, s5, $0x38;
	[tilespmem:$0x16010] =	vst v63  }
0x615: {  	s24 =	sadd.s32 $0x100000, s23  }
0x616: {  	[hbm4b:s24+s5] =	stream.strided.scatter [tilespmem:s13], [sflag:$0x3], $0x1000, s19, s5, $0x38;
	[tilespmem:$0x16010] =	vst v63  }
0x617: {  	s24 =	sadd.s32 $0x140000, s23  }
0x618: {  	[hbm4b:s24+s5] =	stream.strided.scatter [tilespmem:s14], [sflag:$0x3], $0x1000, s19, s5, $0x38;
	[tilespmem:$0x16010] =	vst v63  }
0x619: {  	s24 =	sadd.s32 $0x180000, s23  }
0x61a: {  	[hbm4b:s24+s5] =	stream.strided.scatter [tilespmem:s15], [sflag:$0x3], $0x1000, s19, s5, $0x38;
	[tilespmem:$0x16010] =	vst v63  }
0x61b: {  	s24 =	sadd.s32 $0x1C0000, s23  }
0x61c: {  	[hbm4b:s24+s5] =	stream.strided.scatter [tilespmem:s16], [sflag:$0x3], $0x1000, s19, s5, $0x38;
	[tilespmem:$0x16010] =	vst v63  }
0x61d: {  	s24 =	sadd.s32 $0x200000, s23  }
0x61e: {  	[hbm4b:s24+s5] =	stream.strided.scatter [tilespmem:s17], [sflag:$0x3], $0x1000, s19, s5, $0x38;
	[tilespmem:$0x16010] =	vst v63  }
0x61f: {  	s23 =	sadd.s32 $0x240000, s23  }
0x620: {  	[hbm4b:s23+s5] =	stream.strided.scatter [tilespmem:s18], [sflag:$0x3], $0x1000, s19, s5, $0x38;
	[tilespmem:$0x16010] =	vst v63  }
0x621: {  	s23 =	sld [smem:$0x7D6];
	_ =	sdelay $0x2  }
0x622: {  	[hbm4b:s23+s5] =	stream.strided.scatter [tilespmem:s9], [sflag:$0x3], $0x1000, s19, s5, $0x38;
	[tilespmem:$0x16010] =	vst v63  }
0x623: {  	s24 =	sadd.s32 $0x40000, s23  }
0x624: {  	[hbm4b:s24+s5] =	stream.strided.scatter [tilespmem:s10], [sflag:$0x3], $0x1000, s19, s5, $0x38;
	[tilespmem:$0x16010] =	vst v63  }
0x625: {  	s24 =	sadd.s32 $0x80000, s23  }
0x626: {  	[hbm4b:s24+s5] =	stream.strided.scatter [tilespmem:s11], [sflag:$0x3], $0x1000, s19, s5, $0x38;
	[tilespmem:$0x16010] =	vst v63  }
0x627: {  	s24 =	sadd.s32 $0xC0000, s23  }
0x628: {  	[hbm4b:s24+s5] =	stream.strided.scatter [tilespmem:s12], [sflag:$0x3], $0x1000, s19, s5, $0x38;
	[tilespmem:$0x16010] =	vst v63  }
0x629: {  	s24 =	sadd.s32 $0x100000, s23  }
0x62a: {  	[hbm4b:s24+s5] =	stream.strided.scatter [tilespmem:s13], [sflag:$0x3], $0x1000, s19, s5, $0x38;
	[tilespmem:$0x16010] =	vst v63  }
0x62b: {  	s24 =	sadd.s32 $0x140000, s23  }
0x62c: {  	[hbm4b:s24+s5] =	stream.strided.scatter [tilespmem:s14], [sflag:$0x3], $0x1000, s19, s5, $0x38;
	[tilespmem:$0x16010] =	vst v63  }
0x62d: {  	s24 =	sadd.s32 $0x180000, s23  }
0x62e: {  	[hbm4b:s24+s5] =	stream.strided.scatter [tilespmem:s15], [sflag:$0x3], $0x1000, s19, s5, $0x38;
	[tilespmem:$0x16010] =	vst v63  }
0x62f: {  	s24 =	sadd.s32 $0x1C0000, s23  }
0x630: {  	[hbm4b:s24+s5] =	stream.strided.scatter [tilespmem:s16], [sflag:$0x3], $0x1000, s19, s5, $0x38;
	[tilespmem:$0x16010] =	vst v63  }
0x631: {  	s24 =	sadd.s32 $0x200000, s23  }
0x632: {  	[hbm4b:s24+s5] =	stream.strided.scatter [tilespmem:s17], [sflag:$0x3], $0x1000, s19, s5, $0x38;
	[tilespmem:$0x16010] =	vst v63  }
0x633: {  	s23 =	sadd.s32 $0x240000, s23  }
0x634: {  	[hbm4b:s23+s5] =	stream.strided.scatter [tilespmem:s18], [sflag:$0x3], $0x1000, s19, s5, $0x38;
	[tilespmem:$0x16010] =	vst v63  }
0x635: {  	s23 =	sld [smem:$0x7D8];
	_ =	sdelay $0x2  }
0x636: {  	[hbm4b:s23+s5] =	stream.strided.scatter [tilespmem:s9], [sflag:$0x3], $0x1000, s19, s5, $0x38;
	[tilespmem:$0x16010] =	vst v63  }
0x637: {  	s24 =	sadd.s32 $0x40000, s23  }
0x638: {  	[hbm4b:s24+s5] =	stream.strided.scatter [tilespmem:s10], [sflag:$0x3], $0x1000, s19, s5, $0x38;
	[tilespmem:$0x16010] =	vst v63  }
0x639: {  	s24 =	sadd.s32 $0x80000, s23  }
0x63a: {  	[hbm4b:s24+s5] =	stream.strided.scatter [tilespmem:s11], [sflag:$0x3], $0x1000, s19, s5, $0x38;
	[tilespmem:$0x16010] =	vst v63  }
0x63b: {  	s24 =	sadd.s32 $0xC0000, s23  }
0x63c: {  	[hbm4b:s24+s5] =	stream.strided.scatter [tilespmem:s12], [sflag:$0x3], $0x1000, s19, s5, $0x38;
	[tilespmem:$0x16010] =	vst v63  }
0x63d: {  	s24 =	sadd.s32 $0x100000, s23  }
0x63e: {  	[hbm4b:s24+s5] =	stream.strided.scatter [tilespmem:s13], [sflag:$0x3], $0x1000, s19, s5, $0x38;
	[tilespmem:$0x16010] =	vst v63  }
0x63f: {  	s24 =	sadd.s32 $0x140000, s23  }
0x640: {  	[hbm4b:s24+s5] =	stream.strided.scatter [tilespmem:s14], [sflag:$0x3], $0x1000, s19, s5, $0x38;
	[tilespmem:$0x16010] =	vst v63  }
0x641: {  	s24 =	sadd.s32 $0x180000, s23  }
0x642: {  	[hbm4b:s24+s5] =	stream.strided.scatter [tilespmem:s15], [sflag:$0x3], $0x1000, s19, s5, $0x38;
	[tilespmem:$0x16010] =	vst v63  }
0x643: {  	s24 =	sadd.s32 $0x1C0000, s23  }
0x644: {  	[hbm4b:s24+s5] =	stream.strided.scatter [tilespmem:s16], [sflag:$0x3], $0x1000, s19, s5, $0x38;
	[tilespmem:$0x16010] =	vst v63  }
0x645: {  	s24 =	sadd.s32 $0x200000, s23  }
0x646: {  	[hbm4b:s24+s5] =	stream.strided.scatter [tilespmem:s17], [sflag:$0x3], $0x1000, s19, s5, $0x38;
	[tilespmem:$0x16010] =	vst v63  }
0x647: {  	s23 =	sadd.s32 $0x240000, s23  }
0x648: {  	[hbm4b:s23+s5] =	stream.strided.scatter [tilespmem:s18], [sflag:$0x3], $0x1000, s19, s5, $0x38;
	[tilespmem:$0x16010] =	vst v63  }
0x649: {  	s23 =	sld [smem:$0x7D9];
	_ =	sdelay $0x2  }
0x64a: {  	[hbm4b:s23+s5] =	stream.strided.scatter [tilespmem:s9], [sflag:$0x3], $0x1000, s19, s5, $0x38;
	[tilespmem:$0x16010] =	vst v63  }
0x64b: {  	s24 =	sadd.s32 $0x40000, s23  }
0x64c: {  	[hbm4b:s24+s5] =	stream.strided.scatter [tilespmem:s10], [sflag:$0x3], $0x1000, s19, s5, $0x38;
	[tilespmem:$0x16010] =	vst v63  }
0x64d: {  	s24 =	sadd.s32 $0x80000, s23  }
0x64e: {  	[hbm4b:s24+s5] =	stream.strided.scatter [tilespmem:s11], [sflag:$0x3], $0x1000, s19, s5, $0x38;
	[tilespmem:$0x16010] =	vst v63  }
0x64f: {  	s24 =	sadd.s32 $0xC0000, s23  }
0x650: {  	[hbm4b:s24+s5] =	stream.strided.scatter [tilespmem:s12], [sflag:$0x3], $0x1000, s19, s5, $0x38;
	[tilespmem:$0x16010] =	vst v63  }
0x651: {  	s24 =	sadd.s32 $0x100000, s23  }
0x652: {  	[hbm4b:s24+s5] =	stream.strided.scatter [tilespmem:s13], [sflag:$0x3], $0x1000, s19, s5, $0x38;
	[tilespmem:$0x16010] =	vst v63  }
0x653: {  	s24 =	sadd.s32 $0x140000, s23  }
0x654: {  	[hbm4b:s24+s5] =	stream.strided.scatter [tilespmem:s14], [sflag:$0x3], $0x1000, s19, s5, $0x38;
	[tilespmem:$0x16010] =	vst v63  }
0x655: {  	s24 =	sadd.s32 $0x180000, s23  }
0x656: {  	[hbm4b:s24+s5] =	stream.strided.scatter [tilespmem:s15], [sflag:$0x3], $0x1000, s19, s5, $0x38;
	[tilespmem:$0x16010] =	vst v63  }
0x657: {  	s24 =	sadd.s32 $0x1C0000, s23  }
0x658: {  	[hbm4b:s24+s5] =	stream.strided.scatter [tilespmem:s16], [sflag:$0x3], $0x1000, s19, s5, $0x38;
	[tilespmem:$0x16010] =	vst v63  }
0x659: {  	s24 =	sadd.s32 $0x200000, s23  }
0x65a: {  	[hbm4b:s24+s5] =	stream.strided.scatter [tilespmem:s17], [sflag:$0x3], $0x1000, s19, s5, $0x38;
	[tilespmem:$0x16010] =	vst v63  }
0x65b: {  	s23 =	sadd.s32 $0x240000, s23  }
0x65c: {  	[hbm4b:s23+s5] =	stream.strided.scatter [tilespmem:s18], [sflag:$0x3], $0x1000, s19, s5, $0x38;
	[tilespmem:$0x16010] =	vst v63  }
0x65d: {  	s23 =	sld [smem:$0x7DB];
	_ =	sdelay $0x2  }
0x65e: {  	[hbm4b:s23+s5] =	stream.strided.scatter [tilespmem:s9], [sflag:$0x3], $0x1000, s19, s5, $0x38;
	[tilespmem:$0x16010] =	vst v63  }
0x65f: {  	s24 =	sadd.s32 $0x40000, s23  }
0x660: {  	[hbm4b:s24+s5] =	stream.strided.scatter [tilespmem:s10], [sflag:$0x3], $0x1000, s19, s5, $0x38;
	[tilespmem:$0x16010] =	vst v63  }
0x661: {  	s24 =	sadd.s32 $0x80000, s23  }
0x662: {  	[hbm4b:s24+s5] =	stream.strided.scatter [tilespmem:s11], [sflag:$0x3], $0x1000, s19, s5, $0x38;
	[tilespmem:$0x16010] =	vst v63  }
0x663: {  	s24 =	sadd.s32 $0xC0000, s23  }
0x664: {  	[hbm4b:s24+s5] =	stream.strided.scatter [tilespmem:s12], [sflag:$0x3], $0x1000, s19, s5, $0x38;
	[tilespmem:$0x16010] =	vst v63  }
0x665: {  	s24 =	sadd.s32 $0x100000, s23  }
0x666: {  	[hbm4b:s24+s5] =	stream.strided.scatter [tilespmem:s13], [sflag:$0x3], $0x1000, s19, s5, $0x38;
	[tilespmem:$0x16010] =	vst v63  }
0x667: {  	s24 =	sadd.s32 $0x140000, s23  }
0x668: {  	[hbm4b:s24+s5] =	stream.strided.scatter [tilespmem:s14], [sflag:$0x3], $0x1000, s19, s5, $0x38;
	[tilespmem:$0x16010] =	vst v63  }
0x669: {  	s24 =	sadd.s32 $0x180000, s23  }
0x66a: {  	[hbm4b:s24+s5] =	stream.strided.scatter [tilespmem:s15], [sflag:$0x3], $0x1000, s19, s5, $0x38;
	[tilespmem:$0x16010] =	vst v63  }
0x66b: {  	s24 =	sadd.s32 $0x1C0000, s23  }
0x66c: {  	[hbm4b:s24+s5] =	stream.strided.scatter [tilespmem:s16], [sflag:$0x3], $0x1000, s19, s5, $0x38;
	[tilespmem:$0x16010] =	vst v63  }
0x66d: {  	s24 =	sadd.s32 $0x200000, s23  }
0x66e: {  	[hbm4b:s24+s5] =	stream.strided.scatter [tilespmem:s17], [sflag:$0x3], $0x1000, s19, s5, $0x38;
	[tilespmem:$0x16010] =	vst v63  }
0x66f: {  	s23 =	sadd.s32 $0x240000, s23  }
0x670: {  	[hbm4b:s23+s5] =	stream.strided.scatter [tilespmem:s18], [sflag:$0x3], $0x1000, s19, s5, $0x38;
	[tilespmem:$0x16010] =	vst v63  }
0x671: {  	s23 =	sld [smem:$0x7DC];
	_ =	sdelay $0x2  }
0x672: {  	[hbm4b:s23+s5] =	stream.strided.scatter [tilespmem:s9], [sflag:$0x3], $0x1000, s19, s5, $0x38;
	[tilespmem:$0x16010] =	vst v63  }
0x673: {  	s24 =	sadd.s32 $0x40000, s23  }
0x674: {  	[hbm4b:s24+s5] =	stream.strided.scatter [tilespmem:s10], [sflag:$0x3], $0x1000, s19, s5, $0x38;
	[tilespmem:$0x16010] =	vst v63  }
0x675: {  	s24 =	sadd.s32 $0x80000, s23  }
0x676: {  	[hbm4b:s24+s5] =	stream.strided.scatter [tilespmem:s11], [sflag:$0x3], $0x1000, s19, s5, $0x38;
	[tilespmem:$0x16010] =	vst v63  }
0x677: {  	s24 =	sadd.s32 $0xC0000, s23  }
0x678: {  	[hbm4b:s24+s5] =	stream.strided.scatter [tilespmem:s12], [sflag:$0x3], $0x1000, s19, s5, $0x38;
	[tilespmem:$0x16010] =	vst v63  }
0x679: {  	s24 =	sadd.s32 $0x100000, s23  }
0x67a: {  	[hbm4b:s24+s5] =	stream.strided.scatter [tilespmem:s13], [sflag:$0x3], $0x1000, s19, s5, $0x38;
	[tilespmem:$0x16010] =	vst v63  }
0x67b: {  	s24 =	sadd.s32 $0x140000, s23  }
0x67c: {  	[hbm4b:s24+s5] =	stream.strided.scatter [tilespmem:s14], [sflag:$0x3], $0x1000, s19, s5, $0x38;
	[tilespmem:$0x16010] =	vst v63  }
0x67d: {  	s24 =	sadd.s32 $0x180000, s23  }
0x67e: {  	[hbm4b:s24+s5] =	stream.strided.scatter [tilespmem:s15], [sflag:$0x3], $0x1000, s19, s5, $0x38;
	[tilespmem:$0x16010] =	vst v63  }
0x67f: {  	s24 =	sadd.s32 $0x1C0000, s23  }
0x680: {  	[hbm4b:s24+s5] =	stream.strided.scatter [tilespmem:s16], [sflag:$0x3], $0x1000, s19, s5, $0x38;
	[tilespmem:$0x16010] =	vst v63  }
0x681: {  	s24 =	sadd.s32 $0x200000, s23  }
0x682: {  	[hbm4b:s24+s5] =	stream.strided.scatter [tilespmem:s17], [sflag:$0x3], $0x1000, s19, s5, $0x38;
	[tilespmem:$0x16010] =	vst v63  }
0x683: {  	s23 =	sadd.s32 $0x240000, s23  }
0x684: {  	[hbm4b:s23+s5] =	stream.strided.scatter [tilespmem:s18], [sflag:$0x3], $0x1000, s19, s5, $0x38;
	[tilespmem:$0x16010] =	vst v63  }
0x685: {  	s23 =	sld [smem:$0x7DE];
	_ =	sdelay $0x2  }
0x686: {  	[hbm4b:s23+s5] =	stream.strided.scatter [tilespmem:s9], [sflag:$0x3], $0x1000, s19, s5, $0x38;
	[tilespmem:$0x16010] =	vst v63  }
0x687: {  	s24 =	sadd.s32 $0x40000, s23  }
0x688: {  	[hbm4b:s24+s5] =	stream.strided.scatter [tilespmem:s10], [sflag:$0x3], $0x1000, s19, s5, $0x38;
	[tilespmem:$0x16010] =	vst v63  }
0x689: {  	s24 =	sadd.s32 $0x80000, s23  }
0x68a: {  	[hbm4b:s24+s5] =	stream.strided.scatter [tilespmem:s11], [sflag:$0x3], $0x1000, s19, s5, $0x38;
	[tilespmem:$0x16010] =	vst v63  }
0x68b: {  	s24 =	sadd.s32 $0xC0000, s23  }
0x68c: {  	[hbm4b:s24+s5] =	stream.strided.scatter [tilespmem:s12], [sflag:$0x3], $0x1000, s19, s5, $0x38;
	[tilespmem:$0x16010] =	vst v63  }
0x68d: {  	s24 =	sadd.s32 $0x100000, s23  }
0x68e: {  	[hbm4b:s24+s5] =	stream.strided.scatter [tilespmem:s13], [sflag:$0x3], $0x1000, s19, s5, $0x38;
	[tilespmem:$0x16010] =	vst v63  }
0x68f: {  	s24 =	sadd.s32 $0x140000, s23  }
0x690: {  	[hbm4b:s24+s5] =	stream.strided.scatter [tilespmem:s14], [sflag:$0x3], $0x1000, s19, s5, $0x38;
	[tilespmem:$0x16010] =	vst v63  }
0x691: {  	s24 =	sadd.s32 $0x180000, s23  }
0x692: {  	[hbm4b:s24+s5] =	stream.strided.scatter [tilespmem:s15], [sflag:$0x3], $0x1000, s19, s5, $0x38;
	[tilespmem:$0x16010] =	vst v63  }
0x693: {  	s24 =	sadd.s32 $0x1C0000, s23  }
0x694: {  	[hbm4b:s24+s5] =	stream.strided.scatter [tilespmem:s16], [sflag:$0x3], $0x1000, s19, s5, $0x38;
	[tilespmem:$0x16010] =	vst v63  }
0x695: {  	s24 =	sadd.s32 $0x200000, s23  }
0x696: {  	[hbm4b:s24+s5] =	stream.strided.scatter [tilespmem:s17], [sflag:$0x3], $0x1000, s19, s5, $0x38;
	[tilespmem:$0x16010] =	vst v63  }
0x697: {  	s23 =	sadd.s32 $0x240000, s23  }
0x698: {  	[hbm4b:s23+s5] =	stream.strided.scatter [tilespmem:s18], [sflag:$0x3], $0x1000, s19, s5, $0x38;
	[tilespmem:$0x16010] =	vst v63  }
0x699: {  	s23 =	sld [smem:$0x7DF];
	_ =	sdelay $0x2  }
0x69a: {  	[hbm4b:s23+s5] =	stream.strided.scatter [tilespmem:s9], [sflag:$0x3], $0x1000, s19, s5, $0x38;
	[tilespmem:$0x16010] =	vst v63  }
0x69b: {  	s24 =	sadd.s32 $0x40000, s23  }
0x69c: {  	[hbm4b:s24+s5] =	stream.strided.scatter [tilespmem:s10], [sflag:$0x3], $0x1000, s19, s5, $0x38;
	[tilespmem:$0x16010] =	vst v63  }
0x69d: {  	s24 =	sadd.s32 $0x80000, s23  }
0x69e: {  	[hbm4b:s24+s5] =	stream.strided.scatter [tilespmem:s11], [sflag:$0x3], $0x1000, s19, s5, $0x38;
	[tilespmem:$0x16010] =	vst v63  }
0x69f: {  	s24 =	sadd.s32 $0xC0000, s23  }
0x6a0: {  	[hbm4b:s24+s5] =	stream.strided.scatter [tilespmem:s12], [sflag:$0x3], $0x1000, s19, s5, $0x38;
	[tilespmem:$0x16010] =	vst v63  }
0x6a1: {  	s24 =	sadd.s32 $0x100000, s23  }
0x6a2: {  	[hbm4b:s24+s5] =	stream.strided.scatter [tilespmem:s13], [sflag:$0x3], $0x1000, s19, s5, $0x38;
	[tilespmem:$0x16010] =	vst v63  }
0x6a3: {  	s24 =	sadd.s32 $0x140000, s23  }
0x6a4: {  	[hbm4b:s24+s5] =	stream.strided.scatter [tilespmem:s14], [sflag:$0x3], $0x1000, s19, s5, $0x38;
	[tilespmem:$0x16010] =	vst v63  }
0x6a5: {  	s24 =	sadd.s32 $0x180000, s23  }
0x6a6: {  	[hbm4b:s24+s5] =	stream.strided.scatter [tilespmem:s15], [sflag:$0x3], $0x1000, s19, s5, $0x38;
	[tilespmem:$0x16010] =	vst v63  }
0x6a7: {  	s24 =	sadd.s32 $0x1C0000, s23  }
0x6a8: {  	[hbm4b:s24+s5] =	stream.strided.scatter [tilespmem:s16], [sflag:$0x3], $0x1000, s19, s5, $0x38;
	[tilespmem:$0x16010] =	vst v63  }
0x6a9: {  	s24 =	sadd.s32 $0x200000, s23  }
0x6aa: {  	[hbm4b:s24+s5] =	stream.strided.scatter [tilespmem:s17], [sflag:$0x3], $0x1000, s19, s5, $0x38;
	[tilespmem:$0x16010] =	vst v63  }
0x6ab: {  	s23 =	sadd.s32 $0x240000, s23  }
0x6ac: {  	[hbm4b:s23+s5] =	stream.strided.scatter [tilespmem:s18], [sflag:$0x3], $0x1000, s19, s5, $0x38;
	[tilespmem:$0x16010] =	vst v63  }
0x6ad: {  	s23 =	sld [smem:$0x7E1];
	_ =	sdelay $0x2  }
0x6ae: {  	[hbm4b:s23+s5] =	stream.strided.scatter [tilespmem:s9], [sflag:$0x3], $0x1000, s19, s5, $0x38;
	[tilespmem:$0x16010] =	vst v63  }
0x6af: {  	s24 =	sadd.s32 $0x40000, s23  }
0x6b0: {  	[hbm4b:s24+s5] =	stream.strided.scatter [tilespmem:s10], [sflag:$0x3], $0x1000, s19, s5, $0x38;
	[tilespmem:$0x16010] =	vst v63  }
0x6b1: {  	s24 =	sadd.s32 $0x80000, s23  }
0x6b2: {  	[hbm4b:s24+s5] =	stream.strided.scatter [tilespmem:s11], [sflag:$0x3], $0x1000, s19, s5, $0x38;
	[tilespmem:$0x16010] =	vst v63  }
0x6b3: {  	s24 =	sadd.s32 $0xC0000, s23  }
0x6b4: {  	[hbm4b:s24+s5] =	stream.strided.scatter [tilespmem:s12], [sflag:$0x3], $0x1000, s19, s5, $0x38;
	[tilespmem:$0x16010] =	vst v63  }
0x6b5: {  	s24 =	sadd.s32 $0x100000, s23  }
0x6b6: {  	[hbm4b:s24+s5] =	stream.strided.scatter [tilespmem:s13], [sflag:$0x3], $0x1000, s19, s5, $0x38;
	[tilespmem:$0x16010] =	vst v63  }
0x6b7: {  	s24 =	sadd.s32 $0x140000, s23  }
0x6b8: {  	[hbm4b:s24+s5] =	stream.strided.scatter [tilespmem:s14], [sflag:$0x3], $0x1000, s19, s5, $0x38;
	[tilespmem:$0x16010] =	vst v63  }
0x6b9: {  	s24 =	sadd.s32 $0x180000, s23  }
0x6ba: {  	[hbm4b:s24+s5] =	stream.strided.scatter [tilespmem:s15], [sflag:$0x3], $0x1000, s19, s5, $0x38;
	[tilespmem:$0x16010] =	vst v63  }
0x6bb: {  	s24 =	sadd.s32 $0x1C0000, s23  }
0x6bc: {  	[hbm4b:s24+s5] =	stream.strided.scatter [tilespmem:s16], [sflag:$0x3], $0x1000, s19, s5, $0x38;
	[tilespmem:$0x16010] =	vst v63  }
0x6bd: {  	s24 =	sadd.s32 $0x200000, s23  }
0x6be: {  	[hbm4b:s24+s5] =	stream.strided.scatter [tilespmem:s17], [sflag:$0x3], $0x1000, s19, s5, $0x38;
	[tilespmem:$0x16010] =	vst v63  }
0x6bf: {  	s23 =	sadd.s32 $0x240000, s23  }
0x6c0: {  	[hbm4b:s23+s5] =	stream.strided.scatter [tilespmem:s18], [sflag:$0x3], $0x1000, s19, s5, $0x38;
	[tilespmem:$0x16010] =	vst v63  }
0x6c1: {  	s23 =	sld [smem:$0x7E2];
	_ =	sdelay $0x2  }
0x6c2: {  	[hbm4b:s23+s5] =	stream.strided.scatter [tilespmem:s9], [sflag:$0x3], $0x1000, s19, s5, $0x38;
	[tilespmem:$0x16010] =	vst v63  }
0x6c3: {  	s24 =	sadd.s32 $0x40000, s23  }
0x6c4: {  	[hbm4b:s24+s5] =	stream.strided.scatter [tilespmem:s10], [sflag:$0x3], $0x1000, s19, s5, $0x38;
	[tilespmem:$0x16010] =	vst v63  }
0x6c5: {  	s24 =	sadd.s32 $0x80000, s23  }
0x6c6: {  	[hbm4b:s24+s5] =	stream.strided.scatter [tilespmem:s11], [sflag:$0x3], $0x1000, s19, s5, $0x38;
	[tilespmem:$0x16010] =	vst v63  }
0x6c7: {  	s24 =	sadd.s32 $0xC0000, s23  }
0x6c8: {  	[hbm4b:s24+s5] =	stream.strided.scatter [tilespmem:s12], [sflag:$0x3], $0x1000, s19, s5, $0x38;
	[tilespmem:$0x16010] =	vst v63  }
0x6c9: {  	s24 =	sadd.s32 $0x100000, s23  }
0x6ca: {  	[hbm4b:s24+s5] =	stream.strided.scatter [tilespmem:s13], [sflag:$0x3], $0x1000, s19, s5, $0x38;
	[tilespmem:$0x16010] =	vst v63  }
0x6cb: {  	s24 =	sadd.s32 $0x140000, s23  }
0x6cc: {  	[hbm4b:s24+s5] =	stream.strided.scatter [tilespmem:s14], [sflag:$0x3], $0x1000, s19, s5, $0x38;
	[tilespmem:$0x16010] =	vst v63  }
0x6cd: {  	s24 =	sadd.s32 $0x180000, s23  }
0x6ce: {  	[hbm4b:s24+s5] =	stream.strided.scatter [tilespmem:s15], [sflag:$0x3], $0x1000, s19, s5, $0x38;
	[tilespmem:$0x16010] =	vst v63  }
0x6cf: {  	s24 =	sadd.s32 $0x1C0000, s23  }
0x6d0: {  	[hbm4b:s24+s5] =	stream.strided.scatter [tilespmem:s16], [sflag:$0x3], $0x1000, s19, s5, $0x38;
	[tilespmem:$0x16010] =	vst v63  }
0x6d1: {  	s24 =	sadd.s32 $0x200000, s23  }
0x6d2: {  	[hbm4b:s24+s5] =	stream.strided.scatter [tilespmem:s17], [sflag:$0x3], $0x1000, s19, s5, $0x38;
	[tilespmem:$0x16010] =	vst v63  }
0x6d3: {  	s23 =	sadd.s32 $0x240000, s23  }
0x6d4: {  	[hbm4b:s23+s5] =	stream.strided.scatter [tilespmem:s18], [sflag:$0x3], $0x1000, s19, s5, $0x38;
	[tilespmem:$0x16010] =	vst v63  }
0x6d5: {  	s23 =	sld [smem:$0x7E4];
	_ =	sdelay $0x2  }
0x6d6: {  	[hbm4b:s23+s5] =	stream.strided.scatter [tilespmem:s9], [sflag:$0x3], $0x1000, s19, s5, $0x38;
	[tilespmem:$0x16010] =	vst v63  }
0x6d7: {  	s24 =	sadd.s32 $0x40000, s23  }
0x6d8: {  	[hbm4b:s24+s5] =	stream.strided.scatter [tilespmem:s10], [sflag:$0x3], $0x1000, s19, s5, $0x38;
	[tilespmem:$0x16010] =	vst v63  }
0x6d9: {  	s24 =	sadd.s32 $0x80000, s23  }
0x6da: {  	[hbm4b:s24+s5] =	stream.strided.scatter [tilespmem:s11], [sflag:$0x3], $0x1000, s19, s5, $0x38;
	[tilespmem:$0x16010] =	vst v63  }
0x6db: {  	s24 =	sadd.s32 $0xC0000, s23  }
0x6dc: {  	[hbm4b:s24+s5] =	stream.strided.scatter [tilespmem:s12], [sflag:$0x3], $0x1000, s19, s5, $0x38;
	[tilespmem:$0x16010] =	vst v63  }
0x6dd: {  	s24 =	sadd.s32 $0x100000, s23  }
0x6de: {  	[hbm4b:s24+s5] =	stream.strided.scatter [tilespmem:s13], [sflag:$0x3], $0x1000, s19, s5, $0x38;
	[tilespmem:$0x16010] =	vst v63  }
0x6df: {  	s24 =	sadd.s32 $0x140000, s23  }
0x6e0: {  	[hbm4b:s24+s5] =	stream.strided.scatter [tilespmem:s14], [sflag:$0x3], $0x1000, s19, s5, $0x38;
	[tilespmem:$0x16010] =	vst v63  }
0x6e1: {  	s24 =	sadd.s32 $0x180000, s23  }
0x6e2: {  	[hbm4b:s24+s5] =	stream.strided.scatter [tilespmem:s15], [sflag:$0x3], $0x1000, s19, s5, $0x38;
	[tilespmem:$0x16010] =	vst v63  }
0x6e3: {  	s24 =	sadd.s32 $0x1C0000, s23  }
0x6e4: {  	[hbm4b:s24+s5] =	stream.strided.scatter [tilespmem:s16], [sflag:$0x3], $0x1000, s19, s5, $0x38;
	[tilespmem:$0x16010] =	vst v63  }
0x6e5: {  	s24 =	sadd.s32 $0x200000, s23  }
0x6e6: {  	[hbm4b:s24+s5] =	stream.strided.scatter [tilespmem:s17], [sflag:$0x3], $0x1000, s19, s5, $0x38;
	[tilespmem:$0x16010] =	vst v63  }
0x6e7: {  	s23 =	sadd.s32 $0x240000, s23  }
0x6e8: {  	[hbm4b:s23+s5] =	stream.strided.scatter [tilespmem:s18], [sflag:$0x3], $0x1000, s19, s5, $0x38;
	[tilespmem:$0x16010] =	vst v63  }
0x6e9: {  	s23 =	sld [smem:$0x7E5];
	_ =	sdelay $0x2  }
0x6ea: {  	[hbm4b:s23+s5] =	stream.strided.scatter [tilespmem:s9], [sflag:$0x3], $0x1000, s19, s5, $0x38;
	[tilespmem:$0x16010] =	vst v63  }
0x6eb: {  	s24 =	sadd.s32 $0x40000, s23  }
0x6ec: {  	[hbm4b:s24+s5] =	stream.strided.scatter [tilespmem:s10], [sflag:$0x3], $0x1000, s19, s5, $0x38;
	[tilespmem:$0x16010] =	vst v63  }
0x6ed: {  	s24 =	sadd.s32 $0x80000, s23  }
0x6ee: {  	[hbm4b:s24+s5] =	stream.strided.scatter [tilespmem:s11], [sflag:$0x3], $0x1000, s19, s5, $0x38;
	[tilespmem:$0x16010] =	vst v63  }
0x6ef: {  	s24 =	sadd.s32 $0xC0000, s23  }
0x6f0: {  	[hbm4b:s24+s5] =	stream.strided.scatter [tilespmem:s12], [sflag:$0x3], $0x1000, s19, s5, $0x38;
	[tilespmem:$0x16010] =	vst v63  }
0x6f1: {  	s24 =	sadd.s32 $0x100000, s23  }
0x6f2: {  	[hbm4b:s24+s5] =	stream.strided.scatter [tilespmem:s13], [sflag:$0x3], $0x1000, s19, s5, $0x38;
	[tilespmem:$0x16010] =	vst v63  }
0x6f3: {  	s24 =	sadd.s32 $0x140000, s23  }
0x6f4: {  	[hbm4b:s24+s5] =	stream.strided.scatter [tilespmem:s14], [sflag:$0x3], $0x1000, s19, s5, $0x38;
	[tilespmem:$0x16010] =	vst v63  }
0x6f5: {  	s24 =	sadd.s32 $0x180000, s23  }
0x6f6: {  	[hbm4b:s24+s5] =	stream.strided.scatter [tilespmem:s15], [sflag:$0x3], $0x1000, s19, s5, $0x38;
	[tilespmem:$0x16010] =	vst v63  }
0x6f7: {  	s24 =	sadd.s32 $0x1C0000, s23  }
0x6f8: {  	[hbm4b:s24+s5] =	stream.strided.scatter [tilespmem:s16], [sflag:$0x3], $0x1000, s19, s5, $0x38;
	[tilespmem:$0x16010] =	vst v63  }
0x6f9: {  	s24 =	sadd.s32 $0x200000, s23  }
0x6fa: {  	[hbm4b:s24+s5] =	stream.strided.scatter [tilespmem:s17], [sflag:$0x3], $0x1000, s19, s5, $0x38;
	[tilespmem:$0x16010] =	vst v63  }
0x6fb: {  	s23 =	sadd.s32 $0x240000, s23  }
0x6fc: {  	[hbm4b:s23+s5] =	stream.strided.scatter [tilespmem:s18], [sflag:$0x3], $0x1000, s19, s5, $0x38;
	[tilespmem:$0x16010] =	vst v63  }
0x6fd: {  	_ =	swait.ge [sflag:s8], $0x1000  }
0x6fe: {  	[sflag:s8] =	ssyncset.done $0x0  }
0x6ff: {  	[sflag:s8] =	ssyncadd.s32 $0xFFFFF000  }
0x700: {  	_ =	swait.ge [sflag:s8], $0x1000  }
0x701: {  	[sflag:s8] =	ssyncset.done $0x0  }
0x702: {  	[sflag:s8] =	ssyncadd.s32 $0xFFFFF000  }
0x703: {  	_ =	swait.ge [sflag:s8], $0x1000  }
0x704: {  	[sflag:s8] =	ssyncset.done $0x0  }
0x705: {  	[sflag:s8] =	ssyncadd.s32 $0xFFFFF000  }
0x706: {  	_ =	swait.ge [sflag:s8], $0x1000  }
0x707: {  	[sflag:s8] =	ssyncset.done $0x0  }
0x708: {  	[sflag:s8] =	ssyncadd.s32 $0xFFFFF000  }
0x709: {  	_ =	swait.ge [sflag:s8], $0x1000  }
0x70a: {  	[sflag:s8] =	ssyncset.done $0x0  }
0x70b: {  	[sflag:s8] =	ssyncadd.s32 $0xFFFFF000  }
0x70c: {  	_ =	swait.ge [sflag:s8], $0x1000  }
0x70d: {  	[sflag:s8] =	ssyncset.done $0x0  }
0x70e: {  	[sflag:s8] =	ssyncadd.s32 $0xFFFFF000  }
0x70f: {  	_ =	swait.ge [sflag:s8], $0x1000  }
0x710: {  	[sflag:s8] =	ssyncset.done $0x0  }
0x711: {  	[sflag:s8] =	ssyncadd.s32 $0xFFFFF000  }
0x712: {  	_ =	swait.ge [sflag:s8], $0x1000  }
0x713: {  	[sflag:s8] =	ssyncset.done $0x0  }
0x714: {  	[sflag:s8] =	ssyncadd.s32 $0xFFFFF000  }
0x715: {  	_ =	swait.ge [sflag:s8], $0x1000  }
0x716: {  	[sflag:s8] =	ssyncset.done $0x0  }
0x717: {  	[sflag:s8] =	ssyncadd.s32 $0xFFFFF000  }
0x718: {  	_ =	swait.ge [sflag:s8], $0x1000  }
0x719: {  	s23 =	sld [smem:$0x7E7]  }
0x71a: {  	[sflag:s8] =	ssyncset.done $0x0  }
0x71b: {  	[sflag:s8] =	ssyncadd.s32 $0xFFFFF000  }
0x71c: {  	[hbm4b:s23+s5] =	stream.strided.scatter [tilespmem:s26], [sflag:$0x2], $0x1000, s19, s5, $0x38;
	[tilespmem:$0x16010] =	vst v63  }
0x71d: {  	s24 =	sadd.s32 $0x40000, s23  }
0x71e: {  	[hbm4b:s24+s5] =	stream.strided.scatter [tilespmem:s28], [sflag:$0x2], $0x1000, s19, s5, $0x38;
	[tilespmem:$0x16010] =	vst v63  }
0x71f: {  	s24 =	sadd.s32 $0x80000, s23  }
0x720: {  	[hbm4b:s24+s5] =	stream.strided.scatter [tilespmem:s29], [sflag:$0x2], $0x1000, s19, s5, $0x38;
	[tilespmem:$0x16010] =	vst v63  }
0x721: {  	s24 =	sadd.s32 $0xC0000, s23  }
0x722: {  	[hbm4b:s24+s5] =	stream.strided.scatter [tilespmem:s30], [sflag:$0x2], $0x1000, s19, s5, $0x38;
	[tilespmem:$0x16010] =	vst v63  }
0x723: {  	s24 =	sadd.s32 $0x100000, s23  }
0x724: {  	[hbm4b:s24+s5] =	stream.strided.scatter [tilespmem:s31], [sflag:$0x2], $0x1000, s19, s5, $0x38;
	[tilespmem:$0x16010] =	vst v63  }
0x725: {  	s24 =	sadd.s32 $0x140000, s23  }
0x726: {  	[hbm4b:s24+s5] =	stream.strided.scatter [tilespmem:s0], [sflag:$0x2], $0x1000, s19, s5, $0x38;
	[tilespmem:$0x16010] =	vst v63  }
0x727: {  	s24 =	sadd.s32 $0x180000, s23  }
0x728: {  	[hbm4b:s24+s5] =	stream.strided.scatter [tilespmem:s2], [sflag:$0x2], $0x1000, s19, s5, $0x38;
	[tilespmem:$0x16010] =	vst v63  }
0x729: {  	s24 =	sadd.s32 $0x1C0000, s23  }
0x72a: {  	[hbm4b:s24+s5] =	stream.strided.scatter [tilespmem:s4], [sflag:$0x2], $0x1000, s19, s5, $0x38;
	[tilespmem:$0x16010] =	vst v63  }
0x72b: {  	s24 =	sadd.s32 $0x200000, s23  }
0x72c: {  	[hbm4b:s24+s5] =	stream.strided.scatter [tilespmem:s6], [sflag:$0x2], $0x1000, s19, s5, $0x38;
	[tilespmem:$0x16010] =	vst v63  }
0x72d: {  	s23 =	sadd.s32 $0x240000, s23  }
0x72e: {  	[hbm4b:s23+s5] =	stream.strided.scatter [tilespmem:s7], [sflag:$0x2], $0x1000, s19, s5, $0x38;
	[tilespmem:$0x16010] =	vst v63  }
0x72f: {  	s23 =	sld [smem:$0x7E8];
	_ =	sdelay $0x2  }
0x730: {  	[hbm4b:s23+s5] =	stream.strided.scatter [tilespmem:s26], [sflag:$0x2], $0x1000, s19, s5, $0x38;
	[tilespmem:$0x16010] =	vst v63  }
0x731: {  	s24 =	sadd.s32 $0x40000, s23  }
0x732: {  	[hbm4b:s24+s5] =	stream.strided.scatter [tilespmem:s28], [sflag:$0x2], $0x1000, s19, s5, $0x38;
	[tilespmem:$0x16010] =	vst v63  }
0x733: {  	s24 =	sadd.s32 $0x80000, s23  }
0x734: {  	[hbm4b:s24+s5] =	stream.strided.scatter [tilespmem:s29], [sflag:$0x2], $0x1000, s19, s5, $0x38;
	[tilespmem:$0x16010] =	vst v63  }
0x735: {  	s24 =	sadd.s32 $0xC0000, s23  }
0x736: {  	[hbm4b:s24+s5] =	stream.strided.scatter [tilespmem:s30], [sflag:$0x2], $0x1000, s19, s5, $0x38;
	[tilespmem:$0x16010] =	vst v63  }
0x737: {  	s24 =	sadd.s32 $0x100000, s23  }
0x738: {  	[hbm4b:s24+s5] =	stream.strided.scatter [tilespmem:s31], [sflag:$0x2], $0x1000, s19, s5, $0x38;
	[tilespmem:$0x16010] =	vst v63  }
0x739: {  	s24 =	sadd.s32 $0x140000, s23  }
0x73a: {  	[hbm4b:s24+s5] =	stream.strided.scatter [tilespmem:s0], [sflag:$0x2], $0x1000, s19, s5, $0x38;
	[tilespmem:$0x16010] =	vst v63  }
0x73b: {  	s24 =	sadd.s32 $0x180000, s23  }
0x73c: {  	[hbm4b:s24+s5] =	stream.strided.scatter [tilespmem:s2], [sflag:$0x2], $0x1000, s19, s5, $0x38;
	[tilespmem:$0x16010] =	vst v63  }
0x73d: {  	s24 =	sadd.s32 $0x1C0000, s23  }
0x73e: {  	[hbm4b:s24+s5] =	stream.strided.scatter [tilespmem:s4], [sflag:$0x2], $0x1000, s19, s5, $0x38;
	[tilespmem:$0x16010] =	vst v63  }
0x73f: {  	s24 =	sadd.s32 $0x200000, s23  }
0x740: {  	[hbm4b:s24+s5] =	stream.strided.scatter [tilespmem:s6], [sflag:$0x2], $0x1000, s19, s5, $0x38;
	[tilespmem:$0x16010] =	vst v63  }
0x741: {  	s23 =	sadd.s32 $0x240000, s23  }
0x742: {  	[hbm4b:s23+s5] =	stream.strided.scatter [tilespmem:s7], [sflag:$0x2], $0x1000, s19, s5, $0x38;
	[tilespmem:$0x16010] =	vst v63  }
0x743: {  	s23 =	sld [smem:$0x7EA];
	_ =	sdelay $0x2  }
0x744: {  	[hbm4b:s23+s5] =	stream.strided.scatter [tilespmem:s26], [sflag:$0x2], $0x1000, s19, s5, $0x38;
	[tilespmem:$0x16010] =	vst v63  }
0x745: {  	s24 =	sadd.s32 $0x40000, s23  }
0x746: {  	[hbm4b:s24+s5] =	stream.strided.scatter [tilespmem:s28], [sflag:$0x2], $0x1000, s19, s5, $0x38;
	[tilespmem:$0x16010] =	vst v63  }
0x747: {  	s24 =	sadd.s32 $0x80000, s23  }
0x748: {  	[hbm4b:s24+s5] =	stream.strided.scatter [tilespmem:s29], [sflag:$0x2], $0x1000, s19, s5, $0x38;
	[tilespmem:$0x16010] =	vst v63  }
0x749: {  	s24 =	sadd.s32 $0xC0000, s23  }
0x74a: {  	[hbm4b:s24+s5] =	stream.strided.scatter [tilespmem:s30], [sflag:$0x2], $0x1000, s19, s5, $0x38;
	[tilespmem:$0x16010] =	vst v63  }
0x74b: {  	s24 =	sadd.s32 $0x100000, s23  }
0x74c: {  	[hbm4b:s24+s5] =	stream.strided.scatter [tilespmem:s31], [sflag:$0x2], $0x1000, s19, s5, $0x38;
	[tilespmem:$0x16010] =	vst v63  }
0x74d: {  	s24 =	sadd.s32 $0x140000, s23  }
0x74e: {  	[hbm4b:s24+s5] =	stream.strided.scatter [tilespmem:s0], [sflag:$0x2], $0x1000, s19, s5, $0x38;
	[tilespmem:$0x16010] =	vst v63  }
0x74f: {  	s24 =	sadd.s32 $0x180000, s23  }
0x750: {  	[hbm4b:s24+s5] =	stream.strided.scatter [tilespmem:s2], [sflag:$0x2], $0x1000, s19, s5, $0x38;
	[tilespmem:$0x16010] =	vst v63  }
0x751: {  	s24 =	sadd.s32 $0x1C0000, s23  }
0x752: {  	[hbm4b:s24+s5] =	stream.strided.scatter [tilespmem:s4], [sflag:$0x2], $0x1000, s19, s5, $0x38;
	[tilespmem:$0x16010] =	vst v63  }
0x753: {  	s24 =	sadd.s32 $0x200000, s23  }
0x754: {  	[hbm4b:s24+s5] =	stream.strided.scatter [tilespmem:s6], [sflag:$0x2], $0x1000, s19, s5, $0x38;
	[tilespmem:$0x16010] =	vst v63  }
0x755: {  	s23 =	sadd.s32 $0x240000, s23  }
0x756: {  	[hbm4b:s23+s5] =	stream.strided.scatter [tilespmem:s7], [sflag:$0x2], $0x1000, s19, s5, $0x38;
	[tilespmem:$0x16010] =	vst v63  }
0x757: {  	s23 =	sld [smem:$0x7EB];
	_ =	sdelay $0x2  }
0x758: {  	[hbm4b:s23+s5] =	stream.strided.scatter [tilespmem:s26], [sflag:$0x2], $0x1000, s19, s5, $0x38;
	[tilespmem:$0x16010] =	vst v63  }
0x759: {  	s24 =	sadd.s32 $0x40000, s23  }
0x75a: {  	[hbm4b:s24+s5] =	stream.strided.scatter [tilespmem:s28], [sflag:$0x2], $0x1000, s19, s5, $0x38;
	[tilespmem:$0x16010] =	vst v63  }
0x75b: {  	s24 =	sadd.s32 $0x80000, s23  }
0x75c: {  	[hbm4b:s24+s5] =	stream.strided.scatter [tilespmem:s29], [sflag:$0x2], $0x1000, s19, s5, $0x38;
	[tilespmem:$0x16010] =	vst v63  }
0x75d: {  	s24 =	sadd.s32 $0xC0000, s23  }
0x75e: {  	[hbm4b:s24+s5] =	stream.strided.scatter [tilespmem:s30], [sflag:$0x2], $0x1000, s19, s5, $0x38;
	[tilespmem:$0x16010] =	vst v63  }
0x75f: {  	s24 =	sadd.s32 $0x100000, s23  }
0x760: {  	[hbm4b:s24+s5] =	stream.strided.scatter [tilespmem:s31], [sflag:$0x2], $0x1000, s19, s5, $0x38;
	[tilespmem:$0x16010] =	vst v63  }
0x761: {  	s24 =	sadd.s32 $0x140000, s23  }
0x762: {  	[hbm4b:s24+s5] =	stream.strided.scatter [tilespmem:s0], [sflag:$0x2], $0x1000, s19, s5, $0x38;
	[tilespmem:$0x16010] =	vst v63  }
0x763: {  	s24 =	sadd.s32 $0x180000, s23  }
0x764: {  	[hbm4b:s24+s5] =	stream.strided.scatter [tilespmem:s2], [sflag:$0x2], $0x1000, s19, s5, $0x38;
	[tilespmem:$0x16010] =	vst v63  }
0x765: {  	s24 =	sadd.s32 $0x1C0000, s23  }
0x766: {  	[hbm4b:s24+s5] =	stream.strided.scatter [tilespmem:s4], [sflag:$0x2], $0x1000, s19, s5, $0x38;
	[tilespmem:$0x16010] =	vst v63  }
0x767: {  	s24 =	sadd.s32 $0x200000, s23  }
0x768: {  	[hbm4b:s24+s5] =	stream.strided.scatter [tilespmem:s6], [sflag:$0x2], $0x1000, s19, s5, $0x38;
	[tilespmem:$0x16010] =	vst v63  }
0x769: {  	s23 =	sadd.s32 $0x240000, s23  }
0x76a: {  	[hbm4b:s23+s5] =	stream.strided.scatter [tilespmem:s7], [sflag:$0x2], $0x1000, s19, s5, $0x38;
	[tilespmem:$0x16010] =	vst v63  }
0x76b: {  	s23 =	sld [smem:$0x7ED];
	_ =	sdelay $0x2  }
0x76c: {  	[hbm4b:s23+s5] =	stream.strided.scatter [tilespmem:s26], [sflag:$0x2], $0x1000, s19, s5, $0x38;
	[tilespmem:$0x16010] =	vst v63  }
0x76d: {  	s24 =	sadd.s32 $0x40000, s23  }
0x76e: {  	[hbm4b:s24+s5] =	stream.strided.scatter [tilespmem:s28], [sflag:$0x2], $0x1000, s19, s5, $0x38;
	[tilespmem:$0x16010] =	vst v63  }
0x76f: {  	s24 =	sadd.s32 $0x80000, s23  }
0x770: {  	[hbm4b:s24+s5] =	stream.strided.scatter [tilespmem:s29], [sflag:$0x2], $0x1000, s19, s5, $0x38;
	[tilespmem:$0x16010] =	vst v63  }
0x771: {  	s24 =	sadd.s32 $0xC0000, s23  }
0x772: {  	[hbm4b:s24+s5] =	stream.strided.scatter [tilespmem:s30], [sflag:$0x2], $0x1000, s19, s5, $0x38;
	[tilespmem:$0x16010] =	vst v63  }
0x773: {  	s24 =	sadd.s32 $0x100000, s23  }
0x774: {  	[hbm4b:s24+s5] =	stream.strided.scatter [tilespmem:s31], [sflag:$0x2], $0x1000, s19, s5, $0x38;
	[tilespmem:$0x16010] =	vst v63  }
0x775: {  	s24 =	sadd.s32 $0x140000, s23  }
0x776: {  	[hbm4b:s24+s5] =	stream.strided.scatter [tilespmem:s0], [sflag:$0x2], $0x1000, s19, s5, $0x38;
	[tilespmem:$0x16010] =	vst v63  }
0x777: {  	s24 =	sadd.s32 $0x180000, s23  }
0x778: {  	[hbm4b:s24+s5] =	stream.strided.scatter [tilespmem:s2], [sflag:$0x2], $0x1000, s19, s5, $0x38;
	[tilespmem:$0x16010] =	vst v63  }
0x779: {  	s24 =	sadd.s32 $0x1C0000, s23  }
0x77a: {  	[hbm4b:s24+s5] =	stream.strided.scatter [tilespmem:s4], [sflag:$0x2], $0x1000, s19, s5, $0x38;
	[tilespmem:$0x16010] =	vst v63  }
0x77b: {  	s24 =	sadd.s32 $0x200000, s23  }
0x77c: {  	[hbm4b:s24+s5] =	stream.strided.scatter [tilespmem:s6], [sflag:$0x2], $0x1000, s19, s5, $0x38;
	[tilespmem:$0x16010] =	vst v63  }
0x77d: {  	s23 =	sadd.s32 $0x240000, s23  }
0x77e: {  	[hbm4b:s23+s5] =	stream.strided.scatter [tilespmem:s7], [sflag:$0x2], $0x1000, s19, s5, $0x38;
	[tilespmem:$0x16010] =	vst v63  }
0x77f: {  	s23 =	sld [smem:$0x7EE];
	_ =	sdelay $0x2  }
0x780: {  	[hbm4b:s23+s5] =	stream.strided.scatter [tilespmem:s26], [sflag:$0x2], $0x1000, s19, s5, $0x38;
	[tilespmem:$0x16010] =	vst v63  }
0x781: {  	s24 =	sadd.s32 $0x40000, s23  }
0x782: {  	[hbm4b:s24+s5] =	stream.strided.scatter [tilespmem:s28], [sflag:$0x2], $0x1000, s19, s5, $0x38;
	[tilespmem:$0x16010] =	vst v63  }
0x783: {  	s24 =	sadd.s32 $0x80000, s23  }
0x784: {  	[hbm4b:s24+s5] =	stream.strided.scatter [tilespmem:s29], [sflag:$0x2], $0x1000, s19, s5, $0x38;
	[tilespmem:$0x16010] =	vst v63  }
0x785: {  	s24 =	sadd.s32 $0xC0000, s23  }
0x786: {  	[hbm4b:s24+s5] =	stream.strided.scatter [tilespmem:s30], [sflag:$0x2], $0x1000, s19, s5, $0x38;
	[tilespmem:$0x16010] =	vst v63  }
0x787: {  	s24 =	sadd.s32 $0x100000, s23  }
0x788: {  	[hbm4b:s24+s5] =	stream.strided.scatter [tilespmem:s31], [sflag:$0x2], $0x1000, s19, s5, $0x38;
	[tilespmem:$0x16010] =	vst v63  }
0x789: {  	s24 =	sadd.s32 $0x140000, s23  }
0x78a: {  	[hbm4b:s24+s5] =	stream.strided.scatter [tilespmem:s0], [sflag:$0x2], $0x1000, s19, s5, $0x38;
	[tilespmem:$0x16010] =	vst v63  }
0x78b: {  	s24 =	sadd.s32 $0x180000, s23  }
0x78c: {  	[hbm4b:s24+s5] =	stream.strided.scatter [tilespmem:s2], [sflag:$0x2], $0x1000, s19, s5, $0x38;
	[tilespmem:$0x16010] =	vst v63  }
0x78d: {  	s24 =	sadd.s32 $0x1C0000, s23  }
0x78e: {  	[hbm4b:s24+s5] =	stream.strided.scatter [tilespmem:s4], [sflag:$0x2], $0x1000, s19, s5, $0x38;
	[tilespmem:$0x16010] =	vst v63  }
0x78f: {  	s24 =	sadd.s32 $0x200000, s23  }
0x790: {  	[hbm4b:s24+s5] =	stream.strided.scatter [tilespmem:s6], [sflag:$0x2], $0x1000, s19, s5, $0x38;
	[tilespmem:$0x16010] =	vst v63  }
0x791: {  	s23 =	sadd.s32 $0x240000, s23  }
0x792: {  	[hbm4b:s23+s5] =	stream.strided.scatter [tilespmem:s7], [sflag:$0x2], $0x1000, s19, s5, $0x38;
	[tilespmem:$0x16010] =	vst v63  }
0x793: {  	s23 =	sld [smem:$0x7F0];
	_ =	sdelay $0x2  }
0x794: {  	[hbm4b:s23+s5] =	stream.strided.scatter [tilespmem:s26], [sflag:$0x2], $0x1000, s19, s5, $0x38;
	[tilespmem:$0x16010] =	vst v63  }
0x795: {  	s24 =	sadd.s32 $0x40000, s23  }
0x796: {  	[hbm4b:s24+s5] =	stream.strided.scatter [tilespmem:s28], [sflag:$0x2], $0x1000, s19, s5, $0x38;
	[tilespmem:$0x16010] =	vst v63  }
0x797: {  	s24 =	sadd.s32 $0x80000, s23  }
0x798: {  	[hbm4b:s24+s5] =	stream.strided.scatter [tilespmem:s29], [sflag:$0x2], $0x1000, s19, s5, $0x38;
	[tilespmem:$0x16010] =	vst v63  }
0x799: {  	s24 =	sadd.s32 $0xC0000, s23  }
0x79a: {  	[hbm4b:s24+s5] =	stream.strided.scatter [tilespmem:s30], [sflag:$0x2], $0x1000, s19, s5, $0x38;
	[tilespmem:$0x16010] =	vst v63  }
0x79b: {  	s24 =	sadd.s32 $0x100000, s23  }
0x79c: {  	[hbm4b:s24+s5] =	stream.strided.scatter [tilespmem:s31], [sflag:$0x2], $0x1000, s19, s5, $0x38;
	[tilespmem:$0x16010] =	vst v63  }
0x79d: {  	s24 =	sadd.s32 $0x140000, s23  }
0x79e: {  	[hbm4b:s24+s5] =	stream.strided.scatter [tilespmem:s0], [sflag:$0x2], $0x1000, s19, s5, $0x38;
	[tilespmem:$0x16010] =	vst v63  }
0x79f: {  	s24 =	sadd.s32 $0x180000, s23  }
0x7a0: {  	[hbm4b:s24+s5] =	stream.strided.scatter [tilespmem:s2], [sflag:$0x2], $0x1000, s19, s5, $0x38;
	[tilespmem:$0x16010] =	vst v63  }
0x7a1: {  	s24 =	sadd.s32 $0x1C0000, s23  }
0x7a2: {  	[hbm4b:s24+s5] =	stream.strided.scatter [tilespmem:s4], [sflag:$0x2], $0x1000, s19, s5, $0x38;
	[tilespmem:$0x16010] =	vst v63  }
0x7a3: {  	s24 =	sadd.s32 $0x200000, s23  }
0x7a4: {  	[hbm4b:s24+s5] =	stream.strided.scatter [tilespmem:s6], [sflag:$0x2], $0x1000, s19, s5, $0x38;
	[tilespmem:$0x16010] =	vst v63  }
0x7a5: {  	s23 =	sadd.s32 $0x240000, s23  }
0x7a6: {  	[hbm4b:s23+s5] =	stream.strided.scatter [tilespmem:s7], [sflag:$0x2], $0x1000, s19, s5, $0x38;
	[tilespmem:$0x16010] =	vst v63  }
0x7a7: {  	s23 =	sld [smem:$0x7F1];
	_ =	sdelay $0x2  }
0x7a8: {  	[hbm4b:s23+s5] =	stream.strided.scatter [tilespmem:s26], [sflag:$0x2], $0x1000, s19, s5, $0x38;
	[tilespmem:$0x16010] =	vst v63  }
0x7a9: {  	s24 =	sadd.s32 $0x40000, s23  }
0x7aa: {  	[hbm4b:s24+s5] =	stream.strided.scatter [tilespmem:s28], [sflag:$0x2], $0x1000, s19, s5, $0x38;
	[tilespmem:$0x16010] =	vst v63  }
0x7ab: {  	s24 =	sadd.s32 $0x80000, s23  }
0x7ac: {  	[hbm4b:s24+s5] =	stream.strided.scatter [tilespmem:s29], [sflag:$0x2], $0x1000, s19, s5, $0x38;
	[tilespmem:$0x16010] =	vst v63  }
0x7ad: {  	s24 =	sadd.s32 $0xC0000, s23  }
0x7ae: {  	[hbm4b:s24+s5] =	stream.strided.scatter [tilespmem:s30], [sflag:$0x2], $0x1000, s19, s5, $0x38;
	[tilespmem:$0x16010] =	vst v63  }
0x7af: {  	s24 =	sadd.s32 $0x100000, s23  }
0x7b0: {  	[hbm4b:s24+s5] =	stream.strided.scatter [tilespmem:s31], [sflag:$0x2], $0x1000, s19, s5, $0x38;
	[tilespmem:$0x16010] =	vst v63  }
0x7b1: {  	s24 =	sadd.s32 $0x140000, s23  }
0x7b2: {  	[hbm4b:s24+s5] =	stream.strided.scatter [tilespmem:s0], [sflag:$0x2], $0x1000, s19, s5, $0x38;
	[tilespmem:$0x16010] =	vst v63  }
0x7b3: {  	s24 =	sadd.s32 $0x180000, s23  }
0x7b4: {  	[hbm4b:s24+s5] =	stream.strided.scatter [tilespmem:s2], [sflag:$0x2], $0x1000, s19, s5, $0x38;
	[tilespmem:$0x16010] =	vst v63  }
0x7b5: {  	s24 =	sadd.s32 $0x1C0000, s23  }
0x7b6: {  	[hbm4b:s24+s5] =	stream.strided.scatter [tilespmem:s4], [sflag:$0x2], $0x1000, s19, s5, $0x38;
	[tilespmem:$0x16010] =	vst v63  }
0x7b7: {  	s24 =	sadd.s32 $0x200000, s23  }
0x7b8: {  	[hbm4b:s24+s5] =	stream.strided.scatter [tilespmem:s6], [sflag:$0x2], $0x1000, s19, s5, $0x38;
	[tilespmem:$0x16010] =	vst v63  }
0x7b9: {  	s23 =	sadd.s32 $0x240000, s23  }
0x7ba: {  	[hbm4b:s23+s5] =	stream.strided.scatter [tilespmem:s7], [sflag:$0x2], $0x1000, s19, s5, $0x38;
	[tilespmem:$0x16010] =	vst v63  }
0x7bb: {  	s23 =	sld [smem:$0x7F3];
	_ =	sdelay $0x2  }
0x7bc: {  	[hbm4b:s23+s5] =	stream.strided.scatter [tilespmem:s26], [sflag:$0x2], $0x1000, s19, s5, $0x38;
	[tilespmem:$0x16010] =	vst v63  }
0x7bd: {  	s24 =	sadd.s32 $0x40000, s23  }
0x7be: {  	[hbm4b:s24+s5] =	stream.strided.scatter [tilespmem:s28], [sflag:$0x2], $0x1000, s19, s5, $0x38;
	[tilespmem:$0x16010] =	vst v63  }
0x7bf: {  	s24 =	sadd.s32 $0x80000, s23  }
0x7c0: {  	[hbm4b:s24+s5] =	stream.strided.scatter [tilespmem:s29], [sflag:$0x2], $0x1000, s19, s5, $0x38;
	[tilespmem:$0x16010] =	vst v63  }
0x7c1: {  	s24 =	sadd.s32 $0xC0000, s23  }
0x7c2: {  	[hbm4b:s24+s5] =	stream.strided.scatter [tilespmem:s30], [sflag:$0x2], $0x1000, s19, s5, $0x38;
	[tilespmem:$0x16010] =	vst v63  }
0x7c3: {  	s24 =	sadd.s32 $0x100000, s23  }
0x7c4: {  	[hbm4b:s24+s5] =	stream.strided.scatter [tilespmem:s31], [sflag:$0x2], $0x1000, s19, s5, $0x38;
	[tilespmem:$0x16010] =	vst v63  }
0x7c5: {  	s24 =	sadd.s32 $0x140000, s23  }
0x7c6: {  	[hbm4b:s24+s5] =	stream.strided.scatter [tilespmem:s0], [sflag:$0x2], $0x1000, s19, s5, $0x38;
	[tilespmem:$0x16010] =	vst v63  }
0x7c7: {  	s24 =	sadd.s32 $0x180000, s23  }
0x7c8: {  	[hbm4b:s24+s5] =	stream.strided.scatter [tilespmem:s2], [sflag:$0x2], $0x1000, s19, s5, $0x38;
	[tilespmem:$0x16010] =	vst v63  }
0x7c9: {  	s24 =	sadd.s32 $0x1C0000, s23  }
0x7ca: {  	[hbm4b:s24+s5] =	stream.strided.scatter [tilespmem:s4], [sflag:$0x2], $0x1000, s19, s5, $0x38;
	[tilespmem:$0x16010] =	vst v63  }
0x7cb: {  	s24 =	sadd.s32 $0x200000, s23  }
0x7cc: {  	[hbm4b:s24+s5] =	stream.strided.scatter [tilespmem:s6], [sflag:$0x2], $0x1000, s19, s5, $0x38;
	[tilespmem:$0x16010] =	vst v63  }
0x7cd: {  	s23 =	sadd.s32 $0x240000, s23  }
0x7ce: {  	[hbm4b:s23+s5] =	stream.strided.scatter [tilespmem:s7], [sflag:$0x2], $0x1000, s19, s5, $0x38;
	[tilespmem:$0x16010] =	vst v63  }
0x7cf: {  	s23 =	sld [smem:$0x7F4];
	_ =	sdelay $0x2  }
0x7d0: {  	[hbm4b:s23+s5] =	stream.strided.scatter [tilespmem:s26], [sflag:$0x2], $0x1000, s19, s5, $0x38;
	[tilespmem:$0x16010] =	vst v63  }
0x7d1: {  	s24 =	sadd.s32 $0x40000, s23  }
0x7d2: {  	[hbm4b:s24+s5] =	stream.strided.scatter [tilespmem:s28], [sflag:$0x2], $0x1000, s19, s5, $0x38;
	[tilespmem:$0x16010] =	vst v63  }
0x7d3: {  	s24 =	sadd.s32 $0x80000, s23  }
0x7d4: {  	[hbm4b:s24+s5] =	stream.strided.scatter [tilespmem:s29], [sflag:$0x2], $0x1000, s19, s5, $0x38;
	[tilespmem:$0x16010] =	vst v63  }
0x7d5: {  	s24 =	sadd.s32 $0xC0000, s23  }
0x7d6: {  	[hbm4b:s24+s5] =	stream.strided.scatter [tilespmem:s30], [sflag:$0x2], $0x1000, s19, s5, $0x38;
	[tilespmem:$0x16010] =	vst v63  }
0x7d7: {  	s24 =	sadd.s32 $0x100000, s23  }
0x7d8: {  	[hbm4b:s24+s5] =	stream.strided.scatter [tilespmem:s31], [sflag:$0x2], $0x1000, s19, s5, $0x38;
	[tilespmem:$0x16010] =	vst v63  }
0x7d9: {  	s24 =	sadd.s32 $0x140000, s23  }
0x7da: {  	[hbm4b:s24+s5] =	stream.strided.scatter [tilespmem:s0], [sflag:$0x2], $0x1000, s19, s5, $0x38;
	[tilespmem:$0x16010] =	vst v63  }
0x7db: {  	s24 =	sadd.s32 $0x180000, s23  }
0x7dc: {  	[hbm4b:s24+s5] =	stream.strided.scatter [tilespmem:s2], [sflag:$0x2], $0x1000, s19, s5, $0x38;
	[tilespmem:$0x16010] =	vst v63  }
0x7dd: {  	s24 =	sadd.s32 $0x1C0000, s23  }
0x7de: {  	[hbm4b:s24+s5] =	stream.strided.scatter [tilespmem:s4], [sflag:$0x2], $0x1000, s19, s5, $0x38;
	[tilespmem:$0x16010] =	vst v63  }
0x7df: {  	s24 =	sadd.s32 $0x200000, s23  }
0x7e0: {  	[hbm4b:s24+s5] =	stream.strided.scatter [tilespmem:s6], [sflag:$0x2], $0x1000, s19, s5, $0x38;
	[tilespmem:$0x16010] =	vst v63  }
0x7e1: {  	s23 =	sadd.s32 $0x240000, s23  }
0x7e2: {  	[hbm4b:s23+s5] =	stream.strided.scatter [tilespmem:s7], [sflag:$0x2], $0x1000, s19, s5, $0x38;
	[tilespmem:$0x16010] =	vst v63  }
0x7e3: {  	s23 =	sld [smem:$0x7F6];
	_ =	sdelay $0x2  }
0x7e4: {  	[hbm4b:s23+s5] =	stream.strided.scatter [tilespmem:s26], [sflag:$0x2], $0x1000, s19, s5, $0x38;
	[tilespmem:$0x16010] =	vst v63  }
0x7e5: {  	s24 =	sadd.s32 $0x40000, s23  }
0x7e6: {  	[hbm4b:s24+s5] =	stream.strided.scatter [tilespmem:s28], [sflag:$0x2], $0x1000, s19, s5, $0x38;
	[tilespmem:$0x16010] =	vst v63  }
0x7e7: {  	s24 =	sadd.s32 $0x80000, s23  }
0x7e8: {  	[hbm4b:s24+s5] =	stream.strided.scatter [tilespmem:s29], [sflag:$0x2], $0x1000, s19, s5, $0x38;
	[tilespmem:$0x16010] =	vst v63  }
0x7e9: {  	s24 =	sadd.s32 $0xC0000, s23  }
0x7ea: {  	[hbm4b:s24+s5] =	stream.strided.scatter [tilespmem:s30], [sflag:$0x2], $0x1000, s19, s5, $0x38;
	[tilespmem:$0x16010] =	vst v63  }
0x7eb: {  	s24 =	sadd.s32 $0x100000, s23  }
0x7ec: {  	[hbm4b:s24+s5] =	stream.strided.scatter [tilespmem:s31], [sflag:$0x2], $0x1000, s19, s5, $0x38;
	[tilespmem:$0x16010] =	vst v63  }
0x7ed: {  	s24 =	sadd.s32 $0x140000, s23  }
0x7ee: {  	[hbm4b:s24+s5] =	stream.strided.scatter [tilespmem:s0], [sflag:$0x2], $0x1000, s19, s5, $0x38;
	[tilespmem:$0x16010] =	vst v63  }
0x7ef: {  	s24 =	sadd.s32 $0x180000, s23  }
0x7f0: {  	[hbm4b:s24+s5] =	stream.strided.scatter [tilespmem:s2], [sflag:$0x2], $0x1000, s19, s5, $0x38;
	[tilespmem:$0x16010] =	vst v63  }
0x7f1: {  	s24 =	sadd.s32 $0x1C0000, s23  }
0x7f2: {  	[hbm4b:s24+s5] =	stream.strided.scatter [tilespmem:s4], [sflag:$0x2], $0x1000, s19, s5, $0x38;
	[tilespmem:$0x16010] =	vst v63  }
0x7f3: {  	s24 =	sadd.s32 $0x200000, s23  }
0x7f4: {  	[hbm4b:s24+s5] =	stream.strided.scatter [tilespmem:s6], [sflag:$0x2], $0x1000, s19, s5, $0x38;
	[tilespmem:$0x16010] =	vst v63  }
0x7f5: {  	s23 =	sadd.s32 $0x240000, s23  }
0x7f6: {  	[hbm4b:s23+s5] =	stream.strided.scatter [tilespmem:s7], [sflag:$0x2], $0x1000, s19, s5, $0x38;
	[tilespmem:$0x16010] =	vst v63  }
0x7f7: {  	s23 =	sld [smem:$0x7F7];
	_ =	sdelay $0x2  }
0x7f8: {  	[hbm4b:s23+s5] =	stream.strided.scatter [tilespmem:s26], [sflag:$0x2], $0x1000, s19, s5, $0x38;
	[tilespmem:$0x16010] =	vst v63  }
0x7f9: {  	s24 =	sadd.s32 $0x40000, s23  }
0x7fa: {  	[hbm4b:s24+s5] =	stream.strided.scatter [tilespmem:s28], [sflag:$0x2], $0x1000, s19, s5, $0x38;
	[tilespmem:$0x16010] =	vst v63  }
0x7fb: {  	s24 =	sadd.s32 $0x80000, s23  }
0x7fc: {  	[hbm4b:s24+s5] =	stream.strided.scatter [tilespmem:s29], [sflag:$0x2], $0x1000, s19, s5, $0x38;
	[tilespmem:$0x16010] =	vst v63  }
0x7fd: {  	s24 =	sadd.s32 $0xC0000, s23  }
0x7fe: {  	[hbm4b:s24+s5] =	stream.strided.scatter [tilespmem:s30], [sflag:$0x2], $0x1000, s19, s5, $0x38;
	[tilespmem:$0x16010] =	vst v63  }
0x7ff: {  	s24 =	sadd.s32 $0x100000, s23  }
0x800: {  	[hbm4b:s24+s5] =	stream.strided.scatter [tilespmem:s31], [sflag:$0x2], $0x1000, s19, s5, $0x38;
	[tilespmem:$0x16010] =	vst v63  }
0x801: {  	s24 =	sadd.s32 $0x140000, s23  }
0x802: {  	[hbm4b:s24+s5] =	stream.strided.scatter [tilespmem:s0], [sflag:$0x2], $0x1000, s19, s5, $0x38;
	[tilespmem:$0x16010] =	vst v63  }
0x803: {  	s24 =	sadd.s32 $0x180000, s23  }
0x804: {  	[hbm4b:s24+s5] =	stream.strided.scatter [tilespmem:s2], [sflag:$0x2], $0x1000, s19, s5, $0x38;
	[tilespmem:$0x16010] =	vst v63  }
0x805: {  	s24 =	sadd.s32 $0x1C0000, s23  }
0x806: {  	[hbm4b:s24+s5] =	stream.strided.scatter [tilespmem:s4], [sflag:$0x2], $0x1000, s19, s5, $0x38;
	[tilespmem:$0x16010] =	vst v63  }
0x807: {  	s24 =	sadd.s32 $0x200000, s23  }
0x808: {  	[hbm4b:s24+s5] =	stream.strided.scatter [tilespmem:s6], [sflag:$0x2], $0x1000, s19, s5, $0x38;
	[tilespmem:$0x16010] =	vst v63  }
0x809: {  	s23 =	sadd.s32 $0x240000, s23  }
0x80a: {  	[hbm4b:s23+s5] =	stream.strided.scatter [tilespmem:s7], [sflag:$0x2], $0x1000, s19, s5, $0x38;
	[tilespmem:$0x16010] =	vst v63  }
0x80b: {  	s23 =	sld [smem:$0x7F9];
	_ =	sdelay $0x2  }
0x80c: {  	[hbm4b:s23+s5] =	stream.strided.scatter [tilespmem:s26], [sflag:$0x2], $0x1000, s19, s5, $0x38;
	[tilespmem:$0x16010] =	vst v63  }
0x80d: {  	s24 =	sadd.s32 $0x40000, s23  }
0x80e: {  	[hbm4b:s24+s5] =	stream.strided.scatter [tilespmem:s28], [sflag:$0x2], $0x1000, s19, s5, $0x38;
	[tilespmem:$0x16010] =	vst v63  }
0x80f: {  	s24 =	sadd.s32 $0x80000, s23  }
0x810: {  	[hbm4b:s24+s5] =	stream.strided.scatter [tilespmem:s29], [sflag:$0x2], $0x1000, s19, s5, $0x38;
	[tilespmem:$0x16010] =	vst v63  }
0x811: {  	s24 =	sadd.s32 $0xC0000, s23  }
0x812: {  	[hbm4b:s24+s5] =	stream.strided.scatter [tilespmem:s30], [sflag:$0x2], $0x1000, s19, s5, $0x38;
	[tilespmem:$0x16010] =	vst v63  }
0x813: {  	s24 =	sadd.s32 $0x100000, s23  }
0x814: {  	[hbm4b:s24+s5] =	stream.strided.scatter [tilespmem:s31], [sflag:$0x2], $0x1000, s19, s5, $0x38;
	[tilespmem:$0x16010] =	vst v63  }
0x815: {  	s24 =	sadd.s32 $0x140000, s23  }
0x816: {  	[hbm4b:s24+s5] =	stream.strided.scatter [tilespmem:s0], [sflag:$0x2], $0x1000, s19, s5, $0x38;
	[tilespmem:$0x16010] =	vst v63  }
0x817: {  	s24 =	sadd.s32 $0x180000, s23  }
0x818: {  	[hbm4b:s24+s5] =	stream.strided.scatter [tilespmem:s2], [sflag:$0x2], $0x1000, s19, s5, $0x38;
	[tilespmem:$0x16010] =	vst v63  }
0x819: {  	s24 =	sadd.s32 $0x1C0000, s23  }
0x81a: {  	[hbm4b:s24+s5] =	stream.strided.scatter [tilespmem:s4], [sflag:$0x2], $0x1000, s19, s5, $0x38;
	[tilespmem:$0x16010] =	vst v63  }
0x81b: {  	s24 =	sadd.s32 $0x200000, s23  }
0x81c: {  	[hbm4b:s24+s5] =	stream.strided.scatter [tilespmem:s6], [sflag:$0x2], $0x1000, s19, s5, $0x38;
	[tilespmem:$0x16010] =	vst v63  }
0x81d: {  	s23 =	sadd.s32 $0x240000, s23  }
0x81e: {  	[hbm4b:s23+s5] =	stream.strided.scatter [tilespmem:s7], [sflag:$0x2], $0x1000, s19, s5, $0x38;
	[tilespmem:$0x16010] =	vst v63  }
0x81f: {  	s23 =	sld [smem:$0x7FA];
	_ =	sdelay $0x2  }
0x820: {  	[hbm4b:s23+s5] =	stream.strided.scatter [tilespmem:s26], [sflag:$0x2], $0x1000, s19, s5, $0x38;
	[tilespmem:$0x16010] =	vst v63  }
0x821: {  	s24 =	sadd.s32 $0x40000, s23  }
0x822: {  	[hbm4b:s24+s5] =	stream.strided.scatter [tilespmem:s28], [sflag:$0x2], $0x1000, s19, s5, $0x38;
	[tilespmem:$0x16010] =	vst v63  }
0x823: {  	s24 =	sadd.s32 $0x80000, s23  }
0x824: {  	[hbm4b:s24+s5] =	stream.strided.scatter [tilespmem:s29], [sflag:$0x2], $0x1000, s19, s5, $0x38;
	[tilespmem:$0x16010] =	vst v63  }
0x825: {  	s24 =	sadd.s32 $0xC0000, s23  }
0x826: {  	[hbm4b:s24+s5] =	stream.strided.scatter [tilespmem:s30], [sflag:$0x2], $0x1000, s19, s5, $0x38;
	[tilespmem:$0x16010] =	vst v63  }
0x827: {  	s24 =	sadd.s32 $0x100000, s23  }
0x828: {  	[hbm4b:s24+s5] =	stream.strided.scatter [tilespmem:s31], [sflag:$0x2], $0x1000, s19, s5, $0x38;
	[tilespmem:$0x16010] =	vst v63  }
0x829: {  	s24 =	sadd.s32 $0x140000, s23  }
0x82a: {  	[hbm4b:s24+s5] =	stream.strided.scatter [tilespmem:s0], [sflag:$0x2], $0x1000, s19, s5, $0x38;
	[tilespmem:$0x16010] =	vst v63  }
0x82b: {  	s24 =	sadd.s32 $0x180000, s23  }
0x82c: {  	[hbm4b:s24+s5] =	stream.strided.scatter [tilespmem:s2], [sflag:$0x2], $0x1000, s19, s5, $0x38;
	[tilespmem:$0x16010] =	vst v63  }
0x82d: {  	s24 =	sadd.s32 $0x1C0000, s23  }
0x82e: {  	[hbm4b:s24+s5] =	stream.strided.scatter [tilespmem:s4], [sflag:$0x2], $0x1000, s19, s5, $0x38;
	[tilespmem:$0x16010] =	vst v63  }
0x82f: {  	s24 =	sadd.s32 $0x200000, s23  }
0x830: {  	[hbm4b:s24+s5] =	stream.strided.scatter [tilespmem:s6], [sflag:$0x2], $0x1000, s19, s5, $0x38;
	[tilespmem:$0x16010] =	vst v63  }
0x831: {  	s23 =	sadd.s32 $0x240000, s23  }
0x832: {  	[hbm4b:s23+s5] =	stream.strided.scatter [tilespmem:s7], [sflag:$0x2], $0x1000, s19, s5, $0x38;
	[tilespmem:$0x16010] =	vst v63  }
0x833: {  	s23 =	sld [smem:$0x7FC];
	_ =	sdelay $0x2  }
0x834: {  	[hbm4b:s23+s5] =	stream.strided.scatter [tilespmem:s26], [sflag:$0x2], $0x1000, s19, s5, $0x38;
	[tilespmem:$0x16010] =	vst v63  }
0x835: {  	s24 =	sadd.s32 $0x40000, s23  }
0x836: {  	[hbm4b:s24+s5] =	stream.strided.scatter [tilespmem:s28], [sflag:$0x2], $0x1000, s19, s5, $0x38;
	[tilespmem:$0x16010] =	vst v63  }
0x837: {  	s24 =	sadd.s32 $0x80000, s23  }
0x838: {  	[hbm4b:s24+s5] =	stream.strided.scatter [tilespmem:s29], [sflag:$0x2], $0x1000, s19, s5, $0x38;
	[tilespmem:$0x16010] =	vst v63  }
0x839: {  	s24 =	sadd.s32 $0xC0000, s23  }
0x83a: {  	[hbm4b:s24+s5] =	stream.strided.scatter [tilespmem:s30], [sflag:$0x2], $0x1000, s19, s5, $0x38;
	[tilespmem:$0x16010] =	vst v63  }
0x83b: {  	s24 =	sadd.s32 $0x100000, s23  }
0x83c: {  	[hbm4b:s24+s5] =	stream.strided.scatter [tilespmem:s31], [sflag:$0x2], $0x1000, s19, s5, $0x38;
	[tilespmem:$0x16010] =	vst v63  }
0x83d: {  	s24 =	sadd.s32 $0x140000, s23  }
0x83e: {  	[hbm4b:s24+s5] =	stream.strided.scatter [tilespmem:s0], [sflag:$0x2], $0x1000, s19, s5, $0x38;
	[tilespmem:$0x16010] =	vst v63  }
0x83f: {  	s24 =	sadd.s32 $0x180000, s23  }
0x840: {  	[hbm4b:s24+s5] =	stream.strided.scatter [tilespmem:s2], [sflag:$0x2], $0x1000, s19, s5, $0x38;
	[tilespmem:$0x16010] =	vst v63  }
0x841: {  	s24 =	sadd.s32 $0x1C0000, s23  }
0x842: {  	[hbm4b:s24+s5] =	stream.strided.scatter [tilespmem:s4], [sflag:$0x2], $0x1000, s19, s5, $0x38;
	[tilespmem:$0x16010] =	vst v63  }
0x843: {  	s24 =	sadd.s32 $0x200000, s23  }
0x844: {  	[hbm4b:s24+s5] =	stream.strided.scatter [tilespmem:s6], [sflag:$0x2], $0x1000, s19, s5, $0x38;
	[tilespmem:$0x16010] =	vst v63  }
0x845: {  	s23 =	sadd.s32 $0x240000, s23  }
0x846: {  	[hbm4b:s23+s5] =	stream.strided.scatter [tilespmem:s7], [sflag:$0x2], $0x1000, s19, s5, $0x38;
	[tilespmem:$0x16010] =	vst v63  }
0x847: {  	s23 =	sld [smem:$0x7FD];
	_ =	sdelay $0x2  }
0x848: {  	[hbm4b:s23+s5] =	stream.strided.scatter [tilespmem:s26], [sflag:$0x2], $0x1000, s19, s5, $0x38;
	[tilespmem:$0x16010] =	vst v63  }
0x849: {  	s24 =	sadd.s32 $0x40000, s23  }
0x84a: {  	[hbm4b:s24+s5] =	stream.strided.scatter [tilespmem:s28], [sflag:$0x2], $0x1000, s19, s5, $0x38;
	[tilespmem:$0x16010] =	vst v63  }
0x84b: {  	s24 =	sadd.s32 $0x80000, s23  }
0x84c: {  	[hbm4b:s24+s5] =	stream.strided.scatter [tilespmem:s29], [sflag:$0x2], $0x1000, s19, s5, $0x38;
	[tilespmem:$0x16010] =	vst v63  }
0x84d: {  	s24 =	sadd.s32 $0xC0000, s23  }
0x84e: {  	[hbm4b:s24+s5] =	stream.strided.scatter [tilespmem:s30], [sflag:$0x2], $0x1000, s19, s5, $0x38;
	[tilespmem:$0x16010] =	vst v63  }
0x84f: {  	s24 =	sadd.s32 $0x100000, s23  }
0x850: {  	[hbm4b:s24+s5] =	stream.strided.scatter [tilespmem:s31], [sflag:$0x2], $0x1000, s19, s5, $0x38;
	[tilespmem:$0x16010] =	vst v63  }
0x851: {  	s24 =	sadd.s32 $0x140000, s23  }
0x852: {  	[hbm4b:s24+s5] =	stream.strided.scatter [tilespmem:s0], [sflag:$0x2], $0x1000, s19, s5, $0x38;
	[tilespmem:$0x16010] =	vst v63  }
0x853: {  	s24 =	sadd.s32 $0x180000, s23  }
0x854: {  	[hbm4b:s24+s5] =	stream.strided.scatter [tilespmem:s2], [sflag:$0x2], $0x1000, s19, s5, $0x38;
	[tilespmem:$0x16010] =	vst v63  }
0x855: {  	s24 =	sadd.s32 $0x1C0000, s23  }
0x856: {  	[hbm4b:s24+s5] =	stream.strided.scatter [tilespmem:s4], [sflag:$0x2], $0x1000, s19, s5, $0x38;
	[tilespmem:$0x16010] =	vst v63  }
0x857: {  	s24 =	sadd.s32 $0x200000, s23  }
0x858: {  	[hbm4b:s24+s5] =	stream.strided.scatter [tilespmem:s6], [sflag:$0x2], $0x1000, s19, s5, $0x38;
	[tilespmem:$0x16010] =	vst v63  }
0x859: {  	s23 =	sadd.s32 $0x240000, s23  }
0x85a: {  	[hbm4b:s23+s5] =	stream.strided.scatter [tilespmem:s7], [sflag:$0x2], $0x1000, s19, s5, $0x38;
	[tilespmem:$0x16010] =	vst v63  }
0x85b: {  	s24 =	sld [smem:$0x798];
	_ =	swait.ge [sflag:s20], $0xA000  }
0x85c: {  	[sflag:s20] =	ssyncset.done $0x0  }
0x85d: {  	[sflag:s20] =	ssyncadd.s32 $0xFFFF6000  }
0x85e: {  	_ =	swait.ge [sflag:s20], $0xA000  }
0x85f: {  	[sflag:s20] =	ssyncset.done $0x0  }
0x860: {  	[sflag:s20] =	ssyncadd.s32 $0xFFFF6000  }
0x861: {  	_ =	swait.ge [sflag:s20], $0xA000  }
0x862: {  	[sflag:s20] =	ssyncset.done $0x0  }
0x863: {  	[sflag:s20] =	ssyncadd.s32 $0xFFFF6000  }
0x864: {  	_ =	swait.ge [sflag:s20], $0xA000  }
0x865: {  	[sflag:s20] =	ssyncset.done $0x0  }
0x866: {  	[sflag:s20] =	ssyncadd.s32 $0xFFFF6000  }
0x867: {  	_ =	swait.ge [sflag:s20], $0xA000  }
0x868: {  	[sflag:s20] =	ssyncset.done $0x0  }
0x869: {  	[sflag:s20] =	ssyncadd.s32 $0xFFFF6000  }
0x86a: {  	_ =	swait.ge [sflag:s20], $0xA000  }
0x86b: {  	[sflag:s20] =	ssyncset.done $0x0  }
0x86c: {  	[sflag:s20] =	ssyncadd.s32 $0xFFFF6000  }
0x86d: {  	_ =	swait.ge [sflag:s20], $0xA000  }
0x86e: {  	[sflag:s20] =	ssyncset.done $0x0  }
0x86f: {  	[sflag:s20] =	ssyncadd.s32 $0xFFFF6000  }
0x870: {  	_ =	swait.ge [sflag:s20], $0xA000  }
0x871: {  	[sflag:s20] =	ssyncset.done $0x0  }
0x872: {  	[sflag:s20] =	ssyncadd.s32 $0xFFFF6000  }
0x873: {  	_ =	swait.ge [sflag:s20], $0xA000  }
0x874: {  	[sflag:s20] =	ssyncset.done $0x0  }
0x875: {  	[sflag:s20] =	ssyncadd.s32 $0xFFFF6000  }
0x876: {  	_ =	swait.ge [sflag:s20], $0xA000  }
0x877: {  	[sflag:s20] =	ssyncset.done $0x0  }
0x878: {  	[sflag:s20] =	ssyncadd.s32 $0xFFFF6000  }
0x879: {  	_ =	swait.ge [sflag:s20], $0xA000  }
0x87a: {  	[sflag:s20] =	ssyncset.done $0x0  }
0x87b: {  	[sflag:s20] =	ssyncadd.s32 $0xFFFF6000  }
0x87c: {  	_ =	swait.ge [sflag:s20], $0xA000  }
0x87d: {  	[sflag:s20] =	ssyncset.done $0x0  }
0x87e: {  	[sflag:s20] =	ssyncadd.s32 $0xFFFF6000  }
0x87f: {  	_ =	swait.ge [sflag:s20], $0xA000  }
0x880: {  	[sflag:s20] =	ssyncset.done $0x0  }
0x881: {  	[sflag:s20] =	ssyncadd.s32 $0xFFFF6000  }
0x882: {  	_ =	swait.ge [sflag:s20], $0xA000  }
0x883: {  	[sflag:s20] =	ssyncset.done $0x0  }
0x884: {  	[sflag:s20] =	ssyncadd.s32 $0xFFFF6000  }
0x885: {  	_ =	swait.ge [sflag:s20], $0xA000  }
0x886: {  	[sflag:s20] =	ssyncset.done $0x0  }
0x887: {  	[sflag:s20] =	ssyncadd.s32 $0xFFFF6000  }
0x888: {  	_ =	swait.ge [sflag:s20], $0xA000  }
0x889: {  	[sflag:s20] =	ssyncset.done $0x0  }
0x88a: {  	[sflag:s20] =	ssyncadd.s32 $0xFFFF6000  }
0x88b: {  	_ =	swait.ge [sflag:s21], $0xA000  }
0x88c: {  	[sflag:s21] =	ssyncset.done $0x0  }
0x88d: {  	[sflag:s21] =	ssyncadd.s32 $0xFFFF6000  }
0x88e: {  	_ =	swait.ge [sflag:s21], $0xA000  }
0x88f: {  	[sflag:s21] =	ssyncset.done $0x0  }
0x890: {  	[sflag:s21] =	ssyncadd.s32 $0xFFFF6000  }
0x891: {  	_ =	swait.ge [sflag:s21], $0xA000  }
0x892: {  	[sflag:s21] =	ssyncset.done $0x0  }
0x893: {  	[sflag:s21] =	ssyncadd.s32 $0xFFFF6000  }
0x894: {  	_ =	swait.ge [sflag:s21], $0xA000  }
0x895: {  	[sflag:s21] =	ssyncset.done $0x0  }
0x896: {  	[sflag:s21] =	ssyncadd.s32 $0xFFFF6000  }
0x897: {  	_ =	swait.ge [sflag:s21], $0xA000  }
0x898: {  	[sflag:s21] =	ssyncset.done $0x0  }
0x899: {  	[sflag:s21] =	ssyncadd.s32 $0xFFFF6000  }
0x89a: {  	_ =	swait.ge [sflag:s21], $0xA000  }
0x89b: {  	[sflag:s21] =	ssyncset.done $0x0  }
0x89c: {  	[sflag:s21] =	ssyncadd.s32 $0xFFFF6000  }
0x89d: {  	_ =	swait.ge [sflag:s21], $0xA000  }
0x89e: {  	[sflag:s21] =	ssyncset.done $0x0  }
0x89f: {  	[sflag:s21] =	ssyncadd.s32 $0xFFFF6000  }
0x8a0: {  	_ =	swait.ge [sflag:s21], $0xA000  }
0x8a1: {  	[sflag:s21] =	ssyncset.done $0x0  }
0x8a2: {  	[sflag:s21] =	ssyncadd.s32 $0xFFFF6000  }
0x8a3: {  	_ =	swait.ge [sflag:s21], $0xA000  }
0x8a4: {  	[sflag:s21] =	ssyncset.done $0x0  }
0x8a5: {  	[sflag:s21] =	ssyncadd.s32 $0xFFFF6000  }
0x8a6: {  	_ =	swait.ge [sflag:s21], $0xA000  }
0x8a7: {  	[sflag:s21] =	ssyncset.done $0x0  }
0x8a8: {  	[sflag:s21] =	ssyncadd.s32 $0xFFFF6000  }
0x8a9: {  	_ =	swait.ge [sflag:s21], $0xA000  }
0x8aa: {  	[sflag:s21] =	ssyncset.done $0x0  }
0x8ab: {  	[sflag:s21] =	ssyncadd.s32 $0xFFFF6000  }
0x8ac: {  	_ =	swait.ge [sflag:s21], $0xA000  }
0x8ad: {  	[sflag:s21] =	ssyncset.done $0x0  }
0x8ae: {  	[sflag:s21] =	ssyncadd.s32 $0xFFFF6000  }
0x8af: {  	_ =	swait.ge [sflag:s21], $0xA000  }
0x8b0: {  	[sflag:s21] =	ssyncset.done $0x0  }
0x8b1: {  	[sflag:s21] =	ssyncadd.s32 $0xFFFF6000  }
0x8b2: {  	_ =	swait.ge [sflag:s21], $0xA000  }
0x8b3: {  	[sflag:s21] =	ssyncset.done $0x0  }
0x8b4: {  	s22 =	sadd.s32 $0xFFFFFFFF, s24;
	[sflag:s21] =	ssyncadd.s32 $0xFFFF6000  }
0x8b5: {  	p1 =	sne.s32 s22, $0x0;
	_ =	swait.ge [sflag:s21], $0xA000  }
.Ltmp0:
0x8b6: {  	[sflag:s21] =	ssyncset.done $0x0;
	(pc) =	sbr.rel @p1 .LBB2_1-.Ltmp0, $4  }
0x8b7: {  	[sflag:s21] =	ssyncadd.s32 $0xFFFF6000  }
0x8b8: {  	_ =	swait.ge [sflag:s21], $0xA000  }
0x8b9: {  	[sflag:s21] =	ssyncset.done $0x0  }
0x8ba: {  	[sflag:s21] =	ssyncadd.s32 $0xFFFF6000  }
0x8bb: {  	_ =	sfence.sel $0x180000  }
0x8bc: {  	[bflag:$0x0] =	sbarrier.arrive $0xFFFF  }
0x8bd: {  	_ =	strace $0x90000047  }
0x8be: {  	[bflag:$0x2] =	sbarrier.arrive $0xFFFF  }
0x8bf: {  	s0 =	rddreg [dreg:$0x3]  }
0x8c0: {  	s0 =	sadd.s32 @!p0 $0x100000, s0  }
0x8c1: {  	[sflag:s0] =	ssyncadd.tile.s32 @!p0 $0x1;
	_ =	shalt  }
.Lfunc_end2:
_tile_overlayer_lowered:
.L_overlay_start_2:
0x8c2: {  	(tag) =	ssettag $0x2  }
0x8c3: {  	s0 =	rddreg [dreg:$0x0];
	s2 =	stileid.u32  }
0x8c4: {  	s1 =	rddreg [dreg:$0x1];
	p0 =	sne.s32 s2, $0x0  }
0x8c5: {  	s3 =	rddreg [dreg:$0x2];
	[bflag:$0x3] =	sbarrier.arrive $0xFFFF;
	s2 =	simm.s32 @!p0 $0x1C04  }
0x8c6: {  	[timem:s3], [sflag:s2] =	dma.local @!p0 [hbm:s0], s1  }
0x8c7: {  	s0 =	simm.s32 @!p0 $0x4  }
0x8c8: {  	_ =	swait.ge @!p0 [sflag:s0], s1  }
0x8c9: {  	s1 =	ssub.s32 @!p0 $0x0, s1;
	[sflag:s0] =	ssyncset.done @!p0 $0x0  }
0x8ca: {  	[sflag:s0] =	ssyncadd.s32 @!p0 s1  }
0x8cb: {  	[bflag:$0x3] =	sbarrier.arrive $0xFFFF  }
0x8cc: {  	_ =	shalt  }

</sc_bundles>
